<compile_context>
chip_gen: v7x
topology: tpu7x:2x2x1
jax: 0.10.2.dev20260603
libtpu: 0.0.44.dev20260713+nightly
codegen_flags: <defaults>
</compile_context>

<pallas_src>
import dataclasses
import functools

import jax
import jax.numpy as jnp
from jax import lax
from jax.experimental import pallas as pl
from jax.experimental.pallas import tpu as pltpu
from jax.experimental.pallas import tpu_sc as plsc

N_NODES = 10000
N_EDGES = 320000
D = 128

NC = 2
NS = 16
NW = NC * NS
EPW = N_EDGES // NW
C = 40
NCHUNK = EPW // C

ROWS_MAIN = 624
ROWS_LAST = N_NODES - 15 * ROWS_MAIN
ZR = 16

_mesh = plsc.VectorSubcoreMesh(core_axis_name="c", subcore_axis_name="s")

_sc_params = pltpu.CompilerParams()
if "needs_layout_passes" in pltpu.CompilerParams.__dataclass_fields__:
    _sc_params = dataclasses.replace(_sc_params, needs_layout_passes=False)


def _sc_segment_scatter(x, src, dst, attr):

    @functools.partial(
        pl.kernel,
        mesh=_mesh,
        compiler_params=_sc_params,
        out_type=jax.ShapeDtypeStruct((NC, N_NODES, D), jnp.float32),
        scratch_types=[
            pltpu.VMEM((EPW,), jnp.int32),
            pltpu.VMEM((EPW,), jnp.float32),
            pltpu.VMEM((C, D), jnp.float32),
            pltpu.VMEM((C, D), jnp.float32),
            pltpu.VMEM((C, D), jnp.float32),
            pltpu.VMEM((C,), jnp.int32),
            pltpu.VMEM((C,), jnp.int32),
            pltpu.VMEM((C,), jnp.int32),
            pltpu.VMEM((ZR, D), jnp.float32),
            pltpu.VMEM_SHARED((N_NODES, D), jnp.float32),
            pltpu.SemaphoreType.DMA,
            pltpu.SemaphoreType.DMA,
            pltpu.SemaphoreType.DMA,
            pltpu.SemaphoreType.DMA,
            pltpu.SemaphoreType.DMA,
            pltpu.SemaphoreType.DMA,
            pltpu.SemaphoreType.DMA,
            pltpu.SemaphoreType.DMA,
            pltpu.SemaphoreType.DMA,
            pltpu.SemaphoreType.DMA,
        ],
    )
    def sc_kernel(x_hbm, src_hbm, dst_hbm, attr_hbm, out_hbm,
                  srcv, attrv, rows_a, rows_b, rows_c,
                  didx_a, didx_b, didx_c, zrows, acc,
                  gsem_a, gsem_b, gsem_c, dsem_a, dsem_b, dsem_c,
                  ssem_a, ssem_b, ssem_c, msem):
        cid = lax.axis_index("c")
        sid = lax.axis_index("s")
        wid = cid * NS + sid
        ebase = pl.multiple_of(wid * EPW, 8)

        bufs = (rows_a, rows_b, rows_c)
        didxs = (didx_a, didx_b, didx_c)
        gsems = (gsem_a, gsem_b, gsem_c)
        dsems = (dsem_a, dsem_b, dsem_c)
        ssems = (ssem_a, ssem_b, ssem_c)

        def start_gather(j, t):
            eoff = pl.multiple_of(ebase + j * C, 8)
            pltpu.make_async_copy(
                x_hbm.at[srcv.at[pl.ds(j * C, C)]], bufs[t], gsems[t]).start()
            pltpu.make_async_copy(
                dst_hbm.at[pl.ds(eoff, C)], didxs[t], dsems[t]).start()

        def scale_and_scatter(j, t):
            pltpu.make_async_copy(
                x_hbm.at[srcv.at[pl.ds(j * C, C)]], bufs[t], gsems[t]).wait()
            buf = bufs[t]

            @plsc.parallel_loop(0, C, step=1, unroll=2)
            def _scale(e):
                idx16 = jnp.full((16,), j * C + e, jnp.int32)
                av = plsc.load_gather(attrv, [idx16])
                for g in range(D // 16):
                    sl = pl.ds(g * 16, 16)
                    buf[e, sl] = buf[e, sl] * av

            eoff = pl.multiple_of(ebase + j * C, 8)
            pltpu.make_async_copy(
                dst_hbm.at[pl.ds(eoff, C)], didxs[t], dsems[t]).wait()
            pltpu.make_async_copy(
                buf, acc.at[didxs[t]], ssems[t]).start(add=True)

        def wait_scatter(t):
            pltpu.make_async_copy(bufs[t], acc.at[didxs[t]], ssems[t]).wait()

        pltpu.async_copy(src_hbm.at[pl.ds(ebase, EPW)], srcv, msem).wait()
        pltpu.async_copy(attr_hbm.at[pl.ds(ebase, EPW)], attrv, msem).wait()

        start_gather(0, 0)
        start_gather(1, 1)

        zero16 = jnp.zeros((16,), jnp.float32)

        @pl.loop(0, ZR)
        def _zero_rows(r):
            for g in range(D // 16):
                zrows[r, pl.ds(g * 16, 16)] = zero16

        rbase = pl.multiple_of(sid * ROWS_MAIN, 8)
        nzero = jnp.where(sid == NS - 1, ROWS_LAST // ZR, ROWS_MAIN // ZR)

        @pl.loop(0, nzero)
        def _zero_fire(z):
            zoff = pl.multiple_of(rbase + z * ZR, 8)
            pltpu.make_async_copy(zrows, acc.at[pl.ds(zoff, ZR)], msem).start()

        @pl.loop(0, nzero)
        def _zero_drain(z):
            zoff = pl.multiple_of(rbase + z * ZR, 8)
            pltpu.make_async_copy(zrows, acc.at[pl.ds(zoff, ZR)], msem).wait()

        plsc.subcore_barrier()

        def ring_body(j, first):
            scale_and_scatter(j, 0)
            if not first:
                wait_scatter(2)
            start_gather(j + 2, 2)
            scale_and_scatter(j + 1, 1)
            wait_scatter(0)
            start_gather(j + 3, 0)
            scale_and_scatter(j + 2, 2)
            wait_scatter(1)

            @pl.when(j + 4 < NCHUNK)
            def _():
                start_gather(j + 4, 1)

        ring_body(0, first=True)

        @pl.loop(3, NCHUNK - 1, step=3)
        def _ring(j):
            ring_body(j, first=False)

        scale_and_scatter(NCHUNK - 1, 0)
        wait_scatter(2)
        wait_scatter(0)

        plsc.subcore_barrier()

        @pl.when(sid < NS - 1)
        def _copy_main():
            pltpu.async_copy(acc.at[pl.ds(rbase, ROWS_MAIN)],
                             out_hbm.at[cid].at[pl.ds(rbase, ROWS_MAIN)],
                             msem).wait()

        @pl.when(sid == NS - 1)
        def _copy_last():
            pltpu.async_copy(acc.at[pl.ds(rbase, ROWS_LAST)],
                             out_hbm.at[cid].at[pl.ds(rbase, ROWS_LAST)],
                             msem).wait()

    return sc_kernel(x, src, dst, attr)


def _tc_fuse(p0, p1, w, apply_relu):
    BM = 1000

    def body(p0_ref, p1_ref, w_ref, o_ref):
        s = p0_ref[...] + p1_ref[...]
        r = jnp.dot(s, w_ref[...], preferred_element_type=jnp.float32)
        if apply_relu:
            r = jnp.maximum(r, 0.0)
        o_ref[...] = r

    return pl.pallas_call(
        body,
        grid=(N_NODES // BM,),
        in_specs=[
            pl.BlockSpec((BM, D), lambda i: (i, 0)),
            pl.BlockSpec((BM, D), lambda i: (i, 0)),
            pl.BlockSpec((D, D), lambda i: (0, 0)),
        ],
        out_specs=pl.BlockSpec((BM, D), lambda i: (i, 0)),
        out_shape=jax.ShapeDtypeStruct((N_NODES, D), jnp.float32),
    )(p0, p1, w)


def kernel(x, edge_index, edge_attr, g_node_list, W1, W2):
    src = edge_index[0].astype(jnp.int32)
    dst = edge_index[1].astype(jnp.int32)
    attr = edge_attr.astype(jnp.float32)

    p = _sc_segment_scatter(x, src, dst, attr)
    h = _tc_fuse(p[0], p[1], W1, apply_relu=True)
    q = _sc_segment_scatter(h, src, dst, attr)
    return _tc_fuse(q[0], q[1], W2, apply_relu=False)

# --- scband reference (transcript-rebuilt; emitter-appended) ---
"""Pipeline reference for scband-di-gcn-1666447311176 (READ-ONLY COPY).

The authoritative reference and input builder live on the scoring server;
editing this copy changes nothing except your own understanding.
"""

import jax, jax.numpy as jnp
import numpy as np

N_NODES = 10000
N_EDGES = 320000
D_FEAT = 128
D_HID = 128
NUM_GRAPHS = 8


def glorot(key, shape):
    fan_in, fan_out = shape[0], shape[1]
    limit = np.sqrt(6.0 / (fan_in + fan_out))
    return jax.random.uniform(key, shape, dtype=jnp.float32, minval=-limit, maxval=limit)


def setup_inputs(seed: int = 0) -> dict:
    key = jax.random.key(seed)
    k_x, k_ei, k_ea, k_g, k_w1, k_w2 = jax.random.split(key, 6)
    x = jax.random.normal(k_x, (N_NODES, D_FEAT), dtype=jnp.float32)
    edge_index = jax.random.randint(k_ei, (2, N_EDGES), 0, N_NODES, dtype=jnp.int64)
    edge_attr = jax.random.uniform(k_ea, (N_EDGES,), dtype=jnp.float32)
    g_node_list = jnp.sort(jax.random.randint(k_g, (N_NODES,), 0, NUM_GRAPHS, dtype=jnp.int64))
    W1 = glorot(k_w1, (D_FEAT, D_HID))
    W2 = glorot(k_w2, (D_HID, D_HID))
    return {"x": x, "edge_index": edge_index, "edge_attr": edge_attr,
            "g_node_list": g_node_list, "W1": W1, "W2": W2}


def _digcn_conv(x, W, edge_index, norm):
    # x' = x @ W; message = norm * x'_j (j = source node); aggregate 'add' at target node
    x = jnp.matmul(x, W)
    src = edge_index[0]
    dst = edge_index[1]
    msg = norm[:, None] * jnp.take(x, src, axis=0)
    out = jax.ops.segment_sum(msg, dst, num_segments=x.shape[0])
    return out


def reference(x, edge_index, edge_attr, g_node_list, W1, W2):
    # DiGCN.forward: two DIGCNConv layers with relu + (no-op) dropout in between.
    h = jax.nn.relu(_digcn_conv(x, W1, edge_index, edge_attr))
    h = _digcn_conv(h, W2, edge_index, edge_attr)
    # Original returns emb_list = [h[g_node_list == g] for g in graphs].
    # Since g_node_list is sorted, the concatenation of emb_list is exactly h;
    # return the node embeddings (the full, jit-compatible equivalent).
    return h

if __name__ == "__main__":
    import jax
    _d = setup_inputs()
    print(jax.jit(kernel)(*tuple(_d.values())))

</pallas_src>

<mosaic_0001>
#map = affine_map<(d0, d1) -> (0, 0)>
#map1 = affine_map<(d0, d1) -> (0)>
#map2 = affine_map<(d0, d1) -> (0, 0, 0)>
module attributes {stable_mosaic.version = 14 : i64} {
  func.func @sc_kernel(%arg0: i32, %arg1: i32, %arg2: memref<10000x128xf32, #tpu.memory_space<hbm>>, %arg3: memref<320000xi32, #tpu.memory_space<hbm>>, %arg4: memref<320000xi32, #tpu.memory_space<hbm>>, %arg5: memref<320000xf32, #tpu.memory_space<hbm>>, %arg6: memref<2x10000x128xf32, #tpu.memory_space<hbm>>, %arg7: memref<10000xi32, #tpu.memory_space<vmem>>, %arg8: memref<10000xf32, #tpu.memory_space<vmem>>, %arg9: memref<40x128xf32, #tpu.memory_space<vmem>>, %arg10: memref<40x128xf32, #tpu.memory_space<vmem>>, %arg11: memref<40x128xf32, #tpu.memory_space<vmem>>, %arg12: memref<40xi32, #tpu.memory_space<vmem>>, %arg13: memref<40xi32, #tpu.memory_space<vmem>>, %arg14: memref<40xi32, #tpu.memory_space<vmem>>, %arg15: memref<16x128xf32, #tpu.memory_space<vmem>>, %arg16: memref<10000x128xf32, #tpu.memory_space<vmem_shared>>, %arg17: memref<!tpu.dma_semaphore, #tpu.memory_space<semaphore_mem>>, %arg18: memref<!tpu.dma_semaphore, #tpu.memory_space<semaphore_mem>>, %arg19: memref<!tpu.dma_semaphore, #tpu.memory_space<semaphore_mem>>, %arg20: memref<!tpu.dma_semaphore, #tpu.memory_space<semaphore_mem>>, %arg21: memref<!tpu.dma_semaphore, #tpu.memory_space<semaphore_mem>>, %arg22: memref<!tpu.dma_semaphore, #tpu.memory_space<semaphore_mem>>, %arg23: memref<!tpu.dma_semaphore, #tpu.memory_space<semaphore_mem>>, %arg24: memref<!tpu.dma_semaphore, #tpu.memory_space<semaphore_mem>>, %arg25: memref<!tpu.dma_semaphore, #tpu.memory_space<semaphore_mem>>, %arg26: memref<!tpu.dma_semaphore, #tpu.memory_space<semaphore_mem>>) attributes {dimension_semantics = [#tpu.dimension_semantics<core_parallel>, #tpu.dimension_semantics<subcore_parallel>], iteration_bounds = array<i64: 2, 16>, scalar_prefetch = 0 : i64, scratch_operands = 20 : i64, tpu.core_type = #tpu.core_type<sc_vector_subcore>, window_params = [{transform_indices = #map}, {transform_indices = #map1}, {transform_indices = #map1}, {transform_indices = #map1}, {transform_indices = #map2}]} {
    %mul3A = arith.constant 16 : i32
    %mul3A_0 = arith.muli %arg0, %mul3A : i32
    %add3A = arith.addi %mul3A_0, %arg1 : i32
    %mul3A_1 = arith.constant 10000 : i32
    %mul3A_2 = arith.muli %add3A, %mul3A_1 : i32
    %multiple_of3A = tpu.assume_multiple %mul3A_2, 8 : i32
    %dma_start3A = tpu.memref_slice %arg3[%multiple_of3A] : memref<320000xi32, #tpu.memory_space<hbm>> -> memref<10000xi32, #tpu.memory_space<hbm>>
    %dma_start3A_3 = tpu.memref_slice %arg3[%multiple_of3A] : memref<320000xi32, #tpu.memory_space<hbm>> -> memref<10000xi32, #tpu.memory_space<hbm>>
    tpu.enqueue_dma source(%dma_start3A_3 : memref<10000xi32, #tpu.memory_space<hbm>>) target(%arg7 : memref<10000xi32, #tpu.memory_space<vmem>>) target_semaphore(%arg26 : memref<!tpu.dma_semaphore, #tpu.memory_space<semaphore_mem>>)
    %dma_wait3A = tpu.memref_slice %arg3[%multiple_of3A] : memref<320000xi32, #tpu.memory_space<hbm>> -> memref<10000xi32, #tpu.memory_space<hbm>>
    %dma_wait3A_4 = tpu.memref_slice %arg3[%multiple_of3A] : memref<320000xi32, #tpu.memory_space<hbm>> -> memref<10000xi32, #tpu.memory_space<hbm>>
    tpu.wait_dma2 semaphore(%arg26 : memref<!tpu.dma_semaphore, #tpu.memory_space<semaphore_mem>>) src(%dma_wait3A_4 : memref<10000xi32, #tpu.memory_space<hbm>>) dst(%arg7 : memref<10000xi32, #tpu.memory_space<vmem>>)
    %dma_start3A_5 = tpu.memref_slice %arg5[%multiple_of3A] : memref<320000xf32, #tpu.memory_space<hbm>> -> memref<10000xf32, #tpu.memory_space<hbm>>
    %dma_start3A_6 = tpu.memref_slice %arg5[%multiple_of3A] : memref<320000xf32, #tpu.memory_space<hbm>> -> memref<10000xf32, #tpu.memory_space<hbm>>
    tpu.enqueue_dma source(%dma_start3A_6 : memref<10000xf32, #tpu.memory_space<hbm>>) target(%arg8 : memref<10000xf32, #tpu.memory_space<vmem>>) target_semaphore(%arg26 : memref<!tpu.dma_semaphore, #tpu.memory_space<semaphore_mem>>)
    %dma_wait3A_7 = tpu.memref_slice %arg5[%multiple_of3A] : memref<320000xf32, #tpu.memory_space<hbm>> -> memref<10000xf32, #tpu.memory_space<hbm>>
    %dma_wait3A_8 = tpu.memref_slice %arg5[%multiple_of3A] : memref<320000xf32, #tpu.memory_space<hbm>> -> memref<10000xf32, #tpu.memory_space<hbm>>
    tpu.wait_dma2 semaphore(%arg26 : memref<!tpu.dma_semaphore, #tpu.memory_space<semaphore_mem>>) src(%dma_wait3A_8 : memref<10000xf32, #tpu.memory_space<hbm>>) dst(%arg8 : memref<10000xf32, #tpu.memory_space<vmem>>)
    %add3A_9 = arith.constant 0 : i32
    %add3A_10 = arith.addi %multiple_of3A, %add3A_9 : i32
    %multiple_of3A_11 = tpu.assume_multiple %add3A_10, 8 : i32
    %dma_start3A_12 = arith.constant 0 : i32
    %dma_start3A_13 = tpu.memref_slice %arg7[%dma_start3A_12] : memref<10000xi32, #tpu.memory_space<vmem>> -> memref<40xi32, #tpu.memory_space<vmem>>
    %dma_start3A_14 = arith.constant 0 : i32
    %dma_start3A_15 = arith.constant 0 : i32
    %dma_start3A_16 = tpu.memref_slice %arg2[%dma_start3A_14, %dma_start3A_15] : memref<10000x128xf32, #tpu.memory_space<hbm>> -> memref<10000x128xf32, #tpu.memory_space<hbm>>
    tpu.enqueue_indirect_dma source(%dma_start3A_16 : memref<10000x128xf32, #tpu.memory_space<hbm>>) target(%arg9 : memref<40x128xf32, #tpu.memory_space<vmem>>) offsets(%dma_start3A_13 : memref<40xi32, #tpu.memory_space<vmem>>) semaphore(%arg17 : memref<!tpu.dma_semaphore, #tpu.memory_space<semaphore_mem>>)
    %dma_start3A_17 = tpu.memref_slice %arg4[%multiple_of3A_11] : memref<320000xi32, #tpu.memory_space<hbm>> -> memref<40xi32, #tpu.memory_space<hbm>>
    %dma_start3A_18 = tpu.memref_slice %arg4[%multiple_of3A_11] : memref<320000xi32, #tpu.memory_space<hbm>> -> memref<40xi32, #tpu.memory_space<hbm>>
    tpu.enqueue_dma source(%dma_start3A_18 : memref<40xi32, #tpu.memory_space<hbm>>) target(%arg12 : memref<40xi32, #tpu.memory_space<vmem>>) target_semaphore(%arg20 : memref<!tpu.dma_semaphore, #tpu.memory_space<semaphore_mem>>)
    %add3A_19 = arith.constant 40 : i32
    %add3A_20 = arith.addi %multiple_of3A, %add3A_19 : i32
    %multiple_of3A_21 = tpu.assume_multiple %add3A_20, 8 : i32
    %dma_start3A_22 = arith.constant 40 : i32
    %dma_start3A_23 = tpu.memref_slice %arg7[%dma_start3A_22] : memref<10000xi32, #tpu.memory_space<vmem>> -> memref<40xi32, #tpu.memory_space<vmem>>
    %dma_start3A_24 = arith.constant 0 : i32
    %dma_start3A_25 = arith.constant 0 : i32
    %dma_start3A_26 = tpu.memref_slice %arg2[%dma_start3A_24, %dma_start3A_25] : memref<10000x128xf32, #tpu.memory_space<hbm>> -> memref<10000x128xf32, #tpu.memory_space<hbm>>
    tpu.enqueue_indirect_dma source(%dma_start3A_26 : memref<10000x128xf32, #tpu.memory_space<hbm>>) target(%arg10 : memref<40x128xf32, #tpu.memory_space<vmem>>) offsets(%dma_start3A_23 : memref<40xi32, #tpu.memory_space<vmem>>) semaphore(%arg18 : memref<!tpu.dma_semaphore, #tpu.memory_space<semaphore_mem>>)
    %dma_start3A_27 = tpu.memref_slice %arg4[%multiple_of3A_21] : memref<320000xi32, #tpu.memory_space<hbm>> -> memref<40xi32, #tpu.memory_space<hbm>>
    %dma_start3A_28 = tpu.memref_slice %arg4[%multiple_of3A_21] : memref<320000xi32, #tpu.memory_space<hbm>> -> memref<40xi32, #tpu.memory_space<hbm>>
    tpu.enqueue_dma source(%dma_start3A_28 : memref<40xi32, #tpu.memory_space<hbm>>) target(%arg13 : memref<40xi32, #tpu.memory_space<vmem>>) target_semaphore(%arg21 : memref<!tpu.dma_semaphore, #tpu.memory_space<semaphore_mem>>)
    %broadcast_in_dim3A = arith.constant 0.000000e+00 : f32
    %broadcast_in_dim3A_29 = vector.broadcast %broadcast_in_dim3A : f32 to vector<16xf32>
    %scan3A = arith.constant 0 : i32
    %scan3A_30 = arith.constant 16 : i32
    %scan3A_31 = arith.addi %scan3A, %scan3A_30 : i32
    %scan3A_32 = arith.constant 1 : i32
    scf.for %scan3A_192 = %scan3A to %scan3A_31 step %scan3A_32  : i32 {
      %mul3A_193 = arith.constant 1 : i32
      %mul3A_194 = arith.muli %scan3A_192, %mul3A_193 : i32
      %add3A_195 = arith.constant 0 : i32
      %add3A_196 = arith.addi %add3A_195, %mul3A_194 : i32
      %swap3A = arith.index_cast %add3A_196 : i32 to index
      %swap3A_197 = arith.constant 0 : index
      %swap3A_198 = tpu.vector_load %arg15[%swap3A, %swap3A_197] {strides = array<i32>} : memref<16x128xf32, #tpu.memory_space<vmem>>, vector<16xf32>,
      tpu.vector_store %arg15[%swap3A, %swap3A_197], %broadcast_in_dim3A_29 {strides = array<i32>} : memref<16x128xf32, #tpu.memory_space<vmem>>, vector<16xf32>,
      %swap3A_199 = arith.index_cast %add3A_196 : i32 to index
      %swap3A_200 = arith.constant 16 : index
      %swap3A_201 = tpu.vector_load %arg15[%swap3A_199, %swap3A_200] {strides = array<i32>} : memref<16x128xf32, #tpu.memory_space<vmem>>, vector<16xf32>,
      tpu.vector_store %arg15[%swap3A_199, %swap3A_200], %broadcast_in_dim3A_29 {strides = array<i32>} : memref<16x128xf32, #tpu.memory_space<vmem>>, vector<16xf32>,
      %swap3A_202 = arith.index_cast %add3A_196 : i32 to index
      %swap3A_203 = arith.constant 32 : index
      %swap3A_204 = tpu.vector_load %arg15[%swap3A_202, %swap3A_203] {strides = array<i32>} : memref<16x128xf32, #tpu.memory_space<vmem>>, vector<16xf32>,
      tpu.vector_store %arg15[%swap3A_202, %swap3A_203], %broadcast_in_dim3A_29 {strides = array<i32>} : memref<16x128xf32, #tpu.memory_space<vmem>>, vector<16xf32>,
      %swap3A_205 = arith.index_cast %add3A_196 : i32 to index
      %swap3A_206 = arith.constant 48 : index
      %swap3A_207 = tpu.vector_load %arg15[%swap3A_205, %swap3A_206] {strides = array<i32>} : memref<16x128xf32, #tpu.memory_space<vmem>>, vector<16xf32>,
      tpu.vector_store %arg15[%swap3A_205, %swap3A_206], %broadcast_in_dim3A_29 {strides = array<i32>} : memref<16x128xf32, #tpu.memory_space<vmem>>, vector<16xf32>,
      %swap3A_208 = arith.index_cast %add3A_196 : i32 to index
      %swap3A_209 = arith.constant 64 : index
      %swap3A_210 = tpu.vector_load %arg15[%swap3A_208, %swap3A_209] {strides = array<i32>} : memref<16x128xf32, #tpu.memory_space<vmem>>, vector<16xf32>,
      tpu.vector_store %arg15[%swap3A_208, %swap3A_209], %broadcast_in_dim3A_29 {strides = array<i32>} : memref<16x128xf32, #tpu.memory_space<vmem>>, vector<16xf32>,
      %swap3A_211 = arith.index_cast %add3A_196 : i32 to index
      %swap3A_212 = arith.constant 80 : index
      %swap3A_213 = tpu.vector_load %arg15[%swap3A_211, %swap3A_212] {strides = array<i32>} : memref<16x128xf32, #tpu.memory_space<vmem>>, vector<16xf32>,
      tpu.vector_store %arg15[%swap3A_211, %swap3A_212], %broadcast_in_dim3A_29 {strides = array<i32>} : memref<16x128xf32, #tpu.memory_space<vmem>>, vector<16xf32>,
      %swap3A_214 = arith.index_cast %add3A_196 : i32 to index
      %swap3A_215 = arith.constant 96 : index
      %swap3A_216 = tpu.vector_load %arg15[%swap3A_214, %swap3A_215] {strides = array<i32>} : memref<16x128xf32, #tpu.memory_space<vmem>>, vector<16xf32>,
      tpu.vector_store %arg15[%swap3A_214, %swap3A_215], %broadcast_in_dim3A_29 {strides = array<i32>} : memref<16x128xf32, #tpu.memory_space<vmem>>, vector<16xf32>,
      %swap3A_217 = arith.index_cast %add3A_196 : i32 to index
      %swap3A_218 = arith.constant 112 : index
      %swap3A_219 = tpu.vector_load %arg15[%swap3A_217, %swap3A_218] {strides = array<i32>} : memref<16x128xf32, #tpu.memory_space<vmem>>, vector<16xf32>,
      tpu.vector_store %arg15[%swap3A_217, %swap3A_218], %broadcast_in_dim3A_29 {strides = array<i32>} : memref<16x128xf32, #tpu.memory_space<vmem>>, vector<16xf32>,
    }
    %scan3A_33 = arith.constant 16 : i32
    %mul3A_34 = arith.constant 624 : i32
    %mul3A_35 = arith.muli %arg1, %mul3A_34 : i32
    %multiple_of3A_36 = tpu.assume_multiple %mul3A_35, 8 : i32
    %eq3A = arith.constant 15 : i32
    %eq3A_37 = arith.cmpi eq, %arg1, %eq3A : i32
    %jit3A = arith.constant 40 : i32
    %jit3A_38 = arith.constant 39 : i32
    %select_n3A = arith.select %eq3A_37, %jit3A, %jit3A_38 : i32
    %sub3A = arith.constant 0 : i32
    %sub3A_39 = arith.subi %select_n3A, %sub3A : i32
    %sub3A_40 = arith.constant 1 : i32
    %sub3A_41 = arith.constant 1 : i32
    %sub3A_42 = arith.subi %sub3A_40, %sub3A_41 : i32
    %add3A_43 = arith.addi %sub3A_39, %sub3A_42 : i32
    %div3A = arith.constant 1 : i32
    %div3A_44 = arith.divsi %add3A_43, %div3A : i32
    %while3A = arith.constant 1 : i32
    %while3A_45 = arith.constant 0 : i32
    %while3A_46 = arith.constant 0 : i32
    %while3A_47 = arith.subi %div3A_44, %while3A_46 : i32
    %while3A_48 = arith.addi %while3A_46, %while3A_47 : i32
    %while3A_49 = arith.constant 1 : i32
    %while3A_50 = arith.divsi %while3A_47, %while3A_49 : i32
    %while3A_51 = arith.muli %while3A_50, %while3A_49 : i32
    %while3A_52 = arith.addi %while3A_46, %while3A_51 : i32
    %while3A_53 = arith.constant 1 : i32
    scf.for %while3A_192 = %while3A_46 to %while3A_52 step %while3A_53  : i32 {
      %mul3A_193 = arith.muli %while3A_192, %while3A : i32
      %add3A_194 = arith.addi %while3A_45, %mul3A_193 : i32
      %mul3A_195 = arith.constant 16 : i32
      %mul3A_196 = arith.muli %add3A_194, %mul3A_195 : i32
      %add3A_197 = arith.addi %multiple_of3A_36, %mul3A_196 : i32
      %multiple_of3A_198 = tpu.assume_multiple %add3A_197, 8 : i32
      %dma_start3A_199 = arith.constant 0 : i32
      %dma_start3A_200 = tpu.memref_slice %arg16[%multiple_of3A_198, %dma_start3A_199] : memref<10000x128xf32, #tpu.memory_space<vmem_shared>> -> memref<16x128xf32, #tpu.memory_space<vmem_shared>>
      %dma_start3A_201 = arith.constant 0 : i32
      %dma_start3A_202 = tpu.memref_slice %arg16[%multiple_of3A_198, %dma_start3A_201] : memref<10000x128xf32, #tpu.memory_space<vmem_shared>> -> memref<16x128xf32, #tpu.memory_space<vmem_shared>>
      tpu.enqueue_dma source(%arg15 : memref<16x128xf32, #tpu.memory_space<vmem>>) target(%dma_start3A_202 : memref<16x128xf32, #tpu.memory_space<vmem_shared>>) target_semaphore(%arg26 : memref<!tpu.dma_semaphore, #tpu.memory_space<semaphore_mem>>)
    }
    %while3A_54 = arith.constant 1 : i32
    scf.for %while3A_192 = %while3A_52 to %while3A_48 step %while3A_54  : i32 {
      %mul3A_193 = arith.muli %while3A_192, %while3A : i32
      %add3A_194 = arith.addi %while3A_45, %mul3A_193 : i32
      %mul3A_195 = arith.constant 16 : i32
      %mul3A_196 = arith.muli %add3A_194, %mul3A_195 : i32
      %add3A_197 = arith.addi %multiple_of3A_36, %mul3A_196 : i32
      %multiple_of3A_198 = tpu.assume_multiple %add3A_197, 8 : i32
      %dma_start3A_199 = arith.constant 0 : i32
      %dma_start3A_200 = tpu.memref_slice %arg16[%multiple_of3A_198, %dma_start3A_199] : memref<10000x128xf32, #tpu.memory_space<vmem_shared>> -> memref<16x128xf32, #tpu.memory_space<vmem_shared>>
      %dma_start3A_201 = arith.constant 0 : i32
      %dma_start3A_202 = tpu.memref_slice %arg16[%multiple_of3A_198, %dma_start3A_201] : memref<10000x128xf32, #tpu.memory_space<vmem_shared>> -> memref<16x128xf32, #tpu.memory_space<vmem_shared>>
      tpu.enqueue_dma source(%arg15 : memref<16x128xf32, #tpu.memory_space<vmem>>) target(%dma_start3A_202 : memref<16x128xf32, #tpu.memory_space<vmem_shared>>) target_semaphore(%arg26 : memref<!tpu.dma_semaphore, #tpu.memory_space<semaphore_mem>>)
    }
    %sub3A_55 = arith.constant 0 : i32
    %sub3A_56 = arith.subi %select_n3A, %sub3A_55 : i32
    %sub3A_57 = arith.constant 1 : i32
    %sub3A_58 = arith.constant 1 : i32
    %sub3A_59 = arith.subi %sub3A_57, %sub3A_58 : i32
    %add3A_60 = arith.addi %sub3A_56, %sub3A_59 : i32
    %div3A_61 = arith.constant 1 : i32
    %div3A_62 = arith.divsi %add3A_60, %div3A_61 : i32
    %while3A_63 = arith.constant 1 : i32
    %while3A_64 = arith.constant 0 : i32
    %while3A_65 = arith.constant 0 : i32
    %while3A_66 = arith.subi %div3A_62, %while3A_65 : i32
    %while3A_67 = arith.addi %while3A_65, %while3A_66 : i32
    %while3A_68 = arith.constant 1 : i32
    %while3A_69 = arith.divsi %while3A_66, %while3A_68 : i32
    %while3A_70 = arith.muli %while3A_69, %while3A_68 : i32
    %while3A_71 = arith.addi %while3A_65, %while3A_70 : i32
    %while3A_72 = arith.constant 1 : i32
    scf.for %while3A_192 = %while3A_65 to %while3A_71 step %while3A_72  : i32 {
      %mul3A_193 = arith.muli %while3A_192, %while3A_63 : i32
      %add3A_194 = arith.addi %while3A_64, %mul3A_193 : i32
      %mul3A_195 = arith.constant 16 : i32
      %mul3A_196 = arith.muli %add3A_194, %mul3A_195 : i32
      %add3A_197 = arith.addi %multiple_of3A_36, %mul3A_196 : i32
      %multiple_of3A_198 = tpu.assume_multiple %add3A_197, 8 : i32
      %dma_wait3A_199 = arith.constant 0 : i32
      %dma_wait3A_200 = tpu.memref_slice %arg16[%multiple_of3A_198, %dma_wait3A_199] : memref<10000x128xf32, #tpu.memory_space<vmem_shared>> -> memref<16x128xf32, #tpu.memory_space<vmem_shared>>
      %dma_wait3A_201 = arith.constant 0 : i32
      %dma_wait3A_202 = tpu.memref_slice %arg16[%multiple_of3A_198, %dma_wait3A_201] : memref<10000x128xf32, #tpu.memory_space<vmem_shared>> -> memref<16x128xf32, #tpu.memory_space<vmem_shared>>
      tpu.wait_dma2 semaphore(%arg26 : memref<!tpu.dma_semaphore, #tpu.memory_space<semaphore_mem>>) src(%arg15 : memref<16x128xf32, #tpu.memory_space<vmem>>) dst(%dma_wait3A_202 : memref<16x128xf32, #tpu.memory_space<vmem_shared>>)
    }
    %while3A_73 = arith.constant 1 : i32
    scf.for %while3A_192 = %while3A_71 to %while3A_67 step %while3A_73  : i32 {
      %mul3A_193 = arith.muli %while3A_192, %while3A_63 : i32
      %add3A_194 = arith.addi %while3A_64, %mul3A_193 : i32
      %mul3A_195 = arith.constant 16 : i32
      %mul3A_196 = arith.muli %add3A_194, %mul3A_195 : i32
      %add3A_197 = arith.addi %multiple_of3A_36, %mul3A_196 : i32
      %multiple_of3A_198 = tpu.assume_multiple %add3A_197, 8 : i32
      %dma_wait3A_199 = arith.constant 0 : i32
      %dma_wait3A_200 = tpu.memref_slice %arg16[%multiple_of3A_198, %dma_wait3A_199] : memref<10000x128xf32, #tpu.memory_space<vmem_shared>> -> memref<16x128xf32, #tpu.memory_space<vmem_shared>>
      %dma_wait3A_201 = arith.constant 0 : i32
      %dma_wait3A_202 = tpu.memref_slice %arg16[%multiple_of3A_198, %dma_wait3A_201] : memref<10000x128xf32, #tpu.memory_space<vmem_shared>> -> memref<16x128xf32, #tpu.memory_space<vmem_shared>>
      tpu.wait_dma2 semaphore(%arg26 : memref<!tpu.dma_semaphore, #tpu.memory_space<semaphore_mem>>) src(%arg15 : memref<16x128xf32, #tpu.memory_space<vmem>>) dst(%dma_wait3A_202 : memref<16x128xf32, #tpu.memory_space<vmem_shared>>)
    }
    %barrier3A = arith.constant 0 : index
    tpu.barrier barrier_id(%barrier3A)
    %dma_wait3A_74 = arith.constant 0 : i32
    %dma_wait3A_75 = tpu.memref_slice %arg7[%dma_wait3A_74] : memref<10000xi32, #tpu.memory_space<vmem>> -> memref<40xi32, #tpu.memory_space<vmem>>
    %dma_wait3A_76 = arith.constant 0 : i32
    %dma_wait3A_77 = arith.constant 0 : i32
    %dma_wait3A_78 = tpu.memref_slice %arg2[%dma_wait3A_76, %dma_wait3A_77] : memref<10000x128xf32, #tpu.memory_space<hbm>> -> memref<10000x128xf32, #tpu.memory_space<hbm>>
    tpu.wait_indirect_dma semaphore(%arg17 : memref<!tpu.dma_semaphore, #tpu.memory_space<semaphore_mem>>) src(%dma_wait3A_78 : memref<10000x128xf32, #tpu.memory_space<hbm>>) dst(%arg9 : memref<40x128xf32, #tpu.memory_space<vmem>>)
    %parallel_loop3A = arith.constant 0 : i32
    %parallel_loop3A_79 = arith.constant 40 : i32
    %parallel_loop3A_80 = arith.constant 1 : i32
    scf.for %parallel_loop3A_192 = %parallel_loop3A to %parallel_loop3A_79 step %parallel_loop3A_80  : i32 {
      %parallel_loop3A_193 = arith.constant 0 : i32
      %parallel_loop3A_194 = arith.addi %parallel_loop3A_193, %parallel_loop3A_192 : i32
      %parallel_loop3A_195 = vector.broadcast %parallel_loop3A_194 : i32 to vector<16xi32>
      %parallel_loop3A_196 = tpu.vector_load_idx %arg8[%parallel_loop3A_195] : memref<10000xf32, #tpu.memory_space<vmem>>[vector<16xi32>], vector<16xf32>,
      %parallel_loop3A_197 = arith.index_cast %parallel_loop3A_192 : i32 to index
      %parallel_loop3A_198 = arith.constant 0 : index
      %parallel_loop3A_199 = tpu.vector_load %arg9[%parallel_loop3A_197, %parallel_loop3A_198] {strides = array<i32>} : memref<40x128xf32, #tpu.memory_space<vmem>>, vector<16xf32>,
      %parallel_loop3A_200 = arith.mulf %parallel_loop3A_199, %parallel_loop3A_196 : vector<16xf32>
      %parallel_loop3A_201 = arith.index_cast %parallel_loop3A_192 : i32 to index
      %parallel_loop3A_202 = arith.constant 0 : index
      %parallel_loop3A_203 = tpu.vector_load %arg9[%parallel_loop3A_201, %parallel_loop3A_202] {strides = array<i32>} : memref<40x128xf32, #tpu.memory_space<vmem>>, vector<16xf32>,
      tpu.vector_store %arg9[%parallel_loop3A_201, %parallel_loop3A_202], %parallel_loop3A_200 {strides = array<i32>} : memref<40x128xf32, #tpu.memory_space<vmem>>, vector<16xf32>,
      %parallel_loop3A_204 = arith.index_cast %parallel_loop3A_192 : i32 to index
      %parallel_loop3A_205 = arith.constant 16 : index
      %parallel_loop3A_206 = tpu.vector_load %arg9[%parallel_loop3A_204, %parallel_loop3A_205] {strides = array<i32>} : memref<40x128xf32, #tpu.memory_space<vmem>>, vector<16xf32>,
      %parallel_loop3A_207 = arith.mulf %parallel_loop3A_206, %parallel_loop3A_196 : vector<16xf32>
      %parallel_loop3A_208 = arith.index_cast %parallel_loop3A_192 : i32 to index
      %parallel_loop3A_209 = arith.constant 16 : index
      %parallel_loop3A_210 = tpu.vector_load %arg9[%parallel_loop3A_208, %parallel_loop3A_209] {strides = array<i32>} : memref<40x128xf32, #tpu.memory_space<vmem>>, vector<16xf32>,
      tpu.vector_store %arg9[%parallel_loop3A_208, %parallel_loop3A_209], %parallel_loop3A_207 {strides = array<i32>} : memref<40x128xf32, #tpu.memory_space<vmem>>, vector<16xf32>,
      %parallel_loop3A_211 = arith.index_cast %parallel_loop3A_192 : i32 to index
      %parallel_loop3A_212 = arith.constant 32 : index
      %parallel_loop3A_213 = tpu.vector_load %arg9[%parallel_loop3A_211, %parallel_loop3A_212] {strides = array<i32>} : memref<40x128xf32, #tpu.memory_space<vmem>>, vector<16xf32>,
      %parallel_loop3A_214 = arith.mulf %parallel_loop3A_213, %parallel_loop3A_196 : vector<16xf32>
      %parallel_loop3A_215 = arith.index_cast %parallel_loop3A_192 : i32 to index
      %parallel_loop3A_216 = arith.constant 32 : index
      %parallel_loop3A_217 = tpu.vector_load %arg9[%parallel_loop3A_215, %parallel_loop3A_216] {strides = array<i32>} : memref<40x128xf32, #tpu.memory_space<vmem>>, vector<16xf32>,
      tpu.vector_store %arg9[%parallel_loop3A_215, %parallel_loop3A_216], %parallel_loop3A_214 {strides = array<i32>} : memref<40x128xf32, #tpu.memory_space<vmem>>, vector<16xf32>,
      %parallel_loop3A_218 = arith.index_cast %parallel_loop3A_192 : i32 to index
      %parallel_loop3A_219 = arith.constant 48 : index
      %parallel_loop3A_220 = tpu.vector_load %arg9[%parallel_loop3A_218, %parallel_loop3A_219] {strides = array<i32>} : memref<40x128xf32, #tpu.memory_space<vmem>>, vector<16xf32>,
      %parallel_loop3A_221 = arith.mulf %parallel_loop3A_220, %parallel_loop3A_196 : vector<16xf32>
      %parallel_loop3A_222 = arith.index_cast %parallel_loop3A_192 : i32 to index
      %parallel_loop3A_223 = arith.constant 48 : index
      %parallel_loop3A_224 = tpu.vector_load %arg9[%parallel_loop3A_222, %parallel_loop3A_223] {strides = array<i32>} : memref<40x128xf32, #tpu.memory_space<vmem>>, vector<16xf32>,
      tpu.vector_store %arg9[%parallel_loop3A_222, %parallel_loop3A_223], %parallel_loop3A_221 {strides = array<i32>} : memref<40x128xf32, #tpu.memory_space<vmem>>, vector<16xf32>,
      %parallel_loop3A_225 = arith.index_cast %parallel_loop3A_192 : i32 to index
      %parallel_loop3A_226 = arith.constant 64 : index
      %parallel_loop3A_227 = tpu.vector_load %arg9[%parallel_loop3A_225, %parallel_loop3A_226] {strides = array<i32>} : memref<40x128xf32, #tpu.memory_space<vmem>>, vector<16xf32>,
      %parallel_loop3A_228 = arith.mulf %parallel_loop3A_227, %parallel_loop3A_196 : vector<16xf32>
      %parallel_loop3A_229 = arith.index_cast %parallel_loop3A_192 : i32 to index
      %parallel_loop3A_230 = arith.constant 64 : index
      %parallel_loop3A_231 = tpu.vector_load %arg9[%parallel_loop3A_229, %parallel_loop3A_230] {strides = array<i32>} : memref<40x128xf32, #tpu.memory_space<vmem>>, vector<16xf32>,
      tpu.vector_store %arg9[%parallel_loop3A_229, %parallel_loop3A_230], %parallel_loop3A_228 {strides = array<i32>} : memref<40x128xf32, #tpu.memory_space<vmem>>, vector<16xf32>,
      %parallel_loop3A_232 = arith.index_cast %parallel_loop3A_192 : i32 to index
      %parallel_loop3A_233 = arith.constant 80 : index
      %parallel_loop3A_234 = tpu.vector_load %arg9[%parallel_loop3A_232, %parallel_loop3A_233] {strides = array<i32>} : memref<40x128xf32, #tpu.memory_space<vmem>>, vector<16xf32>,
      %parallel_loop3A_235 = arith.mulf %parallel_loop3A_234, %parallel_loop3A_196 : vector<16xf32>
      %parallel_loop3A_236 = arith.index_cast %parallel_loop3A_192 : i32 to index
      %parallel_loop3A_237 = arith.constant 80 : index
      %parallel_loop3A_238 = tpu.vector_load %arg9[%parallel_loop3A_236, %parallel_loop3A_237] {strides = array<i32>} : memref<40x128xf32, #tpu.memory_space<vmem>>, vector<16xf32>,
      tpu.vector_store %arg9[%parallel_loop3A_236, %parallel_loop3A_237], %parallel_loop3A_235 {strides = array<i32>} : memref<40x128xf32, #tpu.memory_space<vmem>>, vector<16xf32>,
      %parallel_loop3A_239 = arith.index_cast %parallel_loop3A_192 : i32 to index
      %parallel_loop3A_240 = arith.constant 96 : index
      %parallel_loop3A_241 = tpu.vector_load %arg9[%parallel_loop3A_239, %parallel_loop3A_240] {strides = array<i32>} : memref<40x128xf32, #tpu.memory_space<vmem>>, vector<16xf32>,
      %parallel_loop3A_242 = arith.mulf %parallel_loop3A_241, %parallel_loop3A_196 : vector<16xf32>
      %parallel_loop3A_243 = arith.index_cast %parallel_loop3A_192 : i32 to index
      %parallel_loop3A_244 = arith.constant 96 : index
      %parallel_loop3A_245 = tpu.vector_load %arg9[%parallel_loop3A_243, %parallel_loop3A_244] {strides = array<i32>} : memref<40x128xf32, #tpu.memory_space<vmem>>, vector<16xf32>,
      tpu.vector_store %arg9[%parallel_loop3A_243, %parallel_loop3A_244], %parallel_loop3A_242 {strides = array<i32>} : memref<40x128xf32, #tpu.memory_space<vmem>>, vector<16xf32>,
      %parallel_loop3A_246 = arith.index_cast %parallel_loop3A_192 : i32 to index
      %parallel_loop3A_247 = arith.constant 112 : index
      %parallel_loop3A_248 = tpu.vector_load %arg9[%parallel_loop3A_246, %parallel_loop3A_247] {strides = array<i32>} : memref<40x128xf32, #tpu.memory_space<vmem>>, vector<16xf32>,
      %parallel_loop3A_249 = arith.mulf %parallel_loop3A_248, %parallel_loop3A_196 : vector<16xf32>
      %parallel_loop3A_250 = arith.index_cast %parallel_loop3A_192 : i32 to index
      %parallel_loop3A_251 = arith.constant 112 : index
      %parallel_loop3A_252 = tpu.vector_load %arg9[%parallel_loop3A_250, %parallel_loop3A_251] {strides = array<i32>} : memref<40x128xf32, #tpu.memory_space<vmem>>, vector<16xf32>,
      tpu.vector_store %arg9[%parallel_loop3A_250, %parallel_loop3A_251], %parallel_loop3A_249 {strides = array<i32>} : memref<40x128xf32, #tpu.memory_space<vmem>>, vector<16xf32>,
    } {sc.loop_unroll_factor = 2 : i64, sc.parallel_access}
    %add3A_81 = arith.constant 0 : i32
    %add3A_82 = arith.addi %multiple_of3A, %add3A_81 : i32
    %multiple_of3A_83 = tpu.assume_multiple %add3A_82, 8 : i32
    %dma_wait3A_84 = tpu.memref_slice %arg4[%multiple_of3A_83] : memref<320000xi32, #tpu.memory_space<hbm>> -> memref<40xi32, #tpu.memory_space<hbm>>
    %dma_wait3A_85 = tpu.memref_slice %arg4[%multiple_of3A_83] : memref<320000xi32, #tpu.memory_space<hbm>> -> memref<40xi32, #tpu.memory_space<hbm>>
    tpu.wait_dma2 semaphore(%arg20 : memref<!tpu.dma_semaphore, #tpu.memory_space<semaphore_mem>>) src(%dma_wait3A_85 : memref<40xi32, #tpu.memory_space<hbm>>) dst(%arg12 : memref<40xi32, #tpu.memory_space<vmem>>)
    %dma_start3A_86 = arith.constant 0 : i32
    %dma_start3A_87 = arith.constant 0 : i32
    %dma_start3A_88 = tpu.memref_slice %arg16[%dma_start3A_86, %dma_start3A_87] : memref<10000x128xf32, #tpu.memory_space<vmem_shared>> -> memref<10000x128xf32, #tpu.memory_space<vmem_shared>>
    tpu.enqueue_indirect_dma source(%arg9 : memref<40x128xf32, #tpu.memory_space<vmem>>) target(%dma_start3A_88 : memref<10000x128xf32, #tpu.memory_space<vmem_shared>>) offsets(%arg12 : memref<40xi32, #tpu.memory_space<vmem>>) semaphore(%arg23 : memref<!tpu.dma_semaphore, #tpu.memory_space<semaphore_mem>>) {add = true}
    %add3A_89 = arith.constant 80 : i32
    %add3A_90 = arith.addi %multiple_of3A, %add3A_89 : i32
    %multiple_of3A_91 = tpu.assume_multiple %add3A_90, 8 : i32
    %dma_start3A_92 = arith.constant 80 : i32
    %dma_start3A_93 = tpu.memref_slice %arg7[%dma_start3A_92] : memref<10000xi32, #tpu.memory_space<vmem>> -> memref<40xi32, #tpu.memory_space<vmem>>
    %dma_start3A_94 = arith.constant 0 : i32
    %dma_start3A_95 = arith.constant 0 : i32
    %dma_start3A_96 = tpu.memref_slice %arg2[%dma_start3A_94, %dma_start3A_95] : memref<10000x128xf32, #tpu.memory_space<hbm>> -> memref<10000x128xf32, #tpu.memory_space<hbm>>
    tpu.enqueue_indirect_dma source(%dma_start3A_96 : memref<10000x128xf32, #tpu.memory_space<hbm>>) target(%arg11 : memref<40x128xf32, #tpu.memory_space<vmem>>) offsets(%dma_start3A_93 : memref<40xi32, #tpu.memory_space<vmem>>) semaphore(%arg19 : memref<!tpu.dma_semaphore, #tpu.memory_space<semaphore_mem>>)
    %dma_start3A_97 = tpu.memref_slice %arg4[%multiple_of3A_91] : memref<320000xi32, #tpu.memory_space<hbm>> -> memref<40xi32, #tpu.memory_space<hbm>>
    %dma_start3A_98 = tpu.memref_slice %arg4[%multiple_of3A_91] : memref<320000xi32, #tpu.memory_space<hbm>> -> memref<40xi32, #tpu.memory_space<hbm>>
    tpu.enqueue_dma source(%dma_start3A_98 : memref<40xi32, #tpu.memory_space<hbm>>) target(%arg14 : memref<40xi32, #tpu.memory_space<vmem>>) target_semaphore(%arg22 : memref<!tpu.dma_semaphore, #tpu.memory_space<semaphore_mem>>)
    %dma_wait3A_99 = arith.constant 40 : i32
    %dma_wait3A_100 = tpu.memref_slice %arg7[%dma_wait3A_99] : memref<10000xi32, #tpu.memory_space<vmem>> -> memref<40xi32, #tpu.memory_space<vmem>>
    %dma_wait3A_101 = arith.constant 0 : i32
    %dma_wait3A_102 = arith.constant 0 : i32
    %dma_wait3A_103 = tpu.memref_slice %arg2[%dma_wait3A_101, %dma_wait3A_102] : memref<10000x128xf32, #tpu.memory_space<hbm>> -> memref<10000x128xf32, #tpu.memory_space<hbm>>
    tpu.wait_indirect_dma semaphore(%arg18 : memref<!tpu.dma_semaphore, #tpu.memory_space<semaphore_mem>>) src(%dma_wait3A_103 : memref<10000x128xf32, #tpu.memory_space<hbm>>) dst(%arg10 : memref<40x128xf32, #tpu.memory_space<vmem>>)
    %parallel_loop3A_104 = arith.constant 0 : i32
    %parallel_loop3A_105 = arith.constant 40 : i32
    %parallel_loop3A_106 = arith.constant 1 : i32
    scf.for %parallel_loop3A_192 = %parallel_loop3A_104 to %parallel_loop3A_105 step %parallel_loop3A_106  : i32 {
      %parallel_loop3A_193 = arith.constant 40 : i32
      %parallel_loop3A_194 = arith.addi %parallel_loop3A_193, %parallel_loop3A_192 : i32
      %parallel_loop3A_195 = vector.broadcast %parallel_loop3A_194 : i32 to vector<16xi32>
      %parallel_loop3A_196 = tpu.vector_load_idx %arg8[%parallel_loop3A_195] : memref<10000xf32, #tpu.memory_space<vmem>>[vector<16xi32>], vector<16xf32>,
      %parallel_loop3A_197 = arith.index_cast %parallel_loop3A_192 : i32 to index
      %parallel_loop3A_198 = arith.constant 0 : index
      %parallel_loop3A_199 = tpu.vector_load %arg10[%parallel_loop3A_197, %parallel_loop3A_198] {strides = array<i32>} : memref<40x128xf32, #tpu.memory_space<vmem>>, vector<16xf32>,
      %parallel_loop3A_200 = arith.mulf %parallel_loop3A_199, %parallel_loop3A_196 : vector<16xf32>
      %parallel_loop3A_201 = arith.index_cast %parallel_loop3A_192 : i32 to index
      %parallel_loop3A_202 = arith.constant 0 : index
      %parallel_loop3A_203 = tpu.vector_load %arg10[%parallel_loop3A_201, %parallel_loop3A_202] {strides = array<i32>} : memref<40x128xf32, #tpu.memory_space<vmem>>, vector<16xf32>,
      tpu.vector_store %arg10[%parallel_loop3A_201, %parallel_loop3A_202], %parallel_loop3A_200 {strides = array<i32>} : memref<40x128xf32, #tpu.memory_space<vmem>>, vector<16xf32>,
      %parallel_loop3A_204 = arith.index_cast %parallel_loop3A_192 : i32 to index
      %parallel_loop3A_205 = arith.constant 16 : index
      %parallel_loop3A_206 = tpu.vector_load %arg10[%parallel_loop3A_204, %parallel_loop3A_205] {strides = array<i32>} : memref<40x128xf32, #tpu.memory_space<vmem>>, vector<16xf32>,
      %parallel_loop3A_207 = arith.mulf %parallel_loop3A_206, %parallel_loop3A_196 : vector<16xf32>
      %parallel_loop3A_208 = arith.index_cast %parallel_loop3A_192 : i32 to index
      %parallel_loop3A_209 = arith.constant 16 : index
      %parallel_loop3A_210 = tpu.vector_load %arg10[%parallel_loop3A_208, %parallel_loop3A_209] {strides = array<i32>} : memref<40x128xf32, #tpu.memory_space<vmem>>, vector<16xf32>,
      tpu.vector_store %arg10[%parallel_loop3A_208, %parallel_loop3A_209], %parallel_loop3A_207 {strides = array<i32>} : memref<40x128xf32, #tpu.memory_space<vmem>>, vector<16xf32>,
      %parallel_loop3A_211 = arith.index_cast %parallel_loop3A_192 : i32 to index
      %parallel_loop3A_212 = arith.constant 32 : index
      %parallel_loop3A_213 = tpu.vector_load %arg10[%parallel_loop3A_211, %parallel_loop3A_212] {strides = array<i32>} : memref<40x128xf32, #tpu.memory_space<vmem>>, vector<16xf32>,
      %parallel_loop3A_214 = arith.mulf %parallel_loop3A_213, %parallel_loop3A_196 : vector<16xf32>
      %parallel_loop3A_215 = arith.index_cast %parallel_loop3A_192 : i32 to index
      %parallel_loop3A_216 = arith.constant 32 : index
      %parallel_loop3A_217 = tpu.vector_load %arg10[%parallel_loop3A_215, %parallel_loop3A_216] {strides = array<i32>} : memref<40x128xf32, #tpu.memory_space<vmem>>, vector<16xf32>,
      tpu.vector_store %arg10[%parallel_loop3A_215, %parallel_loop3A_216], %parallel_loop3A_214 {strides = array<i32>} : memref<40x128xf32, #tpu.memory_space<vmem>>, vector<16xf32>,
      %parallel_loop3A_218 = arith.index_cast %parallel_loop3A_192 : i32 to index
      %parallel_loop3A_219 = arith.constant 48 : index
      %parallel_loop3A_220 = tpu.vector_load %arg10[%parallel_loop3A_218, %parallel_loop3A_219] {strides = array<i32>} : memref<40x128xf32, #tpu.memory_space<vmem>>, vector<16xf32>,
      %parallel_loop3A_221 = arith.mulf %parallel_loop3A_220, %parallel_loop3A_196 : vector<16xf32>
      %parallel_loop3A_222 = arith.index_cast %parallel_loop3A_192 : i32 to index
      %parallel_loop3A_223 = arith.constant 48 : index
      %parallel_loop3A_224 = tpu.vector_load %arg10[%parallel_loop3A_222, %parallel_loop3A_223] {strides = array<i32>} : memref<40x128xf32, #tpu.memory_space<vmem>>, vector<16xf32>,
      tpu.vector_store %arg10[%parallel_loop3A_222, %parallel_loop3A_223], %parallel_loop3A_221 {strides = array<i32>} : memref<40x128xf32, #tpu.memory_space<vmem>>, vector<16xf32>,
      %parallel_loop3A_225 = arith.index_cast %parallel_loop3A_192 : i32 to index
      %parallel_loop3A_226 = arith.constant 64 : index
      %parallel_loop3A_227 = tpu.vector_load %arg10[%parallel_loop3A_225, %parallel_loop3A_226] {strides = array<i32>} : memref<40x128xf32, #tpu.memory_space<vmem>>, vector<16xf32>,
      %parallel_loop3A_228 = arith.mulf %parallel_loop3A_227, %parallel_loop3A_196 : vector<16xf32>
      %parallel_loop3A_229 = arith.index_cast %parallel_loop3A_192 : i32 to index
      %parallel_loop3A_230 = arith.constant 64 : index
      %parallel_loop3A_231 = tpu.vector_load %arg10[%parallel_loop3A_229, %parallel_loop3A_230] {strides = array<i32>} : memref<40x128xf32, #tpu.memory_space<vmem>>, vector<16xf32>,
      tpu.vector_store %arg10[%parallel_loop3A_229, %parallel_loop3A_230], %parallel_loop3A_228 {strides = array<i32>} : memref<40x128xf32, #tpu.memory_space<vmem>>, vector<16xf32>,
      %parallel_loop3A_232 = arith.index_cast %parallel_loop3A_192 : i32 to index
      %parallel_loop3A_233 = arith.constant 80 : index
      %parallel_loop3A_234 = tpu.vector_load %arg10[%parallel_loop3A_232, %parallel_loop3A_233] {strides = array<i32>} : memref<40x128xf32, #tpu.memory_space<vmem>>, vector<16xf32>,
      %parallel_loop3A_235 = arith.mulf %parallel_loop3A_234, %parallel_loop3A_196 : vector<16xf32>
      %parallel_loop3A_236 = arith.index_cast %parallel_loop3A_192 : i32 to index
      %parallel_loop3A_237 = arith.constant 80 : index
      %parallel_loop3A_238 = tpu.vector_load %arg10[%parallel_loop3A_236, %parallel_loop3A_237] {strides = array<i32>} : memref<40x128xf32, #tpu.memory_space<vmem>>, vector<16xf32>,
      tpu.vector_store %arg10[%parallel_loop3A_236, %parallel_loop3A_237], %parallel_loop3A_235 {strides = array<i32>} : memref<40x128xf32, #tpu.memory_space<vmem>>, vector<16xf32>,
      %parallel_loop3A_239 = arith.index_cast %parallel_loop3A_192 : i32 to index
      %parallel_loop3A_240 = arith.constant 96 : index
      %parallel_loop3A_241 = tpu.vector_load %arg10[%parallel_loop3A_239, %parallel_loop3A_240] {strides = array<i32>} : memref<40x128xf32, #tpu.memory_space<vmem>>, vector<16xf32>,
      %parallel_loop3A_242 = arith.mulf %parallel_loop3A_241, %parallel_loop3A_196 : vector<16xf32>
      %parallel_loop3A_243 = arith.index_cast %parallel_loop3A_192 : i32 to index
      %parallel_loop3A_244 = arith.constant 96 : index
      %parallel_loop3A_245 = tpu.vector_load %arg10[%parallel_loop3A_243, %parallel_loop3A_244] {strides = array<i32>} : memref<40x128xf32, #tpu.memory_space<vmem>>, vector<16xf32>,
      tpu.vector_store %arg10[%parallel_loop3A_243, %parallel_loop3A_244], %parallel_loop3A_242 {strides = array<i32>} : memref<40x128xf32, #tpu.memory_space<vmem>>, vector<16xf32>,
      %parallel_loop3A_246 = arith.index_cast %parallel_loop3A_192 : i32 to index
      %parallel_loop3A_247 = arith.constant 112 : index
      %parallel_loop3A_248 = tpu.vector_load %arg10[%parallel_loop3A_246, %parallel_loop3A_247] {strides = array<i32>} : memref<40x128xf32, #tpu.memory_space<vmem>>, vector<16xf32>,
      %parallel_loop3A_249 = arith.mulf %parallel_loop3A_248, %parallel_loop3A_196 : vector<16xf32>
      %parallel_loop3A_250 = arith.index_cast %parallel_loop3A_192 : i32 to index
      %parallel_loop3A_251 = arith.constant 112 : index
      %parallel_loop3A_252 = tpu.vector_load %arg10[%parallel_loop3A_250, %parallel_loop3A_251] {strides = array<i32>} : memref<40x128xf32, #tpu.memory_space<vmem>>, vector<16xf32>,
      tpu.vector_store %arg10[%parallel_loop3A_250, %parallel_loop3A_251], %parallel_loop3A_249 {strides = array<i32>} : memref<40x128xf32, #tpu.memory_space<vmem>>, vector<16xf32>,
    } {sc.loop_unroll_factor = 2 : i64, sc.parallel_access}
    %add3A_107 = arith.constant 40 : i32
    %add3A_108 = arith.addi %multiple_of3A, %add3A_107 : i32
    %multiple_of3A_109 = tpu.assume_multiple %add3A_108, 8 : i32
    %dma_wait3A_110 = tpu.memref_slice %arg4[%multiple_of3A_109] : memref<320000xi32, #tpu.memory_space<hbm>> -> memref<40xi32, #tpu.memory_space<hbm>>
    %dma_wait3A_111 = tpu.memref_slice %arg4[%multiple_of3A_109] : memref<320000xi32, #tpu.memory_space<hbm>> -> memref<40xi32, #tpu.memory_space<hbm>>
    tpu.wait_dma2 semaphore(%arg21 : memref<!tpu.dma_semaphore, #tpu.memory_space<semaphore_mem>>) src(%dma_wait3A_111 : memref<40xi32, #tpu.memory_space<hbm>>) dst(%arg13 : memref<40xi32, #tpu.memory_space<vmem>>)
    %dma_start3A_112 = arith.constant 0 : i32
    %dma_start3A_113 = arith.constant 0 : i32
    %dma_start3A_114 = tpu.memref_slice %arg16[%dma_start3A_112, %dma_start3A_113] : memref<10000x128xf32, #tpu.memory_space<vmem_shared>> -> memref<10000x128xf32, #tpu.memory_space<vmem_shared>>
    tpu.enqueue_indirect_dma source(%arg10 : memref<40x128xf32, #tpu.memory_space<vmem>>) target(%dma_start3A_114 : memref<10000x128xf32, #tpu.memory_space<vmem_shared>>) offsets(%arg13 : memref<40xi32, #tpu.memory_space<vmem>>) semaphore(%arg24 : memref<!tpu.dma_semaphore, #tpu.memory_space<semaphore_mem>>) {add = true}
    %dma_wait3A_115 = arith.constant 0 : i32
    %dma_wait3A_116 = arith.constant 0 : i32
    %dma_wait3A_117 = tpu.memref_slice %arg16[%dma_wait3A_115, %dma_wait3A_116] : memref<10000x128xf32, #tpu.memory_space<vmem_shared>> -> memref<10000x128xf32, #tpu.memory_space<vmem_shared>>
    tpu.wait_indirect_dma semaphore(%arg23 : memref<!tpu.dma_semaphore, #tpu.memory_space<semaphore_mem>>) src(%arg9 : memref<40x128xf32, #tpu.memory_space<vmem>>) dst(%dma_wait3A_117 : memref<10000x128xf32, #tpu.memory_space<vmem_shared>>)
    %add3A_118 = arith.constant 120 : i32
    %add3A_119 = arith.addi %multiple_of3A, %add3A_118 : i32
    %multiple_of3A_120 = tpu.assume_multiple %add3A_119, 8 : i32
    %dma_start3A_121 = arith.constant 120 : i32
    %dma_start3A_122 = tpu.memref_slice %arg7[%dma_start3A_121] : memref<10000xi32, #tpu.memory_space<vmem>> -> memref<40xi32, #tpu.memory_space<vmem>>
    %dma_start3A_123 = arith.constant 0 : i32
    %dma_start3A_124 = arith.constant 0 : i32
    %dma_start3A_125 = tpu.memref_slice %arg2[%dma_start3A_123, %dma_start3A_124] : memref<10000x128xf32, #tpu.memory_space<hbm>> -> memref<10000x128xf32, #tpu.memory_space<hbm>>
    tpu.enqueue_indirect_dma source(%dma_start3A_125 : memref<10000x128xf32, #tpu.memory_space<hbm>>) target(%arg9 : memref<40x128xf32, #tpu.memory_space<vmem>>) offsets(%dma_start3A_122 : memref<40xi32, #tpu.memory_space<vmem>>) semaphore(%arg17 : memref<!tpu.dma_semaphore, #tpu.memory_space<semaphore_mem>>)
    %dma_start3A_126 = tpu.memref_slice %arg4[%multiple_of3A_120] : memref<320000xi32, #tpu.memory_space<hbm>> -> memref<40xi32, #tpu.memory_space<hbm>>
    %dma_start3A_127 = tpu.memref_slice %arg4[%multiple_of3A_120] : memref<320000xi32, #tpu.memory_space<hbm>> -> memref<40xi32, #tpu.memory_space<hbm>>
    tpu.enqueue_dma source(%dma_start3A_127 : memref<40xi32, #tpu.memory_space<hbm>>) target(%arg12 : memref<40xi32, #tpu.memory_space<vmem>>) target_semaphore(%arg20 : memref<!tpu.dma_semaphore, #tpu.memory_space<semaphore_mem>>)
    %dma_wait3A_128 = arith.constant 80 : i32
    %dma_wait3A_129 = tpu.memref_slice %arg7[%dma_wait3A_128] : memref<10000xi32, #tpu.memory_space<vmem>> -> memref<40xi32, #tpu.memory_space<vmem>>
    %dma_wait3A_130 = arith.constant 0 : i32
    %dma_wait3A_131 = arith.constant 0 : i32
    %dma_wait3A_132 = tpu.memref_slice %arg2[%dma_wait3A_130, %dma_wait3A_131] : memref<10000x128xf32, #tpu.memory_space<hbm>> -> memref<10000x128xf32, #tpu.memory_space<hbm>>
    tpu.wait_indirect_dma semaphore(%arg19 : memref<!tpu.dma_semaphore, #tpu.memory_space<semaphore_mem>>) src(%dma_wait3A_132 : memref<10000x128xf32, #tpu.memory_space<hbm>>) dst(%arg11 : memref<40x128xf32, #tpu.memory_space<vmem>>)
    %parallel_loop3A_133 = arith.constant 0 : i32
    %parallel_loop3A_134 = arith.constant 40 : i32
    %parallel_loop3A_135 = arith.constant 1 : i32
    scf.for %parallel_loop3A_192 = %parallel_loop3A_133 to %parallel_loop3A_134 step %parallel_loop3A_135  : i32 {
      %parallel_loop3A_193 = arith.constant 80 : i32
      %parallel_loop3A_194 = arith.addi %parallel_loop3A_193, %parallel_loop3A_192 : i32
      %parallel_loop3A_195 = vector.broadcast %parallel_loop3A_194 : i32 to vector<16xi32>
      %parallel_loop3A_196 = tpu.vector_load_idx %arg8[%parallel_loop3A_195] : memref<10000xf32, #tpu.memory_space<vmem>>[vector<16xi32>], vector<16xf32>,
      %parallel_loop3A_197 = arith.index_cast %parallel_loop3A_192 : i32 to index
      %parallel_loop3A_198 = arith.constant 0 : index
      %parallel_loop3A_199 = tpu.vector_load %arg11[%parallel_loop3A_197, %parallel_loop3A_198] {strides = array<i32>} : memref<40x128xf32, #tpu.memory_space<vmem>>, vector<16xf32>,
      %parallel_loop3A_200 = arith.mulf %parallel_loop3A_199, %parallel_loop3A_196 : vector<16xf32>
      %parallel_loop3A_201 = arith.index_cast %parallel_loop3A_192 : i32 to index
      %parallel_loop3A_202 = arith.constant 0 : index
      %parallel_loop3A_203 = tpu.vector_load %arg11[%parallel_loop3A_201, %parallel_loop3A_202] {strides = array<i32>} : memref<40x128xf32, #tpu.memory_space<vmem>>, vector<16xf32>,
      tpu.vector_store %arg11[%parallel_loop3A_201, %parallel_loop3A_202], %parallel_loop3A_200 {strides = array<i32>} : memref<40x128xf32, #tpu.memory_space<vmem>>, vector<16xf32>,
      %parallel_loop3A_204 = arith.index_cast %parallel_loop3A_192 : i32 to index
      %parallel_loop3A_205 = arith.constant 16 : index
      %parallel_loop3A_206 = tpu.vector_load %arg11[%parallel_loop3A_204, %parallel_loop3A_205] {strides = array<i32>} : memref<40x128xf32, #tpu.memory_space<vmem>>, vector<16xf32>,
      %parallel_loop3A_207 = arith.mulf %parallel_loop3A_206, %parallel_loop3A_196 : vector<16xf32>
      %parallel_loop3A_208 = arith.index_cast %parallel_loop3A_192 : i32 to index
      %parallel_loop3A_209 = arith.constant 16 : index
      %parallel_loop3A_210 = tpu.vector_load %arg11[%parallel_loop3A_208, %parallel_loop3A_209] {strides = array<i32>} : memref<40x128xf32, #tpu.memory_space<vmem>>, vector<16xf32>,
      tpu.vector_store %arg11[%parallel_loop3A_208, %parallel_loop3A_209], %parallel_loop3A_207 {strides = array<i32>} : memref<40x128xf32, #tpu.memory_space<vmem>>, vector<16xf32>,
      %parallel_loop3A_211 = arith.index_cast %parallel_loop3A_192 : i32 to index
      %parallel_loop3A_212 = arith.constant 32 : index
      %parallel_loop3A_213 = tpu.vector_load %arg11[%parallel_loop3A_211, %parallel_loop3A_212] {strides = array<i32>} : memref<40x128xf32, #tpu.memory_space<vmem>>, vector<16xf32>,
      %parallel_loop3A_214 = arith.mulf %parallel_loop3A_213, %parallel_loop3A_196 : vector<16xf32>
      %parallel_loop3A_215 = arith.index_cast %parallel_loop3A_192 : i32 to index
      %parallel_loop3A_216 = arith.constant 32 : index
      %parallel_loop3A_217 = tpu.vector_load %arg11[%parallel_loop3A_215, %parallel_loop3A_216] {strides = array<i32>} : memref<40x128xf32, #tpu.memory_space<vmem>>, vector<16xf32>,
      tpu.vector_store %arg11[%parallel_loop3A_215, %parallel_loop3A_216], %parallel_loop3A_214 {strides = array<i32>} : memref<40x128xf32, #tpu.memory_space<vmem>>, vector<16xf32>,
      %parallel_loop3A_218 = arith.index_cast %parallel_loop3A_192 : i32 to index
      %parallel_loop3A_219 = arith.constant 48 : index
      %parallel_loop3A_220 = tpu.vector_load %arg11[%parallel_loop3A_218, %parallel_loop3A_219] {strides = array<i32>} : memref<40x128xf32, #tpu.memory_space<vmem>>, vector<16xf32>,
      %parallel_loop3A_221 = arith.mulf %parallel_loop3A_220, %parallel_loop3A_196 : vector<16xf32>
      %parallel_loop3A_222 = arith.index_cast %parallel_loop3A_192 : i32 to index
      %parallel_loop3A_223 = arith.constant 48 : index
      %parallel_loop3A_224 = tpu.vector_load %arg11[%parallel_loop3A_222, %parallel_loop3A_223] {strides = array<i32>} : memref<40x128xf32, #tpu.memory_space<vmem>>, vector<16xf32>,
      tpu.vector_store %arg11[%parallel_loop3A_222, %parallel_loop3A_223], %parallel_loop3A_221 {strides = array<i32>} : memref<40x128xf32, #tpu.memory_space<vmem>>, vector<16xf32>,
      %parallel_loop3A_225 = arith.index_cast %parallel_loop3A_192 : i32 to index
      %parallel_loop3A_226 = arith.constant 64 : index
      %parallel_loop3A_227 = tpu.vector_load %arg11[%parallel_loop3A_225, %parallel_loop3A_226] {strides = array<i32>} : memref<40x128xf32, #tpu.memory_space<vmem>>, vector<16xf32>,
      %parallel_loop3A_228 = arith.mulf %parallel_loop3A_227, %parallel_loop3A_196 : vector<16xf32>
      %parallel_loop3A_229 = arith.index_cast %parallel_loop3A_192 : i32 to index
      %parallel_loop3A_230 = arith.constant 64 : index
      %parallel_loop3A_231 = tpu.vector_load %arg11[%parallel_loop3A_229, %parallel_loop3A_230] {strides = array<i32>} : memref<40x128xf32, #tpu.memory_space<vmem>>, vector<16xf32>,
      tpu.vector_store %arg11[%parallel_loop3A_229, %parallel_loop3A_230], %parallel_loop3A_228 {strides = array<i32>} : memref<40x128xf32, #tpu.memory_space<vmem>>, vector<16xf32>,
      %parallel_loop3A_232 = arith.index_cast %parallel_loop3A_192 : i32 to index
      %parallel_loop3A_233 = arith.constant 80 : index
      %parallel_loop3A_234 = tpu.vector_load %arg11[%parallel_loop3A_232, %parallel_loop3A_233] {strides = array<i32>} : memref<40x128xf32, #tpu.memory_space<vmem>>, vector<16xf32>,
      %parallel_loop3A_235 = arith.mulf %parallel_loop3A_234, %parallel_loop3A_196 : vector<16xf32>
      %parallel_loop3A_236 = arith.index_cast %parallel_loop3A_192 : i32 to index
      %parallel_loop3A_237 = arith.constant 80 : index
      %parallel_loop3A_238 = tpu.vector_load %arg11[%parallel_loop3A_236, %parallel_loop3A_237] {strides = array<i32>} : memref<40x128xf32, #tpu.memory_space<vmem>>, vector<16xf32>,
      tpu.vector_store %arg11[%parallel_loop3A_236, %parallel_loop3A_237], %parallel_loop3A_235 {strides = array<i32>} : memref<40x128xf32, #tpu.memory_space<vmem>>, vector<16xf32>,
      %parallel_loop3A_239 = arith.index_cast %parallel_loop3A_192 : i32 to index
      %parallel_loop3A_240 = arith.constant 96 : index
      %parallel_loop3A_241 = tpu.vector_load %arg11[%parallel_loop3A_239, %parallel_loop3A_240] {strides = array<i32>} : memref<40x128xf32, #tpu.memory_space<vmem>>, vector<16xf32>,
      %parallel_loop3A_242 = arith.mulf %parallel_loop3A_241, %parallel_loop3A_196 : vector<16xf32>
      %parallel_loop3A_243 = arith.index_cast %parallel_loop3A_192 : i32 to index
      %parallel_loop3A_244 = arith.constant 96 : index
      %parallel_loop3A_245 = tpu.vector_load %arg11[%parallel_loop3A_243, %parallel_loop3A_244] {strides = array<i32>} : memref<40x128xf32, #tpu.memory_space<vmem>>, vector<16xf32>,
      tpu.vector_store %arg11[%parallel_loop3A_243, %parallel_loop3A_244], %parallel_loop3A_242 {strides = array<i32>} : memref<40x128xf32, #tpu.memory_space<vmem>>, vector<16xf32>,
      %parallel_loop3A_246 = arith.index_cast %parallel_loop3A_192 : i32 to index
      %parallel_loop3A_247 = arith.constant 112 : index
      %parallel_loop3A_248 = tpu.vector_load %arg11[%parallel_loop3A_246, %parallel_loop3A_247] {strides = array<i32>} : memref<40x128xf32, #tpu.memory_space<vmem>>, vector<16xf32>,
      %parallel_loop3A_249 = arith.mulf %parallel_loop3A_248, %parallel_loop3A_196 : vector<16xf32>
      %parallel_loop3A_250 = arith.index_cast %parallel_loop3A_192 : i32 to index
      %parallel_loop3A_251 = arith.constant 112 : index
      %parallel_loop3A_252 = tpu.vector_load %arg11[%parallel_loop3A_250, %parallel_loop3A_251] {strides = array<i32>} : memref<40x128xf32, #tpu.memory_space<vmem>>, vector<16xf32>,
      tpu.vector_store %arg11[%parallel_loop3A_250, %parallel_loop3A_251], %parallel_loop3A_249 {strides = array<i32>} : memref<40x128xf32, #tpu.memory_space<vmem>>, vector<16xf32>,
    } {sc.loop_unroll_factor = 2 : i64, sc.parallel_access}
    %add3A_136 = arith.constant 80 : i32
    %add3A_137 = arith.addi %multiple_of3A, %add3A_136 : i32
    %multiple_of3A_138 = tpu.assume_multiple %add3A_137, 8 : i32
    %dma_wait3A_139 = tpu.memref_slice %arg4[%multiple_of3A_138] : memref<320000xi32, #tpu.memory_space<hbm>> -> memref<40xi32, #tpu.memory_space<hbm>>
    %dma_wait3A_140 = tpu.memref_slice %arg4[%multiple_of3A_138] : memref<320000xi32, #tpu.memory_space<hbm>> -> memref<40xi32, #tpu.memory_space<hbm>>
    tpu.wait_dma2 semaphore(%arg22 : memref<!tpu.dma_semaphore, #tpu.memory_space<semaphore_mem>>) src(%dma_wait3A_140 : memref<40xi32, #tpu.memory_space<hbm>>) dst(%arg14 : memref<40xi32, #tpu.memory_space<vmem>>)
    %dma_start3A_141 = arith.constant 0 : i32
    %dma_start3A_142 = arith.constant 0 : i32
    %dma_start3A_143 = tpu.memref_slice %arg16[%dma_start3A_141, %dma_start3A_142] : memref<10000x128xf32, #tpu.memory_space<vmem_shared>> -> memref<10000x128xf32, #tpu.memory_space<vmem_shared>>
    tpu.enqueue_indirect_dma source(%arg11 : memref<40x128xf32, #tpu.memory_space<vmem>>) target(%dma_start3A_143 : memref<10000x128xf32, #tpu.memory_space<vmem_shared>>) offsets(%arg14 : memref<40xi32, #tpu.memory_space<vmem>>) semaphore(%arg25 : memref<!tpu.dma_semaphore, #tpu.memory_space<semaphore_mem>>) {add = true}
    %dma_wait3A_144 = arith.constant 0 : i32
    %dma_wait3A_145 = arith.constant 0 : i32
    %dma_wait3A_146 = tpu.memref_slice %arg16[%dma_wait3A_144, %dma_wait3A_145] : memref<10000x128xf32, #tpu.memory_space<vmem_shared>> -> memref<10000x128xf32, #tpu.memory_space<vmem_shared>>
    tpu.wait_indirect_dma semaphore(%arg24 : memref<!tpu.dma_semaphore, #tpu.memory_space<semaphore_mem>>) src(%arg10 : memref<40x128xf32, #tpu.memory_space<vmem>>) dst(%dma_wait3A_146 : memref<10000x128xf32, #tpu.memory_space<vmem_shared>>)
    %add3A_147 = arith.constant 160 : i32
    %add3A_148 = arith.addi %multiple_of3A, %add3A_147 : i32
    %multiple_of3A_149 = tpu.assume_multiple %add3A_148, 8 : i32
    %dma_start3A_150 = arith.constant 160 : i32
    %dma_start3A_151 = tpu.memref_slice %arg7[%dma_start3A_150] : memref<10000xi32, #tpu.memory_space<vmem>> -> memref<40xi32, #tpu.memory_space<vmem>>
    %dma_start3A_152 = arith.constant 0 : i32
    %dma_start3A_153 = arith.constant 0 : i32
    %dma_start3A_154 = tpu.memref_slice %arg2[%dma_start3A_152, %dma_start3A_153] : memref<10000x128xf32, #tpu.memory_space<hbm>> -> memref<10000x128xf32, #tpu.memory_space<hbm>>
    tpu.enqueue_indirect_dma source(%dma_start3A_154 : memref<10000x128xf32, #tpu.memory_space<hbm>>) target(%arg10 : memref<40x128xf32, #tpu.memory_space<vmem>>) offsets(%dma_start3A_151 : memref<40xi32, #tpu.memory_space<vmem>>) semaphore(%arg18 : memref<!tpu.dma_semaphore, #tpu.memory_space<semaphore_mem>>)
    %dma_start3A_155 = tpu.memref_slice %arg4[%multiple_of3A_149] : memref<320000xi32, #tpu.memory_space<hbm>> -> memref<40xi32, #tpu.memory_space<hbm>>
    %dma_start3A_156 = tpu.memref_slice %arg4[%multiple_of3A_149] : memref<320000xi32, #tpu.memory_space<hbm>> -> memref<40xi32, #tpu.memory_space<hbm>>
    tpu.enqueue_dma source(%dma_start3A_156 : memref<40xi32, #tpu.memory_space<hbm>>) target(%arg13 : memref<40xi32, #tpu.memory_space<vmem>>) target_semaphore(%arg21 : memref<!tpu.dma_semaphore, #tpu.memory_space<semaphore_mem>>)
    %scan3A_157 = arith.constant 0 : i32
    %scan3A_158 = arith.constant 82 : i32
    %scan3A_159 = arith.addi %scan3A_157, %scan3A_158 : i32
    %scan3A_160 = arith.constant 1 : i32
    scf.for %scan3A_192 = %scan3A_157 to %scan3A_159 step %scan3A_160  : i32 {
      %mul3A_193 = arith.constant 3 : i32
      %mul3A_194 = arith.muli %scan3A_192, %mul3A_193 : i32
      %add3A_195 = arith.constant 3 : i32
      %add3A_196 = arith.addi %add3A_195, %mul3A_194 : i32
      %mul3A_197 = arith.constant 40 : i32
      %mul3A_198 = arith.muli %add3A_196, %mul3A_197 : i32
      %dma_wait3A_199 = tpu.memref_slice %arg7[%mul3A_198] : memref<10000xi32, #tpu.memory_space<vmem>> -> memref<40xi32, #tpu.memory_space<vmem>>
      %dma_wait3A_200 = arith.constant 0 : i32
      %dma_wait3A_201 = arith.constant 0 : i32
      %dma_wait3A_202 = tpu.memref_slice %arg2[%dma_wait3A_200, %dma_wait3A_201] : memref<10000x128xf32, #tpu.memory_space<hbm>> -> memref<10000x128xf32, #tpu.memory_space<hbm>>
      tpu.wait_indirect_dma semaphore(%arg17 : memref<!tpu.dma_semaphore, #tpu.memory_space<semaphore_mem>>) src(%dma_wait3A_202 : memref<10000x128xf32, #tpu.memory_space<hbm>>) dst(%arg9 : memref<40x128xf32, #tpu.memory_space<vmem>>)
      %parallel_loop3A_203 = arith.constant 0 : i32
      %parallel_loop3A_204 = arith.constant 40 : i32
      %parallel_loop3A_205 = arith.constant 1 : i32
      scf.for %parallel_loop3A_299 = %parallel_loop3A_203 to %parallel_loop3A_204 step %parallel_loop3A_205  : i32 {
        %parallel_loop3A_300 = arith.constant 40 : i32
        %parallel_loop3A_301 = arith.muli %add3A_196, %parallel_loop3A_300 : i32
        %parallel_loop3A_302 = arith.addi %parallel_loop3A_301, %parallel_loop3A_299 : i32
        %parallel_loop3A_303 = vector.broadcast %parallel_loop3A_302 : i32 to vector<16xi32>
        %parallel_loop3A_304 = tpu.vector_load_idx %arg8[%parallel_loop3A_303] : memref<10000xf32, #tpu.memory_space<vmem>>[vector<16xi32>], vector<16xf32>,
        %parallel_loop3A_305 = arith.index_cast %parallel_loop3A_299 : i32 to index
        %parallel_loop3A_306 = arith.constant 0 : index
        %parallel_loop3A_307 = tpu.vector_load %arg9[%parallel_loop3A_305, %parallel_loop3A_306] {strides = array<i32>} : memref<40x128xf32, #tpu.memory_space<vmem>>, vector<16xf32>,
        %parallel_loop3A_308 = arith.mulf %parallel_loop3A_307, %parallel_loop3A_304 : vector<16xf32>
        %parallel_loop3A_309 = arith.index_cast %parallel_loop3A_299 : i32 to index
        %parallel_loop3A_310 = arith.constant 0 : index
        %parallel_loop3A_311 = tpu.vector_load %arg9[%parallel_loop3A_309, %parallel_loop3A_310] {strides = array<i32>} : memref<40x128xf32, #tpu.memory_space<vmem>>, vector<16xf32>,
        tpu.vector_store %arg9[%parallel_loop3A_309, %parallel_loop3A_310], %parallel_loop3A_308 {strides = array<i32>} : memref<40x128xf32, #tpu.memory_space<vmem>>, vector<16xf32>,
        %parallel_loop3A_312 = arith.index_cast %parallel_loop3A_299 : i32 to index
        %parallel_loop3A_313 = arith.constant 16 : index
        %parallel_loop3A_314 = tpu.vector_load %arg9[%parallel_loop3A_312, %parallel_loop3A_313] {strides = array<i32>} : memref<40x128xf32, #tpu.memory_space<vmem>>, vector<16xf32>,
        %parallel_loop3A_315 = arith.mulf %parallel_loop3A_314, %parallel_loop3A_304 : vector<16xf32>
        %parallel_loop3A_316 = arith.index_cast %parallel_loop3A_299 : i32 to index
        %parallel_loop3A_317 = arith.constant 16 : index
        %parallel_loop3A_318 = tpu.vector_load %arg9[%parallel_loop3A_316, %parallel_loop3A_317] {strides = array<i32>} : memref<40x128xf32, #tpu.memory_space<vmem>>, vector<16xf32>,
        tpu.vector_store %arg9[%parallel_loop3A_316, %parallel_loop3A_317], %parallel_loop3A_315 {strides = array<i32>} : memref<40x128xf32, #tpu.memory_space<vmem>>, vector<16xf32>,
        %parallel_loop3A_319 = arith.index_cast %parallel_loop3A_299 : i32 to index
        %parallel_loop3A_320 = arith.constant 32 : index
        %parallel_loop3A_321 = tpu.vector_load %arg9[%parallel_loop3A_319, %parallel_loop3A_320] {strides = array<i32>} : memref<40x128xf32, #tpu.memory_space<vmem>>, vector<16xf32>,
        %parallel_loop3A_322 = arith.mulf %parallel_loop3A_321, %parallel_loop3A_304 : vector<16xf32>
        %parallel_loop3A_323 = arith.index_cast %parallel_loop3A_299 : i32 to index
        %parallel_loop3A_324 = arith.constant 32 : index
        %parallel_loop3A_325 = tpu.vector_load %arg9[%parallel_loop3A_323, %parallel_loop3A_324] {strides = array<i32>} : memref<40x128xf32, #tpu.memory_space<vmem>>, vector<16xf32>,
        tpu.vector_store %arg9[%parallel_loop3A_323, %parallel_loop3A_324], %parallel_loop3A_322 {strides = array<i32>} : memref<40x128xf32, #tpu.memory_space<vmem>>, vector<16xf32>,
        %parallel_loop3A_326 = arith.index_cast %parallel_loop3A_299 : i32 to index
        %parallel_loop3A_327 = arith.constant 48 : index
        %parallel_loop3A_328 = tpu.vector_load %arg9[%parallel_loop3A_326, %parallel_loop3A_327] {strides = array<i32>} : memref<40x128xf32, #tpu.memory_space<vmem>>, vector<16xf32>,
        %parallel_loop3A_329 = arith.mulf %parallel_loop3A_328, %parallel_loop3A_304 : vector<16xf32>
        %parallel_loop3A_330 = arith.index_cast %parallel_loop3A_299 : i32 to index
        %parallel_loop3A_331 = arith.constant 48 : index
        %parallel_loop3A_332 = tpu.vector_load %arg9[%parallel_loop3A_330, %parallel_loop3A_331] {strides = array<i32>} : memref<40x128xf32, #tpu.memory_space<vmem>>, vector<16xf32>,
        tpu.vector_store %arg9[%parallel_loop3A_330, %parallel_loop3A_331], %parallel_loop3A_329 {strides = array<i32>} : memref<40x128xf32, #tpu.memory_space<vmem>>, vector<16xf32>,
        %parallel_loop3A_333 = arith.index_cast %parallel_loop3A_299 : i32 to index
        %parallel_loop3A_334 = arith.constant 64 : index
        %parallel_loop3A_335 = tpu.vector_load %arg9[%parallel_loop3A_333, %parallel_loop3A_334] {strides = array<i32>} : memref<40x128xf32, #tpu.memory_space<vmem>>, vector<16xf32>,
        %parallel_loop3A_336 = arith.mulf %parallel_loop3A_335, %parallel_loop3A_304 : vector<16xf32>
        %parallel_loop3A_337 = arith.index_cast %parallel_loop3A_299 : i32 to index
        %parallel_loop3A_338 = arith.constant 64 : index
        %parallel_loop3A_339 = tpu.vector_load %arg9[%parallel_loop3A_337, %parallel_loop3A_338] {strides = array<i32>} : memref<40x128xf32, #tpu.memory_space<vmem>>, vector<16xf32>,
        tpu.vector_store %arg9[%parallel_loop3A_337, %parallel_loop3A_338], %parallel_loop3A_336 {strides = array<i32>} : memref<40x128xf32, #tpu.memory_space<vmem>>, vector<16xf32>,
        %parallel_loop3A_340 = arith.index_cast %parallel_loop3A_299 : i32 to index
        %parallel_loop3A_341 = arith.constant 80 : index
        %parallel_loop3A_342 = tpu.vector_load %arg9[%parallel_loop3A_340, %parallel_loop3A_341] {strides = array<i32>} : memref<40x128xf32, #tpu.memory_space<vmem>>, vector<16xf32>,
        %parallel_loop3A_343 = arith.mulf %parallel_loop3A_342, %parallel_loop3A_304 : vector<16xf32>
        %parallel_loop3A_344 = arith.index_cast %parallel_loop3A_299 : i32 to index
        %parallel_loop3A_345 = arith.constant 80 : index
        %parallel_loop3A_346 = tpu.vector_load %arg9[%parallel_loop3A_344, %parallel_loop3A_345] {strides = array<i32>} : memref<40x128xf32, #tpu.memory_space<vmem>>, vector<16xf32>,
        tpu.vector_store %arg9[%parallel_loop3A_344, %parallel_loop3A_345], %parallel_loop3A_343 {strides = array<i32>} : memref<40x128xf32, #tpu.memory_space<vmem>>, vector<16xf32>,
        %parallel_loop3A_347 = arith.index_cast %parallel_loop3A_299 : i32 to index
        %parallel_loop3A_348 = arith.constant 96 : index
        %parallel_loop3A_349 = tpu.vector_load %arg9[%parallel_loop3A_347, %parallel_loop3A_348] {strides = array<i32>} : memref<40x128xf32, #tpu.memory_space<vmem>>, vector<16xf32>,
        %parallel_loop3A_350 = arith.mulf %parallel_loop3A_349, %parallel_loop3A_304 : vector<16xf32>
        %parallel_loop3A_351 = arith.index_cast %parallel_loop3A_299 : i32 to index
        %parallel_loop3A_352 = arith.constant 96 : index
        %parallel_loop3A_353 = tpu.vector_load %arg9[%parallel_loop3A_351, %parallel_loop3A_352] {strides = array<i32>} : memref<40x128xf32, #tpu.memory_space<vmem>>, vector<16xf32>,
        tpu.vector_store %arg9[%parallel_loop3A_351, %parallel_loop3A_352], %parallel_loop3A_350 {strides = array<i32>} : memref<40x128xf32, #tpu.memory_space<vmem>>, vector<16xf32>,
        %parallel_loop3A_354 = arith.index_cast %parallel_loop3A_299 : i32 to index
        %parallel_loop3A_355 = arith.constant 112 : index
        %parallel_loop3A_356 = tpu.vector_load %arg9[%parallel_loop3A_354, %parallel_loop3A_355] {strides = array<i32>} : memref<40x128xf32, #tpu.memory_space<vmem>>, vector<16xf32>,
        %parallel_loop3A_357 = arith.mulf %parallel_loop3A_356, %parallel_loop3A_304 : vector<16xf32>
        %parallel_loop3A_358 = arith.index_cast %parallel_loop3A_299 : i32 to index
        %parallel_loop3A_359 = arith.constant 112 : index
        %parallel_loop3A_360 = tpu.vector_load %arg9[%parallel_loop3A_358, %parallel_loop3A_359] {strides = array<i32>} : memref<40x128xf32, #tpu.memory_space<vmem>>, vector<16xf32>,
        tpu.vector_store %arg9[%parallel_loop3A_358, %parallel_loop3A_359], %parallel_loop3A_357 {strides = array<i32>} : memref<40x128xf32, #tpu.memory_space<vmem>>, vector<16xf32>,
      } {sc.loop_unroll_factor = 2 : i64, sc.parallel_access}
      %mul3A_206 = arith.constant 40 : i32
      %mul3A_207 = arith.muli %add3A_196, %mul3A_206 : i32
      %add3A_208 = arith.addi %multiple_of3A, %mul3A_207 : i32
      %multiple_of3A_209 = tpu.assume_multiple %add3A_208, 8 : i32
      %dma_wait3A_210 = tpu.memref_slice %arg4[%multiple_of3A_209] : memref<320000xi32, #tpu.memory_space<hbm>> -> memref<40xi32, #tpu.memory_space<hbm>>
      %dma_wait3A_211 = tpu.memref_slice %arg4[%multiple_of3A_209] : memref<320000xi32, #tpu.memory_space<hbm>> -> memref<40xi32, #tpu.memory_space<hbm>>
      tpu.wait_dma2 semaphore(%arg20 : memref<!tpu.dma_semaphore, #tpu.memory_space<semaphore_mem>>) src(%dma_wait3A_211 : memref<40xi32, #tpu.memory_space<hbm>>) dst(%arg12 : memref<40xi32, #tpu.memory_space<vmem>>)
      %dma_start3A_212 = arith.constant 0 : i32
      %dma_start3A_213 = arith.constant 0 : i32
      %dma_start3A_214 = tpu.memref_slice %arg16[%dma_start3A_212, %dma_start3A_213] : memref<10000x128xf32, #tpu.memory_space<vmem_shared>> -> memref<10000x128xf32, #tpu.memory_space<vmem_shared>>
      tpu.enqueue_indirect_dma source(%arg9 : memref<40x128xf32, #tpu.memory_space<vmem>>) target(%dma_start3A_214 : memref<10000x128xf32, #tpu.memory_space<vmem_shared>>) offsets(%arg12 : memref<40xi32, #tpu.memory_space<vmem>>) semaphore(%arg23 : memref<!tpu.dma_semaphore, #tpu.memory_space<semaphore_mem>>) {add = true}
      %dma_wait3A_215 = arith.constant 0 : i32
      %dma_wait3A_216 = arith.constant 0 : i32
      %dma_wait3A_217 = tpu.memref_slice %arg16[%dma_wait3A_215, %dma_wait3A_216] : memref<10000x128xf32, #tpu.memory_space<vmem_shared>> -> memref<10000x128xf32, #tpu.memory_space<vmem_shared>>
      tpu.wait_indirect_dma semaphore(%arg25 : memref<!tpu.dma_semaphore, #tpu.memory_space<semaphore_mem>>) src(%arg11 : memref<40x128xf32, #tpu.memory_space<vmem>>) dst(%dma_wait3A_217 : memref<10000x128xf32, #tpu.memory_space<vmem_shared>>)
      %add3A_218 = arith.constant 2 : i32
      %add3A_219 = arith.addi %add3A_196, %add3A_218 : i32
      %mul3A_220 = arith.constant 40 : i32
      %mul3A_221 = arith.muli %add3A_219, %mul3A_220 : i32
      %add3A_222 = arith.addi %multiple_of3A, %mul3A_221 : i32
      %multiple_of3A_223 = tpu.assume_multiple %add3A_222, 8 : i32
      %mul3A_224 = arith.constant 40 : i32
      %mul3A_225 = arith.muli %add3A_219, %mul3A_224 : i32
      %dma_start3A_226 = tpu.memref_slice %arg7[%mul3A_225] : memref<10000xi32, #tpu.memory_space<vmem>> -> memref<40xi32, #tpu.memory_space<vmem>>
      %dma_start3A_227 = arith.constant 0 : i32
      %dma_start3A_228 = arith.constant 0 : i32
      %dma_start3A_229 = tpu.memref_slice %arg2[%dma_start3A_227, %dma_start3A_228] : memref<10000x128xf32, #tpu.memory_space<hbm>> -> memref<10000x128xf32, #tpu.memory_space<hbm>>
      tpu.enqueue_indirect_dma source(%dma_start3A_229 : memref<10000x128xf32, #tpu.memory_space<hbm>>) target(%arg11 : memref<40x128xf32, #tpu.memory_space<vmem>>) offsets(%dma_start3A_226 : memref<40xi32, #tpu.memory_space<vmem>>) semaphore(%arg19 : memref<!tpu.dma_semaphore, #tpu.memory_space<semaphore_mem>>)
      %dma_start3A_230 = tpu.memref_slice %arg4[%multiple_of3A_223] : memref<320000xi32, #tpu.memory_space<hbm>> -> memref<40xi32, #tpu.memory_space<hbm>>
      %dma_start3A_231 = tpu.memref_slice %arg4[%multiple_of3A_223] : memref<320000xi32, #tpu.memory_space<hbm>> -> memref<40xi32, #tpu.memory_space<hbm>>
      tpu.enqueue_dma source(%dma_start3A_231 : memref<40xi32, #tpu.memory_space<hbm>>) target(%arg14 : memref<40xi32, #tpu.memory_space<vmem>>) target_semaphore(%arg22 : memref<!tpu.dma_semaphore, #tpu.memory_space<semaphore_mem>>)
      %add3A_232 = arith.constant 1 : i32
      %add3A_233 = arith.addi %add3A_196, %add3A_232 : i32
      %mul3A_234 = arith.constant 40 : i32
      %mul3A_235 = arith.muli %add3A_233, %mul3A_234 : i32
      %dma_wait3A_236 = tpu.memref_slice %arg7[%mul3A_235] : memref<10000xi32, #tpu.memory_space<vmem>> -> memref<40xi32, #tpu.memory_space<vmem>>
      %dma_wait3A_237 = arith.constant 0 : i32
      %dma_wait3A_238 = arith.constant 0 : i32
      %dma_wait3A_239 = tpu.memref_slice %arg2[%dma_wait3A_237, %dma_wait3A_238] : memref<10000x128xf32, #tpu.memory_space<hbm>> -> memref<10000x128xf32, #tpu.memory_space<hbm>>
      tpu.wait_indirect_dma semaphore(%arg18 : memref<!tpu.dma_semaphore, #tpu.memory_space<semaphore_mem>>) src(%dma_wait3A_239 : memref<10000x128xf32, #tpu.memory_space<hbm>>) dst(%arg10 : memref<40x128xf32, #tpu.memory_space<vmem>>)
      %parallel_loop3A_240 = arith.constant 0 : i32
      %parallel_loop3A_241 = arith.constant 40 : i32
      %parallel_loop3A_242 = arith.constant 1 : i32
      scf.for %parallel_loop3A_299 = %parallel_loop3A_240 to %parallel_loop3A_241 step %parallel_loop3A_242  : i32 {
        %parallel_loop3A_300 = arith.constant 40 : i32
        %parallel_loop3A_301 = arith.muli %add3A_233, %parallel_loop3A_300 : i32
        %parallel_loop3A_302 = arith.addi %parallel_loop3A_301, %parallel_loop3A_299 : i32
        %parallel_loop3A_303 = vector.broadcast %parallel_loop3A_302 : i32 to vector<16xi32>
        %parallel_loop3A_304 = tpu.vector_load_idx %arg8[%parallel_loop3A_303] : memref<10000xf32, #tpu.memory_space<vmem>>[vector<16xi32>], vector<16xf32>,
        %parallel_loop3A_305 = arith.index_cast %parallel_loop3A_299 : i32 to index
        %parallel_loop3A_306 = arith.constant 0 : index
        %parallel_loop3A_307 = tpu.vector_load %arg10[%parallel_loop3A_305, %parallel_loop3A_306] {strides = array<i32>} : memref<40x128xf32, #tpu.memory_space<vmem>>, vector<16xf32>,
        %parallel_loop3A_308 = arith.mulf %parallel_loop3A_307, %parallel_loop3A_304 : vector<16xf32>
        %parallel_loop3A_309 = arith.index_cast %parallel_loop3A_299 : i32 to index
        %parallel_loop3A_310 = arith.constant 0 : index
        %parallel_loop3A_311 = tpu.vector_load %arg10[%parallel_loop3A_309, %parallel_loop3A_310] {strides = array<i32>} : memref<40x128xf32, #tpu.memory_space<vmem>>, vector<16xf32>,
        tpu.vector_store %arg10[%parallel_loop3A_309, %parallel_loop3A_310], %parallel_loop3A_308 {strides = array<i32>} : memref<40x128xf32, #tpu.memory_space<vmem>>, vector<16xf32>,
        %parallel_loop3A_312 = arith.index_cast %parallel_loop3A_299 : i32 to index
        %parallel_loop3A_313 = arith.constant 16 : index
        %parallel_loop3A_314 = tpu.vector_load %arg10[%parallel_loop3A_312, %parallel_loop3A_313] {strides = array<i32>} : memref<40x128xf32, #tpu.memory_space<vmem>>, vector<16xf32>,
        %parallel_loop3A_315 = arith.mulf %parallel_loop3A_314, %parallel_loop3A_304 : vector<16xf32>
        %parallel_loop3A_316 = arith.index_cast %parallel_loop3A_299 : i32 to index
        %parallel_loop3A_317 = arith.constant 16 : index
        %parallel_loop3A_318 = tpu.vector_load %arg10[%parallel_loop3A_316, %parallel_loop3A_317] {strides = array<i32>} : memref<40x128xf32, #tpu.memory_space<vmem>>, vector<16xf32>,
        tpu.vector_store %arg10[%parallel_loop3A_316, %parallel_loop3A_317], %parallel_loop3A_315 {strides = array<i32>} : memref<40x128xf32, #tpu.memory_space<vmem>>, vector<16xf32>,
        %parallel_loop3A_319 = arith.index_cast %parallel_loop3A_299 : i32 to index
        %parallel_loop3A_320 = arith.constant 32 : index
        %parallel_loop3A_321 = tpu.vector_load %arg10[%parallel_loop3A_319, %parallel_loop3A_320] {strides = array<i32>} : memref<40x128xf32, #tpu.memory_space<vmem>>, vector<16xf32>,
        %parallel_loop3A_322 = arith.mulf %parallel_loop3A_321, %parallel_loop3A_304 : vector<16xf32>
        %parallel_loop3A_323 = arith.index_cast %parallel_loop3A_299 : i32 to index
        %parallel_loop3A_324 = arith.constant 32 : index
        %parallel_loop3A_325 = tpu.vector_load %arg10[%parallel_loop3A_323, %parallel_loop3A_324] {strides = array<i32>} : memref<40x128xf32, #tpu.memory_space<vmem>>, vector<16xf32>,
        tpu.vector_store %arg10[%parallel_loop3A_323, %parallel_loop3A_324], %parallel_loop3A_322 {strides = array<i32>} : memref<40x128xf32, #tpu.memory_space<vmem>>, vector<16xf32>,
        %parallel_loop3A_326 = arith.index_cast %parallel_loop3A_299 : i32 to index
        %parallel_loop3A_327 = arith.constant 48 : index
        %parallel_loop3A_328 = tpu.vector_load %arg10[%parallel_loop3A_326, %parallel_loop3A_327] {strides = array<i32>} : memref<40x128xf32, #tpu.memory_space<vmem>>, vector<16xf32>,
        %parallel_loop3A_329 = arith.mulf %parallel_loop3A_328, %parallel_loop3A_304 : vector<16xf32>
        %parallel_loop3A_330 = arith.index_cast %parallel_loop3A_299 : i32 to index
        %parallel_loop3A_331 = arith.constant 48 : index
        %parallel_loop3A_332 = tpu.vector_load %arg10[%parallel_loop3A_330, %parallel_loop3A_331] {strides = array<i32>} : memref<40x128xf32, #tpu.memory_space<vmem>>, vector<16xf32>,
        tpu.vector_store %arg10[%parallel_loop3A_330, %parallel_loop3A_331], %parallel_loop3A_329 {strides = array<i32>} : memref<40x128xf32, #tpu.memory_space<vmem>>, vector<16xf32>,
        %parallel_loop3A_333 = arith.index_cast %parallel_loop3A_299 : i32 to index
        %parallel_loop3A_334 = arith.constant 64 : index
        %parallel_loop3A_335 = tpu.vector_load %arg10[%parallel_loop3A_333, %parallel_loop3A_334] {strides = array<i32>} : memref<40x128xf32, #tpu.memory_space<vmem>>, vector<16xf32>,
        %parallel_loop3A_336 = arith.mulf %parallel_loop3A_335, %parallel_loop3A_304 : vector<16xf32>
        %parallel_loop3A_337 = arith.index_cast %parallel_loop3A_299 : i32 to index
        %parallel_loop3A_338 = arith.constant 64 : index
        %parallel_loop3A_339 = tpu.vector_load %arg10[%parallel_loop3A_337, %parallel_loop3A_338] {strides = array<i32>} : memref<40x128xf32, #tpu.memory_space<vmem>>, vector<16xf32>,
        tpu.vector_store %arg10[%parallel_loop3A_337, %parallel_loop3A_338], %parallel_loop3A_336 {strides = array<i32>} : memref<40x128xf32, #tpu.memory_space<vmem>>, vector<16xf32>,
        %parallel_loop3A_340 = arith.index_cast %parallel_loop3A_299 : i32 to index
        %parallel_loop3A_341 = arith.constant 80 : index
        %parallel_loop3A_342 = tpu.vector_load %arg10[%parallel_loop3A_340, %parallel_loop3A_341] {strides = array<i32>} : memref<40x128xf32, #tpu.memory_space<vmem>>, vector<16xf32>,
        %parallel_loop3A_343 = arith.mulf %parallel_loop3A_342, %parallel_loop3A_304 : vector<16xf32>
        %parallel_loop3A_344 = arith.index_cast %parallel_loop3A_299 : i32 to index
        %parallel_loop3A_345 = arith.constant 80 : index
        %parallel_loop3A_346 = tpu.vector_load %arg10[%parallel_loop3A_344, %parallel_loop3A_345] {strides = array<i32>} : memref<40x128xf32, #tpu.memory_space<vmem>>, vector<16xf32>,
        tpu.vector_store %arg10[%parallel_loop3A_344, %parallel_loop3A_345], %parallel_loop3A_343 {strides = array<i32>} : memref<40x128xf32, #tpu.memory_space<vmem>>, vector<16xf32>,
        %parallel_loop3A_347 = arith.index_cast %parallel_loop3A_299 : i32 to index
        %parallel_loop3A_348 = arith.constant 96 : index
        %parallel_loop3A_349 = tpu.vector_load %arg10[%parallel_loop3A_347, %parallel_loop3A_348] {strides = array<i32>} : memref<40x128xf32, #tpu.memory_space<vmem>>, vector<16xf32>,
        %parallel_loop3A_350 = arith.mulf %parallel_loop3A_349, %parallel_loop3A_304 : vector<16xf32>
        %parallel_loop3A_351 = arith.index_cast %parallel_loop3A_299 : i32 to index
        %parallel_loop3A_352 = arith.constant 96 : index
        %parallel_loop3A_353 = tpu.vector_load %arg10[%parallel_loop3A_351, %parallel_loop3A_352] {strides = array<i32>} : memref<40x128xf32, #tpu.memory_space<vmem>>, vector<16xf32>,
        tpu.vector_store %arg10[%parallel_loop3A_351, %parallel_loop3A_352], %parallel_loop3A_350 {strides = array<i32>} : memref<40x128xf32, #tpu.memory_space<vmem>>, vector<16xf32>,
        %parallel_loop3A_354 = arith.index_cast %parallel_loop3A_299 : i32 to index
        %parallel_loop3A_355 = arith.constant 112 : index
        %parallel_loop3A_356 = tpu.vector_load %arg10[%parallel_loop3A_354, %parallel_loop3A_355] {strides = array<i32>} : memref<40x128xf32, #tpu.memory_space<vmem>>, vector<16xf32>,
        %parallel_loop3A_357 = arith.mulf %parallel_loop3A_356, %parallel_loop3A_304 : vector<16xf32>
        %parallel_loop3A_358 = arith.index_cast %parallel_loop3A_299 : i32 to index
        %parallel_loop3A_359 = arith.constant 112 : index
        %parallel_loop3A_360 = tpu.vector_load %arg10[%parallel_loop3A_358, %parallel_loop3A_359] {strides = array<i32>} : memref<40x128xf32, #tpu.memory_space<vmem>>, vector<16xf32>,
        tpu.vector_store %arg10[%parallel_loop3A_358, %parallel_loop3A_359], %parallel_loop3A_357 {strides = array<i32>} : memref<40x128xf32, #tpu.memory_space<vmem>>, vector<16xf32>,
      } {sc.loop_unroll_factor = 2 : i64, sc.parallel_access}
      %mul3A_243 = arith.constant 40 : i32
      %mul3A_244 = arith.muli %add3A_233, %mul3A_243 : i32
      %add3A_245 = arith.addi %multiple_of3A, %mul3A_244 : i32
      %multiple_of3A_246 = tpu.assume_multiple %add3A_245, 8 : i32
      %dma_wait3A_247 = tpu.memref_slice %arg4[%multiple_of3A_246] : memref<320000xi32, #tpu.memory_space<hbm>> -> memref<40xi32, #tpu.memory_space<hbm>>
      %dma_wait3A_248 = tpu.memref_slice %arg4[%multiple_of3A_246] : memref<320000xi32, #tpu.memory_space<hbm>> -> memref<40xi32, #tpu.memory_space<hbm>>
      tpu.wait_dma2 semaphore(%arg21 : memref<!tpu.dma_semaphore, #tpu.memory_space<semaphore_mem>>) src(%dma_wait3A_248 : memref<40xi32, #tpu.memory_space<hbm>>) dst(%arg13 : memref<40xi32, #tpu.memory_space<vmem>>)
      %dma_start3A_249 = arith.constant 0 : i32
      %dma_start3A_250 = arith.constant 0 : i32
      %dma_start3A_251 = tpu.memref_slice %arg16[%dma_start3A_249, %dma_start3A_250] : memref<10000x128xf32, #tpu.memory_space<vmem_shared>> -> memref<10000x128xf32, #tpu.memory_space<vmem_shared>>
      tpu.enqueue_indirect_dma source(%arg10 : memref<40x128xf32, #tpu.memory_space<vmem>>) target(%dma_start3A_251 : memref<10000x128xf32, #tpu.memory_space<vmem_shared>>) offsets(%arg13 : memref<40xi32, #tpu.memory_space<vmem>>) semaphore(%arg24 : memref<!tpu.dma_semaphore, #tpu.memory_space<semaphore_mem>>) {add = true}
      %dma_wait3A_252 = arith.constant 0 : i32
      %dma_wait3A_253 = arith.constant 0 : i32
      %dma_wait3A_254 = tpu.memref_slice %arg16[%dma_wait3A_252, %dma_wait3A_253] : memref<10000x128xf32, #tpu.memory_space<vmem_shared>> -> memref<10000x128xf32, #tpu.memory_space<vmem_shared>>
      tpu.wait_indirect_dma semaphore(%arg23 : memref<!tpu.dma_semaphore, #tpu.memory_space<semaphore_mem>>) src(%arg9 : memref<40x128xf32, #tpu.memory_space<vmem>>) dst(%dma_wait3A_254 : memref<10000x128xf32, #tpu.memory_space<vmem_shared>>)
      %add3A_255 = arith.constant 3 : i32
      %add3A_256 = arith.addi %add3A_196, %add3A_255 : i32
      %mul3A_257 = arith.constant 40 : i32
      %mul3A_258 = arith.muli %add3A_256, %mul3A_257 : i32
      %add3A_259 = arith.addi %multiple_of3A, %mul3A_258 : i32
      %multiple_of3A_260 = tpu.assume_multiple %add3A_259, 8 : i32
      %mul3A_261 = arith.constant 40 : i32
      %mul3A_262 = arith.muli %add3A_256, %mul3A_261 : i32
      %dma_start3A_263 = tpu.memref_slice %arg7[%mul3A_262] : memref<10000xi32, #tpu.memory_space<vmem>> -> memref<40xi32, #tpu.memory_space<vmem>>
      %dma_start3A_264 = arith.constant 0 : i32
      %dma_start3A_265 = arith.constant 0 : i32
      %dma_start3A_266 = tpu.memref_slice %arg2[%dma_start3A_264, %dma_start3A_265] : memref<10000x128xf32, #tpu.memory_space<hbm>> -> memref<10000x128xf32, #tpu.memory_space<hbm>>
      tpu.enqueue_indirect_dma source(%dma_start3A_266 : memref<10000x128xf32, #tpu.memory_space<hbm>>) target(%arg9 : memref<40x128xf32, #tpu.memory_space<vmem>>) offsets(%dma_start3A_263 : memref<40xi32, #tpu.memory_space<vmem>>) semaphore(%arg17 : memref<!tpu.dma_semaphore, #tpu.memory_space<semaphore_mem>>)
      %dma_start3A_267 = tpu.memref_slice %arg4[%multiple_of3A_260] : memref<320000xi32, #tpu.memory_space<hbm>> -> memref<40xi32, #tpu.memory_space<hbm>>
      %dma_start3A_268 = tpu.memref_slice %arg4[%multiple_of3A_260] : memref<320000xi32, #tpu.memory_space<hbm>> -> memref<40xi32, #tpu.memory_space<hbm>>
      tpu.enqueue_dma source(%dma_start3A_268 : memref<40xi32, #tpu.memory_space<hbm>>) target(%arg12 : memref<40xi32, #tpu.memory_space<vmem>>) target_semaphore(%arg20 : memref<!tpu.dma_semaphore, #tpu.memory_space<semaphore_mem>>)
      %add3A_269 = arith.constant 2 : i32
      %add3A_270 = arith.addi %add3A_196, %add3A_269 : i32
      %mul3A_271 = arith.constant 40 : i32
      %mul3A_272 = arith.muli %add3A_270, %mul3A_271 : i32
      %dma_wait3A_273 = tpu.memref_slice %arg7[%mul3A_272] : memref<10000xi32, #tpu.memory_space<vmem>> -> memref<40xi32, #tpu.memory_space<vmem>>
      %dma_wait3A_274 = arith.constant 0 : i32
      %dma_wait3A_275 = arith.constant 0 : i32
      %dma_wait3A_276 = tpu.memref_slice %arg2[%dma_wait3A_274, %dma_wait3A_275] : memref<10000x128xf32, #tpu.memory_space<hbm>> -> memref<10000x128xf32, #tpu.memory_space<hbm>>
      tpu.wait_indirect_dma semaphore(%arg19 : memref<!tpu.dma_semaphore, #tpu.memory_space<semaphore_mem>>) src(%dma_wait3A_276 : memref<10000x128xf32, #tpu.memory_space<hbm>>) dst(%arg11 : memref<40x128xf32, #tpu.memory_space<vmem>>)
      %parallel_loop3A_277 = arith.constant 0 : i32
      %parallel_loop3A_278 = arith.constant 40 : i32
      %parallel_loop3A_279 = arith.constant 1 : i32
      scf.for %parallel_loop3A_299 = %parallel_loop3A_277 to %parallel_loop3A_278 step %parallel_loop3A_279  : i32 {
        %parallel_loop3A_300 = arith.constant 40 : i32
        %parallel_loop3A_301 = arith.muli %add3A_270, %parallel_loop3A_300 : i32
        %parallel_loop3A_302 = arith.addi %parallel_loop3A_301, %parallel_loop3A_299 : i32
        %parallel_loop3A_303 = vector.broadcast %parallel_loop3A_302 : i32 to vector<16xi32>
        %parallel_loop3A_304 = tpu.vector_load_idx %arg8[%parallel_loop3A_303] : memref<10000xf32, #tpu.memory_space<vmem>>[vector<16xi32>], vector<16xf32>,
        %parallel_loop3A_305 = arith.index_cast %parallel_loop3A_299 : i32 to index
        %parallel_loop3A_306 = arith.constant 0 : index
        %parallel_loop3A_307 = tpu.vector_load %arg11[%parallel_loop3A_305, %parallel_loop3A_306] {strides = array<i32>} : memref<40x128xf32, #tpu.memory_space<vmem>>, vector<16xf32>,
        %parallel_loop3A_308 = arith.mulf %parallel_loop3A_307, %parallel_loop3A_304 : vector<16xf32>
        %parallel_loop3A_309 = arith.index_cast %parallel_loop3A_299 : i32 to index
        %parallel_loop3A_310 = arith.constant 0 : index
        %parallel_loop3A_311 = tpu.vector_load %arg11[%parallel_loop3A_309, %parallel_loop3A_310] {strides = array<i32>} : memref<40x128xf32, #tpu.memory_space<vmem>>, vector<16xf32>,
        tpu.vector_store %arg11[%parallel_loop3A_309, %parallel_loop3A_310], %parallel_loop3A_308 {strides = array<i32>} : memref<40x128xf32, #tpu.memory_space<vmem>>, vector<16xf32>,
        %parallel_loop3A_312 = arith.index_cast %parallel_loop3A_299 : i32 to index
        %parallel_loop3A_313 = arith.constant 16 : index
        %parallel_loop3A_314 = tpu.vector_load %arg11[%parallel_loop3A_312, %parallel_loop3A_313] {strides = array<i32>} : memref<40x128xf32, #tpu.memory_space<vmem>>, vector<16xf32>,
        %parallel_loop3A_315 = arith.mulf %parallel_loop3A_314, %parallel_loop3A_304 : vector<16xf32>
        %parallel_loop3A_316 = arith.index_cast %parallel_loop3A_299 : i32 to index
        %parallel_loop3A_317 = arith.constant 16 : index
        %parallel_loop3A_318 = tpu.vector_load %arg11[%parallel_loop3A_316, %parallel_loop3A_317] {strides = array<i32>} : memref<40x128xf32, #tpu.memory_space<vmem>>, vector<16xf32>,
        tpu.vector_store %arg11[%parallel_loop3A_316, %parallel_loop3A_317], %parallel_loop3A_315 {strides = array<i32>} : memref<40x128xf32, #tpu.memory_space<vmem>>, vector<16xf32>,
        %parallel_loop3A_319 = arith.index_cast %parallel_loop3A_299 : i32 to index
        %parallel_loop3A_320 = arith.constant 32 : index
        %parallel_loop3A_321 = tpu.vector_load %arg11[%parallel_loop3A_319, %parallel_loop3A_320] {strides = array<i32>} : memref<40x128xf32, #tpu.memory_space<vmem>>, vector<16xf32>,
        %parallel_loop3A_322 = arith.mulf %parallel_loop3A_321, %parallel_loop3A_304 : vector<16xf32>
        %parallel_loop3A_323 = arith.index_cast %parallel_loop3A_299 : i32 to index
        %parallel_loop3A_324 = arith.constant 32 : index
        %parallel_loop3A_325 = tpu.vector_load %arg11[%parallel_loop3A_323, %parallel_loop3A_324] {strides = array<i32>} : memref<40x128xf32, #tpu.memory_space<vmem>>, vector<16xf32>,
        tpu.vector_store %arg11[%parallel_loop3A_323, %parallel_loop3A_324], %parallel_loop3A_322 {strides = array<i32>} : memref<40x128xf32, #tpu.memory_space<vmem>>, vector<16xf32>,
        %parallel_loop3A_326 = arith.index_cast %parallel_loop3A_299 : i32 to index
        %parallel_loop3A_327 = arith.constant 48 : index
        %parallel_loop3A_328 = tpu.vector_load %arg11[%parallel_loop3A_326, %parallel_loop3A_327] {strides = array<i32>} : memref<40x128xf32, #tpu.memory_space<vmem>>, vector<16xf32>,
        %parallel_loop3A_329 = arith.mulf %parallel_loop3A_328, %parallel_loop3A_304 : vector<16xf32>
        %parallel_loop3A_330 = arith.index_cast %parallel_loop3A_299 : i32 to index
        %parallel_loop3A_331 = arith.constant 48 : index
        %parallel_loop3A_332 = tpu.vector_load %arg11[%parallel_loop3A_330, %parallel_loop3A_331] {strides = array<i32>} : memref<40x128xf32, #tpu.memory_space<vmem>>, vector<16xf32>,
        tpu.vector_store %arg11[%parallel_loop3A_330, %parallel_loop3A_331], %parallel_loop3A_329 {strides = array<i32>} : memref<40x128xf32, #tpu.memory_space<vmem>>, vector<16xf32>,
        %parallel_loop3A_333 = arith.index_cast %parallel_loop3A_299 : i32 to index
        %parallel_loop3A_334 = arith.constant 64 : index
        %parallel_loop3A_335 = tpu.vector_load %arg11[%parallel_loop3A_333, %parallel_loop3A_334] {strides = array<i32>} : memref<40x128xf32, #tpu.memory_space<vmem>>, vector<16xf32>,
        %parallel_loop3A_336 = arith.mulf %parallel_loop3A_335, %parallel_loop3A_304 : vector<16xf32>
        %parallel_loop3A_337 = arith.index_cast %parallel_loop3A_299 : i32 to index
        %parallel_loop3A_338 = arith.constant 64 : index
        %parallel_loop3A_339 = tpu.vector_load %arg11[%parallel_loop3A_337, %parallel_loop3A_338] {strides = array<i32>} : memref<40x128xf32, #tpu.memory_space<vmem>>, vector<16xf32>,
        tpu.vector_store %arg11[%parallel_loop3A_337, %parallel_loop3A_338], %parallel_loop3A_336 {strides = array<i32>} : memref<40x128xf32, #tpu.memory_space<vmem>>, vector<16xf32>,
        %parallel_loop3A_340 = arith.index_cast %parallel_loop3A_299 : i32 to index
        %parallel_loop3A_341 = arith.constant 80 : index
        %parallel_loop3A_342 = tpu.vector_load %arg11[%parallel_loop3A_340, %parallel_loop3A_341] {strides = array<i32>} : memref<40x128xf32, #tpu.memory_space<vmem>>, vector<16xf32>,
        %parallel_loop3A_343 = arith.mulf %parallel_loop3A_342, %parallel_loop3A_304 : vector<16xf32>
        %parallel_loop3A_344 = arith.index_cast %parallel_loop3A_299 : i32 to index
        %parallel_loop3A_345 = arith.constant 80 : index
        %parallel_loop3A_346 = tpu.vector_load %arg11[%parallel_loop3A_344, %parallel_loop3A_345] {strides = array<i32>} : memref<40x128xf32, #tpu.memory_space<vmem>>, vector<16xf32>,
        tpu.vector_store %arg11[%parallel_loop3A_344, %parallel_loop3A_345], %parallel_loop3A_343 {strides = array<i32>} : memref<40x128xf32, #tpu.memory_space<vmem>>, vector<16xf32>,
        %parallel_loop3A_347 = arith.index_cast %parallel_loop3A_299 : i32 to index
        %parallel_loop3A_348 = arith.constant 96 : index
        %parallel_loop3A_349 = tpu.vector_load %arg11[%parallel_loop3A_347, %parallel_loop3A_348] {strides = array<i32>} : memref<40x128xf32, #tpu.memory_space<vmem>>, vector<16xf32>,
        %parallel_loop3A_350 = arith.mulf %parallel_loop3A_349, %parallel_loop3A_304 : vector<16xf32>
        %parallel_loop3A_351 = arith.index_cast %parallel_loop3A_299 : i32 to index
        %parallel_loop3A_352 = arith.constant 96 : index
        %parallel_loop3A_353 = tpu.vector_load %arg11[%parallel_loop3A_351, %parallel_loop3A_352] {strides = array<i32>} : memref<40x128xf32, #tpu.memory_space<vmem>>, vector<16xf32>,
        tpu.vector_store %arg11[%parallel_loop3A_351, %parallel_loop3A_352], %parallel_loop3A_350 {strides = array<i32>} : memref<40x128xf32, #tpu.memory_space<vmem>>, vector<16xf32>,
        %parallel_loop3A_354 = arith.index_cast %parallel_loop3A_299 : i32 to index
        %parallel_loop3A_355 = arith.constant 112 : index
        %parallel_loop3A_356 = tpu.vector_load %arg11[%parallel_loop3A_354, %parallel_loop3A_355] {strides = array<i32>} : memref<40x128xf32, #tpu.memory_space<vmem>>, vector<16xf32>,
        %parallel_loop3A_357 = arith.mulf %parallel_loop3A_356, %parallel_loop3A_304 : vector<16xf32>
        %parallel_loop3A_358 = arith.index_cast %parallel_loop3A_299 : i32 to index
        %parallel_loop3A_359 = arith.constant 112 : index
        %parallel_loop3A_360 = tpu.vector_load %arg11[%parallel_loop3A_358, %parallel_loop3A_359] {strides = array<i32>} : memref<40x128xf32, #tpu.memory_space<vmem>>, vector<16xf32>,
        tpu.vector_store %arg11[%parallel_loop3A_358, %parallel_loop3A_359], %parallel_loop3A_357 {strides = array<i32>} : memref<40x128xf32, #tpu.memory_space<vmem>>, vector<16xf32>,
      } {sc.loop_unroll_factor = 2 : i64, sc.parallel_access}
      %mul3A_280 = arith.constant 40 : i32
      %mul3A_281 = arith.muli %add3A_270, %mul3A_280 : i32
      %add3A_282 = arith.addi %multiple_of3A, %mul3A_281 : i32
      %multiple_of3A_283 = tpu.assume_multiple %add3A_282, 8 : i32
      %dma_wait3A_284 = tpu.memref_slice %arg4[%multiple_of3A_283] : memref<320000xi32, #tpu.memory_space<hbm>> -> memref<40xi32, #tpu.memory_space<hbm>>
      %dma_wait3A_285 = tpu.memref_slice %arg4[%multiple_of3A_283] : memref<320000xi32, #tpu.memory_space<hbm>> -> memref<40xi32, #tpu.memory_space<hbm>>
      tpu.wait_dma2 semaphore(%arg22 : memref<!tpu.dma_semaphore, #tpu.memory_space<semaphore_mem>>) src(%dma_wait3A_285 : memref<40xi32, #tpu.memory_space<hbm>>) dst(%arg14 : memref<40xi32, #tpu.memory_space<vmem>>)
      %dma_start3A_286 = arith.constant 0 : i32
      %dma_start3A_287 = arith.constant 0 : i32
      %dma_start3A_288 = tpu.memref_slice %arg16[%dma_start3A_286, %dma_start3A_287] : memref<10000x128xf32, #tpu.memory_space<vmem_shared>> -> memref<10000x128xf32, #tpu.memory_space<vmem_shared>>
      tpu.enqueue_indirect_dma source(%arg11 : memref<40x128xf32, #tpu.memory_space<vmem>>) target(%dma_start3A_288 : memref<10000x128xf32, #tpu.memory_space<vmem_shared>>) offsets(%arg14 : memref<40xi32, #tpu.memory_space<vmem>>) semaphore(%arg25 : memref<!tpu.dma_semaphore, #tpu.memory_space<semaphore_mem>>) {add = true}
      %dma_wait3A_289 = arith.constant 0 : i32
      %dma_wait3A_290 = arith.constant 0 : i32
      %dma_wait3A_291 = tpu.memref_slice %arg16[%dma_wait3A_289, %dma_wait3A_290] : memref<10000x128xf32, #tpu.memory_space<vmem_shared>> -> memref<10000x128xf32, #tpu.memory_space<vmem_shared>>
      tpu.wait_indirect_dma semaphore(%arg24 : memref<!tpu.dma_semaphore, #tpu.memory_space<semaphore_mem>>) src(%arg10 : memref<40x128xf32, #tpu.memory_space<vmem>>) dst(%dma_wait3A_291 : memref<10000x128xf32, #tpu.memory_space<vmem_shared>>)
      %add3A_292 = arith.constant 4 : i32
      %add3A_293 = arith.addi %add3A_196, %add3A_292 : i32
      %lt3A_294 = arith.constant 250 : i32
      %lt3A_295 = arith.cmpi slt, %add3A_293, %lt3A_294 : i32
      %convert_element_type3A_296 = arith.extui %lt3A_295 : i1 to i32
      %cond3A_297 = arith.constant 0 : i32
      %cond3A_298 = arith.cmpi ne, %convert_element_type3A_296, %cond3A_297 : i32
      scf.if %cond3A_298 {
        %add3A_299 = arith.constant 4 : i32
        %add3A_300 = arith.addi %add3A_196, %add3A_299 : i32
        %mul3A_301 = arith.constant 40 : i32
        %mul3A_302 = arith.muli %add3A_300, %mul3A_301 : i32
        %add3A_303 = arith.addi %multiple_of3A, %mul3A_302 : i32
        %multiple_of3A_304 = tpu.assume_multiple %add3A_303, 8 : i32
        %mul3A_305 = arith.constant 40 : i32
        %mul3A_306 = arith.muli %add3A_300, %mul3A_305 : i32
        %dma_start3A_307 = tpu.memref_slice %arg7[%mul3A_306] : memref<10000xi32, #tpu.memory_space<vmem>> -> memref<40xi32, #tpu.memory_space<vmem>>
        %dma_start3A_308 = arith.constant 0 : i32
        %dma_start3A_309 = arith.constant 0 : i32
        %dma_start3A_310 = tpu.memref_slice %arg2[%dma_start3A_308, %dma_start3A_309] : memref<10000x128xf32, #tpu.memory_space<hbm>> -> memref<10000x128xf32, #tpu.memory_space<hbm>>
        tpu.enqueue_indirect_dma source(%dma_start3A_310 : memref<10000x128xf32, #tpu.memory_space<hbm>>) target(%arg10 : memref<40x128xf32, #tpu.memory_space<vmem>>) offsets(%dma_start3A_307 : memref<40xi32, #tpu.memory_space<vmem>>) semaphore(%arg18 : memref<!tpu.dma_semaphore, #tpu.memory_space<semaphore_mem>>)
        %dma_start3A_311 = tpu.memref_slice %arg4[%multiple_of3A_304] : memref<320000xi32, #tpu.memory_space<hbm>> -> memref<40xi32, #tpu.memory_space<hbm>>
        %dma_start3A_312 = tpu.memref_slice %arg4[%multiple_of3A_304] : memref<320000xi32, #tpu.memory_space<hbm>> -> memref<40xi32, #tpu.memory_space<hbm>>
        tpu.enqueue_dma source(%dma_start3A_312 : memref<40xi32, #tpu.memory_space<hbm>>) target(%arg13 : memref<40xi32, #tpu.memory_space<vmem>>) target_semaphore(%arg21 : memref<!tpu.dma_semaphore, #tpu.memory_space<semaphore_mem>>)
      } else {
      }
    }
    %scan3A_161 = arith.constant 82 : i32
    %dma_wait3A_162 = arith.constant 9960 : i32
    %dma_wait3A_163 = tpu.memref_slice %arg7[%dma_wait3A_162] : memref<10000xi32, #tpu.memory_space<vmem>> -> memref<40xi32, #tpu.memory_space<vmem>>
    %dma_wait3A_164 = arith.constant 0 : i32
    %dma_wait3A_165 = arith.constant 0 : i32
    %dma_wait3A_166 = tpu.memref_slice %arg2[%dma_wait3A_164, %dma_wait3A_165] : memref<10000x128xf32, #tpu.memory_space<hbm>> -> memref<10000x128xf32, #tpu.memory_space<hbm>>
    tpu.wait_indirect_dma semaphore(%arg17 : memref<!tpu.dma_semaphore, #tpu.memory_space<semaphore_mem>>) src(%dma_wait3A_166 : memref<10000x128xf32, #tpu.memory_space<hbm>>) dst(%arg9 : memref<40x128xf32, #tpu.memory_space<vmem>>)
    %parallel_loop3A_167 = arith.constant 0 : i32
    %parallel_loop3A_168 = arith.constant 40 : i32
    %parallel_loop3A_169 = arith.constant 1 : i32
    scf.for %parallel_loop3A_192 = %parallel_loop3A_167 to %parallel_loop3A_168 step %parallel_loop3A_169  : i32 {
      %parallel_loop3A_193 = arith.constant 9960 : i32
      %parallel_loop3A_194 = arith.addi %parallel_loop3A_193, %parallel_loop3A_192 : i32
      %parallel_loop3A_195 = vector.broadcast %parallel_loop3A_194 : i32 to vector<16xi32>
      %parallel_loop3A_196 = tpu.vector_load_idx %arg8[%parallel_loop3A_195] : memref<10000xf32, #tpu.memory_space<vmem>>[vector<16xi32>], vector<16xf32>,
      %parallel_loop3A_197 = arith.index_cast %parallel_loop3A_192 : i32 to index
      %parallel_loop3A_198 = arith.constant 0 : index
      %parallel_loop3A_199 = tpu.vector_load %arg9[%parallel_loop3A_197, %parallel_loop3A_198] {strides = array<i32>} : memref<40x128xf32, #tpu.memory_space<vmem>>, vector<16xf32>,
      %parallel_loop3A_200 = arith.mulf %parallel_loop3A_199, %parallel_loop3A_196 : vector<16xf32>
      %parallel_loop3A_201 = arith.index_cast %parallel_loop3A_192 : i32 to index
      %parallel_loop3A_202 = arith.constant 0 : index
      %parallel_loop3A_203 = tpu.vector_load %arg9[%parallel_loop3A_201, %parallel_loop3A_202] {strides = array<i32>} : memref<40x128xf32, #tpu.memory_space<vmem>>, vector<16xf32>,
      tpu.vector_store %arg9[%parallel_loop3A_201, %parallel_loop3A_202], %parallel_loop3A_200 {strides = array<i32>} : memref<40x128xf32, #tpu.memory_space<vmem>>, vector<16xf32>,
      %parallel_loop3A_204 = arith.index_cast %parallel_loop3A_192 : i32 to index
      %parallel_loop3A_205 = arith.constant 16 : index
      %parallel_loop3A_206 = tpu.vector_load %arg9[%parallel_loop3A_204, %parallel_loop3A_205] {strides = array<i32>} : memref<40x128xf32, #tpu.memory_space<vmem>>, vector<16xf32>,
      %parallel_loop3A_207 = arith.mulf %parallel_loop3A_206, %parallel_loop3A_196 : vector<16xf32>
      %parallel_loop3A_208 = arith.index_cast %parallel_loop3A_192 : i32 to index
      %parallel_loop3A_209 = arith.constant 16 : index
      %parallel_loop3A_210 = tpu.vector_load %arg9[%parallel_loop3A_208, %parallel_loop3A_209] {strides = array<i32>} : memref<40x128xf32, #tpu.memory_space<vmem>>, vector<16xf32>,
      tpu.vector_store %arg9[%parallel_loop3A_208, %parallel_loop3A_209], %parallel_loop3A_207 {strides = array<i32>} : memref<40x128xf32, #tpu.memory_space<vmem>>, vector<16xf32>,
      %parallel_loop3A_211 = arith.index_cast %parallel_loop3A_192 : i32 to index
      %parallel_loop3A_212 = arith.constant 32 : index
      %parallel_loop3A_213 = tpu.vector_load %arg9[%parallel_loop3A_211, %parallel_loop3A_212] {strides = array<i32>} : memref<40x128xf32, #tpu.memory_space<vmem>>, vector<16xf32>,
      %parallel_loop3A_214 = arith.mulf %parallel_loop3A_213, %parallel_loop3A_196 : vector<16xf32>
      %parallel_loop3A_215 = arith.index_cast %parallel_loop3A_192 : i32 to index
      %parallel_loop3A_216 = arith.constant 32 : index
      %parallel_loop3A_217 = tpu.vector_load %arg9[%parallel_loop3A_215, %parallel_loop3A_216] {strides = array<i32>} : memref<40x128xf32, #tpu.memory_space<vmem>>, vector<16xf32>,
      tpu.vector_store %arg9[%parallel_loop3A_215, %parallel_loop3A_216], %parallel_loop3A_214 {strides = array<i32>} : memref<40x128xf32, #tpu.memory_space<vmem>>, vector<16xf32>,
      %parallel_loop3A_218 = arith.index_cast %parallel_loop3A_192 : i32 to index
      %parallel_loop3A_219 = arith.constant 48 : index
      %parallel_loop3A_220 = tpu.vector_load %arg9[%parallel_loop3A_218, %parallel_loop3A_219] {strides = array<i32>} : memref<40x128xf32, #tpu.memory_space<vmem>>, vector<16xf32>,
      %parallel_loop3A_221 = arith.mulf %parallel_loop3A_220, %parallel_loop3A_196 : vector<16xf32>
      %parallel_loop3A_222 = arith.index_cast %parallel_loop3A_192 : i32 to index
      %parallel_loop3A_223 = arith.constant 48 : index
      %parallel_loop3A_224 = tpu.vector_load %arg9[%parallel_loop3A_222, %parallel_loop3A_223] {strides = array<i32>} : memref<40x128xf32, #tpu.memory_space<vmem>>, vector<16xf32>,
      tpu.vector_store %arg9[%parallel_loop3A_222, %parallel_loop3A_223], %parallel_loop3A_221 {strides = array<i32>} : memref<40x128xf32, #tpu.memory_space<vmem>>, vector<16xf32>,
      %parallel_loop3A_225 = arith.index_cast %parallel_loop3A_192 : i32 to index
      %parallel_loop3A_226 = arith.constant 64 : index
      %parallel_loop3A_227 = tpu.vector_load %arg9[%parallel_loop3A_225, %parallel_loop3A_226] {strides = array<i32>} : memref<40x128xf32, #tpu.memory_space<vmem>>, vector<16xf32>,
      %parallel_loop3A_228 = arith.mulf %parallel_loop3A_227, %parallel_loop3A_196 : vector<16xf32>
      %parallel_loop3A_229 = arith.index_cast %parallel_loop3A_192 : i32 to index
      %parallel_loop3A_230 = arith.constant 64 : index
      %parallel_loop3A_231 = tpu.vector_load %arg9[%parallel_loop3A_229, %parallel_loop3A_230] {strides = array<i32>} : memref<40x128xf32, #tpu.memory_space<vmem>>, vector<16xf32>,
      tpu.vector_store %arg9[%parallel_loop3A_229, %parallel_loop3A_230], %parallel_loop3A_228 {strides = array<i32>} : memref<40x128xf32, #tpu.memory_space<vmem>>, vector<16xf32>,
      %parallel_loop3A_232 = arith.index_cast %parallel_loop3A_192 : i32 to index
      %parallel_loop3A_233 = arith.constant 80 : index
      %parallel_loop3A_234 = tpu.vector_load %arg9[%parallel_loop3A_232, %parallel_loop3A_233] {strides = array<i32>} : memref<40x128xf32, #tpu.memory_space<vmem>>, vector<16xf32>,
      %parallel_loop3A_235 = arith.mulf %parallel_loop3A_234, %parallel_loop3A_196 : vector<16xf32>
      %parallel_loop3A_236 = arith.index_cast %parallel_loop3A_192 : i32 to index
      %parallel_loop3A_237 = arith.constant 80 : index
      %parallel_loop3A_238 = tpu.vector_load %arg9[%parallel_loop3A_236, %parallel_loop3A_237] {strides = array<i32>} : memref<40x128xf32, #tpu.memory_space<vmem>>, vector<16xf32>,
      tpu.vector_store %arg9[%parallel_loop3A_236, %parallel_loop3A_237], %parallel_loop3A_235 {strides = array<i32>} : memref<40x128xf32, #tpu.memory_space<vmem>>, vector<16xf32>,
      %parallel_loop3A_239 = arith.index_cast %parallel_loop3A_192 : i32 to index
      %parallel_loop3A_240 = arith.constant 96 : index
      %parallel_loop3A_241 = tpu.vector_load %arg9[%parallel_loop3A_239, %parallel_loop3A_240] {strides = array<i32>} : memref<40x128xf32, #tpu.memory_space<vmem>>, vector<16xf32>,
      %parallel_loop3A_242 = arith.mulf %parallel_loop3A_241, %parallel_loop3A_196 : vector<16xf32>
      %parallel_loop3A_243 = arith.index_cast %parallel_loop3A_192 : i32 to index
      %parallel_loop3A_244 = arith.constant 96 : index
      %parallel_loop3A_245 = tpu.vector_load %arg9[%parallel_loop3A_243, %parallel_loop3A_244] {strides = array<i32>} : memref<40x128xf32, #tpu.memory_space<vmem>>, vector<16xf32>,
      tpu.vector_store %arg9[%parallel_loop3A_243, %parallel_loop3A_244], %parallel_loop3A_242 {strides = array<i32>} : memref<40x128xf32, #tpu.memory_space<vmem>>, vector<16xf32>,
      %parallel_loop3A_246 = arith.index_cast %parallel_loop3A_192 : i32 to index
      %parallel_loop3A_247 = arith.constant 112 : index
      %parallel_loop3A_248 = tpu.vector_load %arg9[%parallel_loop3A_246, %parallel_loop3A_247] {strides = array<i32>} : memref<40x128xf32, #tpu.memory_space<vmem>>, vector<16xf32>,
      %parallel_loop3A_249 = arith.mulf %parallel_loop3A_248, %parallel_loop3A_196 : vector<16xf32>
      %parallel_loop3A_250 = arith.index_cast %parallel_loop3A_192 : i32 to index
      %parallel_loop3A_251 = arith.constant 112 : index
      %parallel_loop3A_252 = tpu.vector_load %arg9[%parallel_loop3A_250, %parallel_loop3A_251] {strides = array<i32>} : memref<40x128xf32, #tpu.memory_space<vmem>>, vector<16xf32>,
      tpu.vector_store %arg9[%parallel_loop3A_250, %parallel_loop3A_251], %parallel_loop3A_249 {strides = array<i32>} : memref<40x128xf32, #tpu.memory_space<vmem>>, vector<16xf32>,
    } {sc.loop_unroll_factor = 2 : i64, sc.parallel_access}
    %add3A_170 = arith.constant 9960 : i32
    %add3A_171 = arith.addi %multiple_of3A, %add3A_170 : i32
    %multiple_of3A_172 = tpu.assume_multiple %add3A_171, 8 : i32
    %dma_wait3A_173 = tpu.memref_slice %arg4[%multiple_of3A_172] : memref<320000xi32, #tpu.memory_space<hbm>> -> memref<40xi32, #tpu.memory_space<hbm>>
    %dma_wait3A_174 = tpu.memref_slice %arg4[%multiple_of3A_172] : memref<320000xi32, #tpu.memory_space<hbm>> -> memref<40xi32, #tpu.memory_space<hbm>>
    tpu.wait_dma2 semaphore(%arg20 : memref<!tpu.dma_semaphore, #tpu.memory_space<semaphore_mem>>) src(%dma_wait3A_174 : memref<40xi32, #tpu.memory_space<hbm>>) dst(%arg12 : memref<40xi32, #tpu.memory_space<vmem>>)
    %dma_start3A_175 = arith.constant 0 : i32
    %dma_start3A_176 = arith.constant 0 : i32
    %dma_start3A_177 = tpu.memref_slice %arg16[%dma_start3A_175, %dma_start3A_176] : memref<10000x128xf32, #tpu.memory_space<vmem_shared>> -> memref<10000x128xf32, #tpu.memory_space<vmem_shared>>
    tpu.enqueue_indirect_dma source(%arg9 : memref<40x128xf32, #tpu.memory_space<vmem>>) target(%dma_start3A_177 : memref<10000x128xf32, #tpu.memory_space<vmem_shared>>) offsets(%arg12 : memref<40xi32, #tpu.memory_space<vmem>>) semaphore(%arg23 : memref<!tpu.dma_semaphore, #tpu.memory_space<semaphore_mem>>) {add = true}
    %dma_wait3A_178 = arith.constant 0 : i32
    %dma_wait3A_179 = arith.constant 0 : i32
    %dma_wait3A_180 = tpu.memref_slice %arg16[%dma_wait3A_178, %dma_wait3A_179] : memref<10000x128xf32, #tpu.memory_space<vmem_shared>> -> memref<10000x128xf32, #tpu.memory_space<vmem_shared>>
    tpu.wait_indirect_dma semaphore(%arg25 : memref<!tpu.dma_semaphore, #tpu.memory_space<semaphore_mem>>) src(%arg11 : memref<40x128xf32, #tpu.memory_space<vmem>>) dst(%dma_wait3A_180 : memref<10000x128xf32, #tpu.memory_space<vmem_shared>>)
    %dma_wait3A_181 = arith.constant 0 : i32
    %dma_wait3A_182 = arith.constant 0 : i32
    %dma_wait3A_183 = tpu.memref_slice %arg16[%dma_wait3A_181, %dma_wait3A_182] : memref<10000x128xf32, #tpu.memory_space<vmem_shared>> -> memref<10000x128xf32, #tpu.memory_space<vmem_shared>>
    tpu.wait_indirect_dma semaphore(%arg23 : memref<!tpu.dma_semaphore, #tpu.memory_space<semaphore_mem>>) src(%arg9 : memref<40x128xf32, #tpu.memory_space<vmem>>) dst(%dma_wait3A_183 : memref<10000x128xf32, #tpu.memory_space<vmem_shared>>)
    %barrier3A_184 = arith.constant 0 : index
    tpu.barrier barrier_id(%barrier3A_184)
    %lt3A = arith.constant 15 : i32
    %lt3A_185 = arith.cmpi slt, %arg1, %lt3A : i32
    %convert_element_type3A = arith.extui %lt3A_185 : i1 to i32
    %cond3A = arith.constant 0 : i32
    %cond3A_186 = arith.cmpi ne, %convert_element_type3A, %cond3A : i32
    scf.if %cond3A_186 {
      %dma_start3A_192 = arith.constant 0 : i32
      %dma_start3A_193 = arith.constant 0 : i32
      %dma_start3A_194 = tpu.memref_slice %arg6[%arg0, %dma_start3A_192, %dma_start3A_193] : memref<2x10000x128xf32, #tpu.memory_space<hbm>> -> memref<1x10000x128xf32, #tpu.memory_space<hbm>>
      %dma_start3A_195 = tpu.memref_squeeze %dma_start3A_194 : memref<1x10000x128xf32, #tpu.memory_space<hbm>> -> memref<10000x128xf32, #tpu.memory_space<hbm>>
      %dma_start3A_196 = arith.constant 0 : i32
      %dma_start3A_197 = tpu.memref_slice %dma_start3A_195[%multiple_of3A_36, %dma_start3A_196] : memref<10000x128xf32, #tpu.memory_space<hbm>> -> memref<624x128xf32, #tpu.memory_space<hbm>>
      %dma_start3A_198 = arith.constant 0 : i32
      %dma_start3A_199 = tpu.memref_slice %arg16[%multiple_of3A_36, %dma_start3A_198] : memref<10000x128xf32, #tpu.memory_space<vmem_shared>> -> memref<624x128xf32, #tpu.memory_space<vmem_shared>>
      tpu.enqueue_dma source(%dma_start3A_199 : memref<624x128xf32, #tpu.memory_space<vmem_shared>>) target(%dma_start3A_197 : memref<624x128xf32, #tpu.memory_space<hbm>>) target_semaphore(%arg26 : memref<!tpu.dma_semaphore, #tpu.memory_space<semaphore_mem>>)
      %dma_wait3A_200 = arith.constant 0 : i32
      %dma_wait3A_201 = arith.constant 0 : i32
      %dma_wait3A_202 = tpu.memref_slice %arg6[%arg0, %dma_wait3A_200, %dma_wait3A_201] : memref<2x10000x128xf32, #tpu.memory_space<hbm>> -> memref<1x10000x128xf32, #tpu.memory_space<hbm>>
      %dma_wait3A_203 = tpu.memref_squeeze %dma_wait3A_202 : memref<1x10000x128xf32, #tpu.memory_space<hbm>> -> memref<10000x128xf32, #tpu.memory_space<hbm>>
      %dma_wait3A_204 = arith.constant 0 : i32
      %dma_wait3A_205 = tpu.memref_slice %dma_wait3A_203[%multiple_of3A_36, %dma_wait3A_204] : memref<10000x128xf32, #tpu.memory_space<hbm>> -> memref<624x128xf32, #tpu.memory_space<hbm>>
      %dma_wait3A_206 = arith.constant 0 : i32
      %dma_wait3A_207 = tpu.memref_slice %arg16[%multiple_of3A_36, %dma_wait3A_206] : memref<10000x128xf32, #tpu.memory_space<vmem_shared>> -> memref<624x128xf32, #tpu.memory_space<vmem_shared>>
      tpu.wait_dma2 semaphore(%arg26 : memref<!tpu.dma_semaphore, #tpu.memory_space<semaphore_mem>>) src(%dma_wait3A_207 : memref<624x128xf32, #tpu.memory_space<vmem_shared>>) dst(%dma_wait3A_205 : memref<624x128xf32, #tpu.memory_space<hbm>>)
    } else {
    }
    %eq3A_187 = arith.constant 15 : i32
    %eq3A_188 = arith.cmpi eq, %arg1, %eq3A_187 : i32
    %convert_element_type3A_189 = arith.extui %eq3A_188 : i1 to i32
    %cond3A_190 = arith.constant 0 : i32
    %cond3A_191 = arith.cmpi ne, %convert_element_type3A_189, %cond3A_190 : i32
    scf.if %cond3A_191 {
      %dma_start3A_192 = arith.constant 0 : i32
      %dma_start3A_193 = arith.constant 0 : i32
      %dma_start3A_194 = tpu.memref_slice %arg6[%arg0, %dma_start3A_192, %dma_start3A_193] : memref<2x10000x128xf32, #tpu.memory_space<hbm>> -> memref<1x10000x128xf32, #tpu.memory_space<hbm>>
      %dma_start3A_195 = tpu.memref_squeeze %dma_start3A_194 : memref<1x10000x128xf32, #tpu.memory_space<hbm>> -> memref<10000x128xf32, #tpu.memory_space<hbm>>
      %dma_start3A_196 = arith.constant 0 : i32
      %dma_start3A_197 = tpu.memref_slice %dma_start3A_195[%multiple_of3A_36, %dma_start3A_196] : memref<10000x128xf32, #tpu.memory_space<hbm>> -> memref<640x128xf32, #tpu.memory_space<hbm>>
      %dma_start3A_198 = arith.constant 0 : i32
      %dma_start3A_199 = tpu.memref_slice %arg16[%multiple_of3A_36, %dma_start3A_198] : memref<10000x128xf32, #tpu.memory_space<vmem_shared>> -> memref<640x128xf32, #tpu.memory_space<vmem_shared>>
      tpu.enqueue_dma source(%dma_start3A_199 : memref<640x128xf32, #tpu.memory_space<vmem_shared>>) target(%dma_start3A_197 : memref<640x128xf32, #tpu.memory_space<hbm>>) target_semaphore(%arg26 : memref<!tpu.dma_semaphore, #tpu.memory_space<semaphore_mem>>)
      %dma_wait3A_200 = arith.constant 0 : i32
      %dma_wait3A_201 = arith.constant 0 : i32
      %dma_wait3A_202 = tpu.memref_slice %arg6[%arg0, %dma_wait3A_200, %dma_wait3A_201] : memref<2x10000x128xf32, #tpu.memory_space<hbm>> -> memref<1x10000x128xf32, #tpu.memory_space<hbm>>
      %dma_wait3A_203 = tpu.memref_squeeze %dma_wait3A_202 : memref<1x10000x128xf32, #tpu.memory_space<hbm>> -> memref<10000x128xf32, #tpu.memory_space<hbm>>
      %dma_wait3A_204 = arith.constant 0 : i32
      %dma_wait3A_205 = tpu.memref_slice %dma_wait3A_203[%multiple_of3A_36, %dma_wait3A_204] : memref<10000x128xf32, #tpu.memory_space<hbm>> -> memref<640x128xf32, #tpu.memory_space<hbm>>
      %dma_wait3A_206 = arith.constant 0 : i32
      %dma_wait3A_207 = tpu.memref_slice %arg16[%multiple_of3A_36, %dma_wait3A_206] : memref<10000x128xf32, #tpu.memory_space<vmem_shared>> -> memref<640x128xf32, #tpu.memory_space<vmem_shared>>
      tpu.wait_dma2 semaphore(%arg26 : memref<!tpu.dma_semaphore, #tpu.memory_space<semaphore_mem>>) src(%dma_wait3A_207 : memref<640x128xf32, #tpu.memory_space<vmem_shared>>) dst(%dma_wait3A_205 : memref<640x128xf32, #tpu.memory_space<hbm>>)
    } else {
    }
    return
  }
}

#map = affine_map<(d0, d1) -> (0, 0)>
#map1 = affine_map<(d0, d1) -> (0)>
#map2 = affine_map<(d0, d1) -> (0, 0, 0)>
module attributes {stable_mosaic.version = 14 : i64} {
  func.func @sc_kernel(%arg0: i32, %arg1: i32, %arg2: memref<10000x128xf32, #tpu.memory_space<hbm>>, %arg3: memref<320000xi32, #tpu.memory_space<hbm>>, %arg4: memref<320000xi32, #tpu.memory_space<hbm>>, %arg5: memref<320000xf32, #tpu.memory_space<hbm>>, %arg6: memref<2x10000x128xf32, #tpu.memory_space<hbm>>, %arg7: memref<10000xi32, #tpu.memory_space<vmem>>, %arg8: memref<10000xf32, #tpu.memory_space<vmem>>, %arg9: memref<40x128xf32, #tpu.memory_space<vmem>>, %arg10: memref<40x128xf32, #tpu.memory_space<vmem>>, %arg11: memref<40x128xf32, #tpu.memory_space<vmem>>, %arg12: memref<40xi32, #tpu.memory_space<vmem>>, %arg13: memref<40xi32, #tpu.memory_space<vmem>>, %arg14: memref<40xi32, #tpu.memory_space<vmem>>, %arg15: memref<16x128xf32, #tpu.memory_space<vmem>>, %arg16: memref<10000x128xf32, #tpu.memory_space<vmem_shared>>, %arg17: memref<!tpu.dma_semaphore, #tpu.memory_space<semaphore_mem>>, %arg18: memref<!tpu.dma_semaphore, #tpu.memory_space<semaphore_mem>>, %arg19: memref<!tpu.dma_semaphore, #tpu.memory_space<semaphore_mem>>, %arg20: memref<!tpu.dma_semaphore, #tpu.memory_space<semaphore_mem>>, %arg21: memref<!tpu.dma_semaphore, #tpu.memory_space<semaphore_mem>>, %arg22: memref<!tpu.dma_semaphore, #tpu.memory_space<semaphore_mem>>, %arg23: memref<!tpu.dma_semaphore, #tpu.memory_space<semaphore_mem>>, %arg24: memref<!tpu.dma_semaphore, #tpu.memory_space<semaphore_mem>>, %arg25: memref<!tpu.dma_semaphore, #tpu.memory_space<semaphore_mem>>, %arg26: memref<!tpu.dma_semaphore, #tpu.memory_space<semaphore_mem>>) attributes {dimension_semantics = [#tpu.dimension_semantics<core_parallel>, #tpu.dimension_semantics<subcore_parallel>], iteration_bounds = array<i64: 2, 16>, scalar_prefetch = 0 : i64, scratch_operands = 20 : i64, tpu.core_type = #tpu.core_type<sc_vector_subcore>, window_params = [{transform_indices = #map}, {transform_indices = #map1}, {transform_indices = #map1}, {transform_indices = #map1}, {transform_indices = #map2}]} {
    %mul3A = arith.constant 16 : i32
    %mul3A_0 = arith.muli %arg0, %mul3A : i32
    %add3A = arith.addi %mul3A_0, %arg1 : i32
    %mul3A_1 = arith.constant 10000 : i32
    %mul3A_2 = arith.muli %add3A, %mul3A_1 : i32
    %multiple_of3A = tpu.assume_multiple %mul3A_2, 8 : i32
    %dma_start3A = tpu.memref_slice %arg3[%multiple_of3A] : memref<320000xi32, #tpu.memory_space<hbm>> -> memref<10000xi32, #tpu.memory_space<hbm>>
    %dma_start3A_3 = tpu.memref_slice %arg3[%multiple_of3A] : memref<320000xi32, #tpu.memory_space<hbm>> -> memref<10000xi32, #tpu.memory_space<hbm>>
    tpu.enqueue_dma source(%dma_start3A_3 : memref<10000xi32, #tpu.memory_space<hbm>>) target(%arg7 : memref<10000xi32, #tpu.memory_space<vmem>>) target_semaphore(%arg26 : memref<!tpu.dma_semaphore, #tpu.memory_space<semaphore_mem>>)
    %dma_wait3A = tpu.memref_slice %arg3[%multiple_of3A] : memref<320000xi32, #tpu.memory_space<hbm>> -> memref<10000xi32, #tpu.memory_space<hbm>>
    %dma_wait3A_4 = tpu.memref_slice %arg3[%multiple_of3A] : memref<320000xi32, #tpu.memory_space<hbm>> -> memref<10000xi32, #tpu.memory_space<hbm>>
    tpu.wait_dma2 semaphore(%arg26 : memref<!tpu.dma_semaphore, #tpu.memory_space<semaphore_mem>>) src(%dma_wait3A_4 : memref<10000xi32, #tpu.memory_space<hbm>>) dst(%arg7 : memref<10000xi32, #tpu.memory_space<vmem>>)
    %dma_start3A_5 = tpu.memref_slice %arg5[%multiple_of3A] : memref<320000xf32, #tpu.memory_space<hbm>> -> memref<10000xf32, #tpu.memory_space<hbm>>
    %dma_start3A_6 = tpu.memref_slice %arg5[%multiple_of3A] : memref<320000xf32, #tpu.memory_space<hbm>> -> memref<10000xf32, #tpu.memory_space<hbm>>
    tpu.enqueue_dma source(%dma_start3A_6 : memref<10000xf32, #tpu.memory_space<hbm>>) target(%arg8 : memref<10000xf32, #tpu.memory_space<vmem>>) target_semaphore(%arg26 : memref<!tpu.dma_semaphore, #tpu.memory_space<semaphore_mem>>)
    %dma_wait3A_7 = tpu.memref_slice %arg5[%multiple_of3A] : memref<320000xf32, #tpu.memory_space<hbm>> -> memref<10000xf32, #tpu.memory_space<hbm>>
    %dma_wait3A_8 = tpu.memref_slice %arg5[%multiple_of3A] : memref<320000xf32, #tpu.memory_space<hbm>> -> memref<10000xf32, #tpu.memory_space<hbm>>
    tpu.wait_dma2 semaphore(%arg26 : memref<!tpu.dma_semaphore, #tpu.memory_space<semaphore_mem>>) src(%dma_wait3A_8 : memref<10000xf32, #tpu.memory_space<hbm>>) dst(%arg8 : memref<10000xf32, #tpu.memory_space<vmem>>)
    %add3A_9 = arith.constant 0 : i32
    %add3A_10 = arith.addi %multiple_of3A, %add3A_9 : i32
    %multiple_of3A_11 = tpu.assume_multiple %add3A_10, 8 : i32
    %dma_start3A_12 = arith.constant 0 : i32
    %dma_start3A_13 = tpu.memref_slice %arg7[%dma_start3A_12] : memref<10000xi32, #tpu.memory_space<vmem>> -> memref<40xi32, #tpu.memory_space<vmem>>
    %dma_start3A_14 = arith.constant 0 : i32
    %dma_start3A_15 = arith.constant 0 : i32
    %dma_start3A_16 = tpu.memref_slice %arg2[%dma_start3A_14, %dma_start3A_15] : memref<10000x128xf32, #tpu.memory_space<hbm>> -> memref<10000x128xf32, #tpu.memory_space<hbm>>
    tpu.enqueue_indirect_dma source(%dma_start3A_16 : memref<10000x128xf32, #tpu.memory_space<hbm>>) target(%arg9 : memref<40x128xf32, #tpu.memory_space<vmem>>) offsets(%dma_start3A_13 : memref<40xi32, #tpu.memory_space<vmem>>) semaphore(%arg17 : memref<!tpu.dma_semaphore, #tpu.memory_space<semaphore_mem>>)
    %dma_start3A_17 = tpu.memref_slice %arg4[%multiple_of3A_11] : memref<320000xi32, #tpu.memory_space<hbm>> -> memref<40xi32, #tpu.memory_space<hbm>>
    %dma_start3A_18 = tpu.memref_slice %arg4[%multiple_of3A_11] : memref<320000xi32, #tpu.memory_space<hbm>> -> memref<40xi32, #tpu.memory_space<hbm>>
    tpu.enqueue_dma source(%dma_start3A_18 : memref<40xi32, #tpu.memory_space<hbm>>) target(%arg12 : memref<40xi32, #tpu.memory_space<vmem>>) target_semaphore(%arg20 : memref<!tpu.dma_semaphore, #tpu.memory_space<semaphore_mem>>)
    %add3A_19 = arith.constant 40 : i32
    %add3A_20 = arith.addi %multiple_of3A, %add3A_19 : i32
    %multiple_of3A_21 = tpu.assume_multiple %add3A_20, 8 : i32
    %dma_start3A_22 = arith.constant 40 : i32
    %dma_start3A_23 = tpu.memref_slice %arg7[%dma_start3A_22] : memref<10000xi32, #tpu.memory_space<vmem>> -> memref<40xi32, #tpu.memory_space<vmem>>
    %dma_start3A_24 = arith.constant 0 : i32
    %dma_start3A_25 = arith.constant 0 : i32
    %dma_start3A_26 = tpu.memref_slice %arg2[%dma_start3A_24, %dma_start3A_25] : memref<10000x128xf32, #tpu.memory_space<hbm>> -> memref<10000x128xf32, #tpu.memory_space<hbm>>
    tpu.enqueue_indirect_dma source(%dma_start3A_26 : memref<10000x128xf32, #tpu.memory_space<hbm>>) target(%arg10 : memref<40x128xf32, #tpu.memory_space<vmem>>) offsets(%dma_start3A_23 : memref<40xi32, #tpu.memory_space<vmem>>) semaphore(%arg18 : memref<!tpu.dma_semaphore, #tpu.memory_space<semaphore_mem>>)
    %dma_start3A_27 = tpu.memref_slice %arg4[%multiple_of3A_21] : memref<320000xi32, #tpu.memory_space<hbm>> -> memref<40xi32, #tpu.memory_space<hbm>>
    %dma_start3A_28 = tpu.memref_slice %arg4[%multiple_of3A_21] : memref<320000xi32, #tpu.memory_space<hbm>> -> memref<40xi32, #tpu.memory_space<hbm>>
    tpu.enqueue_dma source(%dma_start3A_28 : memref<40xi32, #tpu.memory_space<hbm>>) target(%arg13 : memref<40xi32, #tpu.memory_space<vmem>>) target_semaphore(%arg21 : memref<!tpu.dma_semaphore, #tpu.memory_space<semaphore_mem>>)
    %broadcast_in_dim3A = arith.constant 0.000000e+00 : f32
    %broadcast_in_dim3A_29 = vector.broadcast %broadcast_in_dim3A : f32 to vector<16xf32>
    %scan3A = arith.constant 0 : i32
    %scan3A_30 = arith.constant 16 : i32
    %scan3A_31 = arith.addi %scan3A, %scan3A_30 : i32
    %scan3A_32 = arith.constant 1 : i32
    scf.for %scan3A_192 = %scan3A to %scan3A_31 step %scan3A_32  : i32 {
      %mul3A_193 = arith.constant 1 : i32
      %mul3A_194 = arith.muli %scan3A_192, %mul3A_193 : i32
      %add3A_195 = arith.constant 0 : i32
      %add3A_196 = arith.addi %add3A_195, %mul3A_194 : i32
      %swap3A = arith.index_cast %add3A_196 : i32 to index
      %swap3A_197 = arith.constant 0 : index
      %swap3A_198 = tpu.vector_load %arg15[%swap3A, %swap3A_197] {strides = array<i32>} : memref<16x128xf32, #tpu.memory_space<vmem>>, vector<16xf32>,
      tpu.vector_store %arg15[%swap3A, %swap3A_197], %broadcast_in_dim3A_29 {strides = array<i32>} : memref<16x128xf32, #tpu.memory_space<vmem>>, vector<16xf32>,
      %swap3A_199 = arith.index_cast %add3A_196 : i32 to index
      %swap3A_200 = arith.constant 16 : index
      %swap3A_201 = tpu.vector_load %arg15[%swap3A_199, %swap3A_200] {strides = array<i32>} : memref<16x128xf32, #tpu.memory_space<vmem>>, vector<16xf32>,
      tpu.vector_store %arg15[%swap3A_199, %swap3A_200], %broadcast_in_dim3A_29 {strides = array<i32>} : memref<16x128xf32, #tpu.memory_space<vmem>>, vector<16xf32>,
      %swap3A_202 = arith.index_cast %add3A_196 : i32 to index
      %swap3A_203 = arith.constant 32 : index
      %swap3A_204 = tpu.vector_load %arg15[%swap3A_202, %swap3A_203] {strides = array<i32>} : memref<16x128xf32, #tpu.memory_space<vmem>>, vector<16xf32>,
      tpu.vector_store %arg15[%swap3A_202, %swap3A_203], %broadcast_in_dim3A_29 {strides = array<i32>} : memref<16x128xf32, #tpu.memory_space<vmem>>, vector<16xf32>,
      %swap3A_205 = arith.index_cast %add3A_196 : i32 to index
      %swap3A_206 = arith.constant 48 : index
      %swap3A_207 = tpu.vector_load %arg15[%swap3A_205, %swap3A_206] {strides = array<i32>} : memref<16x128xf32, #tpu.memory_space<vmem>>, vector<16xf32>,
      tpu.vector_store %arg15[%swap3A_205, %swap3A_206], %broadcast_in_dim3A_29 {strides = array<i32>} : memref<16x128xf32, #tpu.memory_space<vmem>>, vector<16xf32>,
      %swap3A_208 = arith.index_cast %add3A_196 : i32 to index
      %swap3A_209 = arith.constant 64 : index
      %swap3A_210 = tpu.vector_load %arg15[%swap3A_208, %swap3A_209] {strides = array<i32>} : memref<16x128xf32, #tpu.memory_space<vmem>>, vector<16xf32>,
      tpu.vector_store %arg15[%swap3A_208, %swap3A_209], %broadcast_in_dim3A_29 {strides = array<i32>} : memref<16x128xf32, #tpu.memory_space<vmem>>, vector<16xf32>,
      %swap3A_211 = arith.index_cast %add3A_196 : i32 to index
      %swap3A_212 = arith.constant 80 : index
      %swap3A_213 = tpu.vector_load %arg15[%swap3A_211, %swap3A_212] {strides = array<i32>} : memref<16x128xf32, #tpu.memory_space<vmem>>, vector<16xf32>,
      tpu.vector_store %arg15[%swap3A_211, %swap3A_212], %broadcast_in_dim3A_29 {strides = array<i32>} : memref<16x128xf32, #tpu.memory_space<vmem>>, vector<16xf32>,
      %swap3A_214 = arith.index_cast %add3A_196 : i32 to index
      %swap3A_215 = arith.constant 96 : index
      %swap3A_216 = tpu.vector_load %arg15[%swap3A_214, %swap3A_215] {strides = array<i32>} : memref<16x128xf32, #tpu.memory_space<vmem>>, vector<16xf32>,
      tpu.vector_store %arg15[%swap3A_214, %swap3A_215], %broadcast_in_dim3A_29 {strides = array<i32>} : memref<16x128xf32, #tpu.memory_space<vmem>>, vector<16xf32>,
      %swap3A_217 = arith.index_cast %add3A_196 : i32 to index
      %swap3A_218 = arith.constant 112 : index
      %swap3A_219 = tpu.vector_load %arg15[%swap3A_217, %swap3A_218] {strides = array<i32>} : memref<16x128xf32, #tpu.memory_space<vmem>>, vector<16xf32>,
      tpu.vector_store %arg15[%swap3A_217, %swap3A_218], %broadcast_in_dim3A_29 {strides = array<i32>} : memref<16x128xf32, #tpu.memory_space<vmem>>, vector<16xf32>,
    }
    %scan3A_33 = arith.constant 16 : i32
    %mul3A_34 = arith.constant 624 : i32
    %mul3A_35 = arith.muli %arg1, %mul3A_34 : i32
    %multiple_of3A_36 = tpu.assume_multiple %mul3A_35, 8 : i32
    %eq3A = arith.constant 15 : i32
    %eq3A_37 = arith.cmpi eq, %arg1, %eq3A : i32
    %jit3A = arith.constant 40 : i32
    %jit3A_38 = arith.constant 39 : i32
    %select_n3A = arith.select %eq3A_37, %jit3A, %jit3A_38 : i32
    %sub3A = arith.constant 0 : i32
    %sub3A_39 = arith.subi %select_n3A, %sub3A : i32
    %sub3A_40 = arith.constant 1 : i32
    %sub3A_41 = arith.constant 1 : i32
    %sub3A_42 = arith.subi %sub3A_40, %sub3A_41 : i32
    %add3A_43 = arith.addi %sub3A_39, %sub3A_42 : i32
    %div3A = arith.constant 1 : i32
    %div3A_44 = arith.divsi %add3A_43, %div3A : i32
    %while3A = arith.constant 1 : i32
    %while3A_45 = arith.constant 0 : i32
    %while3A_46 = arith.constant 0 : i32
    %while3A_47 = arith.subi %div3A_44, %while3A_46 : i32
    %while3A_48 = arith.addi %while3A_46, %while3A_47 : i32
    %while3A_49 = arith.constant 1 : i32
    %while3A_50 = arith.divsi %while3A_47, %while3A_49 : i32
    %while3A_51 = arith.muli %while3A_50, %while3A_49 : i32
    %while3A_52 = arith.addi %while3A_46, %while3A_51 : i32
    %while3A_53 = arith.constant 1 : i32
    scf.for %while3A_192 = %while3A_46 to %while3A_52 step %while3A_53  : i32 {
      %mul3A_193 = arith.muli %while3A_192, %while3A : i32
      %add3A_194 = arith.addi %while3A_45, %mul3A_193 : i32
      %mul3A_195 = arith.constant 16 : i32
      %mul3A_196 = arith.muli %add3A_194, %mul3A_195 : i32
      %add3A_197 = arith.addi %multiple_of3A_36, %mul3A_196 : i32
      %multiple_of3A_198 = tpu.assume_multiple %add3A_197, 8 : i32
      %dma_start3A_199 = arith.constant 0 : i32
      %dma_start3A_200 = tpu.memref_slice %arg16[%multiple_of3A_198, %dma_start3A_199] : memref<10000x128xf32, #tpu.memory_space<vmem_shared>> -> memref<16x128xf32, #tpu.memory_space<vmem_shared>>
      %dma_start3A_201 = arith.constant 0 : i32
      %dma_start3A_202 = tpu.memref_slice %arg16[%multiple_of3A_198, %dma_start3A_201] : memref<10000x128xf32, #tpu.memory_space<vmem_shared>> -> memref<16x128xf32, #tpu.memory_space<vmem_shared>>
      tpu.enqueue_dma source(%arg15 : memref<16x128xf32, #tpu.memory_space<vmem>>) target(%dma_start3A_202 : memref<16x128xf32, #tpu.memory_space<vmem_shared>>) target_semaphore(%arg26 : memref<!tpu.dma_semaphore, #tpu.memory_space<semaphore_mem>>)
    }
    %while3A_54 = arith.constant 1 : i32
    scf.for %while3A_192 = %while3A_52 to %while3A_48 step %while3A_54  : i32 {
      %mul3A_193 = arith.muli %while3A_192, %while3A : i32
      %add3A_194 = arith.addi %while3A_45, %mul3A_193 : i32
      %mul3A_195 = arith.constant 16 : i32
      %mul3A_196 = arith.muli %add3A_194, %mul3A_195 : i32
      %add3A_197 = arith.addi %multiple_of3A_36, %mul3A_196 : i32
      %multiple_of3A_198 = tpu.assume_multiple %add3A_197, 8 : i32
      %dma_start3A_199 = arith.constant 0 : i32
      %dma_start3A_200 = tpu.memref_slice %arg16[%multiple_of3A_198, %dma_start3A_199] : memref<10000x128xf32, #tpu.memory_space<vmem_shared>> -> memref<16x128xf32, #tpu.memory_space<vmem_shared>>
      %dma_start3A_201 = arith.constant 0 : i32
      %dma_start3A_202 = tpu.memref_slice %arg16[%multiple_of3A_198, %dma_start3A_201] : memref<10000x128xf32, #tpu.memory_space<vmem_shared>> -> memref<16x128xf32, #tpu.memory_space<vmem_shared>>
      tpu.enqueue_dma source(%arg15 : memref<16x128xf32, #tpu.memory_space<vmem>>) target(%dma_start3A_202 : memref<16x128xf32, #tpu.memory_space<vmem_shared>>) target_semaphore(%arg26 : memref<!tpu.dma_semaphore, #tpu.memory_space<semaphore_mem>>)
    }
    %sub3A_55 = arith.constant 0 : i32
    %sub3A_56 = arith.subi %select_n3A, %sub3A_55 : i32
    %sub3A_57 = arith.constant 1 : i32
    %sub3A_58 = arith.constant 1 : i32
    %sub3A_59 = arith.subi %sub3A_57, %sub3A_58 : i32
    %add3A_60 = arith.addi %sub3A_56, %sub3A_59 : i32
    %div3A_61 = arith.constant 1 : i32
    %div3A_62 = arith.divsi %add3A_60, %div3A_61 : i32
    %while3A_63 = arith.constant 1 : i32
    %while3A_64 = arith.constant 0 : i32
    %while3A_65 = arith.constant 0 : i32
    %while3A_66 = arith.subi %div3A_62, %while3A_65 : i32
    %while3A_67 = arith.addi %while3A_65, %while3A_66 : i32
    %while3A_68 = arith.constant 1 : i32
    %while3A_69 = arith.divsi %while3A_66, %while3A_68 : i32
    %while3A_70 = arith.muli %while3A_69, %while3A_68 : i32
    %while3A_71 = arith.addi %while3A_65, %while3A_70 : i32
    %while3A_72 = arith.constant 1 : i32
    scf.for %while3A_192 = %while3A_65 to %while3A_71 step %while3A_72  : i32 {
      %mul3A_193 = arith.muli %while3A_192, %while3A_63 : i32
      %add3A_194 = arith.addi %while3A_64, %mul3A_193 : i32
      %mul3A_195 = arith.constant 16 : i32
      %mul3A_196 = arith.muli %add3A_194, %mul3A_195 : i32
      %add3A_197 = arith.addi %multiple_of3A_36, %mul3A_196 : i32
      %multiple_of3A_198 = tpu.assume_multiple %add3A_197, 8 : i32
      %dma_wait3A_199 = arith.constant 0 : i32
      %dma_wait3A_200 = tpu.memref_slice %arg16[%multiple_of3A_198, %dma_wait3A_199] : memref<10000x128xf32, #tpu.memory_space<vmem_shared>> -> memref<16x128xf32, #tpu.memory_space<vmem_shared>>
      %dma_wait3A_201 = arith.constant 0 : i32
      %dma_wait3A_202 = tpu.memref_slice %arg16[%multiple_of3A_198, %dma_wait3A_201] : memref<10000x128xf32, #tpu.memory_space<vmem_shared>> -> memref<16x128xf32, #tpu.memory_space<vmem_shared>>
      tpu.wait_dma2 semaphore(%arg26 : memref<!tpu.dma_semaphore, #tpu.memory_space<semaphore_mem>>) src(%arg15 : memref<16x128xf32, #tpu.memory_space<vmem>>) dst(%dma_wait3A_202 : memref<16x128xf32, #tpu.memory_space<vmem_shared>>)
    }
    %while3A_73 = arith.constant 1 : i32
    scf.for %while3A_192 = %while3A_71 to %while3A_67 step %while3A_73  : i32 {
      %mul3A_193 = arith.muli %while3A_192, %while3A_63 : i32
      %add3A_194 = arith.addi %while3A_64, %mul3A_193 : i32
      %mul3A_195 = arith.constant 16 : i32
      %mul3A_196 = arith.muli %add3A_194, %mul3A_195 : i32
      %add3A_197 = arith.addi %multiple_of3A_36, %mul3A_196 : i32
      %multiple_of3A_198 = tpu.assume_multiple %add3A_197, 8 : i32
      %dma_wait3A_199 = arith.constant 0 : i32
      %dma_wait3A_200 = tpu.memref_slice %arg16[%multiple_of3A_198, %dma_wait3A_199] : memref<10000x128xf32, #tpu.memory_space<vmem_shared>> -> memref<16x128xf32, #tpu.memory_space<vmem_shared>>
      %dma_wait3A_201 = arith.constant 0 : i32
      %dma_wait3A_202 = tpu.memref_slice %arg16[%multiple_of3A_198, %dma_wait3A_201] : memref<10000x128xf32, #tpu.memory_space<vmem_shared>> -> memref<16x128xf32, #tpu.memory_space<vmem_shared>>
      tpu.wait_dma2 semaphore(%arg26 : memref<!tpu.dma_semaphore, #tpu.memory_space<semaphore_mem>>) src(%arg15 : memref<16x128xf32, #tpu.memory_space<vmem>>) dst(%dma_wait3A_202 : memref<16x128xf32, #tpu.memory_space<vmem_shared>>)
    }
    %barrier3A = arith.constant 0 : index
    tpu.barrier barrier_id(%barrier3A)
    %dma_wait3A_74 = arith.constant 0 : i32
    %dma_wait3A_75 = tpu.memref_slice %arg7[%dma_wait3A_74] : memref<10000xi32, #tpu.memory_space<vmem>> -> memref<40xi32, #tpu.memory_space<vmem>>
    %dma_wait3A_76 = arith.constant 0 : i32
    %dma_wait3A_77 = arith.constant 0 : i32
    %dma_wait3A_78 = tpu.memref_slice %arg2[%dma_wait3A_76, %dma_wait3A_77] : memref<10000x128xf32, #tpu.memory_space<hbm>> -> memref<10000x128xf32, #tpu.memory_space<hbm>>
    tpu.wait_indirect_dma semaphore(%arg17 : memref<!tpu.dma_semaphore, #tpu.memory_space<semaphore_mem>>) src(%dma_wait3A_78 : memref<10000x128xf32, #tpu.memory_space<hbm>>) dst(%arg9 : memref<40x128xf32, #tpu.memory_space<vmem>>)
    %parallel_loop3A = arith.constant 0 : i32
    %parallel_loop3A_79 = arith.constant 40 : i32
    %parallel_loop3A_80 = arith.constant 1 : i32
    scf.for %parallel_loop3A_192 = %parallel_loop3A to %parallel_loop3A_79 step %parallel_loop3A_80  : i32 {
      %parallel_loop3A_193 = arith.constant 0 : i32
      %parallel_loop3A_194 = arith.addi %parallel_loop3A_193, %parallel_loop3A_192 : i32
      %parallel_loop3A_195 = vector.broadcast %parallel_loop3A_194 : i32 to vector<16xi32>
      %parallel_loop3A_196 = tpu.vector_load_idx %arg8[%parallel_loop3A_195] : memref<10000xf32, #tpu.memory_space<vmem>>[vector<16xi32>], vector<16xf32>,
      %parallel_loop3A_197 = arith.index_cast %parallel_loop3A_192 : i32 to index
      %parallel_loop3A_198 = arith.constant 0 : index
      %parallel_loop3A_199 = tpu.vector_load %arg9[%parallel_loop3A_197, %parallel_loop3A_198] {strides = array<i32>} : memref<40x128xf32, #tpu.memory_space<vmem>>, vector<16xf32>,
      %parallel_loop3A_200 = arith.mulf %parallel_loop3A_199, %parallel_loop3A_196 : vector<16xf32>
      %parallel_loop3A_201 = arith.index_cast %parallel_loop3A_192 : i32 to index
      %parallel_loop3A_202 = arith.constant 0 : index
      %parallel_loop3A_203 = tpu.vector_load %arg9[%parallel_loop3A_201, %parallel_loop3A_202] {strides = array<i32>} : memref<40x128xf32, #tpu.memory_space<vmem>>, vector<16xf32>,
      tpu.vector_store %arg9[%parallel_loop3A_201, %parallel_loop3A_202], %parallel_loop3A_200 {strides = array<i32>} : memref<40x128xf32, #tpu.memory_space<vmem>>, vector<16xf32>,
      %parallel_loop3A_204 = arith.index_cast %parallel_loop3A_192 : i32 to index
      %parallel_loop3A_205 = arith.constant 16 : index
      %parallel_loop3A_206 = tpu.vector_load %arg9[%parallel_loop3A_204, %parallel_loop3A_205] {strides = array<i32>} : memref<40x128xf32, #tpu.memory_space<vmem>>, vector<16xf32>,
      %parallel_loop3A_207 = arith.mulf %parallel_loop3A_206, %parallel_loop3A_196 : vector<16xf32>
      %parallel_loop3A_208 = arith.index_cast %parallel_loop3A_192 : i32 to index
      %parallel_loop3A_209 = arith.constant 16 : index
      %parallel_loop3A_210 = tpu.vector_load %arg9[%parallel_loop3A_208, %parallel_loop3A_209] {strides = array<i32>} : memref<40x128xf32, #tpu.memory_space<vmem>>, vector<16xf32>,
      tpu.vector_store %arg9[%parallel_loop3A_208, %parallel_loop3A_209], %parallel_loop3A_207 {strides = array<i32>} : memref<40x128xf32, #tpu.memory_space<vmem>>, vector<16xf32>,
      %parallel_loop3A_211 = arith.index_cast %parallel_loop3A_192 : i32 to index
      %parallel_loop3A_212 = arith.constant 32 : index
      %parallel_loop3A_213 = tpu.vector_load %arg9[%parallel_loop3A_211, %parallel_loop3A_212] {strides = array<i32>} : memref<40x128xf32, #tpu.memory_space<vmem>>, vector<16xf32>,
      %parallel_loop3A_214 = arith.mulf %parallel_loop3A_213, %parallel_loop3A_196 : vector<16xf32>
      %parallel_loop3A_215 = arith.index_cast %parallel_loop3A_192 : i32 to index
      %parallel_loop3A_216 = arith.constant 32 : index
      %parallel_loop3A_217 = tpu.vector_load %arg9[%parallel_loop3A_215, %parallel_loop3A_216] {strides = array<i32>} : memref<40x128xf32, #tpu.memory_space<vmem>>, vector<16xf32>,
      tpu.vector_store %arg9[%parallel_loop3A_215, %parallel_loop3A_216], %parallel_loop3A_214 {strides = array<i32>} : memref<40x128xf32, #tpu.memory_space<vmem>>, vector<16xf32>,
      %parallel_loop3A_218 = arith.index_cast %parallel_loop3A_192 : i32 to index
      %parallel_loop3A_219 = arith.constant 48 : index
      %parallel_loop3A_220 = tpu.vector_load %arg9[%parallel_loop3A_218, %parallel_loop3A_219] {strides = array<i32>} : memref<40x128xf32, #tpu.memory_space<vmem>>, vector<16xf32>,
      %parallel_loop3A_221 = arith.mulf %parallel_loop3A_220, %parallel_loop3A_196 : vector<16xf32>
      %parallel_loop3A_222 = arith.index_cast %parallel_loop3A_192 : i32 to index
      %parallel_loop3A_223 = arith.constant 48 : index
      %parallel_loop3A_224 = tpu.vector_load %arg9[%parallel_loop3A_222, %parallel_loop3A_223] {strides = array<i32>} : memref<40x128xf32, #tpu.memory_space<vmem>>, vector<16xf32>,
      tpu.vector_store %arg9[%parallel_loop3A_222, %parallel_loop3A_223], %parallel_loop3A_221 {strides = array<i32>} : memref<40x128xf32, #tpu.memory_space<vmem>>, vector<16xf32>,
      %parallel_loop3A_225 = arith.index_cast %parallel_loop3A_192 : i32 to index
      %parallel_loop3A_226 = arith.constant 64 : index
      %parallel_loop3A_227 = tpu.vector_load %arg9[%parallel_loop3A_225, %parallel_loop3A_226] {strides = array<i32>} : memref<40x128xf32, #tpu.memory_space<vmem>>, vector<16xf32>,
      %parallel_loop3A_228 = arith.mulf %parallel_loop3A_227, %parallel_loop3A_196 : vector<16xf32>
      %parallel_loop3A_229 = arith.index_cast %parallel_loop3A_192 : i32 to index
      %parallel_loop3A_230 = arith.constant 64 : index
      %parallel_loop3A_231 = tpu.vector_load %arg9[%parallel_loop3A_229, %parallel_loop3A_230] {strides = array<i32>} : memref<40x128xf32, #tpu.memory_space<vmem>>, vector<16xf32>,
      tpu.vector_store %arg9[%parallel_loop3A_229, %parallel_loop3A_230], %parallel_loop3A_228 {strides = array<i32>} : memref<40x128xf32, #tpu.memory_space<vmem>>, vector<16xf32>,
      %parallel_loop3A_232 = arith.index_cast %parallel_loop3A_192 : i32 to index
      %parallel_loop3A_233 = arith.constant 80 : index
      %parallel_loop3A_234 = tpu.vector_load %arg9[%parallel_loop3A_232, %parallel_loop3A_233] {strides = array<i32>} : memref<40x128xf32, #tpu.memory_space<vmem>>, vector<16xf32>,
      %parallel_loop3A_235 = arith.mulf %parallel_loop3A_234, %parallel_loop3A_196 : vector<16xf32>
      %parallel_loop3A_236 = arith.index_cast %parallel_loop3A_192 : i32 to index
      %parallel_loop3A_237 = arith.constant 80 : index
      %parallel_loop3A_238 = tpu.vector_load %arg9[%parallel_loop3A_236, %parallel_loop3A_237] {strides = array<i32>} : memref<40x128xf32, #tpu.memory_space<vmem>>, vector<16xf32>,
      tpu.vector_store %arg9[%parallel_loop3A_236, %parallel_loop3A_237], %parallel_loop3A_235 {strides = array<i32>} : memref<40x128xf32, #tpu.memory_space<vmem>>, vector<16xf32>,
      %parallel_loop3A_239 = arith.index_cast %parallel_loop3A_192 : i32 to index
      %parallel_loop3A_240 = arith.constant 96 : index
      %parallel_loop3A_241 = tpu.vector_load %arg9[%parallel_loop3A_239, %parallel_loop3A_240] {strides = array<i32>} : memref<40x128xf32, #tpu.memory_space<vmem>>, vector<16xf32>,
      %parallel_loop3A_242 = arith.mulf %parallel_loop3A_241, %parallel_loop3A_196 : vector<16xf32>
      %parallel_loop3A_243 = arith.index_cast %parallel_loop3A_192 : i32 to index
      %parallel_loop3A_244 = arith.constant 96 : index
      %parallel_loop3A_245 = tpu.vector_load %arg9[%parallel_loop3A_243, %parallel_loop3A_244] {strides = array<i32>} : memref<40x128xf32, #tpu.memory_space<vmem>>, vector<16xf32>,
      tpu.vector_store %arg9[%parallel_loop3A_243, %parallel_loop3A_244], %parallel_loop3A_242 {strides = array<i32>} : memref<40x128xf32, #tpu.memory_space<vmem>>, vector<16xf32>,
      %parallel_loop3A_246 = arith.index_cast %parallel_loop3A_192 : i32 to index
      %parallel_loop3A_247 = arith.constant 112 : index
      %parallel_loop3A_248 = tpu.vector_load %arg9[%parallel_loop3A_246, %parallel_loop3A_247] {strides = array<i32>} : memref<40x128xf32, #tpu.memory_space<vmem>>, vector<16xf32>,
      %parallel_loop3A_249 = arith.mulf %parallel_loop3A_248, %parallel_loop3A_196 : vector<16xf32>
      %parallel_loop3A_250 = arith.index_cast %parallel_loop3A_192 : i32 to index
      %parallel_loop3A_251 = arith.constant 112 : index
      %parallel_loop3A_252 = tpu.vector_load %arg9[%parallel_loop3A_250, %parallel_loop3A_251] {strides = array<i32>} : memref<40x128xf32, #tpu.memory_space<vmem>>, vector<16xf32>,
      tpu.vector_store %arg9[%parallel_loop3A_250, %parallel_loop3A_251], %parallel_loop3A_249 {strides = array<i32>} : memref<40x128xf32, #tpu.memory_space<vmem>>, vector<16xf32>,
    } {sc.loop_unroll_factor = 2 : i64, sc.parallel_access}
    %add3A_81 = arith.constant 0 : i32
    %add3A_82 = arith.addi %multiple_of3A, %add3A_81 : i32
    %multiple_of3A_83 = tpu.assume_multiple %add3A_82, 8 : i32
    %dma_wait3A_84 = tpu.memref_slice %arg4[%multiple_of3A_83] : memref<320000xi32, #tpu.memory_space<hbm>> -> memref<40xi32, #tpu.memory_space<hbm>>
    %dma_wait3A_85 = tpu.memref_slice %arg4[%multiple_of3A_83] : memref<320000xi32, #tpu.memory_space<hbm>> -> memref<40xi32, #tpu.memory_space<hbm>>
    tpu.wait_dma2 semaphore(%arg20 : memref<!tpu.dma_semaphore, #tpu.memory_space<semaphore_mem>>) src(%dma_wait3A_85 : memref<40xi32, #tpu.memory_space<hbm>>) dst(%arg12 : memref<40xi32, #tpu.memory_space<vmem>>)
    %dma_start3A_86 = arith.constant 0 : i32
    %dma_start3A_87 = arith.constant 0 : i32
    %dma_start3A_88 = tpu.memref_slice %arg16[%dma_start3A_86, %dma_start3A_87] : memref<10000x128xf32, #tpu.memory_space<vmem_shared>> -> memref<10000x128xf32, #tpu.memory_space<vmem_shared>>
    tpu.enqueue_indirect_dma source(%arg9 : memref<40x128xf32, #tpu.memory_space<vmem>>) target(%dma_start3A_88 : memref<10000x128xf32, #tpu.memory_space<vmem_shared>>) offsets(%arg12 : memref<40xi32, #tpu.memory_space<vmem>>) semaphore(%arg23 : memref<!tpu.dma_semaphore, #tpu.memory_space<semaphore_mem>>) {add = true}
    %add3A_89 = arith.constant 80 : i32
    %add3A_90 = arith.addi %multiple_of3A, %add3A_89 : i32
    %multiple_of3A_91 = tpu.assume_multiple %add3A_90, 8 : i32
    %dma_start3A_92 = arith.constant 80 : i32
    %dma_start3A_93 = tpu.memref_slice %arg7[%dma_start3A_92] : memref<10000xi32, #tpu.memory_space<vmem>> -> memref<40xi32, #tpu.memory_space<vmem>>
    %dma_start3A_94 = arith.constant 0 : i32
    %dma_start3A_95 = arith.constant 0 : i32
    %dma_start3A_96 = tpu.memref_slice %arg2[%dma_start3A_94, %dma_start3A_95] : memref<10000x128xf32, #tpu.memory_space<hbm>> -> memref<10000x128xf32, #tpu.memory_space<hbm>>
    tpu.enqueue_indirect_dma source(%dma_start3A_96 : memref<10000x128xf32, #tpu.memory_space<hbm>>) target(%arg11 : memref<40x128xf32, #tpu.memory_space<vmem>>) offsets(%dma_start3A_93 : memref<40xi32, #tpu.memory_space<vmem>>) semaphore(%arg19 : memref<!tpu.dma_semaphore, #tpu.memory_space<semaphore_mem>>)
    %dma_start3A_97 = tpu.memref_slice %arg4[%multiple_of3A_91] : memref<320000xi32, #tpu.memory_space<hbm>> -> memref<40xi32, #tpu.memory_space<hbm>>
    %dma_start3A_98 = tpu.memref_slice %arg4[%multiple_of3A_91] : memref<320000xi32, #tpu.memory_space<hbm>> -> memref<40xi32, #tpu.memory_space<hbm>>
    tpu.enqueue_dma source(%dma_start3A_98 : memref<40xi32, #tpu.memory_space<hbm>>) target(%arg14 : memref<40xi32, #tpu.memory_space<vmem>>) target_semaphore(%arg22 : memref<!tpu.dma_semaphore, #tpu.memory_space<semaphore_mem>>)
    %dma_wait3A_99 = arith.constant 40 : i32
    %dma_wait3A_100 = tpu.memref_slice %arg7[%dma_wait3A_99] : memref<10000xi32, #tpu.memory_space<vmem>> -> memref<40xi32, #tpu.memory_space<vmem>>
    %dma_wait3A_101 = arith.constant 0 : i32
    %dma_wait3A_102 = arith.constant 0 : i32
    %dma_wait3A_103 = tpu.memref_slice %arg2[%dma_wait3A_101, %dma_wait3A_102] : memref<10000x128xf32, #tpu.memory_space<hbm>> -> memref<10000x128xf32, #tpu.memory_space<hbm>>
    tpu.wait_indirect_dma semaphore(%arg18 : memref<!tpu.dma_semaphore, #tpu.memory_space<semaphore_mem>>) src(%dma_wait3A_103 : memref<10000x128xf32, #tpu.memory_space<hbm>>) dst(%arg10 : memref<40x128xf32, #tpu.memory_space<vmem>>)
    %parallel_loop3A_104 = arith.constant 0 : i32
    %parallel_loop3A_105 = arith.constant 40 : i32
    %parallel_loop3A_106 = arith.constant 1 : i32
    scf.for %parallel_loop3A_192 = %parallel_loop3A_104 to %parallel_loop3A_105 step %parallel_loop3A_106  : i32 {
      %parallel_loop3A_193 = arith.constant 40 : i32
      %parallel_loop3A_194 = arith.addi %parallel_loop3A_193, %parallel_loop3A_192 : i32
      %parallel_loop3A_195 = vector.broadcast %parallel_loop3A_194 : i32 to vector<16xi32>
      %parallel_loop3A_196 = tpu.vector_load_idx %arg8[%parallel_loop3A_195] : memref<10000xf32, #tpu.memory_space<vmem>>[vector<16xi32>], vector<16xf32>,
      %parallel_loop3A_197 = arith.index_cast %parallel_loop3A_192 : i32 to index
      %parallel_loop3A_198 = arith.constant 0 : index
      %parallel_loop3A_199 = tpu.vector_load %arg10[%parallel_loop3A_197, %parallel_loop3A_198] {strides = array<i32>} : memref<40x128xf32, #tpu.memory_space<vmem>>, vector<16xf32>,
      %parallel_loop3A_200 = arith.mulf %parallel_loop3A_199, %parallel_loop3A_196 : vector<16xf32>
      %parallel_loop3A_201 = arith.index_cast %parallel_loop3A_192 : i32 to index
      %parallel_loop3A_202 = arith.constant 0 : index
      %parallel_loop3A_203 = tpu.vector_load %arg10[%parallel_loop3A_201, %parallel_loop3A_202] {strides = array<i32>} : memref<40x128xf32, #tpu.memory_space<vmem>>, vector<16xf32>,
      tpu.vector_store %arg10[%parallel_loop3A_201, %parallel_loop3A_202], %parallel_loop3A_200 {strides = array<i32>} : memref<40x128xf32, #tpu.memory_space<vmem>>, vector<16xf32>,
      %parallel_loop3A_204 = arith.index_cast %parallel_loop3A_192 : i32 to index
      %parallel_loop3A_205 = arith.constant 16 : index
      %parallel_loop3A_206 = tpu.vector_load %arg10[%parallel_loop3A_204, %parallel_loop3A_205] {strides = array<i32>} : memref<40x128xf32, #tpu.memory_space<vmem>>, vector<16xf32>,
      %parallel_loop3A_207 = arith.mulf %parallel_loop3A_206, %parallel_loop3A_196 : vector<16xf32>
      %parallel_loop3A_208 = arith.index_cast %parallel_loop3A_192 : i32 to index
      %parallel_loop3A_209 = arith.constant 16 : index
      %parallel_loop3A_210 = tpu.vector_load %arg10[%parallel_loop3A_208, %parallel_loop3A_209] {strides = array<i32>} : memref<40x128xf32, #tpu.memory_space<vmem>>, vector<16xf32>,
      tpu.vector_store %arg10[%parallel_loop3A_208, %parallel_loop3A_209], %parallel_loop3A_207 {strides = array<i32>} : memref<40x128xf32, #tpu.memory_space<vmem>>, vector<16xf32>,
      %parallel_loop3A_211 = arith.index_cast %parallel_loop3A_192 : i32 to index
      %parallel_loop3A_212 = arith.constant 32 : index
      %parallel_loop3A_213 = tpu.vector_load %arg10[%parallel_loop3A_211, %parallel_loop3A_212] {strides = array<i32>} : memref<40x128xf32, #tpu.memory_space<vmem>>, vector<16xf32>,
      %parallel_loop3A_214 = arith.mulf %parallel_loop3A_213, %parallel_loop3A_196 : vector<16xf32>
      %parallel_loop3A_215 = arith.index_cast %parallel_loop3A_192 : i32 to index
      %parallel_loop3A_216 = arith.constant 32 : index
      %parallel_loop3A_217 = tpu.vector_load %arg10[%parallel_loop3A_215, %parallel_loop3A_216] {strides = array<i32>} : memref<40x128xf32, #tpu.memory_space<vmem>>, vector<16xf32>,
      tpu.vector_store %arg10[%parallel_loop3A_215, %parallel_loop3A_216], %parallel_loop3A_214 {strides = array<i32>} : memref<40x128xf32, #tpu.memory_space<vmem>>, vector<16xf32>,
      %parallel_loop3A_218 = arith.index_cast %parallel_loop3A_192 : i32 to index
      %parallel_loop3A_219 = arith.constant 48 : index
      %parallel_loop3A_220 = tpu.vector_load %arg10[%parallel_loop3A_218, %parallel_loop3A_219] {strides = array<i32>} : memref<40x128xf32, #tpu.memory_space<vmem>>, vector<16xf32>,
      %parallel_loop3A_221 = arith.mulf %parallel_loop3A_220, %parallel_loop3A_196 : vector<16xf32>
      %parallel_loop3A_222 = arith.index_cast %parallel_loop3A_192 : i32 to index
      %parallel_loop3A_223 = arith.constant 48 : index
      %parallel_loop3A_224 = tpu.vector_load %arg10[%parallel_loop3A_222, %parallel_loop3A_223] {strides = array<i32>} : memref<40x128xf32, #tpu.memory_space<vmem>>, vector<16xf32>,
      tpu.vector_store %arg10[%parallel_loop3A_222, %parallel_loop3A_223], %parallel_loop3A_221 {strides = array<i32>} : memref<40x128xf32, #tpu.memory_space<vmem>>, vector<16xf32>,
      %parallel_loop3A_225 = arith.index_cast %parallel_loop3A_192 : i32 to index
      %parallel_loop3A_226 = arith.constant 64 : index
      %parallel_loop3A_227 = tpu.vector_load %arg10[%parallel_loop3A_225, %parallel_loop3A_226] {strides = array<i32>} : memref<40x128xf32, #tpu.memory_space<vmem>>, vector<16xf32>,
      %parallel_loop3A_228 = arith.mulf %parallel_loop3A_227, %parallel_loop3A_196 : vector<16xf32>
      %parallel_loop3A_229 = arith.index_cast %parallel_loop3A_192 : i32 to index
      %parallel_loop3A_230 = arith.constant 64 : index
      %parallel_loop3A_231 = tpu.vector_load %arg10[%parallel_loop3A_229, %parallel_loop3A_230] {strides = array<i32>} : memref<40x128xf32, #tpu.memory_space<vmem>>, vector<16xf32>,
      tpu.vector_store %arg10[%parallel_loop3A_229, %parallel_loop3A_230], %parallel_loop3A_228 {strides = array<i32>} : memref<40x128xf32, #tpu.memory_space<vmem>>, vector<16xf32>,
      %parallel_loop3A_232 = arith.index_cast %parallel_loop3A_192 : i32 to index
      %parallel_loop3A_233 = arith.constant 80 : index
      %parallel_loop3A_234 = tpu.vector_load %arg10[%parallel_loop3A_232, %parallel_loop3A_233] {strides = array<i32>} : memref<40x128xf32, #tpu.memory_space<vmem>>, vector<16xf32>,
      %parallel_loop3A_235 = arith.mulf %parallel_loop3A_234, %parallel_loop3A_196 : vector<16xf32>
      %parallel_loop3A_236 = arith.index_cast %parallel_loop3A_192 : i32 to index
      %parallel_loop3A_237 = arith.constant 80 : index
      %parallel_loop3A_238 = tpu.vector_load %arg10[%parallel_loop3A_236, %parallel_loop3A_237] {strides = array<i32>} : memref<40x128xf32, #tpu.memory_space<vmem>>, vector<16xf32>,
      tpu.vector_store %arg10[%parallel_loop3A_236, %parallel_loop3A_237], %parallel_loop3A_235 {strides = array<i32>} : memref<40x128xf32, #tpu.memory_space<vmem>>, vector<16xf32>,
      %parallel_loop3A_239 = arith.index_cast %parallel_loop3A_192 : i32 to index
      %parallel_loop3A_240 = arith.constant 96 : index
      %parallel_loop3A_241 = tpu.vector_load %arg10[%parallel_loop3A_239, %parallel_loop3A_240] {strides = array<i32>} : memref<40x128xf32, #tpu.memory_space<vmem>>, vector<16xf32>,
      %parallel_loop3A_242 = arith.mulf %parallel_loop3A_241, %parallel_loop3A_196 : vector<16xf32>
      %parallel_loop3A_243 = arith.index_cast %parallel_loop3A_192 : i32 to index
      %parallel_loop3A_244 = arith.constant 96 : index
      %parallel_loop3A_245 = tpu.vector_load %arg10[%parallel_loop3A_243, %parallel_loop3A_244] {strides = array<i32>} : memref<40x128xf32, #tpu.memory_space<vmem>>, vector<16xf32>,
      tpu.vector_store %arg10[%parallel_loop3A_243, %parallel_loop3A_244], %parallel_loop3A_242 {strides = array<i32>} : memref<40x128xf32, #tpu.memory_space<vmem>>, vector<16xf32>,
      %parallel_loop3A_246 = arith.index_cast %parallel_loop3A_192 : i32 to index
      %parallel_loop3A_247 = arith.constant 112 : index
      %parallel_loop3A_248 = tpu.vector_load %arg10[%parallel_loop3A_246, %parallel_loop3A_247] {strides = array<i32>} : memref<40x128xf32, #tpu.memory_space<vmem>>, vector<16xf32>,
      %parallel_loop3A_249 = arith.mulf %parallel_loop3A_248, %parallel_loop3A_196 : vector<16xf32>
      %parallel_loop3A_250 = arith.index_cast %parallel_loop3A_192 : i32 to index
      %parallel_loop3A_251 = arith.constant 112 : index
      %parallel_loop3A_252 = tpu.vector_load %arg10[%parallel_loop3A_250, %parallel_loop3A_251] {strides = array<i32>} : memref<40x128xf32, #tpu.memory_space<vmem>>, vector<16xf32>,
      tpu.vector_store %arg10[%parallel_loop3A_250, %parallel_loop3A_251], %parallel_loop3A_249 {strides = array<i32>} : memref<40x128xf32, #tpu.memory_space<vmem>>, vector<16xf32>,
    } {sc.loop_unroll_factor = 2 : i64, sc.parallel_access}
    %add3A_107 = arith.constant 40 : i32
    %add3A_108 = arith.addi %multiple_of3A, %add3A_107 : i32
    %multiple_of3A_109 = tpu.assume_multiple %add3A_108, 8 : i32
    %dma_wait3A_110 = tpu.memref_slice %arg4[%multiple_of3A_109] : memref<320000xi32, #tpu.memory_space<hbm>> -> memref<40xi32, #tpu.memory_space<hbm>>
    %dma_wait3A_111 = tpu.memref_slice %arg4[%multiple_of3A_109] : memref<320000xi32, #tpu.memory_space<hbm>> -> memref<40xi32, #tpu.memory_space<hbm>>
    tpu.wait_dma2 semaphore(%arg21 : memref<!tpu.dma_semaphore, #tpu.memory_space<semaphore_mem>>) src(%dma_wait3A_111 : memref<40xi32, #tpu.memory_space<hbm>>) dst(%arg13 : memref<40xi32, #tpu.memory_space<vmem>>)
    %dma_start3A_112 = arith.constant 0 : i32
    %dma_start3A_113 = arith.constant 0 : i32
    %dma_start3A_114 = tpu.memref_slice %arg16[%dma_start3A_112, %dma_start3A_113] : memref<10000x128xf32, #tpu.memory_space<vmem_shared>> -> memref<10000x128xf32, #tpu.memory_space<vmem_shared>>
    tpu.enqueue_indirect_dma source(%arg10 : memref<40x128xf32, #tpu.memory_space<vmem>>) target(%dma_start3A_114 : memref<10000x128xf32, #tpu.memory_space<vmem_shared>>) offsets(%arg13 : memref<40xi32, #tpu.memory_space<vmem>>) semaphore(%arg24 : memref<!tpu.dma_semaphore, #tpu.memory_space<semaphore_mem>>) {add = true}
    %dma_wait3A_115 = arith.constant 0 : i32
    %dma_wait3A_116 = arith.constant 0 : i32
    %dma_wait3A_117 = tpu.memref_slice %arg16[%dma_wait3A_115, %dma_wait3A_116] : memref<10000x128xf32, #tpu.memory_space<vmem_shared>> -> memref<10000x128xf32, #tpu.memory_space<vmem_shared>>
    tpu.wait_indirect_dma semaphore(%arg23 : memref<!tpu.dma_semaphore, #tpu.memory_space<semaphore_mem>>) src(%arg9 : memref<40x128xf32, #tpu.memory_space<vmem>>) dst(%dma_wait3A_117 : memref<10000x128xf32, #tpu.memory_space<vmem_shared>>)
    %add3A_118 = arith.constant 120 : i32
    %add3A_119 = arith.addi %multiple_of3A, %add3A_118 : i32
    %multiple_of3A_120 = tpu.assume_multiple %add3A_119, 8 : i32
    %dma_start3A_121 = arith.constant 120 : i32
    %dma_start3A_122 = tpu.memref_slice %arg7[%dma_start3A_121] : memref<10000xi32, #tpu.memory_space<vmem>> -> memref<40xi32, #tpu.memory_space<vmem>>
    %dma_start3A_123 = arith.constant 0 : i32
    %dma_start3A_124 = arith.constant 0 : i32
    %dma_start3A_125 = tpu.memref_slice %arg2[%dma_start3A_123, %dma_start3A_124] : memref<10000x128xf32, #tpu.memory_space<hbm>> -> memref<10000x128xf32, #tpu.memory_space<hbm>>
    tpu.enqueue_indirect_dma source(%dma_start3A_125 : memref<10000x128xf32, #tpu.memory_space<hbm>>) target(%arg9 : memref<40x128xf32, #tpu.memory_space<vmem>>) offsets(%dma_start3A_122 : memref<40xi32, #tpu.memory_space<vmem>>) semaphore(%arg17 : memref<!tpu.dma_semaphore, #tpu.memory_space<semaphore_mem>>)
    %dma_start3A_126 = tpu.memref_slice %arg4[%multiple_of3A_120] : memref<320000xi32, #tpu.memory_space<hbm>> -> memref<40xi32, #tpu.memory_space<hbm>>
    %dma_start3A_127 = tpu.memref_slice %arg4[%multiple_of3A_120] : memref<320000xi32, #tpu.memory_space<hbm>> -> memref<40xi32, #tpu.memory_space<hbm>>
    tpu.enqueue_dma source(%dma_start3A_127 : memref<40xi32, #tpu.memory_space<hbm>>) target(%arg12 : memref<40xi32, #tpu.memory_space<vmem>>) target_semaphore(%arg20 : memref<!tpu.dma_semaphore, #tpu.memory_space<semaphore_mem>>)
    %dma_wait3A_128 = arith.constant 80 : i32
    %dma_wait3A_129 = tpu.memref_slice %arg7[%dma_wait3A_128] : memref<10000xi32, #tpu.memory_space<vmem>> -> memref<40xi32, #tpu.memory_space<vmem>>
    %dma_wait3A_130 = arith.constant 0 : i32
    %dma_wait3A_131 = arith.constant 0 : i32
    %dma_wait3A_132 = tpu.memref_slice %arg2[%dma_wait3A_130, %dma_wait3A_131] : memref<10000x128xf32, #tpu.memory_space<hbm>> -> memref<10000x128xf32, #tpu.memory_space<hbm>>
    tpu.wait_indirect_dma semaphore(%arg19 : memref<!tpu.dma_semaphore, #tpu.memory_space<semaphore_mem>>) src(%dma_wait3A_132 : memref<10000x128xf32, #tpu.memory_space<hbm>>) dst(%arg11 : memref<40x128xf32, #tpu.memory_space<vmem>>)
    %parallel_loop3A_133 = arith.constant 0 : i32
    %parallel_loop3A_134 = arith.constant 40 : i32
    %parallel_loop3A_135 = arith.constant 1 : i32
    scf.for %parallel_loop3A_192 = %parallel_loop3A_133 to %parallel_loop3A_134 step %parallel_loop3A_135  : i32 {
      %parallel_loop3A_193 = arith.constant 80 : i32
      %parallel_loop3A_194 = arith.addi %parallel_loop3A_193, %parallel_loop3A_192 : i32
      %parallel_loop3A_195 = vector.broadcast %parallel_loop3A_194 : i32 to vector<16xi32>
      %parallel_loop3A_196 = tpu.vector_load_idx %arg8[%parallel_loop3A_195] : memref<10000xf32, #tpu.memory_space<vmem>>[vector<16xi32>], vector<16xf32>,
      %parallel_loop3A_197 = arith.index_cast %parallel_loop3A_192 : i32 to index
      %parallel_loop3A_198 = arith.constant 0 : index
      %parallel_loop3A_199 = tpu.vector_load %arg11[%parallel_loop3A_197, %parallel_loop3A_198] {strides = array<i32>} : memref<40x128xf32, #tpu.memory_space<vmem>>, vector<16xf32>,
      %parallel_loop3A_200 = arith.mulf %parallel_loop3A_199, %parallel_loop3A_196 : vector<16xf32>
      %parallel_loop3A_201 = arith.index_cast %parallel_loop3A_192 : i32 to index
      %parallel_loop3A_202 = arith.constant 0 : index
      %parallel_loop3A_203 = tpu.vector_load %arg11[%parallel_loop3A_201, %parallel_loop3A_202] {strides = array<i32>} : memref<40x128xf32, #tpu.memory_space<vmem>>, vector<16xf32>,
      tpu.vector_store %arg11[%parallel_loop3A_201, %parallel_loop3A_202], %parallel_loop3A_200 {strides = array<i32>} : memref<40x128xf32, #tpu.memory_space<vmem>>, vector<16xf32>,
      %parallel_loop3A_204 = arith.index_cast %parallel_loop3A_192 : i32 to index
      %parallel_loop3A_205 = arith.constant 16 : index
      %parallel_loop3A_206 = tpu.vector_load %arg11[%parallel_loop3A_204, %parallel_loop3A_205] {strides = array<i32>} : memref<40x128xf32, #tpu.memory_space<vmem>>, vector<16xf32>,
      %parallel_loop3A_207 = arith.mulf %parallel_loop3A_206, %parallel_loop3A_196 : vector<16xf32>
      %parallel_loop3A_208 = arith.index_cast %parallel_loop3A_192 : i32 to index
      %parallel_loop3A_209 = arith.constant 16 : index
      %parallel_loop3A_210 = tpu.vector_load %arg11[%parallel_loop3A_208, %parallel_loop3A_209] {strides = array<i32>} : memref<40x128xf32, #tpu.memory_space<vmem>>, vector<16xf32>,
      tpu.vector_store %arg11[%parallel_loop3A_208, %parallel_loop3A_209], %parallel_loop3A_207 {strides = array<i32>} : memref<40x128xf32, #tpu.memory_space<vmem>>, vector<16xf32>,
      %parallel_loop3A_211 = arith.index_cast %parallel_loop3A_192 : i32 to index
      %parallel_loop3A_212 = arith.constant 32 : index
      %parallel_loop3A_213 = tpu.vector_load %arg11[%parallel_loop3A_211, %parallel_loop3A_212] {strides = array<i32>} : memref<40x128xf32, #tpu.memory_space<vmem>>, vector<16xf32>,
      %parallel_loop3A_214 = arith.mulf %parallel_loop3A_213, %parallel_loop3A_196 : vector<16xf32>
      %parallel_loop3A_215 = arith.index_cast %parallel_loop3A_192 : i32 to index
      %parallel_loop3A_216 = arith.constant 32 : index
      %parallel_loop3A_217 = tpu.vector_load %arg11[%parallel_loop3A_215, %parallel_loop3A_216] {strides = array<i32>} : memref<40x128xf32, #tpu.memory_space<vmem>>, vector<16xf32>,
      tpu.vector_store %arg11[%parallel_loop3A_215, %parallel_loop3A_216], %parallel_loop3A_214 {strides = array<i32>} : memref<40x128xf32, #tpu.memory_space<vmem>>, vector<16xf32>,
      %parallel_loop3A_218 = arith.index_cast %parallel_loop3A_192 : i32 to index
      %parallel_loop3A_219 = arith.constant 48 : index
      %parallel_loop3A_220 = tpu.vector_load %arg11[%parallel_loop3A_218, %parallel_loop3A_219] {strides = array<i32>} : memref<40x128xf32, #tpu.memory_space<vmem>>, vector<16xf32>,
      %parallel_loop3A_221 = arith.mulf %parallel_loop3A_220, %parallel_loop3A_196 : vector<16xf32>
      %parallel_loop3A_222 = arith.index_cast %parallel_loop3A_192 : i32 to index
      %parallel_loop3A_223 = arith.constant 48 : index
      %parallel_loop3A_224 = tpu.vector_load %arg11[%parallel_loop3A_222, %parallel_loop3A_223] {strides = array<i32>} : memref<40x128xf32, #tpu.memory_space<vmem>>, vector<16xf32>,
      tpu.vector_store %arg11[%parallel_loop3A_222, %parallel_loop3A_223], %parallel_loop3A_221 {strides = array<i32>} : memref<40x128xf32, #tpu.memory_space<vmem>>, vector<16xf32>,
      %parallel_loop3A_225 = arith.index_cast %parallel_loop3A_192 : i32 to index
      %parallel_loop3A_226 = arith.constant 64 : index
      %parallel_loop3A_227 = tpu.vector_load %arg11[%parallel_loop3A_225, %parallel_loop3A_226] {strides = array<i32>} : memref<40x128xf32, #tpu.memory_space<vmem>>, vector<16xf32>,
      %parallel_loop3A_228 = arith.mulf %parallel_loop3A_227, %parallel_loop3A_196 : vector<16xf32>
      %parallel_loop3A_229 = arith.index_cast %parallel_loop3A_192 : i32 to index
      %parallel_loop3A_230 = arith.constant 64 : index
      %parallel_loop3A_231 = tpu.vector_load %arg11[%parallel_loop3A_229, %parallel_loop3A_230] {strides = array<i32>} : memref<40x128xf32, #tpu.memory_space<vmem>>, vector<16xf32>,
      tpu.vector_store %arg11[%parallel_loop3A_229, %parallel_loop3A_230], %parallel_loop3A_228 {strides = array<i32>} : memref<40x128xf32, #tpu.memory_space<vmem>>, vector<16xf32>,
      %parallel_loop3A_232 = arith.index_cast %parallel_loop3A_192 : i32 to index
      %parallel_loop3A_233 = arith.constant 80 : index
      %parallel_loop3A_234 = tpu.vector_load %arg11[%parallel_loop3A_232, %parallel_loop3A_233] {strides = array<i32>} : memref<40x128xf32, #tpu.memory_space<vmem>>, vector<16xf32>,
      %parallel_loop3A_235 = arith.mulf %parallel_loop3A_234, %parallel_loop3A_196 : vector<16xf32>
      %parallel_loop3A_236 = arith.index_cast %parallel_loop3A_192 : i32 to index
      %parallel_loop3A_237 = arith.constant 80 : index
      %parallel_loop3A_238 = tpu.vector_load %arg11[%parallel_loop3A_236, %parallel_loop3A_237] {strides = array<i32>} : memref<40x128xf32, #tpu.memory_space<vmem>>, vector<16xf32>,
      tpu.vector_store %arg11[%parallel_loop3A_236, %parallel_loop3A_237], %parallel_loop3A_235 {strides = array<i32>} : memref<40x128xf32, #tpu.memory_space<vmem>>, vector<16xf32>,
      %parallel_loop3A_239 = arith.index_cast %parallel_loop3A_192 : i32 to index
      %parallel_loop3A_240 = arith.constant 96 : index
      %parallel_loop3A_241 = tpu.vector_load %arg11[%parallel_loop3A_239, %parallel_loop3A_240] {strides = array<i32>} : memref<40x128xf32, #tpu.memory_space<vmem>>, vector<16xf32>,
      %parallel_loop3A_242 = arith.mulf %parallel_loop3A_241, %parallel_loop3A_196 : vector<16xf32>
      %parallel_loop3A_243 = arith.index_cast %parallel_loop3A_192 : i32 to index
      %parallel_loop3A_244 = arith.constant 96 : index
      %parallel_loop3A_245 = tpu.vector_load %arg11[%parallel_loop3A_243, %parallel_loop3A_244] {strides = array<i32>} : memref<40x128xf32, #tpu.memory_space<vmem>>, vector<16xf32>,
      tpu.vector_store %arg11[%parallel_loop3A_243, %parallel_loop3A_244], %parallel_loop3A_242 {strides = array<i32>} : memref<40x128xf32, #tpu.memory_space<vmem>>, vector<16xf32>,
      %parallel_loop3A_246 = arith.index_cast %parallel_loop3A_192 : i32 to index
      %parallel_loop3A_247 = arith.constant 112 : index
      %parallel_loop3A_248 = tpu.vector_load %arg11[%parallel_loop3A_246, %parallel_loop3A_247] {strides = array<i32>} : memref<40x128xf32, #tpu.memory_space<vmem>>, vector<16xf32>,
      %parallel_loop3A_249 = arith.mulf %parallel_loop3A_248, %parallel_loop3A_196 : vector<16xf32>
      %parallel_loop3A_250 = arith.index_cast %parallel_loop3A_192 : i32 to index
      %parallel_loop3A_251 = arith.constant 112 : index
      %parallel_loop3A_252 = tpu.vector_load %arg11[%parallel_loop3A_250, %parallel_loop3A_251] {strides = array<i32>} : memref<40x128xf32, #tpu.memory_space<vmem>>, vector<16xf32>,
      tpu.vector_store %arg11[%parallel_loop3A_250, %parallel_loop3A_251], %parallel_loop3A_249 {strides = array<i32>} : memref<40x128xf32, #tpu.memory_space<vmem>>, vector<16xf32>,
    } {sc.loop_unroll_factor = 2 : i64, sc.parallel_access}
    %add3A_136 = arith.constant 80 : i32
    %add3A_137 = arith.addi %multiple_of3A, %add3A_136 : i32
    %multiple_of3A_138 = tpu.assume_multiple %add3A_137, 8 : i32
    %dma_wait3A_139 = tpu.memref_slice %arg4[%multiple_of3A_138] : memref<320000xi32, #tpu.memory_space<hbm>> -> memref<40xi32, #tpu.memory_space<hbm>>
    %dma_wait3A_140 = tpu.memref_slice %arg4[%multiple_of3A_138] : memref<320000xi32, #tpu.memory_space<hbm>> -> memref<40xi32, #tpu.memory_space<hbm>>
    tpu.wait_dma2 semaphore(%arg22 : memref<!tpu.dma_semaphore, #tpu.memory_space<semaphore_mem>>) src(%dma_wait3A_140 : memref<40xi32, #tpu.memory_space<hbm>>) dst(%arg14 : memref<40xi32, #tpu.memory_space<vmem>>)
    %dma_start3A_141 = arith.constant 0 : i32
    %dma_start3A_142 = arith.constant 0 : i32
    %dma_start3A_143 = tpu.memref_slice %arg16[%dma_start3A_141, %dma_start3A_142] : memref<10000x128xf32, #tpu.memory_space<vmem_shared>> -> memref<10000x128xf32, #tpu.memory_space<vmem_shared>>
    tpu.enqueue_indirect_dma source(%arg11 : memref<40x128xf32, #tpu.memory_space<vmem>>) target(%dma_start3A_143 : memref<10000x128xf32, #tpu.memory_space<vmem_shared>>) offsets(%arg14 : memref<40xi32, #tpu.memory_space<vmem>>) semaphore(%arg25 : memref<!tpu.dma_semaphore, #tpu.memory_space<semaphore_mem>>) {add = true}
    %dma_wait3A_144 = arith.constant 0 : i32
    %dma_wait3A_145 = arith.constant 0 : i32
    %dma_wait3A_146 = tpu.memref_slice %arg16[%dma_wait3A_144, %dma_wait3A_145] : memref<10000x128xf32, #tpu.memory_space<vmem_shared>> -> memref<10000x128xf32, #tpu.memory_space<vmem_shared>>
    tpu.wait_indirect_dma semaphore(%arg24 : memref<!tpu.dma_semaphore, #tpu.memory_space<semaphore_mem>>) src(%arg10 : memref<40x128xf32, #tpu.memory_space<vmem>>) dst(%dma_wait3A_146 : memref<10000x128xf32, #tpu.memory_space<vmem_shared>>)
    %add3A_147 = arith.constant 160 : i32
    %add3A_148 = arith.addi %multiple_of3A, %add3A_147 : i32
    %multiple_of3A_149 = tpu.assume_multiple %add3A_148, 8 : i32
    %dma_start3A_150 = arith.constant 160 : i32
    %dma_start3A_151 = tpu.memref_slice %arg7[%dma_start3A_150] : memref<10000xi32, #tpu.memory_space<vmem>> -> memref<40xi32, #tpu.memory_space<vmem>>
    %dma_start3A_152 = arith.constant 0 : i32
    %dma_start3A_153 = arith.constant 0 : i32
    %dma_start3A_154 = tpu.memref_slice %arg2[%dma_start3A_152, %dma_start3A_153] : memref<10000x128xf32, #tpu.memory_space<hbm>> -> memref<10000x128xf32, #tpu.memory_space<hbm>>
    tpu.enqueue_indirect_dma source(%dma_start3A_154 : memref<10000x128xf32, #tpu.memory_space<hbm>>) target(%arg10 : memref<40x128xf32, #tpu.memory_space<vmem>>) offsets(%dma_start3A_151 : memref<40xi32, #tpu.memory_space<vmem>>) semaphore(%arg18 : memref<!tpu.dma_semaphore, #tpu.memory_space<semaphore_mem>>)
    %dma_start3A_155 = tpu.memref_slice %arg4[%multiple_of3A_149] : memref<320000xi32, #tpu.memory_space<hbm>> -> memref<40xi32, #tpu.memory_space<hbm>>
    %dma_start3A_156 = tpu.memref_slice %arg4[%multiple_of3A_149] : memref<320000xi32, #tpu.memory_space<hbm>> -> memref<40xi32, #tpu.memory_space<hbm>>
    tpu.enqueue_dma source(%dma_start3A_156 : memref<40xi32, #tpu.memory_space<hbm>>) target(%arg13 : memref<40xi32, #tpu.memory_space<vmem>>) target_semaphore(%arg21 : memref<!tpu.dma_semaphore, #tpu.memory_space<semaphore_mem>>)
    %scan3A_157 = arith.constant 0 : i32
    %scan3A_158 = arith.constant 82 : i32
    %scan3A_159 = arith.addi %scan3A_157, %scan3A_158 : i32
    %scan3A_160 = arith.constant 1 : i32
    scf.for %scan3A_192 = %scan3A_157 to %scan3A_159 step %scan3A_160  : i32 {
      %mul3A_193 = arith.constant 3 : i32
      %mul3A_194 = arith.muli %scan3A_192, %mul3A_193 : i32
      %add3A_195 = arith.constant 3 : i32
      %add3A_196 = arith.addi %add3A_195, %mul3A_194 : i32
      %mul3A_197 = arith.constant 40 : i32
      %mul3A_198 = arith.muli %add3A_196, %mul3A_197 : i32
      %dma_wait3A_199 = tpu.memref_slice %arg7[%mul3A_198] : memref<10000xi32, #tpu.memory_space<vmem>> -> memref<40xi32, #tpu.memory_space<vmem>>
      %dma_wait3A_200 = arith.constant 0 : i32
      %dma_wait3A_201 = arith.constant 0 : i32
      %dma_wait3A_202 = tpu.memref_slice %arg2[%dma_wait3A_200, %dma_wait3A_201] : memref<10000x128xf32, #tpu.memory_space<hbm>> -> memref<10000x128xf32, #tpu.memory_space<hbm>>
      tpu.wait_indirect_dma semaphore(%arg17 : memref<!tpu.dma_semaphore, #tpu.memory_space<semaphore_mem>>) src(%dma_wait3A_202 : memref<10000x128xf32, #tpu.memory_space<hbm>>) dst(%arg9 : memref<40x128xf32, #tpu.memory_space<vmem>>)
      %parallel_loop3A_203 = arith.constant 0 : i32
      %parallel_loop3A_204 = arith.constant 40 : i32
      %parallel_loop3A_205 = arith.constant 1 : i32
      scf.for %parallel_loop3A_299 = %parallel_loop3A_203 to %parallel_loop3A_204 step %parallel_loop3A_205  : i32 {
        %parallel_loop3A_300 = arith.constant 40 : i32
        %parallel_loop3A_301 = arith.muli %add3A_196, %parallel_loop3A_300 : i32
        %parallel_loop3A_302 = arith.addi %parallel_loop3A_301, %parallel_loop3A_299 : i32
        %parallel_loop3A_303 = vector.broadcast %parallel_loop3A_302 : i32 to vector<16xi32>
        %parallel_loop3A_304 = tpu.vector_load_idx %arg8[%parallel_loop3A_303] : memref<10000xf32, #tpu.memory_space<vmem>>[vector<16xi32>], vector<16xf32>,
        %parallel_loop3A_305 = arith.index_cast %parallel_loop3A_299 : i32 to index
        %parallel_loop3A_306 = arith.constant 0 : index
        %parallel_loop3A_307 = tpu.vector_load %arg9[%parallel_loop3A_305, %parallel_loop3A_306] {strides = array<i32>} : memref<40x128xf32, #tpu.memory_space<vmem>>, vector<16xf32>,
        %parallel_loop3A_308 = arith.mulf %parallel_loop3A_307, %parallel_loop3A_304 : vector<16xf32>
        %parallel_loop3A_309 = arith.index_cast %parallel_loop3A_299 : i32 to index
        %parallel_loop3A_310 = arith.constant 0 : index
        %parallel_loop3A_311 = tpu.vector_load %arg9[%parallel_loop3A_309, %parallel_loop3A_310] {strides = array<i32>} : memref<40x128xf32, #tpu.memory_space<vmem>>, vector<16xf32>,
        tpu.vector_store %arg9[%parallel_loop3A_309, %parallel_loop3A_310], %parallel_loop3A_308 {strides = array<i32>} : memref<40x128xf32, #tpu.memory_space<vmem>>, vector<16xf32>,
        %parallel_loop3A_312 = arith.index_cast %parallel_loop3A_299 : i32 to index
        %parallel_loop3A_313 = arith.constant 16 : index
        %parallel_loop3A_314 = tpu.vector_load %arg9[%parallel_loop3A_312, %parallel_loop3A_313] {strides = array<i32>} : memref<40x128xf32, #tpu.memory_space<vmem>>, vector<16xf32>,
        %parallel_loop3A_315 = arith.mulf %parallel_loop3A_314, %parallel_loop3A_304 : vector<16xf32>
        %parallel_loop3A_316 = arith.index_cast %parallel_loop3A_299 : i32 to index
        %parallel_loop3A_317 = arith.constant 16 : index
        %parallel_loop3A_318 = tpu.vector_load %arg9[%parallel_loop3A_316, %parallel_loop3A_317] {strides = array<i32>} : memref<40x128xf32, #tpu.memory_space<vmem>>, vector<16xf32>,
        tpu.vector_store %arg9[%parallel_loop3A_316, %parallel_loop3A_317], %parallel_loop3A_315 {strides = array<i32>} : memref<40x128xf32, #tpu.memory_space<vmem>>, vector<16xf32>,
        %parallel_loop3A_319 = arith.index_cast %parallel_loop3A_299 : i32 to index
        %parallel_loop3A_320 = arith.constant 32 : index
        %parallel_loop3A_321 = tpu.vector_load %arg9[%parallel_loop3A_319, %parallel_loop3A_320] {strides = array<i32>} : memref<40x128xf32, #tpu.memory_space<vmem>>, vector<16xf32>,
        %parallel_loop3A_322 = arith.mulf %parallel_loop3A_321, %parallel_loop3A_304 : vector<16xf32>
        %parallel_loop3A_323 = arith.index_cast %parallel_loop3A_299 : i32 to index
        %parallel_loop3A_324 = arith.constant 32 : index
        %parallel_loop3A_325 = tpu.vector_load %arg9[%parallel_loop3A_323, %parallel_loop3A_324] {strides = array<i32>} : memref<40x128xf32, #tpu.memory_space<vmem>>, vector<16xf32>,
        tpu.vector_store %arg9[%parallel_loop3A_323, %parallel_loop3A_324], %parallel_loop3A_322 {strides = array<i32>} : memref<40x128xf32, #tpu.memory_space<vmem>>, vector<16xf32>,
        %parallel_loop3A_326 = arith.index_cast %parallel_loop3A_299 : i32 to index
        %parallel_loop3A_327 = arith.constant 48 : index
        %parallel_loop3A_328 = tpu.vector_load %arg9[%parallel_loop3A_326, %parallel_loop3A_327] {strides = array<i32>} : memref<40x128xf32, #tpu.memory_space<vmem>>, vector<16xf32>,
        %parallel_loop3A_329 = arith.mulf %parallel_loop3A_328, %parallel_loop3A_304 : vector<16xf32>
        %parallel_loop3A_330 = arith.index_cast %parallel_loop3A_299 : i32 to index
        %parallel_loop3A_331 = arith.constant 48 : index
        %parallel_loop3A_332 = tpu.vector_load %arg9[%parallel_loop3A_330, %parallel_loop3A_331] {strides = array<i32>} : memref<40x128xf32, #tpu.memory_space<vmem>>, vector<16xf32>,
        tpu.vector_store %arg9[%parallel_loop3A_330, %parallel_loop3A_331], %parallel_loop3A_329 {strides = array<i32>} : memref<40x128xf32, #tpu.memory_space<vmem>>, vector<16xf32>,
        %parallel_loop3A_333 = arith.index_cast %parallel_loop3A_299 : i32 to index
        %parallel_loop3A_334 = arith.constant 64 : index
        %parallel_loop3A_335 = tpu.vector_load %arg9[%parallel_loop3A_333, %parallel_loop3A_334] {strides = array<i32>} : memref<40x128xf32, #tpu.memory_space<vmem>>, vector<16xf32>,
        %parallel_loop3A_336 = arith.mulf %parallel_loop3A_335, %parallel_loop3A_304 : vector<16xf32>
        %parallel_loop3A_337 = arith.index_cast %parallel_loop3A_299 : i32 to index
        %parallel_loop3A_338 = arith.constant 64 : index
        %parallel_loop3A_339 = tpu.vector_load %arg9[%parallel_loop3A_337, %parallel_loop3A_338] {strides = array<i32>} : memref<40x128xf32, #tpu.memory_space<vmem>>, vector<16xf32>,
        tpu.vector_store %arg9[%parallel_loop3A_337, %parallel_loop3A_338], %parallel_loop3A_336 {strides = array<i32>} : memref<40x128xf32, #tpu.memory_space<vmem>>, vector<16xf32>,
        %parallel_loop3A_340 = arith.index_cast %parallel_loop3A_299 : i32 to index
        %parallel_loop3A_341 = arith.constant 80 : index
        %parallel_loop3A_342 = tpu.vector_load %arg9[%parallel_loop3A_340, %parallel_loop3A_341] {strides = array<i32>} : memref<40x128xf32, #tpu.memory_space<vmem>>, vector<16xf32>,
        %parallel_loop3A_343 = arith.mulf %parallel_loop3A_342, %parallel_loop3A_304 : vector<16xf32>
        %parallel_loop3A_344 = arith.index_cast %parallel_loop3A_299 : i32 to index
        %parallel_loop3A_345 = arith.constant 80 : index
        %parallel_loop3A_346 = tpu.vector_load %arg9[%parallel_loop3A_344, %parallel_loop3A_345] {strides = array<i32>} : memref<40x128xf32, #tpu.memory_space<vmem>>, vector<16xf32>,
        tpu.vector_store %arg9[%parallel_loop3A_344, %parallel_loop3A_345], %parallel_loop3A_343 {strides = array<i32>} : memref<40x128xf32, #tpu.memory_space<vmem>>, vector<16xf32>,
        %parallel_loop3A_347 = arith.index_cast %parallel_loop3A_299 : i32 to index
        %parallel_loop3A_348 = arith.constant 96 : index
        %parallel_loop3A_349 = tpu.vector_load %arg9[%parallel_loop3A_347, %parallel_loop3A_348] {strides = array<i32>} : memref<40x128xf32, #tpu.memory_space<vmem>>, vector<16xf32>,
        %parallel_loop3A_350 = arith.mulf %parallel_loop3A_349, %parallel_loop3A_304 : vector<16xf32>
        %parallel_loop3A_351 = arith.index_cast %parallel_loop3A_299 : i32 to index
        %parallel_loop3A_352 = arith.constant 96 : index
        %parallel_loop3A_353 = tpu.vector_load %arg9[%parallel_loop3A_351, %parallel_loop3A_352] {strides = array<i32>} : memref<40x128xf32, #tpu.memory_space<vmem>>, vector<16xf32>,
        tpu.vector_store %arg9[%parallel_loop3A_351, %parallel_loop3A_352], %parallel_loop3A_350 {strides = array<i32>} : memref<40x128xf32, #tpu.memory_space<vmem>>, vector<16xf32>,
        %parallel_loop3A_354 = arith.index_cast %parallel_loop3A_299 : i32 to index
        %parallel_loop3A_355 = arith.constant 112 : index
        %parallel_loop3A_356 = tpu.vector_load %arg9[%parallel_loop3A_354, %parallel_loop3A_355] {strides = array<i32>} : memref<40x128xf32, #tpu.memory_space<vmem>>, vector<16xf32>,
        %parallel_loop3A_357 = arith.mulf %parallel_loop3A_356, %parallel_loop3A_304 : vector<16xf32>
        %parallel_loop3A_358 = arith.index_cast %parallel_loop3A_299 : i32 to index
        %parallel_loop3A_359 = arith.constant 112 : index
        %parallel_loop3A_360 = tpu.vector_load %arg9[%parallel_loop3A_358, %parallel_loop3A_359] {strides = array<i32>} : memref<40x128xf32, #tpu.memory_space<vmem>>, vector<16xf32>,
        tpu.vector_store %arg9[%parallel_loop3A_358, %parallel_loop3A_359], %parallel_loop3A_357 {strides = array<i32>} : memref<40x128xf32, #tpu.memory_space<vmem>>, vector<16xf32>,
      } {sc.loop_unroll_factor = 2 : i64, sc.parallel_access}
      %mul3A_206 = arith.constant 40 : i32
      %mul3A_207 = arith.muli %add3A_196, %mul3A_206 : i32
      %add3A_208 = arith.addi %multiple_of3A, %mul3A_207 : i32
      %multiple_of3A_209 = tpu.assume_multiple %add3A_208, 8 : i32
      %dma_wait3A_210 = tpu.memref_slice %arg4[%multiple_of3A_209] : memref<320000xi32, #tpu.memory_space<hbm>> -> memref<40xi32, #tpu.memory_space<hbm>>
      %dma_wait3A_211 = tpu.memref_slice %arg4[%multiple_of3A_209] : memref<320000xi32, #tpu.memory_space<hbm>> -> memref<40xi32, #tpu.memory_space<hbm>>
      tpu.wait_dma2 semaphore(%arg20 : memref<!tpu.dma_semaphore, #tpu.memory_space<semaphore_mem>>) src(%dma_wait3A_211 : memref<40xi32, #tpu.memory_space<hbm>>) dst(%arg12 : memref<40xi32, #tpu.memory_space<vmem>>)
      %dma_start3A_212 = arith.constant 0 : i32
      %dma_start3A_213 = arith.constant 0 : i32
      %dma_start3A_214 = tpu.memref_slice %arg16[%dma_start3A_212, %dma_start3A_213] : memref<10000x128xf32, #tpu.memory_space<vmem_shared>> -> memref<10000x128xf32, #tpu.memory_space<vmem_shared>>
      tpu.enqueue_indirect_dma source(%arg9 : memref<40x128xf32, #tpu.memory_space<vmem>>) target(%dma_start3A_214 : memref<10000x128xf32, #tpu.memory_space<vmem_shared>>) offsets(%arg12 : memref<40xi32, #tpu.memory_space<vmem>>) semaphore(%arg23 : memref<!tpu.dma_semaphore, #tpu.memory_space<semaphore_mem>>) {add = true}
      %dma_wait3A_215 = arith.constant 0 : i32
      %dma_wait3A_216 = arith.constant 0 : i32
      %dma_wait3A_217 = tpu.memref_slice %arg16[%dma_wait3A_215, %dma_wait3A_216] : memref<10000x128xf32, #tpu.memory_space<vmem_shared>> -> memref<10000x128xf32, #tpu.memory_space<vmem_shared>>
      tpu.wait_indirect_dma semaphore(%arg25 : memref<!tpu.dma_semaphore, #tpu.memory_space<semaphore_mem>>) src(%arg11 : memref<40x128xf32, #tpu.memory_space<vmem>>) dst(%dma_wait3A_217 : memref<10000x128xf32, #tpu.memory_space<vmem_shared>>)
      %add3A_218 = arith.constant 2 : i32
      %add3A_219 = arith.addi %add3A_196, %add3A_218 : i32
      %mul3A_220 = arith.constant 40 : i32
      %mul3A_221 = arith.muli %add3A_219, %mul3A_220 : i32
      %add3A_222 = arith.addi %multiple_of3A, %mul3A_221 : i32
      %multiple_of3A_223 = tpu.assume_multiple %add3A_222, 8 : i32
      %mul3A_224 = arith.constant 40 : i32
      %mul3A_225 = arith.muli %add3A_219, %mul3A_224 : i32
      %dma_start3A_226 = tpu.memref_slice %arg7[%mul3A_225] : memref<10000xi32, #tpu.memory_space<vmem>> -> memref<40xi32, #tpu.memory_space<vmem>>
      %dma_start3A_227 = arith.constant 0 : i32
      %dma_start3A_228 = arith.constant 0 : i32
      %dma_start3A_229 = tpu.memref_slice %arg2[%dma_start3A_227, %dma_start3A_228] : memref<10000x128xf32, #tpu.memory_space<hbm>> -> memref<10000x128xf32, #tpu.memory_space<hbm>>
      tpu.enqueue_indirect_dma source(%dma_start3A_229 : memref<10000x128xf32, #tpu.memory_space<hbm>>) target(%arg11 : memref<40x128xf32, #tpu.memory_space<vmem>>) offsets(%dma_start3A_226 : memref<40xi32, #tpu.memory_space<vmem>>) semaphore(%arg19 : memref<!tpu.dma_semaphore, #tpu.memory_space<semaphore_mem>>)
      %dma_start3A_230 = tpu.memref_slice %arg4[%multiple_of3A_223] : memref<320000xi32, #tpu.memory_space<hbm>> -> memref<40xi32, #tpu.memory_space<hbm>>
      %dma_start3A_231 = tpu.memref_slice %arg4[%multiple_of3A_223] : memref<320000xi32, #tpu.memory_space<hbm>> -> memref<40xi32, #tpu.memory_space<hbm>>
      tpu.enqueue_dma source(%dma_start3A_231 : memref<40xi32, #tpu.memory_space<hbm>>) target(%arg14 : memref<40xi32, #tpu.memory_space<vmem>>) target_semaphore(%arg22 : memref<!tpu.dma_semaphore, #tpu.memory_space<semaphore_mem>>)
      %add3A_232 = arith.constant 1 : i32
      %add3A_233 = arith.addi %add3A_196, %add3A_232 : i32
      %mul3A_234 = arith.constant 40 : i32
      %mul3A_235 = arith.muli %add3A_233, %mul3A_234 : i32
      %dma_wait3A_236 = tpu.memref_slice %arg7[%mul3A_235] : memref<10000xi32, #tpu.memory_space<vmem>> -> memref<40xi32, #tpu.memory_space<vmem>>
      %dma_wait3A_237 = arith.constant 0 : i32
      %dma_wait3A_238 = arith.constant 0 : i32
      %dma_wait3A_239 = tpu.memref_slice %arg2[%dma_wait3A_237, %dma_wait3A_238] : memref<10000x128xf32, #tpu.memory_space<hbm>> -> memref<10000x128xf32, #tpu.memory_space<hbm>>
      tpu.wait_indirect_dma semaphore(%arg18 : memref<!tpu.dma_semaphore, #tpu.memory_space<semaphore_mem>>) src(%dma_wait3A_239 : memref<10000x128xf32, #tpu.memory_space<hbm>>) dst(%arg10 : memref<40x128xf32, #tpu.memory_space<vmem>>)
      %parallel_loop3A_240 = arith.constant 0 : i32
      %parallel_loop3A_241 = arith.constant 40 : i32
      %parallel_loop3A_242 = arith.constant 1 : i32
      scf.for %parallel_loop3A_299 = %parallel_loop3A_240 to %parallel_loop3A_241 step %parallel_loop3A_242  : i32 {
        %parallel_loop3A_300 = arith.constant 40 : i32
        %parallel_loop3A_301 = arith.muli %add3A_233, %parallel_loop3A_300 : i32
        %parallel_loop3A_302 = arith.addi %parallel_loop3A_301, %parallel_loop3A_299 : i32
        %parallel_loop3A_303 = vector.broadcast %parallel_loop3A_302 : i32 to vector<16xi32>
        %parallel_loop3A_304 = tpu.vector_load_idx %arg8[%parallel_loop3A_303] : memref<10000xf32, #tpu.memory_space<vmem>>[vector<16xi32>], vector<16xf32>,
        %parallel_loop3A_305 = arith.index_cast %parallel_loop3A_299 : i32 to index
        %parallel_loop3A_306 = arith.constant 0 : index
        %parallel_loop3A_307 = tpu.vector_load %arg10[%parallel_loop3A_305, %parallel_loop3A_306] {strides = array<i32>} : memref<40x128xf32, #tpu.memory_space<vmem>>, vector<16xf32>,
        %parallel_loop3A_308 = arith.mulf %parallel_loop3A_307, %parallel_loop3A_304 : vector<16xf32>
        %parallel_loop3A_309 = arith.index_cast %parallel_loop3A_299 : i32 to index
        %parallel_loop3A_310 = arith.constant 0 : index
        %parallel_loop3A_311 = tpu.vector_load %arg10[%parallel_loop3A_309, %parallel_loop3A_310] {strides = array<i32>} : memref<40x128xf32, #tpu.memory_space<vmem>>, vector<16xf32>,
        tpu.vector_store %arg10[%parallel_loop3A_309, %parallel_loop3A_310], %parallel_loop3A_308 {strides = array<i32>} : memref<40x128xf32, #tpu.memory_space<vmem>>, vector<16xf32>,
        %parallel_loop3A_312 = arith.index_cast %parallel_loop3A_299 : i32 to index
        %parallel_loop3A_313 = arith.constant 16 : index
        %parallel_loop3A_314 = tpu.vector_load %arg10[%parallel_loop3A_312, %parallel_loop3A_313] {strides = array<i32>} : memref<40x128xf32, #tpu.memory_space<vmem>>, vector<16xf32>,
        %parallel_loop3A_315 = arith.mulf %parallel_loop3A_314, %parallel_loop3A_304 : vector<16xf32>
        %parallel_loop3A_316 = arith.index_cast %parallel_loop3A_299 : i32 to index
        %parallel_loop3A_317 = arith.constant 16 : index
        %parallel_loop3A_318 = tpu.vector_load %arg10[%parallel_loop3A_316, %parallel_loop3A_317] {strides = array<i32>} : memref<40x128xf32, #tpu.memory_space<vmem>>, vector<16xf32>,
        tpu.vector_store %arg10[%parallel_loop3A_316, %parallel_loop3A_317], %parallel_loop3A_315 {strides = array<i32>} : memref<40x128xf32, #tpu.memory_space<vmem>>, vector<16xf32>,
        %parallel_loop3A_319 = arith.index_cast %parallel_loop3A_299 : i32 to index
        %parallel_loop3A_320 = arith.constant 32 : index
        %parallel_loop3A_321 = tpu.vector_load %arg10[%parallel_loop3A_319, %parallel_loop3A_320] {strides = array<i32>} : memref<40x128xf32, #tpu.memory_space<vmem>>, vector<16xf32>,
        %parallel_loop3A_322 = arith.mulf %parallel_loop3A_321, %parallel_loop3A_304 : vector<16xf32>
        %parallel_loop3A_323 = arith.index_cast %parallel_loop3A_299 : i32 to index
        %parallel_loop3A_324 = arith.constant 32 : index
        %parallel_loop3A_325 = tpu.vector_load %arg10[%parallel_loop3A_323, %parallel_loop3A_324] {strides = array<i32>} : memref<40x128xf32, #tpu.memory_space<vmem>>, vector<16xf32>,
        tpu.vector_store %arg10[%parallel_loop3A_323, %parallel_loop3A_324], %parallel_loop3A_322 {strides = array<i32>} : memref<40x128xf32, #tpu.memory_space<vmem>>, vector<16xf32>,
        %parallel_loop3A_326 = arith.index_cast %parallel_loop3A_299 : i32 to index
        %parallel_loop3A_327 = arith.constant 48 : index
        %parallel_loop3A_328 = tpu.vector_load %arg10[%parallel_loop3A_326, %parallel_loop3A_327] {strides = array<i32>} : memref<40x128xf32, #tpu.memory_space<vmem>>, vector<16xf32>,
        %parallel_loop3A_329 = arith.mulf %parallel_loop3A_328, %parallel_loop3A_304 : vector<16xf32>
        %parallel_loop3A_330 = arith.index_cast %parallel_loop3A_299 : i32 to index
        %parallel_loop3A_331 = arith.constant 48 : index
        %parallel_loop3A_332 = tpu.vector_load %arg10[%parallel_loop3A_330, %parallel_loop3A_331] {strides = array<i32>} : memref<40x128xf32, #tpu.memory_space<vmem>>, vector<16xf32>,
        tpu.vector_store %arg10[%parallel_loop3A_330, %parallel_loop3A_331], %parallel_loop3A_329 {strides = array<i32>} : memref<40x128xf32, #tpu.memory_space<vmem>>, vector<16xf32>,
        %parallel_loop3A_333 = arith.index_cast %parallel_loop3A_299 : i32 to index
        %parallel_loop3A_334 = arith.constant 64 : index
        %parallel_loop3A_335 = tpu.vector_load %arg10[%parallel_loop3A_333, %parallel_loop3A_334] {strides = array<i32>} : memref<40x128xf32, #tpu.memory_space<vmem>>, vector<16xf32>,
        %parallel_loop3A_336 = arith.mulf %parallel_loop3A_335, %parallel_loop3A_304 : vector<16xf32>
        %parallel_loop3A_337 = arith.index_cast %parallel_loop3A_299 : i32 to index
        %parallel_loop3A_338 = arith.constant 64 : index
        %parallel_loop3A_339 = tpu.vector_load %arg10[%parallel_loop3A_337, %parallel_loop3A_338] {strides = array<i32>} : memref<40x128xf32, #tpu.memory_space<vmem>>, vector<16xf32>,
        tpu.vector_store %arg10[%parallel_loop3A_337, %parallel_loop3A_338], %parallel_loop3A_336 {strides = array<i32>} : memref<40x128xf32, #tpu.memory_space<vmem>>, vector<16xf32>,
        %parallel_loop3A_340 = arith.index_cast %parallel_loop3A_299 : i32 to index
        %parallel_loop3A_341 = arith.constant 80 : index
        %parallel_loop3A_342 = tpu.vector_load %arg10[%parallel_loop3A_340, %parallel_loop3A_341] {strides = array<i32>} : memref<40x128xf32, #tpu.memory_space<vmem>>, vector<16xf32>,
        %parallel_loop3A_343 = arith.mulf %parallel_loop3A_342, %parallel_loop3A_304 : vector<16xf32>
        %parallel_loop3A_344 = arith.index_cast %parallel_loop3A_299 : i32 to index
        %parallel_loop3A_345 = arith.constant 80 : index
        %parallel_loop3A_346 = tpu.vector_load %arg10[%parallel_loop3A_344, %parallel_loop3A_345] {strides = array<i32>} : memref<40x128xf32, #tpu.memory_space<vmem>>, vector<16xf32>,
        tpu.vector_store %arg10[%parallel_loop3A_344, %parallel_loop3A_345], %parallel_loop3A_343 {strides = array<i32>} : memref<40x128xf32, #tpu.memory_space<vmem>>, vector<16xf32>,
        %parallel_loop3A_347 = arith.index_cast %parallel_loop3A_299 : i32 to index
        %parallel_loop3A_348 = arith.constant 96 : index
        %parallel_loop3A_349 = tpu.vector_load %arg10[%parallel_loop3A_347, %parallel_loop3A_348] {strides = array<i32>} : memref<40x128xf32, #tpu.memory_space<vmem>>, vector<16xf32>,
        %parallel_loop3A_350 = arith.mulf %parallel_loop3A_349, %parallel_loop3A_304 : vector<16xf32>
        %parallel_loop3A_351 = arith.index_cast %parallel_loop3A_299 : i32 to index
        %parallel_loop3A_352 = arith.constant 96 : index
        %parallel_loop3A_353 = tpu.vector_load %arg10[%parallel_loop3A_351, %parallel_loop3A_352] {strides = array<i32>} : memref<40x128xf32, #tpu.memory_space<vmem>>, vector<16xf32>,
        tpu.vector_store %arg10[%parallel_loop3A_351, %parallel_loop3A_352], %parallel_loop3A_350 {strides = array<i32>} : memref<40x128xf32, #tpu.memory_space<vmem>>, vector<16xf32>,
        %parallel_loop3A_354 = arith.index_cast %parallel_loop3A_299 : i32 to index
        %parallel_loop3A_355 = arith.constant 112 : index
        %parallel_loop3A_356 = tpu.vector_load %arg10[%parallel_loop3A_354, %parallel_loop3A_355] {strides = array<i32>} : memref<40x128xf32, #tpu.memory_space<vmem>>, vector<16xf32>,
        %parallel_loop3A_357 = arith.mulf %parallel_loop3A_356, %parallel_loop3A_304 : vector<16xf32>
        %parallel_loop3A_358 = arith.index_cast %parallel_loop3A_299 : i32 to index
        %parallel_loop3A_359 = arith.constant 112 : index
        %parallel_loop3A_360 = tpu.vector_load %arg10[%parallel_loop3A_358, %parallel_loop3A_359] {strides = array<i32>} : memref<40x128xf32, #tpu.memory_space<vmem>>, vector<16xf32>,
        tpu.vector_store %arg10[%parallel_loop3A_358, %parallel_loop3A_359], %parallel_loop3A_357 {strides = array<i32>} : memref<40x128xf32, #tpu.memory_space<vmem>>, vector<16xf32>,
      } {sc.loop_unroll_factor = 2 : i64, sc.parallel_access}
      %mul3A_243 = arith.constant 40 : i32
      %mul3A_244 = arith.muli %add3A_233, %mul3A_243 : i32
      %add3A_245 = arith.addi %multiple_of3A, %mul3A_244 : i32
      %multiple_of3A_246 = tpu.assume_multiple %add3A_245, 8 : i32
      %dma_wait3A_247 = tpu.memref_slice %arg4[%multiple_of3A_246] : memref<320000xi32, #tpu.memory_space<hbm>> -> memref<40xi32, #tpu.memory_space<hbm>>
      %dma_wait3A_248 = tpu.memref_slice %arg4[%multiple_of3A_246] : memref<320000xi32, #tpu.memory_space<hbm>> -> memref<40xi32, #tpu.memory_space<hbm>>
      tpu.wait_dma2 semaphore(%arg21 : memref<!tpu.dma_semaphore, #tpu.memory_space<semaphore_mem>>) src(%dma_wait3A_248 : memref<40xi32, #tpu.memory_space<hbm>>) dst(%arg13 : memref<40xi32, #tpu.memory_space<vmem>>)
      %dma_start3A_249 = arith.constant 0 : i32
      %dma_start3A_250 = arith.constant 0 : i32
      %dma_start3A_251 = tpu.memref_slice %arg16[%dma_start3A_249, %dma_start3A_250] : memref<10000x128xf32, #tpu.memory_space<vmem_shared>> -> memref<10000x128xf32, #tpu.memory_space<vmem_shared>>
      tpu.enqueue_indirect_dma source(%arg10 : memref<40x128xf32, #tpu.memory_space<vmem>>) target(%dma_start3A_251 : memref<10000x128xf32, #tpu.memory_space<vmem_shared>>) offsets(%arg13 : memref<40xi32, #tpu.memory_space<vmem>>) semaphore(%arg24 : memref<!tpu.dma_semaphore, #tpu.memory_space<semaphore_mem>>) {add = true}
      %dma_wait3A_252 = arith.constant 0 : i32
      %dma_wait3A_253 = arith.constant 0 : i32
      %dma_wait3A_254 = tpu.memref_slice %arg16[%dma_wait3A_252, %dma_wait3A_253] : memref<10000x128xf32, #tpu.memory_space<vmem_shared>> -> memref<10000x128xf32, #tpu.memory_space<vmem_shared>>
      tpu.wait_indirect_dma semaphore(%arg23 : memref<!tpu.dma_semaphore, #tpu.memory_space<semaphore_mem>>) src(%arg9 : memref<40x128xf32, #tpu.memory_space<vmem>>) dst(%dma_wait3A_254 : memref<10000x128xf32, #tpu.memory_space<vmem_shared>>)
      %add3A_255 = arith.constant 3 : i32
      %add3A_256 = arith.addi %add3A_196, %add3A_255 : i32
      %mul3A_257 = arith.constant 40 : i32
      %mul3A_258 = arith.muli %add3A_256, %mul3A_257 : i32
      %add3A_259 = arith.addi %multiple_of3A, %mul3A_258 : i32
      %multiple_of3A_260 = tpu.assume_multiple %add3A_259, 8 : i32
      %mul3A_261 = arith.constant 40 : i32
      %mul3A_262 = arith.muli %add3A_256, %mul3A_261 : i32
      %dma_start3A_263 = tpu.memref_slice %arg7[%mul3A_262] : memref<10000xi32, #tpu.memory_space<vmem>> -> memref<40xi32, #tpu.memory_space<vmem>>
      %dma_start3A_264 = arith.constant 0 : i32
      %dma_start3A_265 = arith.constant 0 : i32
      %dma_start3A_266 = tpu.memref_slice %arg2[%dma_start3A_264, %dma_start3A_265] : memref<10000x128xf32, #tpu.memory_space<hbm>> -> memref<10000x128xf32, #tpu.memory_space<hbm>>
      tpu.enqueue_indirect_dma source(%dma_start3A_266 : memref<10000x128xf32, #tpu.memory_space<hbm>>) target(%arg9 : memref<40x128xf32, #tpu.memory_space<vmem>>) offsets(%dma_start3A_263 : memref<40xi32, #tpu.memory_space<vmem>>) semaphore(%arg17 : memref<!tpu.dma_semaphore, #tpu.memory_space<semaphore_mem>>)
      %dma_start3A_267 = tpu.memref_slice %arg4[%multiple_of3A_260] : memref<320000xi32, #tpu.memory_space<hbm>> -> memref<40xi32, #tpu.memory_space<hbm>>
      %dma_start3A_268 = tpu.memref_slice %arg4[%multiple_of3A_260] : memref<320000xi32, #tpu.memory_space<hbm>> -> memref<40xi32, #tpu.memory_space<hbm>>
      tpu.enqueue_dma source(%dma_start3A_268 : memref<40xi32, #tpu.memory_space<hbm>>) target(%arg12 : memref<40xi32, #tpu.memory_space<vmem>>) target_semaphore(%arg20 : memref<!tpu.dma_semaphore, #tpu.memory_space<semaphore_mem>>)
      %add3A_269 = arith.constant 2 : i32
      %add3A_270 = arith.addi %add3A_196, %add3A_269 : i32
      %mul3A_271 = arith.constant 40 : i32
      %mul3A_272 = arith.muli %add3A_270, %mul3A_271 : i32
      %dma_wait3A_273 = tpu.memref_slice %arg7[%mul3A_272] : memref<10000xi32, #tpu.memory_space<vmem>> -> memref<40xi32, #tpu.memory_space<vmem>>
      %dma_wait3A_274 = arith.constant 0 : i32
      %dma_wait3A_275 = arith.constant 0 : i32
      %dma_wait3A_276 = tpu.memref_slice %arg2[%dma_wait3A_274, %dma_wait3A_275] : memref<10000x128xf32, #tpu.memory_space<hbm>> -> memref<10000x128xf32, #tpu.memory_space<hbm>>
      tpu.wait_indirect_dma semaphore(%arg19 : memref<!tpu.dma_semaphore, #tpu.memory_space<semaphore_mem>>) src(%dma_wait3A_276 : memref<10000x128xf32, #tpu.memory_space<hbm>>) dst(%arg11 : memref<40x128xf32, #tpu.memory_space<vmem>>)
      %parallel_loop3A_277 = arith.constant 0 : i32
      %parallel_loop3A_278 = arith.constant 40 : i32
      %parallel_loop3A_279 = arith.constant 1 : i32
      scf.for %parallel_loop3A_299 = %parallel_loop3A_277 to %parallel_loop3A_278 step %parallel_loop3A_279  : i32 {
        %parallel_loop3A_300 = arith.constant 40 : i32
        %parallel_loop3A_301 = arith.muli %add3A_270, %parallel_loop3A_300 : i32
        %parallel_loop3A_302 = arith.addi %parallel_loop3A_301, %parallel_loop3A_299 : i32
        %parallel_loop3A_303 = vector.broadcast %parallel_loop3A_302 : i32 to vector<16xi32>
        %parallel_loop3A_304 = tpu.vector_load_idx %arg8[%parallel_loop3A_303] : memref<10000xf32, #tpu.memory_space<vmem>>[vector<16xi32>], vector<16xf32>,
        %parallel_loop3A_305 = arith.index_cast %parallel_loop3A_299 : i32 to index
        %parallel_loop3A_306 = arith.constant 0 : index
        %parallel_loop3A_307 = tpu.vector_load %arg11[%parallel_loop3A_305, %parallel_loop3A_306] {strides = array<i32>} : memref<40x128xf32, #tpu.memory_space<vmem>>, vector<16xf32>,
        %parallel_loop3A_308 = arith.mulf %parallel_loop3A_307, %parallel_loop3A_304 : vector<16xf32>
        %parallel_loop3A_309 = arith.index_cast %parallel_loop3A_299 : i32 to index
        %parallel_loop3A_310 = arith.constant 0 : index
        %parallel_loop3A_311 = tpu.vector_load %arg11[%parallel_loop3A_309, %parallel_loop3A_310] {strides = array<i32>} : memref<40x128xf32, #tpu.memory_space<vmem>>, vector<16xf32>,
        tpu.vector_store %arg11[%parallel_loop3A_309, %parallel_loop3A_310], %parallel_loop3A_308 {strides = array<i32>} : memref<40x128xf32, #tpu.memory_space<vmem>>, vector<16xf32>,
        %parallel_loop3A_312 = arith.index_cast %parallel_loop3A_299 : i32 to index
        %parallel_loop3A_313 = arith.constant 16 : index
        %parallel_loop3A_314 = tpu.vector_load %arg11[%parallel_loop3A_312, %parallel_loop3A_313] {strides = array<i32>} : memref<40x128xf32, #tpu.memory_space<vmem>>, vector<16xf32>,
        %parallel_loop3A_315 = arith.mulf %parallel_loop3A_314, %parallel_loop3A_304 : vector<16xf32>
        %parallel_loop3A_316 = arith.index_cast %parallel_loop3A_299 : i32 to index
        %parallel_loop3A_317 = arith.constant 16 : index
        %parallel_loop3A_318 = tpu.vector_load %arg11[%parallel_loop3A_316, %parallel_loop3A_317] {strides = array<i32>} : memref<40x128xf32, #tpu.memory_space<vmem>>, vector<16xf32>,
        tpu.vector_store %arg11[%parallel_loop3A_316, %parallel_loop3A_317], %parallel_loop3A_315 {strides = array<i32>} : memref<40x128xf32, #tpu.memory_space<vmem>>, vector<16xf32>,
        %parallel_loop3A_319 = arith.index_cast %parallel_loop3A_299 : i32 to index
        %parallel_loop3A_320 = arith.constant 32 : index
        %parallel_loop3A_321 = tpu.vector_load %arg11[%parallel_loop3A_319, %parallel_loop3A_320] {strides = array<i32>} : memref<40x128xf32, #tpu.memory_space<vmem>>, vector<16xf32>,
        %parallel_loop3A_322 = arith.mulf %parallel_loop3A_321, %parallel_loop3A_304 : vector<16xf32>
        %parallel_loop3A_323 = arith.index_cast %parallel_loop3A_299 : i32 to index
        %parallel_loop3A_324 = arith.constant 32 : index
        %parallel_loop3A_325 = tpu.vector_load %arg11[%parallel_loop3A_323, %parallel_loop3A_324] {strides = array<i32>} : memref<40x128xf32, #tpu.memory_space<vmem>>, vector<16xf32>,
        tpu.vector_store %arg11[%parallel_loop3A_323, %parallel_loop3A_324], %parallel_loop3A_322 {strides = array<i32>} : memref<40x128xf32, #tpu.memory_space<vmem>>, vector<16xf32>,
        %parallel_loop3A_326 = arith.index_cast %parallel_loop3A_299 : i32 to index
        %parallel_loop3A_327 = arith.constant 48 : index
        %parallel_loop3A_328 = tpu.vector_load %arg11[%parallel_loop3A_326, %parallel_loop3A_327] {strides = array<i32>} : memref<40x128xf32, #tpu.memory_space<vmem>>, vector<16xf32>,
        %parallel_loop3A_329 = arith.mulf %parallel_loop3A_328, %parallel_loop3A_304 : vector<16xf32>
        %parallel_loop3A_330 = arith.index_cast %parallel_loop3A_299 : i32 to index
        %parallel_loop3A_331 = arith.constant 48 : index
        %parallel_loop3A_332 = tpu.vector_load %arg11[%parallel_loop3A_330, %parallel_loop3A_331] {strides = array<i32>} : memref<40x128xf32, #tpu.memory_space<vmem>>, vector<16xf32>,
        tpu.vector_store %arg11[%parallel_loop3A_330, %parallel_loop3A_331], %parallel_loop3A_329 {strides = array<i32>} : memref<40x128xf32, #tpu.memory_space<vmem>>, vector<16xf32>,
        %parallel_loop3A_333 = arith.index_cast %parallel_loop3A_299 : i32 to index
        %parallel_loop3A_334 = arith.constant 64 : index
        %parallel_loop3A_335 = tpu.vector_load %arg11[%parallel_loop3A_333, %parallel_loop3A_334] {strides = array<i32>} : memref<40x128xf32, #tpu.memory_space<vmem>>, vector<16xf32>,
        %parallel_loop3A_336 = arith.mulf %parallel_loop3A_335, %parallel_loop3A_304 : vector<16xf32>
        %parallel_loop3A_337 = arith.index_cast %parallel_loop3A_299 : i32 to index
        %parallel_loop3A_338 = arith.constant 64 : index
        %parallel_loop3A_339 = tpu.vector_load %arg11[%parallel_loop3A_337, %parallel_loop3A_338] {strides = array<i32>} : memref<40x128xf32, #tpu.memory_space<vmem>>, vector<16xf32>,
        tpu.vector_store %arg11[%parallel_loop3A_337, %parallel_loop3A_338], %parallel_loop3A_336 {strides = array<i32>} : memref<40x128xf32, #tpu.memory_space<vmem>>, vector<16xf32>,
        %parallel_loop3A_340 = arith.index_cast %parallel_loop3A_299 : i32 to index
        %parallel_loop3A_341 = arith.constant 80 : index
        %parallel_loop3A_342 = tpu.vector_load %arg11[%parallel_loop3A_340, %parallel_loop3A_341] {strides = array<i32>} : memref<40x128xf32, #tpu.memory_space<vmem>>, vector<16xf32>,
        %parallel_loop3A_343 = arith.mulf %parallel_loop3A_342, %parallel_loop3A_304 : vector<16xf32>
        %parallel_loop3A_344 = arith.index_cast %parallel_loop3A_299 : i32 to index
        %parallel_loop3A_345 = arith.constant 80 : index
        %parallel_loop3A_346 = tpu.vector_load %arg11[%parallel_loop3A_344, %parallel_loop3A_345] {strides = array<i32>} : memref<40x128xf32, #tpu.memory_space<vmem>>, vector<16xf32>,
        tpu.vector_store %arg11[%parallel_loop3A_344, %parallel_loop3A_345], %parallel_loop3A_343 {strides = array<i32>} : memref<40x128xf32, #tpu.memory_space<vmem>>, vector<16xf32>,
        %parallel_loop3A_347 = arith.index_cast %parallel_loop3A_299 : i32 to index
        %parallel_loop3A_348 = arith.constant 96 : index
        %parallel_loop3A_349 = tpu.vector_load %arg11[%parallel_loop3A_347, %parallel_loop3A_348] {strides = array<i32>} : memref<40x128xf32, #tpu.memory_space<vmem>>, vector<16xf32>,
        %parallel_loop3A_350 = arith.mulf %parallel_loop3A_349, %parallel_loop3A_304 : vector<16xf32>
        %parallel_loop3A_351 = arith.index_cast %parallel_loop3A_299 : i32 to index
        %parallel_loop3A_352 = arith.constant 96 : index
        %parallel_loop3A_353 = tpu.vector_load %arg11[%parallel_loop3A_351, %parallel_loop3A_352] {strides = array<i32>} : memref<40x128xf32, #tpu.memory_space<vmem>>, vector<16xf32>,
        tpu.vector_store %arg11[%parallel_loop3A_351, %parallel_loop3A_352], %parallel_loop3A_350 {strides = array<i32>} : memref<40x128xf32, #tpu.memory_space<vmem>>, vector<16xf32>,
        %parallel_loop3A_354 = arith.index_cast %parallel_loop3A_299 : i32 to index
        %parallel_loop3A_355 = arith.constant 112 : index
        %parallel_loop3A_356 = tpu.vector_load %arg11[%parallel_loop3A_354, %parallel_loop3A_355] {strides = array<i32>} : memref<40x128xf32, #tpu.memory_space<vmem>>, vector<16xf32>,
        %parallel_loop3A_357 = arith.mulf %parallel_loop3A_356, %parallel_loop3A_304 : vector<16xf32>
        %parallel_loop3A_358 = arith.index_cast %parallel_loop3A_299 : i32 to index
        %parallel_loop3A_359 = arith.constant 112 : index
        %parallel_loop3A_360 = tpu.vector_load %arg11[%parallel_loop3A_358, %parallel_loop3A_359] {strides = array<i32>} : memref<40x128xf32, #tpu.memory_space<vmem>>, vector<16xf32>,
        tpu.vector_store %arg11[%parallel_loop3A_358, %parallel_loop3A_359], %parallel_loop3A_357 {strides = array<i32>} : memref<40x128xf32, #tpu.memory_space<vmem>>, vector<16xf32>,
      } {sc.loop_unroll_factor = 2 : i64, sc.parallel_access}
      %mul3A_280 = arith.constant 40 : i32
      %mul3A_281 = arith.muli %add3A_270, %mul3A_280 : i32
      %add3A_282 = arith.addi %multiple_of3A, %mul3A_281 : i32
      %multiple_of3A_283 = tpu.assume_multiple %add3A_282, 8 : i32
      %dma_wait3A_284 = tpu.memref_slice %arg4[%multiple_of3A_283] : memref<320000xi32, #tpu.memory_space<hbm>> -> memref<40xi32, #tpu.memory_space<hbm>>
      %dma_wait3A_285 = tpu.memref_slice %arg4[%multiple_of3A_283] : memref<320000xi32, #tpu.memory_space<hbm>> -> memref<40xi32, #tpu.memory_space<hbm>>
      tpu.wait_dma2 semaphore(%arg22 : memref<!tpu.dma_semaphore, #tpu.memory_space<semaphore_mem>>) src(%dma_wait3A_285 : memref<40xi32, #tpu.memory_space<hbm>>) dst(%arg14 : memref<40xi32, #tpu.memory_space<vmem>>)
      %dma_start3A_286 = arith.constant 0 : i32
      %dma_start3A_287 = arith.constant 0 : i32
      %dma_start3A_288 = tpu.memref_slice %arg16[%dma_start3A_286, %dma_start3A_287] : memref<10000x128xf32, #tpu.memory_space<vmem_shared>> -> memref<10000x128xf32, #tpu.memory_space<vmem_shared>>
      tpu.enqueue_indirect_dma source(%arg11 : memref<40x128xf32, #tpu.memory_space<vmem>>) target(%dma_start3A_288 : memref<10000x128xf32, #tpu.memory_space<vmem_shared>>) offsets(%arg14 : memref<40xi32, #tpu.memory_space<vmem>>) semaphore(%arg25 : memref<!tpu.dma_semaphore, #tpu.memory_space<semaphore_mem>>) {add = true}
      %dma_wait3A_289 = arith.constant 0 : i32
      %dma_wait3A_290 = arith.constant 0 : i32
      %dma_wait3A_291 = tpu.memref_slice %arg16[%dma_wait3A_289, %dma_wait3A_290] : memref<10000x128xf32, #tpu.memory_space<vmem_shared>> -> memref<10000x128xf32, #tpu.memory_space<vmem_shared>>
      tpu.wait_indirect_dma semaphore(%arg24 : memref<!tpu.dma_semaphore, #tpu.memory_space<semaphore_mem>>) src(%arg10 : memref<40x128xf32, #tpu.memory_space<vmem>>) dst(%dma_wait3A_291 : memref<10000x128xf32, #tpu.memory_space<vmem_shared>>)
      %add3A_292 = arith.constant 4 : i32
      %add3A_293 = arith.addi %add3A_196, %add3A_292 : i32
      %lt3A_294 = arith.constant 250 : i32
      %lt3A_295 = arith.cmpi slt, %add3A_293, %lt3A_294 : i32
      %convert_element_type3A_296 = arith.extui %lt3A_295 : i1 to i32
      %cond3A_297 = arith.constant 0 : i32
      %cond3A_298 = arith.cmpi ne, %convert_element_type3A_296, %cond3A_297 : i32
      scf.if %cond3A_298 {
        %add3A_299 = arith.constant 4 : i32
        %add3A_300 = arith.addi %add3A_196, %add3A_299 : i32
        %mul3A_301 = arith.constant 40 : i32
        %mul3A_302 = arith.muli %add3A_300, %mul3A_301 : i32
        %add3A_303 = arith.addi %multiple_of3A, %mul3A_302 : i32
        %multiple_of3A_304 = tpu.assume_multiple %add3A_303, 8 : i32
        %mul3A_305 = arith.constant 40 : i32
        %mul3A_306 = arith.muli %add3A_300, %mul3A_305 : i32
        %dma_start3A_307 = tpu.memref_slice %arg7[%mul3A_306] : memref<10000xi32, #tpu.memory_space<vmem>> -> memref<40xi32, #tpu.memory_space<vmem>>
        %dma_start3A_308 = arith.constant 0 : i32
        %dma_start3A_309 = arith.constant 0 : i32
        %dma_start3A_310 = tpu.memref_slice %arg2[%dma_start3A_308, %dma_start3A_309] : memref<10000x128xf32, #tpu.memory_space<hbm>> -> memref<10000x128xf32, #tpu.memory_space<hbm>>
        tpu.enqueue_indirect_dma source(%dma_start3A_310 : memref<10000x128xf32, #tpu.memory_space<hbm>>) target(%arg10 : memref<40x128xf32, #tpu.memory_space<vmem>>) offsets(%dma_start3A_307 : memref<40xi32, #tpu.memory_space<vmem>>) semaphore(%arg18 : memref<!tpu.dma_semaphore, #tpu.memory_space<semaphore_mem>>)
        %dma_start3A_311 = tpu.memref_slice %arg4[%multiple_of3A_304] : memref<320000xi32, #tpu.memory_space<hbm>> -> memref<40xi32, #tpu.memory_space<hbm>>
        %dma_start3A_312 = tpu.memref_slice %arg4[%multiple_of3A_304] : memref<320000xi32, #tpu.memory_space<hbm>> -> memref<40xi32, #tpu.memory_space<hbm>>
        tpu.enqueue_dma source(%dma_start3A_312 : memref<40xi32, #tpu.memory_space<hbm>>) target(%arg13 : memref<40xi32, #tpu.memory_space<vmem>>) target_semaphore(%arg21 : memref<!tpu.dma_semaphore, #tpu.memory_space<semaphore_mem>>)
      } else {
      }
    }
    %scan3A_161 = arith.constant 82 : i32
    %dma_wait3A_162 = arith.constant 9960 : i32
    %dma_wait3A_163 = tpu.memref_slice %arg7[%dma_wait3A_162] : memref<10000xi32, #tpu.memory_space<vmem>> -> memref<40xi32, #tpu.memory_space<vmem>>
    %dma_wait3A_164 = arith.constant 0 : i32
    %dma_wait3A_165 = arith.constant 0 : i32
    %dma_wait3A_166 = tpu.memref_slice %arg2[%dma_wait3A_164, %dma_wait3A_165] : memref<10000x128xf32, #tpu.memory_space<hbm>> -> memref<10000x128xf32, #tpu.memory_space<hbm>>
    tpu.wait_indirect_dma semaphore(%arg17 : memref<!tpu.dma_semaphore, #tpu.memory_space<semaphore_mem>>) src(%dma_wait3A_166 : memref<10000x128xf32, #tpu.memory_space<hbm>>) dst(%arg9 : memref<40x128xf32, #tpu.memory_space<vmem>>)
    %parallel_loop3A_167 = arith.constant 0 : i32
    %parallel_loop3A_168 = arith.constant 40 : i32
    %parallel_loop3A_169 = arith.constant 1 : i32
    scf.for %parallel_loop3A_192 = %parallel_loop3A_167 to %parallel_loop3A_168 step %parallel_loop3A_169  : i32 {
      %parallel_loop3A_193 = arith.constant 9960 : i32
      %parallel_loop3A_194 = arith.addi %parallel_loop3A_193, %parallel_loop3A_192 : i32
      %parallel_loop3A_195 = vector.broadcast %parallel_loop3A_194 : i32 to vector<16xi32>
      %parallel_loop3A_196 = tpu.vector_load_idx %arg8[%parallel_loop3A_195] : memref<10000xf32, #tpu.memory_space<vmem>>[vector<16xi32>], vector<16xf32>,
      %parallel_loop3A_197 = arith.index_cast %parallel_loop3A_192 : i32 to index
      %parallel_loop3A_198 = arith.constant 0 : index
      %parallel_loop3A_199 = tpu.vector_load %arg9[%parallel_loop3A_197, %parallel_loop3A_198] {strides = array<i32>} : memref<40x128xf32, #tpu.memory_space<vmem>>, vector<16xf32>,
      %parallel_loop3A_200 = arith.mulf %parallel_loop3A_199, %parallel_loop3A_196 : vector<16xf32>
      %parallel_loop3A_201 = arith.index_cast %parallel_loop3A_192 : i32 to index
      %parallel_loop3A_202 = arith.constant 0 : index
      %parallel_loop3A_203 = tpu.vector_load %arg9[%parallel_loop3A_201, %parallel_loop3A_202] {strides = array<i32>} : memref<40x128xf32, #tpu.memory_space<vmem>>, vector<16xf32>,
      tpu.vector_store %arg9[%parallel_loop3A_201, %parallel_loop3A_202], %parallel_loop3A_200 {strides = array<i32>} : memref<40x128xf32, #tpu.memory_space<vmem>>, vector<16xf32>,
      %parallel_loop3A_204 = arith.index_cast %parallel_loop3A_192 : i32 to index
      %parallel_loop3A_205 = arith.constant 16 : index
      %parallel_loop3A_206 = tpu.vector_load %arg9[%parallel_loop3A_204, %parallel_loop3A_205] {strides = array<i32>} : memref<40x128xf32, #tpu.memory_space<vmem>>, vector<16xf32>,
      %parallel_loop3A_207 = arith.mulf %parallel_loop3A_206, %parallel_loop3A_196 : vector<16xf32>
      %parallel_loop3A_208 = arith.index_cast %parallel_loop3A_192 : i32 to index
      %parallel_loop3A_209 = arith.constant 16 : index
      %parallel_loop3A_210 = tpu.vector_load %arg9[%parallel_loop3A_208, %parallel_loop3A_209] {strides = array<i32>} : memref<40x128xf32, #tpu.memory_space<vmem>>, vector<16xf32>,
      tpu.vector_store %arg9[%parallel_loop3A_208, %parallel_loop3A_209], %parallel_loop3A_207 {strides = array<i32>} : memref<40x128xf32, #tpu.memory_space<vmem>>, vector<16xf32>,
      %parallel_loop3A_211 = arith.index_cast %parallel_loop3A_192 : i32 to index
      %parallel_loop3A_212 = arith.constant 32 : index
      %parallel_loop3A_213 = tpu.vector_load %arg9[%parallel_loop3A_211, %parallel_loop3A_212] {strides = array<i32>} : memref<40x128xf32, #tpu.memory_space<vmem>>, vector<16xf32>,
      %parallel_loop3A_214 = arith.mulf %parallel_loop3A_213, %parallel_loop3A_196 : vector<16xf32>
      %parallel_loop3A_215 = arith.index_cast %parallel_loop3A_192 : i32 to index
      %parallel_loop3A_216 = arith.constant 32 : index
      %parallel_loop3A_217 = tpu.vector_load %arg9[%parallel_loop3A_215, %parallel_loop3A_216] {strides = array<i32>} : memref<40x128xf32, #tpu.memory_space<vmem>>, vector<16xf32>,
      tpu.vector_store %arg9[%parallel_loop3A_215, %parallel_loop3A_216], %parallel_loop3A_214 {strides = array<i32>} : memref<40x128xf32, #tpu.memory_space<vmem>>, vector<16xf32>,
      %parallel_loop3A_218 = arith.index_cast %parallel_loop3A_192 : i32 to index
      %parallel_loop3A_219 = arith.constant 48 : index
      %parallel_loop3A_220 = tpu.vector_load %arg9[%parallel_loop3A_218, %parallel_loop3A_219] {strides = array<i32>} : memref<40x128xf32, #tpu.memory_space<vmem>>, vector<16xf32>,
      %parallel_loop3A_221 = arith.mulf %parallel_loop3A_220, %parallel_loop3A_196 : vector<16xf32>
      %parallel_loop3A_222 = arith.index_cast %parallel_loop3A_192 : i32 to index
      %parallel_loop3A_223 = arith.constant 48 : index
      %parallel_loop3A_224 = tpu.vector_load %arg9[%parallel_loop3A_222, %parallel_loop3A_223] {strides = array<i32>} : memref<40x128xf32, #tpu.memory_space<vmem>>, vector<16xf32>,
      tpu.vector_store %arg9[%parallel_loop3A_222, %parallel_loop3A_223], %parallel_loop3A_221 {strides = array<i32>} : memref<40x128xf32, #tpu.memory_space<vmem>>, vector<16xf32>,
      %parallel_loop3A_225 = arith.index_cast %parallel_loop3A_192 : i32 to index
      %parallel_loop3A_226 = arith.constant 64 : index
      %parallel_loop3A_227 = tpu.vector_load %arg9[%parallel_loop3A_225, %parallel_loop3A_226] {strides = array<i32>} : memref<40x128xf32, #tpu.memory_space<vmem>>, vector<16xf32>,
      %parallel_loop3A_228 = arith.mulf %parallel_loop3A_227, %parallel_loop3A_196 : vector<16xf32>
      %parallel_loop3A_229 = arith.index_cast %parallel_loop3A_192 : i32 to index
      %parallel_loop3A_230 = arith.constant 64 : index
      %parallel_loop3A_231 = tpu.vector_load %arg9[%parallel_loop3A_229, %parallel_loop3A_230] {strides = array<i32>} : memref<40x128xf32, #tpu.memory_space<vmem>>, vector<16xf32>,
      tpu.vector_store %arg9[%parallel_loop3A_229, %parallel_loop3A_230], %parallel_loop3A_228 {strides = array<i32>} : memref<40x128xf32, #tpu.memory_space<vmem>>, vector<16xf32>,
      %parallel_loop3A_232 = arith.index_cast %parallel_loop3A_192 : i32 to index
      %parallel_loop3A_233 = arith.constant 80 : index
      %parallel_loop3A_234 = tpu.vector_load %arg9[%parallel_loop3A_232, %parallel_loop3A_233] {strides = array<i32>} : memref<40x128xf32, #tpu.memory_space<vmem>>, vector<16xf32>,
      %parallel_loop3A_235 = arith.mulf %parallel_loop3A_234, %parallel_loop3A_196 : vector<16xf32>
      %parallel_loop3A_236 = arith.index_cast %parallel_loop3A_192 : i32 to index
      %parallel_loop3A_237 = arith.constant 80 : index
      %parallel_loop3A_238 = tpu.vector_load %arg9[%parallel_loop3A_236, %parallel_loop3A_237] {strides = array<i32>} : memref<40x128xf32, #tpu.memory_space<vmem>>, vector<16xf32>,
      tpu.vector_store %arg9[%parallel_loop3A_236, %parallel_loop3A_237], %parallel_loop3A_235 {strides = array<i32>} : memref<40x128xf32, #tpu.memory_space<vmem>>, vector<16xf32>,
      %parallel_loop3A_239 = arith.index_cast %parallel_loop3A_192 : i32 to index
      %parallel_loop3A_240 = arith.constant 96 : index
      %parallel_loop3A_241 = tpu.vector_load %arg9[%parallel_loop3A_239, %parallel_loop3A_240] {strides = array<i32>} : memref<40x128xf32, #tpu.memory_space<vmem>>, vector<16xf32>,
      %parallel_loop3A_242 = arith.mulf %parallel_loop3A_241, %parallel_loop3A_196 : vector<16xf32>
      %parallel_loop3A_243 = arith.index_cast %parallel_loop3A_192 : i32 to index
      %parallel_loop3A_244 = arith.constant 96 : index
      %parallel_loop3A_245 = tpu.vector_load %arg9[%parallel_loop3A_243, %parallel_loop3A_244] {strides = array<i32>} : memref<40x128xf32, #tpu.memory_space<vmem>>, vector<16xf32>,
      tpu.vector_store %arg9[%parallel_loop3A_243, %parallel_loop3A_244], %parallel_loop3A_242 {strides = array<i32>} : memref<40x128xf32, #tpu.memory_space<vmem>>, vector<16xf32>,
      %parallel_loop3A_246 = arith.index_cast %parallel_loop3A_192 : i32 to index
      %parallel_loop3A_247 = arith.constant 112 : index
      %parallel_loop3A_248 = tpu.vector_load %arg9[%parallel_loop3A_246, %parallel_loop3A_247] {strides = array<i32>} : memref<40x128xf32, #tpu.memory_space<vmem>>, vector<16xf32>,
      %parallel_loop3A_249 = arith.mulf %parallel_loop3A_248, %parallel_loop3A_196 : vector<16xf32>
      %parallel_loop3A_250 = arith.index_cast %parallel_loop3A_192 : i32 to index
      %parallel_loop3A_251 = arith.constant 112 : index
      %parallel_loop3A_252 = tpu.vector_load %arg9[%parallel_loop3A_250, %parallel_loop3A_251] {strides = array<i32>} : memref<40x128xf32, #tpu.memory_space<vmem>>, vector<16xf32>,
      tpu.vector_store %arg9[%parallel_loop3A_250, %parallel_loop3A_251], %parallel_loop3A_249 {strides = array<i32>} : memref<40x128xf32, #tpu.memory_space<vmem>>, vector<16xf32>,
    } {sc.loop_unroll_factor = 2 : i64, sc.parallel_access}
    %add3A_170 = arith.constant 9960 : i32
    %add3A_171 = arith.addi %multiple_of3A, %add3A_170 : i32
    %multiple_of3A_172 = tpu.assume_multiple %add3A_171, 8 : i32
    %dma_wait3A_173 = tpu.memref_slice %arg4[%multiple_of3A_172] : memref<320000xi32, #tpu.memory_space<hbm>> -> memref<40xi32, #tpu.memory_space<hbm>>
    %dma_wait3A_174 = tpu.memref_slice %arg4[%multiple_of3A_172] : memref<320000xi32, #tpu.memory_space<hbm>> -> memref<40xi32, #tpu.memory_space<hbm>>
    tpu.wait_dma2 semaphore(%arg20 : memref<!tpu.dma_semaphore, #tpu.memory_space<semaphore_mem>>) src(%dma_wait3A_174 : memref<40xi32, #tpu.memory_space<hbm>>) dst(%arg12 : memref<40xi32, #tpu.memory_space<vmem>>)
    %dma_start3A_175 = arith.constant 0 : i32
    %dma_start3A_176 = arith.constant 0 : i32
    %dma_start3A_177 = tpu.memref_slice %arg16[%dma_start3A_175, %dma_start3A_176] : memref<10000x128xf32, #tpu.memory_space<vmem_shared>> -> memref<10000x128xf32, #tpu.memory_space<vmem_shared>>
    tpu.enqueue_indirect_dma source(%arg9 : memref<40x128xf32, #tpu.memory_space<vmem>>) target(%dma_start3A_177 : memref<10000x128xf32, #tpu.memory_space<vmem_shared>>) offsets(%arg12 : memref<40xi32, #tpu.memory_space<vmem>>) semaphore(%arg23 : memref<!tpu.dma_semaphore, #tpu.memory_space<semaphore_mem>>) {add = true}
    %dma_wait3A_178 = arith.constant 0 : i32
    %dma_wait3A_179 = arith.constant 0 : i32
    %dma_wait3A_180 = tpu.memref_slice %arg16[%dma_wait3A_178, %dma_wait3A_179] : memref<10000x128xf32, #tpu.memory_space<vmem_shared>> -> memref<10000x128xf32, #tpu.memory_space<vmem_shared>>
    tpu.wait_indirect_dma semaphore(%arg25 : memref<!tpu.dma_semaphore, #tpu.memory_space<semaphore_mem>>) src(%arg11 : memref<40x128xf32, #tpu.memory_space<vmem>>) dst(%dma_wait3A_180 : memref<10000x128xf32, #tpu.memory_space<vmem_shared>>)
    %dma_wait3A_181 = arith.constant 0 : i32
    %dma_wait3A_182 = arith.constant 0 : i32
    %dma_wait3A_183 = tpu.memref_slice %arg16[%dma_wait3A_181, %dma_wait3A_182] : memref<10000x128xf32, #tpu.memory_space<vmem_shared>> -> memref<10000x128xf32, #tpu.memory_space<vmem_shared>>
    tpu.wait_indirect_dma semaphore(%arg23 : memref<!tpu.dma_semaphore, #tpu.memory_space<semaphore_mem>>) src(%arg9 : memref<40x128xf32, #tpu.memory_space<vmem>>) dst(%dma_wait3A_183 : memref<10000x128xf32, #tpu.memory_space<vmem_shared>>)
    %barrier3A_184 = arith.constant 0 : index
    tpu.barrier barrier_id(%barrier3A_184)
    %lt3A = arith.constant 15 : i32
    %lt3A_185 = arith.cmpi slt, %arg1, %lt3A : i32
    %convert_element_type3A = arith.extui %lt3A_185 : i1 to i32
    %cond3A = arith.constant 0 : i32
    %cond3A_186 = arith.cmpi ne, %convert_element_type3A, %cond3A : i32
    scf.if %cond3A_186 {
      %dma_start3A_192 = arith.constant 0 : i32
      %dma_start3A_193 = arith.constant 0 : i32
      %dma_start3A_194 = tpu.memref_slice %arg6[%arg0, %dma_start3A_192, %dma_start3A_193] : memref<2x10000x128xf32, #tpu.memory_space<hbm>> -> memref<1x10000x128xf32, #tpu.memory_space<hbm>>
      %dma_start3A_195 = tpu.memref_squeeze %dma_start3A_194 : memref<1x10000x128xf32, #tpu.memory_space<hbm>> -> memref<10000x128xf32, #tpu.memory_space<hbm>>
      %dma_start3A_196 = arith.constant 0 : i32
      %dma_start3A_197 = tpu.memref_slice %dma_start3A_195[%multiple_of3A_36, %dma_start3A_196] : memref<10000x128xf32, #tpu.memory_space<hbm>> -> memref<624x128xf32, #tpu.memory_space<hbm>>
      %dma_start3A_198 = arith.constant 0 : i32
      %dma_start3A_199 = tpu.memref_slice %arg16[%multiple_of3A_36, %dma_start3A_198] : memref<10000x128xf32, #tpu.memory_space<vmem_shared>> -> memref<624x128xf32, #tpu.memory_space<vmem_shared>>
      tpu.enqueue_dma source(%dma_start3A_199 : memref<624x128xf32, #tpu.memory_space<vmem_shared>>) target(%dma_start3A_197 : memref<624x128xf32, #tpu.memory_space<hbm>>) target_semaphore(%arg26 : memref<!tpu.dma_semaphore, #tpu.memory_space<semaphore_mem>>)
      %dma_wait3A_200 = arith.constant 0 : i32
      %dma_wait3A_201 = arith.constant 0 : i32
      %dma_wait3A_202 = tpu.memref_slice %arg6[%arg0, %dma_wait3A_200, %dma_wait3A_201] : memref<2x10000x128xf32, #tpu.memory_space<hbm>> -> memref<1x10000x128xf32, #tpu.memory_space<hbm>>
      %dma_wait3A_203 = tpu.memref_squeeze %dma_wait3A_202 : memref<1x10000x128xf32, #tpu.memory_space<hbm>> -> memref<10000x128xf32, #tpu.memory_space<hbm>>
      %dma_wait3A_204 = arith.constant 0 : i32
      %dma_wait3A_205 = tpu.memref_slice %dma_wait3A_203[%multiple_of3A_36, %dma_wait3A_204] : memref<10000x128xf32, #tpu.memory_space<hbm>> -> memref<624x128xf32, #tpu.memory_space<hbm>>
      %dma_wait3A_206 = arith.constant 0 : i32
      %dma_wait3A_207 = tpu.memref_slice %arg16[%multiple_of3A_36, %dma_wait3A_206] : memref<10000x128xf32, #tpu.memory_space<vmem_shared>> -> memref<624x128xf32, #tpu.memory_space<vmem_shared>>
      tpu.wait_dma2 semaphore(%arg26 : memref<!tpu.dma_semaphore, #tpu.memory_space<semaphore_mem>>) src(%dma_wait3A_207 : memref<624x128xf32, #tpu.memory_space<vmem_shared>>) dst(%dma_wait3A_205 : memref<624x128xf32, #tpu.memory_space<hbm>>)
    } else {
    }
    %eq3A_187 = arith.constant 15 : i32
    %eq3A_188 = arith.cmpi eq, %arg1, %eq3A_187 : i32
    %convert_element_type3A_189 = arith.extui %eq3A_188 : i1 to i32
    %cond3A_190 = arith.constant 0 : i32
    %cond3A_191 = arith.cmpi ne, %convert_element_type3A_189, %cond3A_190 : i32
    scf.if %cond3A_191 {
      %dma_start3A_192 = arith.constant 0 : i32
      %dma_start3A_193 = arith.constant 0 : i32
      %dma_start3A_194 = tpu.memref_slice %arg6[%arg0, %dma_start3A_192, %dma_start3A_193] : memref<2x10000x128xf32, #tpu.memory_space<hbm>> -> memref<1x10000x128xf32, #tpu.memory_space<hbm>>
      %dma_start3A_195 = tpu.memref_squeeze %dma_start3A_194 : memref<1x10000x128xf32, #tpu.memory_space<hbm>> -> memref<10000x128xf32, #tpu.memory_space<hbm>>
      %dma_start3A_196 = arith.constant 0 : i32
      %dma_start3A_197 = tpu.memref_slice %dma_start3A_195[%multiple_of3A_36, %dma_start3A_196] : memref<10000x128xf32, #tpu.memory_space<hbm>> -> memref<640x128xf32, #tpu.memory_space<hbm>>
      %dma_start3A_198 = arith.constant 0 : i32
      %dma_start3A_199 = tpu.memref_slice %arg16[%multiple_of3A_36, %dma_start3A_198] : memref<10000x128xf32, #tpu.memory_space<vmem_shared>> -> memref<640x128xf32, #tpu.memory_space<vmem_shared>>
      tpu.enqueue_dma source(%dma_start3A_199 : memref<640x128xf32, #tpu.memory_space<vmem_shared>>) target(%dma_start3A_197 : memref<640x128xf32, #tpu.memory_space<hbm>>) target_semaphore(%arg26 : memref<!tpu.dma_semaphore, #tpu.memory_space<semaphore_mem>>)
      %dma_wait3A_200 = arith.constant 0 : i32
      %dma_wait3A_201 = arith.constant 0 : i32
      %dma_wait3A_202 = tpu.memref_slice %arg6[%arg0, %dma_wait3A_200, %dma_wait3A_201] : memref<2x10000x128xf32, #tpu.memory_space<hbm>> -> memref<1x10000x128xf32, #tpu.memory_space<hbm>>
      %dma_wait3A_203 = tpu.memref_squeeze %dma_wait3A_202 : memref<1x10000x128xf32, #tpu.memory_space<hbm>> -> memref<10000x128xf32, #tpu.memory_space<hbm>>
      %dma_wait3A_204 = arith.constant 0 : i32
      %dma_wait3A_205 = tpu.memref_slice %dma_wait3A_203[%multiple_of3A_36, %dma_wait3A_204] : memref<10000x128xf32, #tpu.memory_space<hbm>> -> memref<640x128xf32, #tpu.memory_space<hbm>>
      %dma_wait3A_206 = arith.constant 0 : i32
      %dma_wait3A_207 = tpu.memref_slice %arg16[%multiple_of3A_36, %dma_wait3A_206] : memref<10000x128xf32, #tpu.memory_space<vmem_shared>> -> memref<640x128xf32, #tpu.memory_space<vmem_shared>>
      tpu.wait_dma2 semaphore(%arg26 : memref<!tpu.dma_semaphore, #tpu.memory_space<semaphore_mem>>) src(%dma_wait3A_207 : memref<640x128xf32, #tpu.memory_space<vmem_shared>>) dst(%dma_wait3A_205 : memref<640x128xf32, #tpu.memory_space<hbm>>)
    } else {
    }
    return
  }
}

module attributes {stable_mosaic.version = 14 : i64} {
  func.func @body(%arg0: i32, %arg1: memref<1000x128xf32, #tpu.memory_space<vmem>>, %arg2: memref<1000x128xf32, #tpu.memory_space<vmem>>, %arg3: memref<128x128xf32, #tpu.memory_space<vmem>>, %arg4: memref<1000x128xf32, #tpu.memory_space<vmem>>) attributes {dimension_semantics = [#tpu.dimension_semantics<arbitrary>], iteration_bounds = array<i64: 10>, scalar_prefetch = 0 : i64, scratch_operands = 0 : i64, tpu.core_type = #tpu.core_type<tc>, window_params = [{transform_indices = @transform_0, window_bounds = array<i64: 1000, 128>}, {transform_indices = @transform_1, window_bounds = array<i64: 1000, 128>}, {pipeline_mode = #tpu.pipeline_mode<synchronous>, transform_indices = @transform_2, window_bounds = array<i64: 128, 128>}, {transform_indices = @transform_3, window_bounds = array<i64: 1000, 128>}]} {
    %get3A = arith.constant 0 : index
    %get3A_0 = arith.constant 0 : index
    %get3A_1 = vector.load %arg1[%get3A, %get3A_0] : memref<1000x128xf32, #tpu.memory_space<vmem>>, vector<1000x128xf32>
    %get3A_2 = arith.constant 0 : index
    %get3A_3 = arith.constant 0 : index
    %get3A_4 = vector.load %arg2[%get3A_2, %get3A_3] : memref<1000x128xf32, #tpu.memory_space<vmem>>, vector<1000x128xf32>
    %add3A = arith.addf %get3A_1, %get3A_4 : vector<1000x128xf32>
    %get3A_5 = arith.constant 0 : index
    %get3A_6 = arith.constant 0 : index
    %get3A_7 = vector.load %arg3[%get3A_5, %get3A_6] : memref<128x128xf32, #tpu.memory_space<vmem>>, vector<128x128xf32>
    %dot_general3A = arith.constant dense<0.000000e+00> : vector<1000x128xf32>
    %dot_general3A_8 = tpu.matmul %add3A, %get3A_7, %dot_general3A {dimension_numbers = #tpu.dot_dimension_numbers<[1], [0], [0], [1], [0, 0, 1, 1], [], []>, transpose_lhs_hint = false} : vector<1000x128xf32>, vector<128x128xf32>, vector<1000x128xf32> -> vector<1000x128xf32>
    %swap3A = arith.constant 0 : index
    %swap3A_9 = arith.constant 0 : index
    %swap3A_10 = vector.load %arg4[%swap3A, %swap3A_9] : memref<1000x128xf32, #tpu.memory_space<vmem>>, vector<1000x128xf32>
    tpu.vector_store %arg4[%swap3A, %swap3A_9], %dot_general3A_8 {strides = array<i32>} : memref<1000x128xf32, #tpu.memory_space<vmem>>, vector<1000x128xf32>,
    return
  }
  func.func @transform_0(%arg0: i32) -> (i32, i32) {
    %c0_i32 = arith.constant 0 : i32
    %c0_i32_0 = arith.constant 0 : i32
    return %arg0, %c0_i32 : i32, i32
  }
  func.func @transform_1(%arg0: i32) -> (i32, i32) {
    %c0_i32 = arith.constant 0 : i32
    %c0_i32_0 = arith.constant 0 : i32
    return %arg0, %c0_i32 : i32, i32
  }
  func.func @transform_2(%arg0: i32) -> (i32, i32) {
    %c0_i32 = arith.constant 0 : i32
    %c0_i32_0 = arith.constant 0 : i32
    %c0_i32_1 = arith.constant 0 : i32
    return %c0_i32, %c0_i32_0 : i32, i32
  }
  func.func @transform_3(%arg0: i32) -> (i32, i32) {
    %c0_i32 = arith.constant 0 : i32
    %c0_i32_0 = arith.constant 0 : i32
    return %arg0, %c0_i32 : i32, i32
  }
}

module attributes {stable_mosaic.version = 14 : i64} {
  func.func @body(%arg0: i32, %arg1: memref<1000x128xf32, #tpu.memory_space<vmem>>, %arg2: memref<1000x128xf32, #tpu.memory_space<vmem>>, %arg3: memref<128x128xf32, #tpu.memory_space<vmem>>, %arg4: memref<1000x128xf32, #tpu.memory_space<vmem>>) attributes {dimension_semantics = [#tpu.dimension_semantics<arbitrary>], iteration_bounds = array<i64: 10>, scalar_prefetch = 0 : i64, scratch_operands = 0 : i64, tpu.core_type = #tpu.core_type<tc>, window_params = [{transform_indices = @transform_0, window_bounds = array<i64: 1000, 128>}, {transform_indices = @transform_1, window_bounds = array<i64: 1000, 128>}, {pipeline_mode = #tpu.pipeline_mode<synchronous>, transform_indices = @transform_2, window_bounds = array<i64: 128, 128>}, {transform_indices = @transform_3, window_bounds = array<i64: 1000, 128>}]} {
    %get3A = arith.constant 0 : index
    %get3A_0 = arith.constant 0 : index
    %get3A_1 = vector.load %arg1[%get3A, %get3A_0] : memref<1000x128xf32, #tpu.memory_space<vmem>>, vector<1000x128xf32>
    %get3A_2 = arith.constant 0 : index
    %get3A_3 = arith.constant 0 : index
    %get3A_4 = vector.load %arg2[%get3A_2, %get3A_3] : memref<1000x128xf32, #tpu.memory_space<vmem>>, vector<1000x128xf32>
    %add3A = arith.addf %get3A_1, %get3A_4 : vector<1000x128xf32>
    %get3A_5 = arith.constant 0 : index
    %get3A_6 = arith.constant 0 : index
    %get3A_7 = vector.load %arg3[%get3A_5, %get3A_6] : memref<128x128xf32, #tpu.memory_space<vmem>>, vector<128x128xf32>
    %dot_general3A = arith.constant dense<0.000000e+00> : vector<1000x128xf32>
    %dot_general3A_8 = tpu.matmul %add3A, %get3A_7, %dot_general3A {dimension_numbers = #tpu.dot_dimension_numbers<[1], [0], [0], [1], [0, 0, 1, 1], [], []>, transpose_lhs_hint = false} : vector<1000x128xf32>, vector<128x128xf32>, vector<1000x128xf32> -> vector<1000x128xf32>
    %max3A = arith.constant 0.000000e+00 : f32
    %max3A_9 = vector.broadcast %max3A : f32 to vector<1000x128xf32>
    %max3A_10 = arith.maximumf %dot_general3A_8, %max3A_9 : vector<1000x128xf32>
    %swap3A = arith.constant 0 : index
    %swap3A_11 = arith.constant 0 : index
    %swap3A_12 = vector.load %arg4[%swap3A, %swap3A_11] : memref<1000x128xf32, #tpu.memory_space<vmem>>, vector<1000x128xf32>
    tpu.vector_store %arg4[%swap3A, %swap3A_11], %max3A_10 {strides = array<i32>} : memref<1000x128xf32, #tpu.memory_space<vmem>>, vector<1000x128xf32>,
    return
  }
  func.func @transform_0(%arg0: i32) -> (i32, i32) {
    %c0_i32 = arith.constant 0 : i32
    %c0_i32_0 = arith.constant 0 : i32
    return %arg0, %c0_i32 : i32, i32
  }
  func.func @transform_1(%arg0: i32) -> (i32, i32) {
    %c0_i32 = arith.constant 0 : i32
    %c0_i32_0 = arith.constant 0 : i32
    return %arg0, %c0_i32 : i32, i32
  }
  func.func @transform_2(%arg0: i32) -> (i32, i32) {
    %c0_i32 = arith.constant 0 : i32
    %c0_i32_0 = arith.constant 0 : i32
    %c0_i32_1 = arith.constant 0 : i32
    return %c0_i32, %c0_i32_0 : i32, i32
  }
  func.func @transform_3(%arg0: i32) -> (i32, i32) {
    %c0_i32 = arith.constant 0 : i32
    %c0_i32_0 = arith.constant 0 : i32
    return %arg0, %c0_i32 : i32, i32
  }
}

</mosaic_0001>

<sc_bundles>
// kernel: kernel.6.cloned.1.call-start
scs
__scs_entry_jumppad:
0x0: {  	(pc) =	sbr.rel $0x88, $3  }
0x1: {  	(tag) =	ssettag $0x0;
	lr =	simm.s32 $0x1  }
0x2: {  	[smem:$0x3F9C] =	sst lr;
	_ =	strace $0xD0000000  }
0x3: {  	_ = 	snop  }
0x4: {  	_ = 	snop  }
0x5: {  	_ = 	snop  }
0x6: {  	_ = 	snop  }
0x7: {  	_ = 	snop  }
__scs_overlays_trampoline_lowered:
0x8: {  	[smem:$0x3FAB] =	sst s0  }
0x9: {  	[smem:$0x3FAC] =	sst s1  }
0xa: {  	[smem:$0x3FAD] =	sst s2  }
0xb: {  	[smem:$0x3FAE] =	sst s3  }
0xc: {  	[smem:$0x3FAF] =	sst s4  }
0xd: {  	[smem:$0x3FB0] =	sst s5  }
0xe: {  	[smem:$0x3FB1] =	sst s6  }
0xf: {  	[smem:$0x3FB2] =	sst s7  }
0x10: {  	[smem:$0x3FB3] =	sst s8  }
0x11: {  	[smem:$0x3FB4] =	sst s9;
	s0 =	simm.s32 @!p0 $0x0  }
0x12: {  	s1 =	sld [smem:$0x3F9A];
	s0 =	simm.s32 @p0 $0x1  }
0x13: {  	[smem:$0x3FB5] =	sst s0;
	s0 =	simm.s32 @!p1 $0x0  }
0x14: {  	s2 =	sld [smem:$0x3F99];
	s0 =	simm.s32 @p1 $0x1  }
0x15: {  	[smem:$0x3FB6] =	sst s0;
	s0 =	simm.s32 @!p2 $0x0  }
0x16: {  	s3 =	sld [smem:$0x3FDB];
	s0 =	simm.s32 @p2 $0x1  }
0x17: {  	s4 =	simm.s32 $0x1BF5;
	[smem:$0x3FB8] =	sst s0  }
0x18: {  	s0 =	sld [smem:$0x3F9B];
	_ =	swait.ge [sflag:s4], $0x0  }
0x19: {  	s7 =	sld [smem:$0x3F9C]  }
0x1a: {  	s8 =	sadd.s32 $0xFFFFE003, lr  }
0x1b: {  	s9 =	sadd.s32 $0xFFFFFEF7, lr;
	s5 =	simm.s32 $0xFFFFFFFF;
	p2 =	slt.u32 s8, $0xFFFFF086  }
0x1c: {  	p1 =	slt.u32 s9, $0xF7A;
	s5 =	simm.s32 @!p2 $0x0  }
0x1d: {  	s5 =	simm.s32 @p1 $0x1;
	p0 =	seq.s32 s7, s2  }
0x1e: {  	s7 =	smul.u32 @!p0 $0xF7A, s2;
	p2 =	seq.s32 @!p0 s5, $0x0  }
0x1f: {  	s9 =	smul.u32 $0xF7A, s1;
	s8 =	simm.s32 @!p0 $0x1BF5;
	p2 =	por !p2, p0  }
0x20: {  	[sflag:s8] =	ssyncset.s32 @!p0 $0xFFFFF086;
	s6 =	sadd.s32 @!p0 s3, s7;
	s7 =	simm.s32 @!p0 $0x108  }
0x21: {  	s3 =	sadd.s32 s3, s9;
	s6 =	sadd.s32 @!p0 $0x88, s6;
	s7 =	simm.s32 @p2 $0x1082  }
0x22: {  	[simem:s7], [sflag:s8] =	dma.local @!p0 [hbm:s6], $0xF7A  }
0x23: {  	s9 =	sor.u32 $0xD0000000, s2;
	s6 =	simm.s32 $0x108;
	_ =	swait.ge @!p0 [sflag:s8], $0x0  }
0x24: {  	s3 =	sadd.s32 $0x88, s3;
	s6 =	simm.s32 @!p1 $0x1082;
	[sflag:s4] =	ssyncset.s32 $0xFFFFF086  }
0x25: {  	[simem:s6], [sflag:s4] =	dma.local [hbm:s3], $0xF7A  }
0x26: {  	[smem:$0x3F9C] =	sst s1;
	(tag) =	ssettag s2;
	_ =	strace s9  }
0x27: {  	s1 =	sld [smem:$0x3FAC]  }
0x28: {  	s2 =	sld [smem:$0x3FAD]  }
0x29: {  	s4 =	sld [smem:$0x3FAF]  }
0x2a: {  	p0 =	seq.s32 s5, $0x0;
	s5 =	sld [smem:$0x3FB0]  }
0x2b: {  	s6 =	sld [smem:$0x3FB1]  }
0x2c: {  	s7 =	sld [smem:$0x3FB2]  }
0x2d: {  	s3 =	simm.s32 $0x108;
	s8 =	sld [smem:$0x3FB3]  }
0x2e: {  	s3 =	simm.s32 @!p0 $0x1082;
	s9 =	sld [smem:$0x3FB4]  }
0x2f: {  	lr =	sadd.s32 s0, s3;
	s0 =	sld [smem:$0x3FAB]  }
0x30: {  	s3 =	sld [smem:$0x3FAE]  }
0x31: {  	[smem:$0x3FB7] =	sst s10  }
0x32: {  	s10 =	sld [smem:$0x3FB5];
	_ =	sdelay $0x3  }
0x33: {  	p0 =	seq.s32 s10, $0x1;
	s10 =	sld [smem:$0x3FB7];
	_ =	sdelay $0x3  }
0x34: {  	[smem:$0x3FB7] =	sst s10  }
0x35: {  	s10 =	sld [smem:$0x3FB6];
	_ =	sdelay $0x3  }
0x36: {  	p1 =	seq.s32 s10, $0x1;
	s10 =	sld [smem:$0x3FB7];
	_ =	sdelay $0x3  }
0x37: {  	[smem:$0x3FB7] =	sst s10  }
0x38: {  	s10 =	sld [smem:$0x3FB8]  }
0x39: {  	_ = 	snop;
	(pc) =	sbr.ind lr, $3  }
0x3a: {  	_ = 	snop  }
0x3b: {  	_ = 	snop  }
0x3c: {  	p2 =	seq.s32 s10, $0x1;
	s10 =	sld [smem:$0x3FB7]  }
0x3d: {  	_ =	shalt  }
0x3e: {  	_ =	shalt  }
0x3f: {  	_ =	shalt  }
0x40: {  	_ =	shalt  }
0x41: {  	_ =	shalt  }
0x42: {  	_ =	shalt  }
0x43: {  	_ =	shalt  }
0x44: {  	_ =	shalt  }
0x45: {  	_ =	shalt  }
0x46: {  	_ =	shalt  }
0x47: {  	_ =	shalt  }
0x48: {  	_ =	shalt  }
0x49: {  	_ =	shalt  }
0x4a: {  	_ =	shalt  }
0x4b: {  	_ =	shalt  }
0x4c: {  	_ =	shalt  }
0x4d: {  	_ =	shalt  }
0x4e: {  	_ =	shalt  }
0x4f: {  	_ =	shalt  }
0x50: {  	_ =	shalt  }
0x51: {  	_ =	shalt  }
0x52: {  	_ =	shalt  }
0x53: {  	_ =	shalt  }
0x54: {  	_ =	shalt  }
0x55: {  	_ =	shalt  }
0x56: {  	_ =	shalt  }
0x57: {  	_ =	shalt  }
0x58: {  	_ =	shalt  }
0x59: {  	_ =	shalt  }
0x5a: {  	_ =	shalt  }
0x5b: {  	_ =	shalt  }
0x5c: {  	_ =	shalt  }
0x5d: {  	_ =	shalt  }
0x5e: {  	_ =	shalt  }
0x5f: {  	_ =	shalt  }
0x60: {  	_ =	shalt  }
0x61: {  	_ =	shalt  }
0x62: {  	_ =	shalt  }
0x63: {  	_ =	shalt  }
0x64: {  	_ =	shalt  }
0x65: {  	_ =	shalt  }
0x66: {  	_ =	shalt  }
0x67: {  	_ =	shalt  }
0x68: {  	_ =	shalt  }
0x69: {  	_ =	shalt  }
0x6a: {  	_ =	shalt  }
0x6b: {  	_ =	shalt  }
0x6c: {  	_ =	shalt  }
0x6d: {  	_ =	shalt  }
0x6e: {  	_ =	shalt  }
0x6f: {  	_ =	shalt  }
0x70: {  	_ =	shalt  }
0x71: {  	_ =	shalt  }
0x72: {  	_ =	shalt  }
0x73: {  	_ =	shalt  }
0x74: {  	_ =	shalt  }
0x75: {  	_ =	shalt  }
0x76: {  	_ =	shalt  }
0x77: {  	_ =	shalt  }
0x78: {  	_ =	shalt  }
0x79: {  	_ =	shalt  }
0x7a: {  	_ =	shalt  }
0x7b: {  	_ =	shalt  }
0x7c: {  	_ =	shalt  }
0x7d: {  	_ =	shalt  }
0x7e: {  	_ =	shalt  }
0x7f: {  	_ =	shalt  }
0x80: {  	_ =	shalt  }
0x81: {  	_ =	shalt  }
0x82: {  	_ =	shalt  }
0x83: {  	_ =	shalt  }
0x84: {  	_ =	shalt  }
0x85: {  	_ =	shalt  }
0x86: {  	_ =	shalt  }
0x87: {  	_ =	shalt  }
.Lfunc_end0:
.L_simem_size_0:
called_computation_lowered:
.L_overlay_start_0:
0x88: {  	s2 =	sld [smem:$0x3FD9]  }
0x89: {  	s3 =	sld [smem:$0x3FFE];
	_ =	sdelay $0x1  }
0x8a: {  	s1 =	srdreg.scid  }
0x8b: {  	s0 =	sand.u32 $0x1, s1  }
0x8c: {  	s17 =	sshll.u32 s0, $0xA;
	s2 =	sadd.s32 s3, s2  }
0x8d: {  	s2 =	sadd.s32 s2, s17  }
0x8e: {  	[smem:$0x3FC3] =	sst s2  }
0x8f: {  	_ = 	snop  }
0x90: {  	s2 =	sld [smem:$0x3FC9]  }
0x91: {  	s18 =	sld [smem:$0x3FC7];
	(tm) =	ssettm $0x1  }
0x92: {  	s4 =	sld [smem:$0x3FFB];
	_ =	sdelay $0x3  }
0x93: {  	_ =	strace s4  }
0x94: {  	s4 =	sld [smem:$0x3FFC];
	_ =	sdelay $0x3  }
0x95: {  	_ =	strace s4  }
0x96: {  	s4 =	sld [smem:$0x3FFD];
	_ =	sdelay $0x3  }
0x97: {  	_ =	strace s4  }
0x98: {  	_ =	strace $0x8FFFFFFF  }
0x99: {  	s19 =	sld [smem:$0x3FDB];
	_ =	sdelay $0x1  }
0x9a: {  	s5 =	simm.s32 $_scs_section_size  }
0x9b: {  	s6 =	simm.s32 $_size__tile_overlayer_lowered;
	s7 =	simm.s32 $_tile_overlayer_lowered  }
0x9c: {  	s22 =	simm.s32 $0x1BFF;
	s21 =	sshll.u32 s7, $0x1;
	s4 =	sadd.s32 s5, s19  }
0x9d: {  	s8 =	simm.s32 $0x0;
	s20 =	sshll.u32 s6, $0x1;
	s6 =	sadd.s32 s21, s4  }
0x9e: {  	[timem:s8], [sflag:s22] =	dma.local [hbm:s6], s20  }
0x9f: {  	_ =	swait.ge [sflag:s22], s20  }
0xa0: {  	s5 =	ssub.s32 $0x0, s20;
	[sflag:s22] =	ssyncset.done $0x0  }
0xa1: {  	[sflag:s22] =	ssyncadd.s32 s5;
	_ =	sdelay $0x1  }
0xa2: {  	s23 =	simm.s32 $0x1B8B  }
0xa3: {  	_ =	swait.ge [sflag:s23], $0x1  }
0xa4: {  	[sflag:s23] =	ssyncset.done $0x0  }
0xa5: {  	s25 =	simm.s32 $0x1B8E;
	s24 =	sld [smem:$0x3FFE];
	[sflag:s23] =	ssyncadd.s32 $0xFFFFFFFF  }
0xa6: {  	s26 =	simm.s32 $execute0_lowered;
	[smem:$0x3FD2] =	sst s25  }
0xa7: {  	s6 =	sshll.u32 s26, $0x1;
	_ =	strace $0x80000046;
	[dreg:$0x1] =	wrdreg $0xFFFFFFFF  }
0xa8: {  	s28 =	simm.s32 $_size_execute0_lowered;
	s4 =	sadd.s32 s4, s6;
	[dreg:$0x0] =	wrdreg $0x0  }
0xa9: {  	s6 =	sshll.u32 s28, $0x1;
	[dreg:$0x2] =	wrdreg s4  }
0xaa: {  	[dreg:$0x3] =	wrdreg s6  }
0xab: {  	[dreg:$0x4] =	wrdreg $0xC0  }
0xac: {  	_ =	task [dreg:s8], $0x5FFFF  }
0xad: {  	[dreg:$0x1] =	wrdreg $0xFFFFFFFF  }
0xae: {  	[dreg:$0x0] =	wrdreg $0x60  }
0xaf: {  	[dreg:$0x2] =	wrdreg s2  }
0xb0: {  	[dreg:$0x3] =	wrdreg s24  }
0xb1: {  	[dreg:$0x4] =	wrdreg s18  }
0xb2: {  	[dreg:$0x5] =	wrdreg $0x94800  }
0xb3: {  	[dreg:$0x6] =	wrdreg $0x9  }
0xb4: {  	_ =	task.clear_ibuf [dreg:s8], $0x7FFFF;
	_ =	strace $0x90000046  }
0xb5: {  	s29 =	simm.s32 $0x9;
	_ =	strace $0x80000048  }
0xb6: {  	_ =	swait.ge [sflag:s29], $0x1  }
0xb7: {  	[sflag:s29] =	ssyncadd.s32 $0xFFFFFFFF  }
0xb8: {  	_ =	strace $0x90000048  }
0xb9: {  	_ =	sfence  }
0xba: {  	s30 =	sld [smem:$0x0];
	_ =	sdelay $0x2  }
0xbb: {  	s31 =	sshll.u32 s1, $0xD;
	s1 =	sshrl.u32 s1, $0x2  }
0xbc: {  	s3 =	sand.u32 $0x4000, s31;
	s1 =	sadd.s32 s1, s30  }
0xbd: {  	s0 =	sor.u32 s3, s0;
	s1 =	sshll.u32 s1, $0x11  }
0xbe: {  	s0 =	sor.u32 s1, s0  }
0xbf: {  	s0 =	sadd.s32 $0x8F2B, s0  }
0xc0: {  	[sflag:s0] =	ssyncadd.remote.s32 $0x1  }
0xc1: {  	_ =	sfence.sel $0xFFFF  }
0xc2: {  	[dreg:$0x0] =	wrdreg $0xFFFFFFFF;
	(pc) =	sbr.abs _section_cstart, $3  }
0xc3: {  	[dreg:$0x1] =	wrdreg $0xFFFFFFFF  }
0xc4: {  	_ =	task.clear_ibuf [dreg:s8], $0x2FFFF;
	_ =	strace $0x9FFFFFFF  }
0xc5: {  	(tm) =	ssettm $0x7FFFFFFF  }
tec
execute0_lowered:
.L_overlay_start_1:
0x0: {  	(tag) =	ssettag $0x1  }
0x1: {  	s0 =	rddreg [dreg:$0x0]  }
0x2: {  	s1 =	rddreg [dreg:$0x1]  }
0x3: {  	s2 =	srdreg.scid;
	s7 =	rddreg [dreg:$0x2]  }
0x4: {  	s3 =	rddreg [dreg:$0x3];
	s12 =	stileid.u32;
	s4 =	simm.s32 $0x0  }
0x5: {  	s13 =	simm.s32 $0x28;
	s28 =	simm.s32 $0x8C80;
	s29 =	simm.s32 $0x1  }
0x6: {  	s30 =	simm.s32 $0x4;
	s31 =	simm.s32 $0x8C00;
	s14 =	simm.s32 $0x6  }
0x7: {  	s15 =	simm.s32 $0x8;
	s16 =	simm.s32 $0x9;
	s18 =	simm.s32 $0x0  }
0x8: {  	s2 =	sand.u32 $0x1, s2;
	[smem:$0x7FF] =	sst s4;
	s6 =	sadd.s32 $0xA00, s1  }
0x9: {  	s22 =	smul.u32 $0x4E000, s12;
	p0 =	seq.s32 s12, $0xF;
	s5 =	sshll.u32 s2, $0x4  }
0xa: {  	s9 =	smul.u32 $0x27100, s2;
	s2 =	ssub.s32 $0x2, s2;
	s5 =	sor.u32 s12, s5  }
0xb: {  	s13 =	simm.s32 @!p0 $0x27;
	s11 =	sshrl.u32 s2, $0x1;
	s5 =	smul.u32 $0x2710, s5  }
0xc: {  	_ =	strace $0x80000047;
	[dreg:$0x9] =	wrdreg s13;
	s2 =	ssub.s32 s2, s11  }
0xd: {  	s11 =	simm.s32 $0x28;
	s2 =	smax.u32 s2, $0x1;
	s8 =	sshrl.u32 s5, $0x3  }
0xe: {  	s19 =	sadd.s32 $0x28, s5;
	s23 =	sadd.s32 $0x78, s5;
	[dreg:$0xf] =	wrdreg s2  }
0xf: {  	s10 =	sadd.s32 s8, s1;
	s1 =	sadd.s32 s9, s1;
	s7 =	sadd.s32 s7, s8  }
0x10: {  	s20 =	sshrl.u32 s19, $0x3;
	s21 =	sadd.s32 s6, s8;
	[dreg:$0x6] =	wrdreg s7  }
0x11: {  	s25 =	sshrl.u32 s23, $0x3;
	s10 =	sadd.s32 $0xA800, s10;
	[dreg:$0x7] =	wrdreg s21  }
0x12: {  	s19 =	simm.s32 $0xA;
	s7 =	sadd.s32 s6, s20;
	[dreg:$0x5] =	wrdreg s10  }
0x13: {  	s24 =	sadd.s32 $0xA, s21;
	s26 =	sadd.s32 $0x14, s21;
	[dreg:$0x8] =	wrdreg s7  }
0x14: {  	s8 =	sadd.s32 $0x14600, s1;
	s1 =	smul.u32 $0x2700, s12;
	[dreg:$0xb] =	wrdreg s24  }
0x15: {  	s20 =	simm.s32 $0x2780;
	s21 =	simm.s32 $0x4F00;
	[dreg:$0xd] =	wrdreg s26  }
0x16: {  	s7 =	sshrl.u32 s22, $0x2;
	s22 =	simm.s32 $0x8B00;
	[dreg:$0xe] =	wrdreg s8  }
0x17: {  	s26 =	simm.s32 $0x8B80;
	s17 =	sadd.s32 s7, s3;
	s7 =	sadd.s32 s6, s25  }
0x18: {  	s10 =	simm.s32 $0x3;
	s1 =	sadd.s32 @!p0 s1, s8;
	[dreg:$0xc] =	wrdreg s7  }
0x19: {  	s8 =	simm.s32 $0x7;
	s7 =	sadd.s32 $0x124800, s3;
	[dreg:$0x11] =	wrdreg s1  }
0x1a: {  	s1 =	simm.s32 $0x7700;
	[dreg:$0xa] =	wrdreg s17;
	s2 =	sshrl.u32 @p0 s7, $0x3  }
0x1b: {  	v0 =	vimm.f32 $0.0e+00;
	s7 =	simm.s32 $0x5;
	[dreg:$0x10] =	wrdreg s2;
	s2 =	simm.s32 $0x2  }
.LBB2_1:
0x1c: {  	s9 =	rddreg [dreg:$0x5]  }
0x1d: {  	[tilespmem:s4], [sflag:$0xA] =	stream.linear.gather [hbm4b:s9+s4], $0x2710, $0x38;
	[tilespmem:$0x1CD00] =	vst v63  }
0x1e: {  	_ =	swait.ge [sflag:s19], $0x2710  }
0x1f: {  	[sflag:s19] =	ssyncset.done $0x0  }
0x20: {  	s12 =	rddreg [dreg:$0x6];
	[sflag:s19] =	ssyncadd.s32 $0xFFFFD8F0  }
0x21: {  	[tilespmem:s20], [sflag:$0xA] =	stream.linear.gather [hbm4b:s12+s4], $0x2710, $0x38;
	[tilespmem:$0x1CD00] =	vst v63  }
0x22: {  	_ =	swait.ge [sflag:s19], $0x2710  }
0x23: {  	[sflag:s19] =	ssyncset.done $0x0  }
0x24: {  	[sflag:s19] =	ssyncadd.s32 $0xFFFFD8F0  }
0x25: {  	[tilespmem:s21], [sflag:$0x1] =	stream.indirect.gather [hbm4b:s0+s11], $0x80, s4, s11, $0xb8;
	[tilespmem:$0x1CD00] =	vst v63  }
0x26: {  	s23 =	rddreg [dreg:$0x7]  }
0x27: {  	[tilespmem:s22], [sflag:$0x4] =	stream.linear.gather [hbm4b:s23+s4], $0x28, $0x38;
	[tilespmem:$0x1CD00] =	vst v63  }
0x28: {  	s24 =	simm.s32 $0x6300  }
0x29: {  	[tilespmem:s24], [sflag:$0x2] =	stream.indirect.gather [hbm4b:s0+s11], $0x80, s11, s11, $0xb8;
	[tilespmem:$0x1CD00] =	vst v63  }
0x2a: {  	s9 =	simm.s32 $0x0;
	s12 =	simm.s32 $0x200;
	s25 =	rddreg [dreg:$0x8]  }
0x2b: {  	[tilespmem:s26], [sflag:$0x5] =	stream.linear.gather [hbm4b:s25+s4], $0x28, $0x38;
	[tilespmem:$0x1CD00] =	vst v63  }
.LBB2_2:
0x2c: {  	p1 =	sne.s32 s12, $0x1E00;
	[tilespmem:s9+$0x8CF0] =	vst v0  }
0x2d: {  	[tilespmem:s9+$0x8C80] =	vst v0  }
0x2e: {  	[tilespmem:s9+$0x8C90] =	vst v0  }
.Ltmp0:
0x2f: {  	[tilespmem:s9+$0x8CA0] =	vst v0;
	(pc) =	sbr.rel @p1 .LBB2_2-.Ltmp0, $4  }
0x30: {  	[tilespmem:s9+$0x8CB0] =	vst v0  }
0x31: {  	[tilespmem:s9+$0x8CC0] =	vst v0  }
0x32: {  	[tilespmem:s9+$0x8CD0] =	vst v0  }
0x33: {  	[tilespmem:s9+$0x8CE0] =	vst v0;
	s9 =	sshra.s32 s12, $0x2;
	s12 =	sadd.s32 $0x200, s12  }
0x34: {  	[tilespmem:s9+$0x8CF0] =	vst v0  }
0x35: {  	[tilespmem:s9+$0x8C80] =	vst v0  }
0x36: {  	[tilespmem:s9+$0x8C90] =	vst v0  }
0x37: {  	[tilespmem:s9+$0x8CA0] =	vst v0;
	p1 =	sne.s32 s13, $0x1  }
.Ltmp1:
0x38: {  	[tilespmem:s9+$0x8CB0] =	vst v0;
	(pc) =	sbr.rel @!p1 .LBB2_5-.Ltmp1, $4  }
0x39: {  	[tilespmem:s9+$0x8CC0] =	vst v0  }
0x3a: {  	[tilespmem:s9+$0x8CD0] =	vst v0  }
0x3b: {  	[tilespmem:s9+$0x8CE0] =	vst v0;
	s9 =	sadd.s32 $0xFFFFFFFF, s13;
	s12 =	smov.u32 s17  }
0x3c: {  	[spmem:s17] =	stream.linear.scatter [tilespmem:s28], [sflag:$0xA], $0x800, $0x38;
	[tilespmem:$0x1CD00] =	vst v63  }
.LBB2_4:
0x3d: {  	p2 =	sne.s32 s9, $0x1  }
.Ltmp2:
0x3e: {  	_ = 	snop;
	(pc) =	sbr.rel @p2 .LBB2_4-.Ltmp2, $3  }
0x3f: {  	_ = 	snop  }
0x40: {  	s9 =	sadd.s32 $0xFFFFFFFF, s9;
	s12 =	sadd.s32 $0x800, s12;
	_ =	sdelay $0x1  }
0x41: {  	[spmem:s12] =	stream.linear.scatter [tilespmem:s28], [sflag:$0xA], $0x800, $0x38;
	[tilespmem:$0x1CD00] =	vst v63  }
.LBB2_5:
.Ltmp3:
0x42: {  	(pc) =	sbr.rel @!p1 .LBB2_7-.Ltmp3, $3  }
0x43: {  	_ =	sdelay $0x1  }
0x44: {  	_ =	swait.ge [sflag:s19], $0x800  }
0x45: {  	s9 =	sadd.s32 $0xFFFFFFFF, s13;
	[sflag:s19] =	ssyncset.done $0x0  }
.LBB2_6:
0x46: {  	p1 =	sne.s32 s9, $0x1;
	s9 =	sadd.s32 $0xFFFFFFFF, s9;
	[sflag:s19] =	ssyncadd.s32 $0xFFFFF800  }
.Ltmp4:
0x47: {  	(pc) =	sbr.rel @p1 .LBB2_6-.Ltmp4, $3  }
0x48: {  	_ =	sdelay $0x1  }
0x49: {  	_ =	swait.ge [sflag:s19], $0x800  }
0x4a: {  	[sflag:s19] =	ssyncset.done $0x0  }
.LBB2_7:
0x4b: {  	s9 =	simm.s32 $0x0  }
0x4c: {  	v1 =	vmov s9  }
0x4d: {  	v1 =	vand.u32 $0xFFFFFFFE, v1  }
0x4e: {  	[sflag:s19] =	ssyncadd.s32 $0xFFFFF800;
	v1 =	vbroadcast v1, $0x0  }
0x4f: {  	[bflag:$0x0] =	sbarrier.arrive $0xFFFF  }
0x50: {  	_ =	swait.ge [sflag:s29], $0x1400  }
0x51: {  	[sflag:s29] =	ssyncset.done $0x0  }
0x52: {  	s17 =	simm.s32 $0x4F80;
	[sflag:s29] =	ssyncadd.s32 $0xFFFFEC00  }
0x53: {  	v3 =	vld [tilespmem:s17+$0xFFFFFF80]  }
0x54: {  	v2 =	vld.idx.msk [tilespmem:v1+s20+$0x0], $0xffff  }
0x55: {  	v1 =	vld [tilespmem:s17+$0xFFFFFFF0]  }
0x56: {  	s25 =	simm.s32 $0x1;
	v6 =	vld [tilespmem:s17+$0xFFFFFF90]  }
0x57: {  	v7 =	vmov s25;
	v8 =	vld [tilespmem:s17+$0xFFFFFFA0]  }
0x58: {  	v11 =	vld [tilespmem:s17+$0xFFFFFFB0]  }
0x59: {  	v5 =	vld [tilespmem:s17+$0xFFFFFFC0]  }
0x5a: {  	v4 =	vld [tilespmem:s17+$0xFFFFFFD0];
	v9 =	vmul.f32 v1, v2  }
0x5b: {  	v10 =	vmul.f32 v3, v2;
	v3 =	vld [tilespmem:s17+$0xFFFFFFE0]  }
0x5c: {  	v1 =	vld.idx.msk [tilespmem:v7+s20+$0x0], $0xffff;
	v6 =	vmul.f32 v6, v2;
	[tilespmem:s17+$0xFFFFFFF0] =	vst v9  }
0x5d: {  	s9 =	simm.s32 $0x2;
	v7 =	vld [tilespmem:s17+$0x0];
	[tilespmem:s17+$0xFFFFFF80] =	vst v10;
	v9 =	vmul.f32 v8, v2  }
0x5e: {  	s12 =	simm.s32 $0x4;
	s24 =	simm.s32 $0x4F80;
	v10 =	vmov s9;
	[tilespmem:s17+$0xFFFFFF90] =	vst v6;
	v8 =	vmul.f32 v11, v2;
	v6 =	vld [tilespmem:s17+$0x10]  }
.LBB2_8:
0x5f: {  	p1 =	slt.u32 s12, $0x26;
	v10 =	vand.u32 $0xFFFFFFFE, v10;
	s13 =	sadd.s32 $0x1, s9;
	[tilespmem:s17+$0xFFFFFFA0] =	vst v9;
	v5 =	vmul.f32 v5, v2;
	v9 =	vld [tilespmem:s17+$0x20];
	s9 =	smov.u32 s12  }
0x60: {  	v10 =	vbroadcast v10, $0x0;
	v11 =	vmov s13;
	[tilespmem:s17+$0xFFFFFFB0] =	vst v8;
	v4 =	vmul.f32 v4, v2;
	v8 =	vld [tilespmem:s17+$0x30]  }
0x61: {  	[tilespmem:s17+$0xFFFFFFC0] =	vst v5;
	v2 =	vmul.f32 v3, v2;
	v3 =	vld [tilespmem:s17+$0x40]  }
0x62: {  	[tilespmem:s17+$0xFFFFFFD0] =	vst v4;
	v4 =	vmul.f32 v7, v1;
	v5 =	vld [tilespmem:s17+$0x50]  }
0x63: {  	[tilespmem:s17+$0xFFFFFFE0] =	vst v2;
	v2 =	vmul.f32 v6, v1;
	v6 =	vld [tilespmem:s17+$0x60]  }
0x64: {  	[tilespmem:s17+$0x0] =	vst v4;
	v4 =	vmul.f32 v9, v1;
	v7 =	vld [tilespmem:s17+$0x70]  }
0x65: {  	v9 =	vld.idx.msk [tilespmem:v11+s20+$0x0], $0xffff;
	[tilespmem:s17+$0x10] =	vst v2;
	v8 =	vmul.f32 v8, v1  }
0x66: {  	s17 =	sadd.s32 $0x100, s17;
	v2 =	vld.idx.msk [tilespmem:v10+s20+$0x0], $0xffff;
	[tilespmem:s24+$0x20] =	vst v4;
	v3 =	vmul.f32 v3, v1  }
0x67: {  	v4 =	vld [tilespmem:s17+$0xFFFFFFF0];
	[tilespmem:s24+$0x30] =	vst v8;
	v5 =	vmul.f32 v5, v1  }
0x68: {  	v8 =	vld [tilespmem:s17+$0xFFFFFF80];
	[tilespmem:s24+$0x40] =	vst v3;
	v3 =	vmul.f32 v6, v1  }
0x69: {  	v6 =	vld [tilespmem:s17+$0xFFFFFF90];
	[tilespmem:s24+$0x50] =	vst v5;
	v5 =	vmul.f32 v7, v1  }
0x6a: {  	v7 =	vld [tilespmem:s17+$0xFFFFFFA0];
	[tilespmem:s24+$0x60] =	vst v3  }
0x6b: {  	v1 =	vmov v9;
	v11 =	vld [tilespmem:s17+$0xFFFFFFB0];
	[tilespmem:s24+$0x70] =	vst v5;
	s24 =	smov.u32 s17  }
.Ltmp5:
0x6c: {  	v5 =	vld [tilespmem:s17+$0xFFFFFFC0];
	v9 =	vmul.f32 v4, v2;
	(pc) =	sbr.rel @p1 .LBB2_8-.Ltmp5, $4  }
0x6d: {  	v8 =	vmul.f32 v8, v2;
	v4 =	vld [tilespmem:s17+$0xFFFFFFD0]  }
0x6e: {  	v6 =	vmul.f32 v6, v2;
	v3 =	vld [tilespmem:s17+$0xFFFFFFE0];
	[tilespmem:s17+$0xFFFFFFF0] =	vst v9  }
0x6f: {  	[tilespmem:s17+$0xFFFFFF80] =	vst v8;
	v9 =	vmul.f32 v7, v2;
	v7 =	vld [tilespmem:s17+$0x0]  }
0x70: {  	s12 =	sadd.s32 $0x2, s12;
	v10 =	vmov s9;
	[tilespmem:s17+$0xFFFFFF90] =	vst v6;
	v8 =	vmul.f32 v11, v2;
	v6 =	vld [tilespmem:s17+$0x10]  }
0x71: {  	v11 =	vld [tilespmem:s17+$0x20]  }
0x72: {  	v10 =	vand.u32 $0xFFFFFFFE, v10;
	s9 =	sadd.s32 $0x1, s9;
	v12 =	vld [tilespmem:s17+$0x30]  }
0x73: {  	v14 =	vld [tilespmem:s17+$0x40];
	[tilespmem:s17+$0xFFFFFFA0] =	vst v9;
	v5 =	vmul.f32 v5, v2;
	v10 =	vbroadcast v10, $0x0;
	v13 =	vmov s9  }
0x74: {  	v9 =	vld [tilespmem:s17+$0x50];
	[tilespmem:s17+$0xFFFFFFB0] =	vst v8;
	v4 =	vmul.f32 v4, v2  }
0x75: {  	v8 =	vld [tilespmem:s17+$0x60];
	[tilespmem:s17+$0xFFFFFFC0] =	vst v5;
	v7 =	vmul.f32 v7, v1  }
0x76: {  	s13 =	sadd.s32 $0x100, s17;
	v2 =	vmul.f32 v3, v2;
	v3 =	vld [tilespmem:s17+$0x70];
	[tilespmem:s17+$0xFFFFFFD0] =	vst v4  }
0x77: {  	v4 =	vmul.f32 v6, v1;
	[tilespmem:s17+$0x0] =	vst v7;
	v7 =	vld [tilespmem:s13+$0xFFFFFFF0]  }
0x78: {  	[tilespmem:s17+$0xFFFFFFE0] =	vst v2;
	v2 =	vmul.f32 v11, v1;
	v5 =	vld.idx.msk [tilespmem:v13+s20+$0x0], $0xffff  }
0x79: {  	[tilespmem:s17+$0x10] =	vst v4;
	v4 =	vmul.f32 v12, v1;
	v6 =	vld.idx.msk [tilespmem:v10+s20+$0x0], $0xffff  }
0x7a: {  	[tilespmem:s24+$0x20] =	vst v2;
	v2 =	vmul.f32 v14, v1;
	v10 =	vld [tilespmem:s13+$0xFFFFFF80]  }
0x7b: {  	[tilespmem:s24+$0x30] =	vst v4;
	v4 =	vmul.f32 v9, v1;
	v9 =	vld [tilespmem:s13+$0xFFFFFF90]  }
0x7c: {  	[tilespmem:s24+$0x40] =	vst v2;
	v2 =	vmul.f32 v8, v1;
	v8 =	vld [tilespmem:s13+$0xFFFFFFA0]  }
0x7d: {  	v1 =	vmul.f32 v3, v1;
	v3 =	vld [tilespmem:s13+$0xFFFFFFB0];
	[tilespmem:s24+$0x50] =	vst v4  }
0x7e: {  	[tilespmem:s24+$0x60] =	vst v2;
	v2 =	vld [tilespmem:s13+$0xFFFFFFC0];
	v4 =	vmul.f32 v7, v6  }
0x7f: {  	[tilespmem:s24+$0x70] =	vst v1;
	v1 =	vmul.f32 v10, v6;
	v7 =	vld [tilespmem:s13+$0xFFFFFFD0]  }
0x80: {  	v10 =	vld [tilespmem:s13+$0xFFFFFFE0];
	v9 =	vmul.f32 v9, v6;
	[tilespmem:s13+$0xFFFFFFF0] =	vst v4  }
0x81: {  	[tilespmem:s13+$0xFFFFFF80] =	vst v1;
	v1 =	vmul.f32 v8, v6;
	v4 =	vld [tilespmem:s13+$0x0]  }
0x82: {  	v3 =	vmul.f32 v3, v6;
	v8 =	vld [tilespmem:s13+$0x10];
	[tilespmem:s13+$0xFFFFFF90] =	vst v9  }
0x83: {  	[tilespmem:s13+$0xFFFFFFA0] =	vst v1;
	v1 =	vmul.f32 v2, v6;
	v2 =	vld [tilespmem:s13+$0x20]  }
0x84: {  	[tilespmem:s13+$0xFFFFFFB0] =	vst v3;
	v3 =	vmul.f32 v7, v6;
	v7 =	vld [tilespmem:s13+$0x30]  }
0x85: {  	[tilespmem:s13+$0xFFFFFFC0] =	vst v1;
	v1 =	vmul.f32 v10, v6;
	v6 =	vld [tilespmem:s13+$0x40]  }
0x86: {  	[tilespmem:s13+$0xFFFFFFD0] =	vst v3;
	v3 =	vmul.f32 v4, v5;
	v4 =	vld [tilespmem:s13+$0x50]  }
0x87: {  	[tilespmem:s13+$0xFFFFFFE0] =	vst v1;
	v1 =	vmul.f32 v8, v5;
	v8 =	vld [tilespmem:s13+$0x60]  }
0x88: {  	[tilespmem:s13+$0x0] =	vst v3;
	v2 =	vmul.f32 v2, v5;
	v3 =	vld [tilespmem:s13+$0x70]  }
0x89: {  	[tilespmem:s13+$0x10] =	vst v1;
	v1 =	vmul.f32 v7, v5  }
0x8a: {  	[tilespmem:s13+$0x20] =	vst v2;
	v2 =	vmul.f32 v6, v5  }
0x8b: {  	[tilespmem:s13+$0x30] =	vst v1;
	v1 =	vmul.f32 v4, v5  }
0x8c: {  	[tilespmem:s13+$0x40] =	vst v2;
	v2 =	vmul.f32 v8, v5  }
0x8d: {  	[tilespmem:s13+$0x50] =	vst v1;
	v1 =	vmul.f32 v3, v5  }
0x8e: {  	[tilespmem:s13+$0x60] =	vst v2  }
0x8f: {  	[tilespmem:s13+$0x70] =	vst v1  }
0x90: {  	_ =	swait.ge [sflag:s30], $0x28  }
0x91: {  	[sflag:s30] =	ssyncset.done $0x0  }
0x92: {  	s17 =	simm.s32 $0x28;
	[sflag:s30] =	ssyncadd.s32 $0xFFFFFFD8  }
0x93: {  	v1 =	vmov s17;
	[spmem:s3] =	stream.indirect.scatter.add.f32 [tilespmem:s21], [sflag:$0x7], $0x80, s22, s11, $0xb8;
	[tilespmem:$0x1CD00] =	vst v63  }
0x94: {  	s23 =	simm.s32 $0x50;
	v1 =	vand.u32 $0xFFFFFFFE, v1  }
0x95: {  	v1 =	vbroadcast v1, $0x0;
	[tilespmem:s1], [sflag:$0x3] =	stream.indirect.gather [hbm4b:s0+s11], $0x80, s23, s11, $0xb8;
	[tilespmem:$0x1CD00] =	vst v63  }
0x96: {  	s24 =	rddreg [dreg:$0xb]  }
0x97: {  	[tilespmem:s31], [sflag:$0x6] =	stream.linear.gather [hbm4b:s24+s4], $0x28, $0x38;
	[tilespmem:$0x1CD00] =	vst v63  }
0x98: {  	_ =	swait.ge [sflag:s2], $0x1400  }
0x99: {  	[sflag:s2] =	ssyncset.done $0x0  }
0x9a: {  	[sflag:s2] =	ssyncadd.s32 $0xFFFFEC00  }
0x9b: {  	s17 =	simm.s32 $0x6380;
	v2 =	vld.idx.msk [tilespmem:v1+s20+$0x0], $0xffff  }
0x9c: {  	v1 =	vld [tilespmem:s17+$0xFFFFFFF0]  }
0x9d: {  	s25 =	simm.s32 $0x29;
	v8 =	vld [tilespmem:s17+$0xFFFFFF80]  }
0x9e: {  	v9 =	vmov s25;
	v10 =	vld [tilespmem:s17+$0xFFFFFF90]  }
0x9f: {  	v7 =	vld [tilespmem:s17+$0xFFFFFFA0]  }
0xa0: {  	v6 =	vld [tilespmem:s17+$0xFFFFFFB0]  }
0xa1: {  	v5 =	vld [tilespmem:s17+$0xFFFFFFC0]  }
0xa2: {  	v4 =	vld [tilespmem:s17+$0xFFFFFFD0];
	v11 =	vmul.f32 v1, v2  }
0xa3: {  	v1 =	vld.idx.msk [tilespmem:v9+s20+$0x0], $0xffff;
	v9 =	vmul.f32 v8, v2  }
0xa4: {  	s9 =	simm.s32 $0x6380;
	s13 =	simm.s32 $0x0;
	v3 =	vld [tilespmem:s17+$0xFFFFFFE0];
	v8 =	vmul.f32 v10, v2;
	[tilespmem:s17+$0xFFFFFFF0] =	vst v11  }
.LBB2_10:
0xa5: {  	s12 =	sadd.s32 $0x2A, s13;
	[tilespmem:s17+$0xFFFFFF80] =	vst v9;
	v7 =	vmul.f32 v7, v2;
	v9 =	vld [tilespmem:s17+$0x0];
	s24 =	smov.u32 s13;
	s13 =	sadd.s32 $0x2, s13  }
0xa6: {  	v10 =	vmov s12;
	p1 =	slt.u32 s13, $0x26;
	[tilespmem:s17+$0xFFFFFF90] =	vst v8;
	v6 =	vmul.f32 v6, v2;
	v8 =	vld [tilespmem:s17+$0x10]  }
0xa7: {  	s12 =	sadd.s32 $0x2B, s24;
	v10 =	vand.u32 $0xFFFFFFFE, v10;
	[tilespmem:s17+$0xFFFFFFA0] =	vst v7;
	v5 =	vmul.f32 v5, v2;
	v7 =	vld [tilespmem:s17+$0x20]  }
0xa8: {  	v11 =	vmov s12;
	v10 =	vbroadcast v10, $0x0;
	[tilespmem:s17+$0xFFFFFFB0] =	vst v6;
	v4 =	vmul.f32 v4, v2;
	v6 =	vld [tilespmem:s17+$0x30]  }
0xa9: {  	[tilespmem:s17+$0xFFFFFFC0] =	vst v5;
	v2 =	vmul.f32 v3, v2;
	v3 =	vld [tilespmem:s17+$0x40]  }
0xaa: {  	[tilespmem:s17+$0xFFFFFFD0] =	vst v4;
	v4 =	vmul.f32 v9, v1;
	v5 =	vld [tilespmem:s17+$0x50]  }
0xab: {  	[tilespmem:s17+$0xFFFFFFE0] =	vst v2;
	v2 =	vmul.f32 v8, v1;
	v8 =	vld [tilespmem:s17+$0x60]  }
0xac: {  	[tilespmem:s17+$0x0] =	vst v4;
	v4 =	vmul.f32 v7, v1;
	v7 =	vld [tilespmem:s17+$0x70]  }
0xad: {  	v9 =	vld.idx.msk [tilespmem:v11+s20+$0x0], $0xffff;
	[tilespmem:s17+$0x10] =	vst v2;
	v6 =	vmul.f32 v6, v1  }
0xae: {  	s17 =	sadd.s32 $0x100, s17;
	v2 =	vld.idx.msk [tilespmem:v10+s20+$0x0], $0xffff;
	[tilespmem:s9+$0x20] =	vst v4;
	v3 =	vmul.f32 v3, v1  }
0xaf: {  	v4 =	vld [tilespmem:s17+$0xFFFFFFF0];
	[tilespmem:s9+$0x30] =	vst v6;
	v5 =	vmul.f32 v5, v1  }
0xb0: {  	v10 =	vld [tilespmem:s17+$0xFFFFFF80];
	[tilespmem:s9+$0x40] =	vst v3;
	v3 =	vmul.f32 v8, v1  }
0xb1: {  	v8 =	vld [tilespmem:s17+$0xFFFFFF90];
	[tilespmem:s9+$0x50] =	vst v5;
	v5 =	vmul.f32 v7, v1  }
.Ltmp6:
0xb2: {  	v7 =	vld [tilespmem:s17+$0xFFFFFFA0];
	[tilespmem:s9+$0x60] =	vst v3;
	(pc) =	sbr.rel @p1 .LBB2_10-.Ltmp6, $4  }
0xb3: {  	v1 =	vmov v9;
	v6 =	vld [tilespmem:s17+$0xFFFFFFB0];
	[tilespmem:s9+$0x70] =	vst v5;
	s9 =	smov.u32 s17  }
0xb4: {  	v5 =	vld [tilespmem:s17+$0xFFFFFFC0];
	v11 =	vmul.f32 v4, v2  }
0xb5: {  	v9 =	vmul.f32 v10, v2;
	v4 =	vld [tilespmem:s17+$0xFFFFFFD0]  }
0xb6: {  	v8 =	vmul.f32 v8, v2;
	v3 =	vld [tilespmem:s17+$0xFFFFFFE0];
	[tilespmem:s17+$0xFFFFFFF0] =	vst v11  }
0xb7: {  	[dreg:$0x12] =	wrdreg s18  }
0xb8: {  	v7 =	vmul.f32 v7, v2;
	v10 =	vld [tilespmem:s17+$0x0];
	[tilespmem:s17+$0xFFFFFF80] =	vst v9  }
0xb9: {  	v9 =	vld [tilespmem:s17+$0x10];
	[tilespmem:s17+$0xFFFFFF90] =	vst v8;
	v6 =	vmul.f32 v6, v2  }
0xba: {  	v8 =	vld [tilespmem:s17+$0x20];
	[tilespmem:s17+$0xFFFFFFA0] =	vst v7;
	v5 =	vmul.f32 v5, v2  }
0xbb: {  	v7 =	vld [tilespmem:s17+$0x30];
	[tilespmem:s17+$0xFFFFFFB0] =	vst v6;
	v4 =	vmul.f32 v4, v2  }
0xbc: {  	v6 =	vld [tilespmem:s17+$0x40];
	[tilespmem:s17+$0xFFFFFFC0] =	vst v5;
	v2 =	vmul.f32 v3, v2  }
0xbd: {  	[tilespmem:s17+$0xFFFFFFD0] =	vst v4;
	v5 =	vmul.f32 v10, v1;
	v10 =	vld [tilespmem:s17+$0x50]  }
0xbe: {  	v3 =	vld [tilespmem:s17+$0x60];
	v4 =	vmul.f32 v9, v1;
	[tilespmem:s17+$0xFFFFFFE0] =	vst v2  }
0xbf: {  	v2 =	vmul.f32 v8, v1;
	[tilespmem:s17+$0x0] =	vst v5;
	v5 =	vld [tilespmem:s17+$0x70]  }
0xc0: {  	[tilespmem:s17+$0x10] =	vst v4;
	v4 =	vmul.f32 v7, v1  }
0xc1: {  	[tilespmem:s9+$0x20] =	vst v2;
	v2 =	vmul.f32 v6, v1  }
0xc2: {  	[tilespmem:s9+$0x30] =	vst v4;
	v4 =	vmul.f32 v10, v1  }
0xc3: {  	[tilespmem:s9+$0x40] =	vst v2;
	v2 =	vmul.f32 v3, v1  }
0xc4: {  	[tilespmem:s9+$0x50] =	vst v4;
	v1 =	vmul.f32 v5, v1  }
0xc5: {  	[tilespmem:s9+$0x60] =	vst v2  }
0xc6: {  	[tilespmem:s9+$0x70] =	vst v1  }
0xc7: {  	_ =	swait.ge [sflag:s7], $0x28  }
0xc8: {  	[sflag:s7] =	ssyncset.done $0x0  }
0xc9: {  	s17 =	simm.s32 $0x6300;
	[sflag:s7] =	ssyncadd.s32 $0xFFFFFFD8  }
0xca: {  	[spmem:s3] =	stream.indirect.scatter.add.f32 [tilespmem:s17], [sflag:$0x8], $0x80, s26, s11, $0xb8;
	[tilespmem:$0x1CD00] =	vst v63  }
0xcb: {  	s18 =	simm.s32 $0x50;
	_ =	swait.ge [sflag:s8], $0x1400  }
0xcc: {  	v1 =	vmov s18;
	[sflag:s8] =	ssyncset.done $0x0  }
0xcd: {  	s23 =	simm.s32 $0x78;
	v1 =	vand.u32 $0xFFFFFFFE, v1;
	[sflag:s8] =	ssyncadd.s32 $0xFFFFEC00  }
0xce: {  	v1 =	vbroadcast v1, $0x0;
	[tilespmem:s21], [sflag:$0x1] =	stream.indirect.gather [hbm4b:s0+s11], $0x80, s23, s11, $0xb8;
	[tilespmem:$0x1CD00] =	vst v63  }
0xcf: {  	s24 =	rddreg [dreg:$0xc]  }
0xd0: {  	[tilespmem:s22], [sflag:$0x4] =	stream.linear.gather [hbm4b:s24+s4], $0x28, $0x38;
	[tilespmem:$0x1CD00] =	vst v63  }
0xd1: {  	_ =	swait.ge [sflag:s10], $0x1400  }
0xd2: {  	[sflag:s10] =	ssyncset.done $0x0  }
0xd3: {  	[sflag:s10] =	ssyncadd.s32 $0xFFFFEC00  }
0xd4: {  	s17 =	simm.s32 $0x7780;
	v2 =	vld.idx.msk [tilespmem:v1+s20+$0x0], $0xffff  }
0xd5: {  	v1 =	vld [tilespmem:s17+$0xFFFFFFF0]  }
0xd6: {  	s25 =	simm.s32 $0x51;
	v8 =	vld [tilespmem:s17+$0xFFFFFF80]  }
0xd7: {  	v9 =	vmov s25;
	v10 =	vld [tilespmem:s17+$0xFFFFFF90]  }
0xd8: {  	v7 =	vld [tilespmem:s17+$0xFFFFFFA0]  }
0xd9: {  	v6 =	vld [tilespmem:s17+$0xFFFFFFB0]  }
0xda: {  	v5 =	vld [tilespmem:s17+$0xFFFFFFC0]  }
0xdb: {  	v4 =	vld [tilespmem:s17+$0xFFFFFFD0];
	v11 =	vmul.f32 v1, v2  }
0xdc: {  	v1 =	vld.idx.msk [tilespmem:v9+s20+$0x0], $0xffff;
	v9 =	vmul.f32 v8, v2  }
0xdd: {  	s13 =	simm.s32 $0x0;
	s9 =	simm.s32 $0x7780;
	v3 =	vld [tilespmem:s17+$0xFFFFFFE0];
	v8 =	vmul.f32 v10, v2;
	[tilespmem:s17+$0xFFFFFFF0] =	vst v11  }
.LBB2_12:
0xde: {  	s12 =	sadd.s32 $0x52, s13;
	[tilespmem:s17+$0xFFFFFF80] =	vst v9;
	v7 =	vmul.f32 v7, v2;
	v9 =	vld [tilespmem:s17+$0x0];
	s24 =	smov.u32 s13;
	s13 =	sadd.s32 $0x2, s13  }
0xdf: {  	v10 =	vmov s12;
	p1 =	slt.u32 s13, $0x26;
	[tilespmem:s17+$0xFFFFFF90] =	vst v8;
	v6 =	vmul.f32 v6, v2;
	v8 =	vld [tilespmem:s17+$0x10]  }
0xe0: {  	s12 =	sadd.s32 $0x53, s24;
	v10 =	vand.u32 $0xFFFFFFFE, v10;
	[tilespmem:s17+$0xFFFFFFA0] =	vst v7;
	v5 =	vmul.f32 v5, v2;
	v7 =	vld [tilespmem:s17+$0x20]  }
0xe1: {  	v11 =	vmov s12;
	v10 =	vbroadcast v10, $0x0;
	[tilespmem:s17+$0xFFFFFFB0] =	vst v6;
	v4 =	vmul.f32 v4, v2;
	v6 =	vld [tilespmem:s17+$0x30]  }
0xe2: {  	[tilespmem:s17+$0xFFFFFFC0] =	vst v5;
	v2 =	vmul.f32 v3, v2;
	v3 =	vld [tilespmem:s17+$0x40]  }
0xe3: {  	[tilespmem:s17+$0xFFFFFFD0] =	vst v4;
	v4 =	vmul.f32 v9, v1;
	v5 =	vld [tilespmem:s17+$0x50]  }
0xe4: {  	[tilespmem:s17+$0xFFFFFFE0] =	vst v2;
	v2 =	vmul.f32 v8, v1;
	v8 =	vld [tilespmem:s17+$0x60]  }
0xe5: {  	[tilespmem:s17+$0x0] =	vst v4;
	v4 =	vmul.f32 v7, v1;
	v7 =	vld [tilespmem:s17+$0x70]  }
0xe6: {  	v9 =	vld.idx.msk [tilespmem:v11+s20+$0x0], $0xffff;
	[tilespmem:s17+$0x10] =	vst v2;
	v6 =	vmul.f32 v6, v1  }
0xe7: {  	s17 =	sadd.s32 $0x100, s17;
	v2 =	vld.idx.msk [tilespmem:v10+s20+$0x0], $0xffff;
	[tilespmem:s9+$0x20] =	vst v4;
	v3 =	vmul.f32 v3, v1  }
0xe8: {  	v4 =	vld [tilespmem:s17+$0xFFFFFFF0];
	[tilespmem:s9+$0x30] =	vst v6;
	v5 =	vmul.f32 v5, v1  }
0xe9: {  	v10 =	vld [tilespmem:s17+$0xFFFFFF80];
	[tilespmem:s9+$0x40] =	vst v3;
	v3 =	vmul.f32 v8, v1  }
0xea: {  	v8 =	vld [tilespmem:s17+$0xFFFFFF90];
	[tilespmem:s9+$0x50] =	vst v5;
	v5 =	vmul.f32 v7, v1  }
.Ltmp7:
0xeb: {  	v7 =	vld [tilespmem:s17+$0xFFFFFFA0];
	[tilespmem:s9+$0x60] =	vst v3;
	(pc) =	sbr.rel @p1 .LBB2_12-.Ltmp7, $4  }
0xec: {  	v1 =	vmov v9;
	v6 =	vld [tilespmem:s17+$0xFFFFFFB0];
	[tilespmem:s9+$0x70] =	vst v5;
	s9 =	smov.u32 s17  }
0xed: {  	v5 =	vld [tilespmem:s17+$0xFFFFFFC0];
	v11 =	vmul.f32 v4, v2  }
0xee: {  	v9 =	vmul.f32 v10, v2;
	v4 =	vld [tilespmem:s17+$0xFFFFFFD0]  }
0xef: {  	v8 =	vmul.f32 v8, v2;
	v3 =	vld [tilespmem:s17+$0xFFFFFFE0];
	[tilespmem:s17+$0xFFFFFFF0] =	vst v11  }
0xf0: {  	v10 =	vld [tilespmem:s17+$0x0];
	[tilespmem:s17+$0xFFFFFF80] =	vst v9;
	v7 =	vmul.f32 v7, v2  }
0xf1: {  	v54 =	vld [tilespmem:s17+$0x10];
	[tilespmem:s17+$0xFFFFFF90] =	vst v8;
	v6 =	vmul.f32 v6, v2  }
0xf2: {  	v55 =	vld [tilespmem:s17+$0x20];
	[tilespmem:s17+$0xFFFFFFA0] =	vst v7;
	v5 =	vmul.f32 v5, v2  }
0xf3: {  	v56 =	vld [tilespmem:s17+$0x30];
	[tilespmem:s17+$0xFFFFFFB0] =	vst v6;
	v4 =	vmul.f32 v4, v2  }
0xf4: {  	v57 =	vld [tilespmem:s17+$0x40];
	[tilespmem:s17+$0xFFFFFFC0] =	vst v5;
	v2 =	vmul.f32 v3, v2  }
0xf5: {  	v59 =	vld [tilespmem:s17+$0x50];
	v58 =	vmul.f32 v10, v1;
	[tilespmem:s17+$0xFFFFFFD0] =	vst v4  }
0xf6: {  	v3 =	vld [tilespmem:s17+$0x60];
	v60 =	vmul.f32 v54, v1;
	[tilespmem:s17+$0xFFFFFFE0] =	vst v2  }
0xf7: {  	v61 =	vld [tilespmem:s17+$0x70];
	v2 =	vmul.f32 v55, v1;
	[tilespmem:s17+$0x0] =	vst v58  }
0xf8: {  	v62 =	vmul.f32 v56, v1;
	[tilespmem:s17+$0x10] =	vst v60  }
0xf9: {  	[tilespmem:s9+$0x20] =	vst v2;
	v2 =	vmul.f32 v57, v1  }
0xfa: {  	v63 =	vmul.f32 v59, v1;
	[tilespmem:s9+$0x30] =	vst v62  }
0xfb: {  	[tilespmem:s9+$0x40] =	vst v2;
	v2 =	vmul.f32 v3, v1  }
0xfc: {  	[tilespmem:s9+$0x50] =	vst v63;
	v1 =	vmul.f32 v61, v1  }
0xfd: {  	[tilespmem:s9+$0x60] =	vst v2  }
0xfe: {  	[tilespmem:s9+$0x70] =	vst v1  }
0xff: {  	_ =	swait.ge [sflag:s14], $0x28  }
0x100: {  	[sflag:s14] =	ssyncset.done $0x0  }
0x101: {  	[sflag:s14] =	ssyncadd.s32 $0xFFFFFFD8  }
0x102: {  	[spmem:s3] =	stream.indirect.scatter.add.f32 [tilespmem:s1], [sflag:$0x9], $0x80, s31, s11, $0xb8;
	[tilespmem:$0x1CD00] =	vst v63  }
0x103: {  	_ =	swait.ge [sflag:s15], $0x1400  }
0x104: {  	[sflag:s15] =	ssyncset.done $0x0  }
0x105: {  	s24 =	simm.s32 $0x6300;
	s12 =	simm.s32 $0xA0;
	[sflag:s15] =	ssyncadd.s32 $0xFFFFEC00  }
0x106: {  	[tilespmem:s24], [sflag:$0x2] =	stream.indirect.gather [hbm4b:s0+s11], $0x80, s12, s11, $0xb8;
	[tilespmem:$0x1CD00] =	vst v63  }
0x107: {  	s25 =	rddreg [dreg:$0xd];
	s24 =	simm.s32 $0x0  }
0x108: {  	[tilespmem:s26], [sflag:$0x5] =	stream.linear.gather [hbm4b:s25+s24], $0x28, $0x38;
	[tilespmem:$0x1CD00] =	vst v63  }
0x109: {  	s25 =	simm.s32 $0x0  }
.LBB2_14:
0x10a: {  	s9 =	sadd.s32 $0xFFFFFFFE, s24  }
0x10b: {  	s12 =	sadd.s32 $0x7A, s9  }
0x10c: {  	v1 =	vmov s12  }
0x10d: {  	s9 =	sadd.s32 $0x7B, s9;
	v1 =	vand.u32 $0xFFFFFFFE, v1  }
0x10e: {  	v2 =	vmov s9;
	v3 =	vbroadcast v1, $0x0  }
0x10f: {  	_ =	swait.ge [sflag:s29], $0x1400  }
0x110: {  	[sflag:s29] =	ssyncset.done $0x0  }
0x111: {  	[sflag:s29] =	ssyncadd.s32 $0xFFFFEC00;
	s9 =	simm.s32 $0x4F80  }
0x112: {  	v4 =	vld [tilespmem:s9+$0xFFFFFFF0]  }
0x113: {  	v1 =	vld.idx.msk [tilespmem:v2+s20+$0x0], $0xffff  }
0x114: {  	v2 =	vld.idx.msk [tilespmem:v3+s20+$0x0], $0xffff  }
0x115: {  	v8 =	vld [tilespmem:s9+$0xFFFFFF80]  }
0x116: {  	v7 =	vld [tilespmem:s9+$0xFFFFFF90]  }
0x117: {  	v6 =	vld [tilespmem:s9+$0xFFFFFFA0]  }
0x118: {  	v5 =	vld [tilespmem:s9+$0xFFFFFFB0]  }
0x119: {  	v3 =	vld [tilespmem:s9+$0xFFFFFFC0];
	v9 =	vmul.f32 v4, v2  }
0x11a: {  	s17 =	smul.u32 $0x78, s25;
	s13 =	simm.s32 $0x4F80;
	s12 =	simm.s32 $0x0;
	v8 =	vmul.f32 v8, v2;
	v4 =	vld [tilespmem:s9+$0xFFFFFFD0]  }
.LBB2_15:
0x11b: {  	s18 =	sadd.s32 s12, s24;
	s12 =	sadd.s32 $0x2, s12;
	v7 =	vmul.f32 v7, v2;
	v10 =	vld [tilespmem:s9+$0xFFFFFFE0];
	[tilespmem:s9+$0xFFFFFFF0] =	vst v9  }
0x11c: {  	s23 =	sadd.s32 $0x7A, s18;
	s18 =	sadd.s32 $0x7B, s18;
	p1 =	slt.u32 s12, $0x26;
	[tilespmem:s9+$0xFFFFFF80] =	vst v8;
	v6 =	vmul.f32 v6, v2;
	v8 =	vld [tilespmem:s9+$0x0]  }
0x11d: {  	v9 =	vmov s23;
	v11 =	vmov s18;
	[tilespmem:s9+$0xFFFFFF90] =	vst v7;
	v5 =	vmul.f32 v5, v2;
	v7 =	vld [tilespmem:s9+$0x10]  }
0x11e: {  	v9 =	vand.u32 $0xFFFFFFFE, v9;
	[tilespmem:s9+$0xFFFFFFA0] =	vst v6;
	v3 =	vmul.f32 v3, v2;
	v6 =	vld [tilespmem:s9+$0x20]  }
0x11f: {  	v9 =	vbroadcast v9, $0x0;
	[tilespmem:s9+$0xFFFFFFB0] =	vst v5;
	v4 =	vmul.f32 v4, v2;
	v5 =	vld [tilespmem:s9+$0x30]  }
0x120: {  	[tilespmem:s9+$0xFFFFFFC0] =	vst v3;
	v2 =	vmul.f32 v10, v2;
	v3 =	vld [tilespmem:s9+$0x40]  }
0x121: {  	[tilespmem:s9+$0xFFFFFFD0] =	vst v4;
	v4 =	vmul.f32 v8, v1;
	v8 =	vld [tilespmem:s9+$0x50]  }
0x122: {  	v10 =	vld.idx.msk [tilespmem:v11+s20+$0x0], $0xffff;
	[tilespmem:s9+$0xFFFFFFE0] =	vst v2;
	v2 =	vmul.f32 v7, v1  }
0x123: {  	[tilespmem:s9+$0x0] =	vst v4;
	v4 =	vmul.f32 v6, v1;
	v6 =	vld [tilespmem:s9+$0x60]  }
0x124: {  	[tilespmem:s9+$0x10] =	vst v2;
	v5 =	vmul.f32 v5, v1;
	v11 =	vld [tilespmem:s9+$0x70]  }
0x125: {  	s9 =	sadd.s32 $0x100, s9;
	v2 =	vld.idx.msk [tilespmem:v9+s20+$0x0], $0xffff;
	[tilespmem:s13+$0x20] =	vst v4;
	v3 =	vmul.f32 v3, v1  }
0x126: {  	v4 =	vld [tilespmem:s9+$0xFFFFFFF0];
	[tilespmem:s13+$0x30] =	vst v5;
	v5 =	vmul.f32 v8, v1  }
0x127: {  	v8 =	vld [tilespmem:s9+$0xFFFFFF80];
	[tilespmem:s13+$0x40] =	vst v3  }
.Ltmp8:
0x128: {  	v7 =	vld [tilespmem:s9+$0xFFFFFF90];
	[tilespmem:s13+$0x50] =	vst v5;
	v3 =	vmul.f32 v6, v1;
	(pc) =	sbr.rel @p1 .LBB2_15-.Ltmp8, $4  }
0x129: {  	v6 =	vld [tilespmem:s9+$0xFFFFFFA0];
	v11 =	vmul.f32 v11, v1;
	v1 =	vmov v10  }
0x12a: {  	v5 =	vld [tilespmem:s9+$0xFFFFFFB0];
	[tilespmem:s13+$0x60] =	vst v3  }
0x12b: {  	v3 =	vld [tilespmem:s9+$0xFFFFFFC0];
	v9 =	vmul.f32 v4, v2;
	[tilespmem:s13+$0x70] =	vst v11;
	s13 =	smov.u32 s9  }
0x12c: {  	v8 =	vmul.f32 v8, v2;
	v4 =	vld [tilespmem:s9+$0xFFFFFFD0]  }
0x12d: {  	v10 =	vld [tilespmem:s9+$0x0];
	v7 =	vmul.f32 v7, v2;
	[tilespmem:s9+$0xFFFFFFF0] =	vst v9  }
0x12e: {  	v9 =	vld [tilespmem:s9+$0x10];
	[tilespmem:s9+$0xFFFFFF80] =	vst v8;
	v6 =	vmul.f32 v6, v2  }
0x12f: {  	v11 =	vld [tilespmem:s9+$0xFFFFFFE0];
	[tilespmem:s9+$0xFFFFFF90] =	vst v7;
	v5 =	vmul.f32 v5, v2  }
0x130: {  	v8 =	vld [tilespmem:s9+$0x20];
	[tilespmem:s9+$0xFFFFFFA0] =	vst v6;
	v3 =	vmul.f32 v3, v2  }
0x131: {  	v7 =	vld [tilespmem:s9+$0x30];
	[tilespmem:s9+$0xFFFFFFB0] =	vst v5;
	v4 =	vmul.f32 v4, v2  }
0x132: {  	v6 =	vld [tilespmem:s9+$0x40];
	v10 =	vmul.f32 v10, v1;
	[tilespmem:s9+$0xFFFFFFC0] =	vst v3  }
0x133: {  	v5 =	vld [tilespmem:s9+$0x50];
	v9 =	vmul.f32 v9, v1;
	[tilespmem:s9+$0xFFFFFFD0] =	vst v4  }
0x134: {  	v3 =	vld [tilespmem:s9+$0x60];
	v2 =	vmul.f32 v11, v2;
	[tilespmem:s9+$0x0] =	vst v10  }
0x135: {  	v4 =	vmul.f32 v8, v1;
	v8 =	vld [tilespmem:s9+$0x70];
	[tilespmem:s9+$0x10] =	vst v9  }
0x136: {  	[tilespmem:s9+$0xFFFFFFE0] =	vst v2;
	v2 =	vmul.f32 v7, v1  }
0x137: {  	[tilespmem:s13+$0x20] =	vst v4;
	v4 =	vmul.f32 v6, v1  }
0x138: {  	[tilespmem:s13+$0x30] =	vst v2;
	v2 =	vmul.f32 v5, v1  }
0x139: {  	[tilespmem:s13+$0x40] =	vst v4;
	v3 =	vmul.f32 v3, v1  }
0x13a: {  	[tilespmem:s13+$0x50] =	vst v2;
	v1 =	vmul.f32 v8, v1  }
0x13b: {  	[tilespmem:s13+$0x60] =	vst v3  }
0x13c: {  	[tilespmem:s13+$0x70] =	vst v1  }
0x13d: {  	_ =	swait.ge [sflag:s30], $0x28  }
0x13e: {  	[sflag:s30] =	ssyncset.done $0x0  }
0x13f: {  	[sflag:s30] =	ssyncadd.s32 $0xFFFFFFD8  }
0x140: {  	[spmem:s3] =	stream.indirect.scatter.add.f32 [tilespmem:s21], [sflag:$0x7], $0x80, s22, s11, $0xb8;
	[tilespmem:$0x1CD00] =	vst v63  }
0x141: {  	s18 =	sadd.s32 $0xC8, s17;
	s12 =	sadd.s32 $0xFFFFFFFE, s24;
	_ =	swait.ge [sflag:s16], $0x1400  }
0x142: {  	s23 =	sadd.s32 $0xA2, s12;
	s9 =	sadd.s32 s5, s18;
	[sflag:s16] =	ssyncset.done $0x0  }
0x143: {  	s12 =	sadd.s32 $0xA3, s12;
	s9 =	sshrl.u32 s9, $0x3;
	v1 =	vmov s23;
	[sflag:s16] =	ssyncadd.s32 $0xFFFFEC00  }
0x144: {  	v1 =	vand.u32 $0xFFFFFFFE, v1;
	[tilespmem:s1], [sflag:$0x3] =	stream.indirect.gather [hbm4b:s0+s11], $0x80, s18, s11, $0xb8;
	[tilespmem:$0x1CD00] =	vst v63  }
0x145: {  	s9 =	sadd.s32 s6, s9;
	v2 =	vmov s12;
	v3 =	vbroadcast v1, $0x0  }
0x146: {  	[tilespmem:s31], [sflag:$0x6] =	stream.linear.gather [hbm4b:s9+s4], $0x28, $0x38;
	[tilespmem:$0x1CD00] =	vst v63  }
0x147: {  	_ =	swait.ge [sflag:s2], $0x1400  }
0x148: {  	[sflag:s2] =	ssyncset.done $0x0  }
0x149: {  	[sflag:s2] =	ssyncadd.s32 $0xFFFFEC00  }
0x14a: {  	v1 =	vld.idx.msk [tilespmem:v2+s20+$0x0], $0xffff  }
0x14b: {  	s9 =	simm.s32 $0x6380;
	v2 =	vld.idx.msk [tilespmem:v3+s20+$0x0], $0xffff  }
0x14c: {  	v4 =	vld [tilespmem:s9+$0xFFFFFFF0]  }
0x14d: {  	v8 =	vld [tilespmem:s9+$0xFFFFFF80]  }
0x14e: {  	v7 =	vld [tilespmem:s9+$0xFFFFFF90]  }
0x14f: {  	v6 =	vld [tilespmem:s9+$0xFFFFFFA0]  }
0x150: {  	v5 =	vld [tilespmem:s9+$0xFFFFFFB0]  }
0x151: {  	v3 =	vld [tilespmem:s9+$0xFFFFFFC0];
	v9 =	vmul.f32 v4, v2  }
0x152: {  	s12 =	simm.s32 $0x0;
	s13 =	simm.s32 $0x6380;
	v8 =	vmul.f32 v8, v2;
	v4 =	vld [tilespmem:s9+$0xFFFFFFD0]  }
.LBB2_17:
0x153: {  	s18 =	sadd.s32 s12, s24;
	s12 =	sadd.s32 $0x2, s12;
	v7 =	vmul.f32 v7, v2;
	v10 =	vld [tilespmem:s9+$0xFFFFFFE0];
	[tilespmem:s9+$0xFFFFFFF0] =	vst v9  }
0x154: {  	s23 =	sadd.s32 $0xA2, s18;
	s18 =	sadd.s32 $0xA3, s18;
	p1 =	slt.u32 s12, $0x26;
	[tilespmem:s9+$0xFFFFFF80] =	vst v8;
	v6 =	vmul.f32 v6, v2;
	v8 =	vld [tilespmem:s9+$0x0]  }
0x155: {  	v9 =	vmov s23;
	v11 =	vmov s18;
	[tilespmem:s9+$0xFFFFFF90] =	vst v7;
	v5 =	vmul.f32 v5, v2;
	v7 =	vld [tilespmem:s9+$0x10]  }
0x156: {  	v9 =	vand.u32 $0xFFFFFFFE, v9;
	[tilespmem:s9+$0xFFFFFFA0] =	vst v6;
	v3 =	vmul.f32 v3, v2;
	v6 =	vld [tilespmem:s9+$0x20]  }
0x157: {  	v9 =	vbroadcast v9, $0x0;
	[tilespmem:s9+$0xFFFFFFB0] =	vst v5;
	v4 =	vmul.f32 v4, v2;
	v5 =	vld [tilespmem:s9+$0x30]  }
0x158: {  	[tilespmem:s9+$0xFFFFFFC0] =	vst v3;
	v2 =	vmul.f32 v10, v2;
	v3 =	vld [tilespmem:s9+$0x40]  }
0x159: {  	[tilespmem:s9+$0xFFFFFFD0] =	vst v4;
	v4 =	vmul.f32 v8, v1;
	v8 =	vld [tilespmem:s9+$0x50]  }
0x15a: {  	v10 =	vld.idx.msk [tilespmem:v11+s20+$0x0], $0xffff;
	[tilespmem:s9+$0xFFFFFFE0] =	vst v2;
	v2 =	vmul.f32 v7, v1  }
0x15b: {  	[tilespmem:s9+$0x0] =	vst v4;
	v4 =	vmul.f32 v6, v1;
	v6 =	vld [tilespmem:s9+$0x60]  }
0x15c: {  	[tilespmem:s9+$0x10] =	vst v2;
	v5 =	vmul.f32 v5, v1;
	v11 =	vld [tilespmem:s9+$0x70]  }
0x15d: {  	s9 =	sadd.s32 $0x100, s9;
	v2 =	vld.idx.msk [tilespmem:v9+s20+$0x0], $0xffff;
	[tilespmem:s13+$0x20] =	vst v4;
	v3 =	vmul.f32 v3, v1  }
0x15e: {  	v4 =	vld [tilespmem:s9+$0xFFFFFFF0];
	[tilespmem:s13+$0x30] =	vst v5;
	v5 =	vmul.f32 v8, v1  }
0x15f: {  	v8 =	vld [tilespmem:s9+$0xFFFFFF80];
	[tilespmem:s13+$0x40] =	vst v3  }
.Ltmp9:
0x160: {  	v7 =	vld [tilespmem:s9+$0xFFFFFF90];
	[tilespmem:s13+$0x50] =	vst v5;
	v3 =	vmul.f32 v6, v1;
	(pc) =	sbr.rel @p1 .LBB2_17-.Ltmp9, $4  }
0x161: {  	v6 =	vld [tilespmem:s9+$0xFFFFFFA0];
	v11 =	vmul.f32 v11, v1;
	v1 =	vmov v10  }
0x162: {  	v5 =	vld [tilespmem:s9+$0xFFFFFFB0];
	[tilespmem:s13+$0x60] =	vst v3  }
0x163: {  	v3 =	vld [tilespmem:s9+$0xFFFFFFC0];
	v9 =	vmul.f32 v4, v2;
	[tilespmem:s13+$0x70] =	vst v11;
	s13 =	smov.u32 s9  }
0x164: {  	v8 =	vmul.f32 v8, v2;
	v4 =	vld [tilespmem:s9+$0xFFFFFFD0]  }
0x165: {  	v10 =	vld [tilespmem:s9+$0x0];
	v7 =	vmul.f32 v7, v2;
	[tilespmem:s9+$0xFFFFFFF0] =	vst v9  }
0x166: {  	v9 =	vld [tilespmem:s9+$0x10];
	[tilespmem:s9+$0xFFFFFF80] =	vst v8;
	v6 =	vmul.f32 v6, v2  }
0x167: {  	v11 =	vld [tilespmem:s9+$0xFFFFFFE0];
	[tilespmem:s9+$0xFFFFFF90] =	vst v7;
	v5 =	vmul.f32 v5, v2  }
0x168: {  	v8 =	vld [tilespmem:s9+$0x20];
	[tilespmem:s9+$0xFFFFFFA0] =	vst v6;
	v3 =	vmul.f32 v3, v2  }
0x169: {  	v7 =	vld [tilespmem:s9+$0x30];
	[tilespmem:s9+$0xFFFFFFB0] =	vst v5;
	v4 =	vmul.f32 v4, v2  }
0x16a: {  	v6 =	vld [tilespmem:s9+$0x40];
	v10 =	vmul.f32 v10, v1;
	[tilespmem:s9+$0xFFFFFFC0] =	vst v3  }
0x16b: {  	v5 =	vld [tilespmem:s9+$0x50];
	v9 =	vmul.f32 v9, v1;
	[tilespmem:s9+$0xFFFFFFD0] =	vst v4  }
0x16c: {  	v3 =	vld [tilespmem:s9+$0x60];
	v2 =	vmul.f32 v11, v2;
	[tilespmem:s9+$0x0] =	vst v10  }
0x16d: {  	v4 =	vmul.f32 v8, v1;
	v8 =	vld [tilespmem:s9+$0x70];
	[tilespmem:s9+$0x10] =	vst v9  }
0x16e: {  	[tilespmem:s9+$0xFFFFFFE0] =	vst v2;
	v2 =	vmul.f32 v7, v1  }
0x16f: {  	[tilespmem:s13+$0x20] =	vst v4;
	v4 =	vmul.f32 v6, v1  }
0x170: {  	[tilespmem:s13+$0x30] =	vst v2;
	v2 =	vmul.f32 v5, v1  }
0x171: {  	[tilespmem:s13+$0x40] =	vst v4;
	v3 =	vmul.f32 v3, v1  }
0x172: {  	[tilespmem:s13+$0x50] =	vst v2;
	v1 =	vmul.f32 v8, v1  }
0x173: {  	[tilespmem:s13+$0x60] =	vst v3  }
0x174: {  	[tilespmem:s13+$0x70] =	vst v1  }
0x175: {  	_ =	swait.ge [sflag:s7], $0x28  }
0x176: {  	[sflag:s7] =	ssyncset.done $0x0  }
0x177: {  	s13 =	simm.s32 $0x6300;
	[sflag:s7] =	ssyncadd.s32 $0xFFFFFFD8  }
0x178: {  	[spmem:s3] =	stream.indirect.scatter.add.f32 [tilespmem:s13], [sflag:$0x8], $0x80, s26, s11, $0xb8;
	[tilespmem:$0x1CD00] =	vst v63  }
0x179: {  	s18 =	sadd.s32 $0xF0, s17;
	s12 =	sadd.s32 $0xFFFFFFFE, s24;
	_ =	swait.ge [sflag:s8], $0x1400  }
0x17a: {  	s23 =	sadd.s32 $0xCA, s12;
	s9 =	sadd.s32 s5, s18;
	[sflag:s8] =	ssyncset.done $0x0  }
0x17b: {  	s12 =	sadd.s32 $0xCB, s12;
	s9 =	sshrl.u32 s9, $0x3;
	v1 =	vmov s23;
	[sflag:s8] =	ssyncadd.s32 $0xFFFFEC00  }
0x17c: {  	v1 =	vand.u32 $0xFFFFFFFE, v1;
	[tilespmem:s21], [sflag:$0x1] =	stream.indirect.gather [hbm4b:s0+s11], $0x80, s18, s11, $0xb8;
	[tilespmem:$0x1CD00] =	vst v63  }
0x17d: {  	s9 =	sadd.s32 s6, s9;
	v2 =	vmov s12;
	v3 =	vbroadcast v1, $0x0  }
0x17e: {  	[tilespmem:s22], [sflag:$0x4] =	stream.linear.gather [hbm4b:s9+s4], $0x28, $0x38;
	[tilespmem:$0x1CD00] =	vst v63  }
0x17f: {  	_ =	swait.ge [sflag:s10], $0x1400  }
0x180: {  	[sflag:s10] =	ssyncset.done $0x0  }
0x181: {  	[sflag:s10] =	ssyncadd.s32 $0xFFFFEC00  }
0x182: {  	v1 =	vld.idx.msk [tilespmem:v2+s20+$0x0], $0xffff  }
0x183: {  	s9 =	simm.s32 $0x7780;
	v2 =	vld.idx.msk [tilespmem:v3+s20+$0x0], $0xffff  }
0x184: {  	v4 =	vld [tilespmem:s9+$0xFFFFFFF0]  }
0x185: {  	v8 =	vld [tilespmem:s9+$0xFFFFFF80]  }
0x186: {  	v7 =	vld [tilespmem:s9+$0xFFFFFF90]  }
0x187: {  	v6 =	vld [tilespmem:s9+$0xFFFFFFA0]  }
0x188: {  	v5 =	vld [tilespmem:s9+$0xFFFFFFB0]  }
0x189: {  	v3 =	vld [tilespmem:s9+$0xFFFFFFC0];
	v9 =	vmul.f32 v4, v2  }
0x18a: {  	s12 =	simm.s32 $0x0;
	s13 =	simm.s32 $0x7780;
	v8 =	vmul.f32 v8, v2;
	v4 =	vld [tilespmem:s9+$0xFFFFFFD0]  }
.LBB2_19:
0x18b: {  	s18 =	sadd.s32 s12, s24;
	s12 =	sadd.s32 $0x2, s12;
	v7 =	vmul.f32 v7, v2;
	v10 =	vld [tilespmem:s9+$0xFFFFFFE0];
	[tilespmem:s9+$0xFFFFFFF0] =	vst v9  }
0x18c: {  	s23 =	sadd.s32 $0xCA, s18;
	s18 =	sadd.s32 $0xCB, s18;
	p1 =	slt.u32 s12, $0x26;
	[tilespmem:s9+$0xFFFFFF80] =	vst v8;
	v6 =	vmul.f32 v6, v2;
	v8 =	vld [tilespmem:s9+$0x0]  }
0x18d: {  	v9 =	vmov s23;
	v11 =	vmov s18;
	[tilespmem:s9+$0xFFFFFF90] =	vst v7;
	v5 =	vmul.f32 v5, v2;
	v7 =	vld [tilespmem:s9+$0x10]  }
0x18e: {  	v9 =	vand.u32 $0xFFFFFFFE, v9;
	[tilespmem:s9+$0xFFFFFFA0] =	vst v6;
	v3 =	vmul.f32 v3, v2;
	v6 =	vld [tilespmem:s9+$0x20]  }
0x18f: {  	v9 =	vbroadcast v9, $0x0;
	[tilespmem:s9+$0xFFFFFFB0] =	vst v5;
	v4 =	vmul.f32 v4, v2;
	v5 =	vld [tilespmem:s9+$0x30]  }
0x190: {  	[tilespmem:s9+$0xFFFFFFC0] =	vst v3;
	v2 =	vmul.f32 v10, v2;
	v3 =	vld [tilespmem:s9+$0x40]  }
0x191: {  	[tilespmem:s9+$0xFFFFFFD0] =	vst v4;
	v4 =	vmul.f32 v8, v1;
	v8 =	vld [tilespmem:s9+$0x50]  }
0x192: {  	v10 =	vld.idx.msk [tilespmem:v11+s20+$0x0], $0xffff;
	[tilespmem:s9+$0xFFFFFFE0] =	vst v2;
	v2 =	vmul.f32 v7, v1  }
0x193: {  	[tilespmem:s9+$0x0] =	vst v4;
	v4 =	vmul.f32 v6, v1;
	v6 =	vld [tilespmem:s9+$0x60]  }
0x194: {  	[tilespmem:s9+$0x10] =	vst v2;
	v5 =	vmul.f32 v5, v1;
	v11 =	vld [tilespmem:s9+$0x70]  }
0x195: {  	s9 =	sadd.s32 $0x100, s9;
	v2 =	vld.idx.msk [tilespmem:v9+s20+$0x0], $0xffff;
	[tilespmem:s13+$0x20] =	vst v4;
	v3 =	vmul.f32 v3, v1  }
0x196: {  	v4 =	vld [tilespmem:s9+$0xFFFFFFF0];
	[tilespmem:s13+$0x30] =	vst v5;
	v5 =	vmul.f32 v8, v1  }
0x197: {  	v8 =	vld [tilespmem:s9+$0xFFFFFF80];
	[tilespmem:s13+$0x40] =	vst v3  }
.Ltmp10:
0x198: {  	v7 =	vld [tilespmem:s9+$0xFFFFFF90];
	[tilespmem:s13+$0x50] =	vst v5;
	v3 =	vmul.f32 v6, v1;
	(pc) =	sbr.rel @p1 .LBB2_19-.Ltmp10, $4  }
0x199: {  	v6 =	vld [tilespmem:s9+$0xFFFFFFA0];
	v11 =	vmul.f32 v11, v1;
	v1 =	vmov v10  }
0x19a: {  	v5 =	vld [tilespmem:s9+$0xFFFFFFB0];
	[tilespmem:s13+$0x60] =	vst v3  }
0x19b: {  	v3 =	vld [tilespmem:s9+$0xFFFFFFC0];
	v9 =	vmul.f32 v4, v2;
	[tilespmem:s13+$0x70] =	vst v11;
	s13 =	smov.u32 s9  }
0x19c: {  	v8 =	vmul.f32 v8, v2;
	v4 =	vld [tilespmem:s9+$0xFFFFFFD0]  }
0x19d: {  	v10 =	vld [tilespmem:s9+$0x0];
	v7 =	vmul.f32 v7, v2;
	[tilespmem:s9+$0xFFFFFFF0] =	vst v9  }
0x19e: {  	v56 =	vld [tilespmem:s9+$0x10];
	[tilespmem:s9+$0xFFFFFF80] =	vst v8;
	v6 =	vmul.f32 v6, v2  }
0x19f: {  	v11 =	vld [tilespmem:s9+$0xFFFFFFE0];
	[tilespmem:s9+$0xFFFFFF90] =	vst v7;
	v5 =	vmul.f32 v5, v2  }
0x1a0: {  	v57 =	vld [tilespmem:s9+$0x20];
	[tilespmem:s9+$0xFFFFFFA0] =	vst v6;
	v3 =	vmul.f32 v3, v2  }
0x1a1: {  	v58 =	vld [tilespmem:s9+$0x30];
	[tilespmem:s9+$0xFFFFFFB0] =	vst v5;
	v4 =	vmul.f32 v4, v2  }
0x1a2: {  	v59 =	vld [tilespmem:s9+$0x40];
	v10 =	vmul.f32 v10, v1;
	[tilespmem:s9+$0xFFFFFFC0] =	vst v3  }
0x1a3: {  	v60 =	vld [tilespmem:s9+$0x50];
	v9 =	vmul.f32 v56, v1;
	[tilespmem:s9+$0xFFFFFFD0] =	vst v4  }
0x1a4: {  	v3 =	vld [tilespmem:s9+$0x60];
	v2 =	vmul.f32 v11, v2;
	[tilespmem:s9+$0x0] =	vst v10  }
0x1a5: {  	v62 =	vld [tilespmem:s9+$0x70];
	v61 =	vmul.f32 v57, v1;
	[tilespmem:s9+$0x10] =	vst v9  }
0x1a6: {  	[tilespmem:s9+$0xFFFFFFE0] =	vst v2;
	v2 =	vmul.f32 v58, v1  }
0x1a7: {  	v63 =	vmul.f32 v59, v1;
	[tilespmem:s13+$0x20] =	vst v61  }
0x1a8: {  	[tilespmem:s13+$0x30] =	vst v2;
	v2 =	vmul.f32 v60, v1  }
0x1a9: {  	[tilespmem:s13+$0x40] =	vst v63;
	v3 =	vmul.f32 v3, v1  }
0x1aa: {  	v1 =	vmul.f32 v62, v1;
	[tilespmem:s13+$0x50] =	vst v2  }
0x1ab: {  	[tilespmem:s13+$0x60] =	vst v3  }
0x1ac: {  	[tilespmem:s13+$0x70] =	vst v1  }
0x1ad: {  	_ =	swait.ge [sflag:s14], $0x28  }
0x1ae: {  	p1 =	seq.s32 s25, $0x51;
	[sflag:s14] =	ssyncset.done $0x0  }
.Ltmp11:
0x1af: {  	[sflag:s14] =	ssyncadd.s32 $0xFFFFFFD8;
	(pc) =	sbr.rel @p1 .LBB2_22-.Ltmp11, $4  }
0x1b0: {  	[spmem:s3] =	stream.indirect.scatter.add.f32 [tilespmem:s1], [sflag:$0x9], $0x80, s31, s11, $0xb8;
	[tilespmem:$0x1CD00] =	vst v63  }
0x1b1: {  	_ =	swait.ge [sflag:s15], $0x1400  }
0x1b2: {  	[sflag:s15] =	ssyncset.done $0x0  }
0x1b3: {  	[sflag:s15] =	ssyncadd.s32 $0xFFFFEC00  }
0x1b4: {  	s9 =	sadd.s32 $0x118, s17;
	s12 =	simm.s32 $0x6300  }
0x1b5: {  	[tilespmem:s12], [sflag:$0x2] =	stream.indirect.gather [hbm4b:s0+s11], $0x80, s9, s11, $0xb8;
	[tilespmem:$0x1CD00] =	vst v63  }
.Ltmp12:
0x1b6: {  	_ = 	snop;
	(pc) =	sbr.rel .LBB2_14-.Ltmp12, $4  }
0x1b7: {  	s9 =	sadd.s32 s5, s9  }
0x1b8: {  	s9 =	sshrl.u32 s9, $0x3  }
0x1b9: {  	s25 =	sadd.s32 $0x1, s25;
	s24 =	sadd.s32 $0x78, s24;
	s9 =	sadd.s32 s6, s9  }
0x1ba: {  	[tilespmem:s26], [sflag:$0x5] =	stream.linear.gather [hbm4b:s9+s4], $0x28, $0x38;
	[tilespmem:$0x1CD00] =	vst v63  }
.LBB2_22:
0x1bb: {  	s9 =	simm.s32 $0x26E8  }
0x1bc: {  	v1 =	vmov s9  }
0x1bd: {  	v1 =	vand.u32 $0xFFFFFFFE, v1  }
0x1be: {  	v1 =	vbroadcast v1, $0x0;
	_ =	sdelay $0x1  }
0x1bf: {  	_ =	swait.ge [sflag:s29], $0x1400  }
0x1c0: {  	[sflag:s29] =	ssyncset.done $0x0  }
0x1c1: {  	s17 =	simm.s32 $0x4F80;
	[sflag:s29] =	ssyncadd.s32 $0xFFFFEC00  }
0x1c2: {  	v8 =	vld [tilespmem:s17+$0xFFFFFF80]  }
0x1c3: {  	v2 =	vld.idx.msk [tilespmem:v1+s20+$0x0], $0xffff  }
0x1c4: {  	s25 =	simm.s32 $0x26E9;
	v1 =	vld [tilespmem:s17+$0xFFFFFFF0]  }
0x1c5: {  	v9 =	vmov s25;
	v10 =	vld [tilespmem:s17+$0xFFFFFF90]  }
0x1c6: {  	v7 =	vld [tilespmem:s17+$0xFFFFFFA0]  }
0x1c7: {  	v6 =	vld [tilespmem:s17+$0xFFFFFFB0]  }
0x1c8: {  	v5 =	vld [tilespmem:s17+$0xFFFFFFC0]  }
0x1c9: {  	v4 =	vld [tilespmem:s17+$0xFFFFFFD0];
	v11 =	vmul.f32 v1, v2  }
0x1ca: {  	v1 =	vld.idx.msk [tilespmem:v9+s20+$0x0], $0xffff;
	v9 =	vmul.f32 v8, v2  }
0x1cb: {  	s13 =	simm.s32 $0x0;
	s9 =	simm.s32 $0x4F80;
	v3 =	vld [tilespmem:s17+$0xFFFFFFE0];
	v8 =	vmul.f32 v10, v2;
	[tilespmem:s17+$0xFFFFFFF0] =	vst v11  }
.LBB2_23:
0x1cc: {  	s12 =	sadd.s32 $0x26EA, s13;
	[tilespmem:s17+$0xFFFFFF80] =	vst v9;
	v7 =	vmul.f32 v7, v2;
	v9 =	vld [tilespmem:s17+$0x0];
	s18 =	smov.u32 s13;
	s13 =	sadd.s32 $0x2, s13  }
0x1cd: {  	v10 =	vmov s12;
	p1 =	slt.u32 s13, $0x26;
	[tilespmem:s17+$0xFFFFFF90] =	vst v8;
	v6 =	vmul.f32 v6, v2;
	v8 =	vld [tilespmem:s17+$0x10]  }
0x1ce: {  	s12 =	sadd.s32 $0x26EB, s18;
	v10 =	vand.u32 $0xFFFFFFFE, v10;
	[tilespmem:s17+$0xFFFFFFA0] =	vst v7;
	v5 =	vmul.f32 v5, v2;
	v7 =	vld [tilespmem:s17+$0x20]  }
0x1cf: {  	v11 =	vmov s12;
	v10 =	vbroadcast v10, $0x0;
	[tilespmem:s17+$0xFFFFFFB0] =	vst v6;
	v4 =	vmul.f32 v4, v2;
	v6 =	vld [tilespmem:s17+$0x30]  }
0x1d0: {  	[tilespmem:s17+$0xFFFFFFC0] =	vst v5;
	v2 =	vmul.f32 v3, v2;
	v3 =	vld [tilespmem:s17+$0x40]  }
0x1d1: {  	[tilespmem:s17+$0xFFFFFFD0] =	vst v4;
	v4 =	vmul.f32 v9, v1;
	v5 =	vld [tilespmem:s17+$0x50]  }
0x1d2: {  	[tilespmem:s17+$0xFFFFFFE0] =	vst v2;
	v2 =	vmul.f32 v8, v1;
	v8 =	vld [tilespmem:s17+$0x60]  }
0x1d3: {  	[tilespmem:s17+$0x0] =	vst v4;
	v4 =	vmul.f32 v7, v1;
	v7 =	vld [tilespmem:s17+$0x70]  }
0x1d4: {  	v9 =	vld.idx.msk [tilespmem:v11+s20+$0x0], $0xffff;
	[tilespmem:s17+$0x10] =	vst v2;
	v6 =	vmul.f32 v6, v1  }
0x1d5: {  	s17 =	sadd.s32 $0x100, s17;
	v2 =	vld.idx.msk [tilespmem:v10+s20+$0x0], $0xffff;
	[tilespmem:s9+$0x20] =	vst v4;
	v3 =	vmul.f32 v3, v1  }
0x1d6: {  	v4 =	vld [tilespmem:s17+$0xFFFFFFF0];
	[tilespmem:s9+$0x30] =	vst v6;
	v5 =	vmul.f32 v5, v1  }
0x1d7: {  	v10 =	vld [tilespmem:s17+$0xFFFFFF80];
	[tilespmem:s9+$0x40] =	vst v3;
	v3 =	vmul.f32 v8, v1  }
0x1d8: {  	v8 =	vld [tilespmem:s17+$0xFFFFFF90];
	[tilespmem:s9+$0x50] =	vst v5;
	v5 =	vmul.f32 v7, v1  }
.Ltmp13:
0x1d9: {  	v7 =	vld [tilespmem:s17+$0xFFFFFFA0];
	[tilespmem:s9+$0x60] =	vst v3;
	(pc) =	sbr.rel @p1 .LBB2_23-.Ltmp13, $4  }
0x1da: {  	v1 =	vmov v9;
	v6 =	vld [tilespmem:s17+$0xFFFFFFB0];
	[tilespmem:s9+$0x70] =	vst v5;
	s9 =	smov.u32 s17  }
0x1db: {  	v5 =	vld [tilespmem:s17+$0xFFFFFFC0];
	v11 =	vmul.f32 v4, v2  }
0x1dc: {  	v9 =	vmul.f32 v10, v2;
	v4 =	vld [tilespmem:s17+$0xFFFFFFD0]  }
0x1dd: {  	v8 =	vmul.f32 v8, v2;
	v3 =	vld [tilespmem:s17+$0xFFFFFFE0];
	[tilespmem:s17+$0xFFFFFFF0] =	vst v11  }
0x1de: {  	v10 =	vld [tilespmem:s17+$0x0];
	[tilespmem:s17+$0xFFFFFF80] =	vst v9;
	v7 =	vmul.f32 v7, v2  }
0x1df: {  	v54 =	vld [tilespmem:s17+$0x10];
	[tilespmem:s17+$0xFFFFFF90] =	vst v8;
	v6 =	vmul.f32 v6, v2  }
0x1e0: {  	v55 =	vld [tilespmem:s17+$0x20];
	[tilespmem:s17+$0xFFFFFFA0] =	vst v7;
	v5 =	vmul.f32 v5, v2  }
0x1e1: {  	v56 =	vld [tilespmem:s17+$0x30];
	[tilespmem:s17+$0xFFFFFFB0] =	vst v6;
	v4 =	vmul.f32 v4, v2  }
0x1e2: {  	v57 =	vld [tilespmem:s17+$0x40];
	[tilespmem:s17+$0xFFFFFFC0] =	vst v5;
	v2 =	vmul.f32 v3, v2  }
0x1e3: {  	v59 =	vld [tilespmem:s17+$0x50];
	v58 =	vmul.f32 v10, v1;
	[tilespmem:s17+$0xFFFFFFD0] =	vst v4  }
0x1e4: {  	v3 =	vld [tilespmem:s17+$0x60];
	v60 =	vmul.f32 v54, v1;
	[tilespmem:s17+$0xFFFFFFE0] =	vst v2  }
0x1e5: {  	v61 =	vld [tilespmem:s17+$0x70];
	v2 =	vmul.f32 v55, v1;
	[tilespmem:s17+$0x0] =	vst v58  }
0x1e6: {  	v62 =	vmul.f32 v56, v1;
	[tilespmem:s17+$0x10] =	vst v60  }
0x1e7: {  	[tilespmem:s9+$0x20] =	vst v2;
	v2 =	vmul.f32 v57, v1  }
0x1e8: {  	v63 =	vmul.f32 v59, v1;
	[tilespmem:s9+$0x30] =	vst v62  }
0x1e9: {  	[tilespmem:s9+$0x40] =	vst v2;
	v2 =	vmul.f32 v3, v1  }
0x1ea: {  	[tilespmem:s9+$0x50] =	vst v63;
	v1 =	vmul.f32 v61, v1  }
0x1eb: {  	[tilespmem:s9+$0x60] =	vst v2  }
0x1ec: {  	[tilespmem:s9+$0x70] =	vst v1  }
0x1ed: {  	_ =	swait.ge [sflag:s30], $0x28  }
0x1ee: {  	[sflag:s30] =	ssyncset.done $0x0  }
0x1ef: {  	[sflag:s30] =	ssyncadd.s32 $0xFFFFFFD8  }
0x1f0: {  	[spmem:s3] =	stream.indirect.scatter.add.f32 [tilespmem:s21], [sflag:$0x7], $0x80, s22, s11, $0xb8;
	[tilespmem:$0x1CD00] =	vst v63  }
0x1f1: {  	_ =	swait.ge [sflag:s16], $0x1400  }
0x1f2: {  	[sflag:s16] =	ssyncset.done $0x0  }
0x1f3: {  	[sflag:s16] =	ssyncadd.s32 $0xFFFFEC00  }
0x1f4: {  	_ =	swait.ge [sflag:s8], $0x1400  }
0x1f5: {  	[sflag:s8] =	ssyncset.done $0x0  }
0x1f6: {  	[sflag:s8] =	ssyncadd.s32 $0xFFFFEC00  }
0x1f7: {  	[bflag:$0x0] =	sbarrier.arrive $0xFFFF  }
0x1f8: {  	s9 =	rddreg [dreg:$0xe]  }
0x1f9: {  	s12 =	simm.s32 @p0 $0x1FCA;
	s13 =	rddreg [dreg:$0x10];
	s9 =	sadd.s32 @p0 $0x24900, s9  }
0x1fa: {  	[hbm:s9], [sflag:s12] =	dma.local @p0 [spmem:s13], $0x2800  }
0x1fb: {  	s9 =	simm.s32 @p0 $0xA  }
0x1fc: {  	_ =	swait.ge @p0 [sflag:s9], $0x2800  }
0x1fd: {  	s12 =	stileid.u32;
	s17 =	rddreg [dreg:$0xa]  }
0x1fe: {  	s12 =	sshll.u32 @!p0 s12, $0x6;
	[sflag:s9] =	ssyncset.done @p0 $0x0;
	s13 =	rddreg [dreg:$0x11]  }
0x1ff: {  	[sflag:s9] =	ssyncadd.s32 @p0 $0xFFFFD800;
	s9 =	sor.u32 @!p0 $0x1C0A, s12;
	s12 =	sshrl.u32 @!p0 s17, $0x3  }
0x200: {  	[hbm:s13], [sflag:s9] =	dma.local @!p0 [spmem:s12], $0x2700  }
0x201: {  	s9 =	simm.s32 @!p0 $0xA  }
0x202: {  	_ =	swait.ge @!p0 [sflag:s9], $0x2700  }
0x203: {  	s18 =	rddreg [dreg:$0x12]  }
0x204: {  	s25 =	rddreg [dreg:$0xf];
	s18 =	sadd.s32 $0x1, s18  }
0x205: {  	p1 =	sne.s32 s18, s25  }
.Ltmp14:
0x206: {  	_ = 	snop;
	(pc) =	sbr.rel @p1 .LBB2_1-.Ltmp14, $3  }
0x207: {  	_ =	sdelay $0x1  }
0x208: {  	[sflag:s9] =	ssyncset.done @!p0 $0x0  }
0x209: {  	s13 =	rddreg [dreg:$0x9];
	[sflag:s9] =	ssyncadd.s32 @!p0 $0xFFFFD900  }
0x20a: {  	_ =	sfence.sel $0x180000  }
0x20b: {  	[bflag:$0x0] =	sbarrier.arrive $0xFFFF  }
0x20c: {  	_ =	strace $0x90000047  }
0x20d: {  	s0 =	stileid.u32;
	[bflag:$0x2] =	sbarrier.arrive $0xFFFF  }
0x20e: {  	p0 =	sne.s32 s0, $0x0;
	s0 =	rddreg [dreg:$0x4]  }
0x20f: {  	s0 =	sadd.s32 @!p0 $0x100000, s0  }
0x210: {  	[sflag:s0] =	ssyncadd.tile.s32 @!p0 $0x1;
	_ =	shalt  }
.Lfunc_end2:
_tile_overlayer_lowered:
.L_overlay_start_2:
0x211: {  	(tag) =	ssettag $0x2  }
0x212: {  	s0 =	rddreg [dreg:$0x0];
	s2 =	stileid.u32  }
0x213: {  	s1 =	rddreg [dreg:$0x1];
	p0 =	sne.s32 s2, $0x0  }
0x214: {  	s3 =	rddreg [dreg:$0x2];
	[bflag:$0x3] =	sbarrier.arrive $0xFFFF;
	s2 =	simm.s32 @!p0 $0x1C0B  }
0x215: {  	[timem:s3], [sflag:s2] =	dma.local @!p0 [hbm:s0], s1  }
0x216: {  	s0 =	simm.s32 @!p0 $0xB  }
0x217: {  	_ =	swait.ge @!p0 [sflag:s0], s1  }
0x218: {  	s1 =	ssub.s32 @!p0 $0x0, s1;
	[sflag:s0] =	ssyncset.done @!p0 $0x0  }
0x219: {  	[sflag:s0] =	ssyncadd.s32 @!p0 s1  }
0x21a: {  	[bflag:$0x3] =	sbarrier.arrive $0xFFFF  }
0x21b: {  	_ =	shalt  }

// kernel: kernel.9.cloned.1.call-start
scs
__scs_entry_jumppad:
0x0: {  	(pc) =	sbr.rel $0x88, $3  }
0x1: {  	(tag) =	ssettag $0x0;
	lr =	simm.s32 $0x1  }
0x2: {  	[smem:$0x3F9C] =	sst lr;
	_ =	strace $0xD0000000  }
0x3: {  	_ = 	snop  }
0x4: {  	_ = 	snop  }
0x5: {  	_ = 	snop  }
0x6: {  	_ = 	snop  }
0x7: {  	_ = 	snop  }
__scs_overlays_trampoline_lowered:
0x8: {  	[smem:$0x3FAB] =	sst s0  }
0x9: {  	[smem:$0x3FAC] =	sst s1  }
0xa: {  	[smem:$0x3FAD] =	sst s2  }
0xb: {  	[smem:$0x3FAE] =	sst s3  }
0xc: {  	[smem:$0x3FAF] =	sst s4  }
0xd: {  	[smem:$0x3FB0] =	sst s5  }
0xe: {  	[smem:$0x3FB1] =	sst s6  }
0xf: {  	[smem:$0x3FB2] =	sst s7  }
0x10: {  	[smem:$0x3FB3] =	sst s8  }
0x11: {  	[smem:$0x3FB4] =	sst s9;
	s0 =	simm.s32 @!p0 $0x0  }
0x12: {  	s1 =	sld [smem:$0x3F9A];
	s0 =	simm.s32 @p0 $0x1  }
0x13: {  	[smem:$0x3FB5] =	sst s0;
	s0 =	simm.s32 @!p1 $0x0  }
0x14: {  	s2 =	sld [smem:$0x3F99];
	s0 =	simm.s32 @p1 $0x1  }
0x15: {  	[smem:$0x3FB6] =	sst s0;
	s0 =	simm.s32 @!p2 $0x0  }
0x16: {  	s3 =	sld [smem:$0x3FDB];
	s0 =	simm.s32 @p2 $0x1  }
0x17: {  	s4 =	simm.s32 $0x1BF5;
	[smem:$0x3FB8] =	sst s0  }
0x18: {  	s0 =	sld [smem:$0x3F9B];
	_ =	swait.ge [sflag:s4], $0x0  }
0x19: {  	s7 =	sld [smem:$0x3F9C]  }
0x1a: {  	s8 =	sadd.s32 $0xFFFFE003, lr  }
0x1b: {  	s9 =	sadd.s32 $0xFFFFFEF7, lr;
	s5 =	simm.s32 $0xFFFFFFFF;
	p2 =	slt.u32 s8, $0xFFFFF086  }
0x1c: {  	p1 =	slt.u32 s9, $0xF7A;
	s5 =	simm.s32 @!p2 $0x0  }
0x1d: {  	s5 =	simm.s32 @p1 $0x1;
	p0 =	seq.s32 s7, s2  }
0x1e: {  	s7 =	smul.u32 @!p0 $0xF7A, s2;
	p2 =	seq.s32 @!p0 s5, $0x0  }
0x1f: {  	s9 =	smul.u32 $0xF7A, s1;
	s8 =	simm.s32 @!p0 $0x1BF5;
	p2 =	por !p2, p0  }
0x20: {  	[sflag:s8] =	ssyncset.s32 @!p0 $0xFFFFF086;
	s6 =	sadd.s32 @!p0 s3, s7;
	s7 =	simm.s32 @!p0 $0x108  }
0x21: {  	s3 =	sadd.s32 s3, s9;
	s6 =	sadd.s32 @!p0 $0x88, s6;
	s7 =	simm.s32 @p2 $0x1082  }
0x22: {  	[simem:s7], [sflag:s8] =	dma.local @!p0 [hbm:s6], $0xF7A  }
0x23: {  	s9 =	sor.u32 $0xD0000000, s2;
	s6 =	simm.s32 $0x108;
	_ =	swait.ge @!p0 [sflag:s8], $0x0  }
0x24: {  	s3 =	sadd.s32 $0x88, s3;
	s6 =	simm.s32 @!p1 $0x1082;
	[sflag:s4] =	ssyncset.s32 $0xFFFFF086  }
0x25: {  	[simem:s6], [sflag:s4] =	dma.local [hbm:s3], $0xF7A  }
0x26: {  	[smem:$0x3F9C] =	sst s1;
	(tag) =	ssettag s2;
	_ =	strace s9  }
0x27: {  	s1 =	sld [smem:$0x3FAC]  }
0x28: {  	s2 =	sld [smem:$0x3FAD]  }
0x29: {  	s4 =	sld [smem:$0x3FAF]  }
0x2a: {  	p0 =	seq.s32 s5, $0x0;
	s5 =	sld [smem:$0x3FB0]  }
0x2b: {  	s6 =	sld [smem:$0x3FB1]  }
0x2c: {  	s7 =	sld [smem:$0x3FB2]  }
0x2d: {  	s3 =	simm.s32 $0x108;
	s8 =	sld [smem:$0x3FB3]  }
0x2e: {  	s3 =	simm.s32 @!p0 $0x1082;
	s9 =	sld [smem:$0x3FB4]  }
0x2f: {  	lr =	sadd.s32 s0, s3;
	s0 =	sld [smem:$0x3FAB]  }
0x30: {  	s3 =	sld [smem:$0x3FAE]  }
0x31: {  	[smem:$0x3FB7] =	sst s10  }
0x32: {  	s10 =	sld [smem:$0x3FB5];
	_ =	sdelay $0x3  }
0x33: {  	p0 =	seq.s32 s10, $0x1;
	s10 =	sld [smem:$0x3FB7];
	_ =	sdelay $0x3  }
0x34: {  	[smem:$0x3FB7] =	sst s10  }
0x35: {  	s10 =	sld [smem:$0x3FB6];
	_ =	sdelay $0x3  }
0x36: {  	p1 =	seq.s32 s10, $0x1;
	s10 =	sld [smem:$0x3FB7];
	_ =	sdelay $0x3  }
0x37: {  	[smem:$0x3FB7] =	sst s10  }
0x38: {  	s10 =	sld [smem:$0x3FB8]  }
0x39: {  	_ = 	snop;
	(pc) =	sbr.ind lr, $3  }
0x3a: {  	_ = 	snop  }
0x3b: {  	_ = 	snop  }
0x3c: {  	p2 =	seq.s32 s10, $0x1;
	s10 =	sld [smem:$0x3FB7]  }
0x3d: {  	_ =	shalt  }
0x3e: {  	_ =	shalt  }
0x3f: {  	_ =	shalt  }
0x40: {  	_ =	shalt  }
0x41: {  	_ =	shalt  }
0x42: {  	_ =	shalt  }
0x43: {  	_ =	shalt  }
0x44: {  	_ =	shalt  }
0x45: {  	_ =	shalt  }
0x46: {  	_ =	shalt  }
0x47: {  	_ =	shalt  }
0x48: {  	_ =	shalt  }
0x49: {  	_ =	shalt  }
0x4a: {  	_ =	shalt  }
0x4b: {  	_ =	shalt  }
0x4c: {  	_ =	shalt  }
0x4d: {  	_ =	shalt  }
0x4e: {  	_ =	shalt  }
0x4f: {  	_ =	shalt  }
0x50: {  	_ =	shalt  }
0x51: {  	_ =	shalt  }
0x52: {  	_ =	shalt  }
0x53: {  	_ =	shalt  }
0x54: {  	_ =	shalt  }
0x55: {  	_ =	shalt  }
0x56: {  	_ =	shalt  }
0x57: {  	_ =	shalt  }
0x58: {  	_ =	shalt  }
0x59: {  	_ =	shalt  }
0x5a: {  	_ =	shalt  }
0x5b: {  	_ =	shalt  }
0x5c: {  	_ =	shalt  }
0x5d: {  	_ =	shalt  }
0x5e: {  	_ =	shalt  }
0x5f: {  	_ =	shalt  }
0x60: {  	_ =	shalt  }
0x61: {  	_ =	shalt  }
0x62: {  	_ =	shalt  }
0x63: {  	_ =	shalt  }
0x64: {  	_ =	shalt  }
0x65: {  	_ =	shalt  }
0x66: {  	_ =	shalt  }
0x67: {  	_ =	shalt  }
0x68: {  	_ =	shalt  }
0x69: {  	_ =	shalt  }
0x6a: {  	_ =	shalt  }
0x6b: {  	_ =	shalt  }
0x6c: {  	_ =	shalt  }
0x6d: {  	_ =	shalt  }
0x6e: {  	_ =	shalt  }
0x6f: {  	_ =	shalt  }
0x70: {  	_ =	shalt  }
0x71: {  	_ =	shalt  }
0x72: {  	_ =	shalt  }
0x73: {  	_ =	shalt  }
0x74: {  	_ =	shalt  }
0x75: {  	_ =	shalt  }
0x76: {  	_ =	shalt  }
0x77: {  	_ =	shalt  }
0x78: {  	_ =	shalt  }
0x79: {  	_ =	shalt  }
0x7a: {  	_ =	shalt  }
0x7b: {  	_ =	shalt  }
0x7c: {  	_ =	shalt  }
0x7d: {  	_ =	shalt  }
0x7e: {  	_ =	shalt  }
0x7f: {  	_ =	shalt  }
0x80: {  	_ =	shalt  }
0x81: {  	_ =	shalt  }
0x82: {  	_ =	shalt  }
0x83: {  	_ =	shalt  }
0x84: {  	_ =	shalt  }
0x85: {  	_ =	shalt  }
0x86: {  	_ =	shalt  }
0x87: {  	_ =	shalt  }
.Lfunc_end0:
.L_simem_size_0:
called_computation.1_lowered:
.L_overlay_start_0:
0x88: {  	s2 =	sld [smem:$0x3FD9]  }
0x89: {  	s3 =	sld [smem:$0x3FFE];
	_ =	sdelay $0x1  }
0x8a: {  	s1 =	srdreg.scid  }
0x8b: {  	s0 =	sand.u32 $0x1, s1  }
0x8c: {  	s17 =	sshll.u32 s0, $0xA;
	s2 =	sadd.s32 s3, s2  }
0x8d: {  	s2 =	sadd.s32 s2, s17  }
0x8e: {  	[smem:$0x3FC3] =	sst s2  }
0x8f: {  	_ = 	snop  }
0x90: {  	s2 =	sld [smem:$0x3FC7]  }
0x91: {  	s18 =	sld [smem:$0x3FD0];
	(tm) =	ssettm $0x1  }
0x92: {  	s4 =	sld [smem:$0x3FFB];
	_ =	sdelay $0x3  }
0x93: {  	_ =	strace s4  }
0x94: {  	s4 =	sld [smem:$0x3FFC];
	_ =	sdelay $0x3  }
0x95: {  	_ =	strace s4  }
0x96: {  	s4 =	sld [smem:$0x3FFD];
	_ =	sdelay $0x3  }
0x97: {  	_ =	strace s4  }
0x98: {  	_ =	strace $0x8FFFFFFF  }
0x99: {  	s19 =	sld [smem:$0x3FDB];
	_ =	sdelay $0x1  }
0x9a: {  	s5 =	simm.s32 $_scs_section_size  }
0x9b: {  	s6 =	simm.s32 $_size__tile_overlayer_lowered;
	s7 =	simm.s32 $_tile_overlayer_lowered  }
0x9c: {  	s22 =	simm.s32 $0x1BFF;
	s21 =	sshll.u32 s7, $0x1;
	s4 =	sadd.s32 s5, s19  }
0x9d: {  	s8 =	simm.s32 $0x0;
	s20 =	sshll.u32 s6, $0x1;
	s6 =	sadd.s32 s21, s4  }
0x9e: {  	[timem:s8], [sflag:s22] =	dma.local [hbm:s6], s20  }
0x9f: {  	_ =	swait.ge [sflag:s22], s20  }
0xa0: {  	s5 =	ssub.s32 $0x0, s20;
	[sflag:s22] =	ssyncset.done $0x0  }
0xa1: {  	[sflag:s22] =	ssyncadd.s32 s5;
	_ =	sdelay $0x1  }
0xa2: {  	s23 =	simm.s32 $0x1B8B  }
0xa3: {  	_ =	swait.ge [sflag:s23], $0x1  }
0xa4: {  	[sflag:s23] =	ssyncset.done $0x0  }
0xa5: {  	s25 =	simm.s32 $0x1B8E;
	s24 =	sld [smem:$0x3FFE];
	[sflag:s23] =	ssyncadd.s32 $0xFFFFFFFF  }
0xa6: {  	s26 =	simm.s32 $execute0_lowered;
	[smem:$0x3FD2] =	sst s25  }
0xa7: {  	s6 =	sshll.u32 s26, $0x1;
	_ =	strace $0x80000049;
	[dreg:$0x1] =	wrdreg $0xFFFFFFFF  }
0xa8: {  	s28 =	simm.s32 $_size_execute0_lowered;
	s4 =	sadd.s32 s4, s6;
	[dreg:$0x0] =	wrdreg $0x0  }
0xa9: {  	s6 =	sshll.u32 s28, $0x1;
	[dreg:$0x2] =	wrdreg s4  }
0xaa: {  	[dreg:$0x3] =	wrdreg s6  }
0xab: {  	[dreg:$0x4] =	wrdreg $0xC0  }
0xac: {  	_ =	task [dreg:s8], $0x5FFFF  }
0xad: {  	[dreg:$0x1] =	wrdreg $0xFFFFFFFF  }
0xae: {  	[dreg:$0x0] =	wrdreg $0x60  }
0xaf: {  	[dreg:$0x2] =	wrdreg s18  }
0xb0: {  	[dreg:$0x3] =	wrdreg s24  }
0xb1: {  	[dreg:$0x4] =	wrdreg s2  }
0xb2: {  	[dreg:$0x5] =	wrdreg $0x94800  }
0xb3: {  	[dreg:$0x6] =	wrdreg $0x9  }
0xb4: {  	_ =	task.clear_ibuf [dreg:s8], $0x7FFFF;
	_ =	strace $0x90000049  }
0xb5: {  	s29 =	simm.s32 $0x9;
	_ =	strace $0x8000004B  }
0xb6: {  	_ =	swait.ge [sflag:s29], $0x1  }
0xb7: {  	[sflag:s29] =	ssyncadd.s32 $0xFFFFFFFF  }
0xb8: {  	_ =	strace $0x9000004B  }
0xb9: {  	_ =	sfence  }
0xba: {  	s30 =	sld [smem:$0x0];
	_ =	sdelay $0x2  }
0xbb: {  	s31 =	sshll.u32 s1, $0xD;
	s1 =	sshrl.u32 s1, $0x2  }
0xbc: {  	s3 =	sand.u32 $0x4000, s31;
	s1 =	sadd.s32 s1, s30  }
0xbd: {  	s0 =	sor.u32 s3, s0;
	s1 =	sshll.u32 s1, $0x11  }
0xbe: {  	s0 =	sor.u32 s1, s0  }
0xbf: {  	s0 =	sadd.s32 $0x8F2B, s0  }
0xc0: {  	[sflag:s0] =	ssyncadd.remote.s32 $0x1  }
0xc1: {  	_ =	sfence.sel $0xFFFF  }
0xc2: {  	[dreg:$0x0] =	wrdreg $0xFFFFFFFF;
	(pc) =	sbr.abs _section_cstart, $3  }
0xc3: {  	[dreg:$0x1] =	wrdreg $0xFFFFFFFF  }
0xc4: {  	_ =	task.clear_ibuf [dreg:s8], $0x2FFFF;
	_ =	strace $0x9FFFFFFF  }
0xc5: {  	(tm) =	ssettm $0x7FFFFFFF  }
tec
execute0_lowered:
.L_overlay_start_1:
0x0: {  	(tag) =	ssettag $0x1  }
0x1: {  	s0 =	rddreg [dreg:$0x0]  }
0x2: {  	s1 =	rddreg [dreg:$0x1]  }
0x3: {  	s2 =	srdreg.scid;
	s7 =	rddreg [dreg:$0x2]  }
0x4: {  	s3 =	rddreg [dreg:$0x3];
	s12 =	stileid.u32;
	s4 =	simm.s32 $0x0  }
0x5: {  	s13 =	simm.s32 $0x28;
	s28 =	simm.s32 $0x8C80;
	s29 =	simm.s32 $0x1  }
0x6: {  	s30 =	simm.s32 $0x4;
	s31 =	simm.s32 $0x8C00;
	s14 =	simm.s32 $0x6  }
0x7: {  	s15 =	simm.s32 $0x8;
	s16 =	simm.s32 $0x9;
	s18 =	simm.s32 $0x0  }
0x8: {  	s2 =	sand.u32 $0x1, s2;
	[smem:$0x7FF] =	sst s4;
	s6 =	sadd.s32 $0xA00, s1  }
0x9: {  	s22 =	smul.u32 $0x4E000, s12;
	p0 =	seq.s32 s12, $0xF;
	s5 =	sshll.u32 s2, $0x4  }
0xa: {  	s9 =	smul.u32 $0x27100, s2;
	s2 =	ssub.s32 $0x2, s2;
	s5 =	sor.u32 s12, s5  }
0xb: {  	s13 =	simm.s32 @!p0 $0x27;
	s11 =	sshrl.u32 s2, $0x1;
	s5 =	smul.u32 $0x2710, s5  }
0xc: {  	_ =	strace $0x8000004A;
	[dreg:$0x9] =	wrdreg s13;
	s2 =	ssub.s32 s2, s11  }
0xd: {  	s11 =	simm.s32 $0x28;
	s2 =	smax.u32 s2, $0x1;
	s8 =	sshrl.u32 s5, $0x3  }
0xe: {  	s19 =	sadd.s32 $0x28, s5;
	s23 =	sadd.s32 $0x78, s5;
	[dreg:$0xf] =	wrdreg s2  }
0xf: {  	s10 =	sadd.s32 s8, s1;
	s1 =	sadd.s32 s9, s1;
	s7 =	sadd.s32 s7, s8  }
0x10: {  	s20 =	sshrl.u32 s19, $0x3;
	s21 =	sadd.s32 s6, s8;
	[dreg:$0x6] =	wrdreg s7  }
0x11: {  	s25 =	sshrl.u32 s23, $0x3;
	s10 =	sadd.s32 $0xA800, s10;
	[dreg:$0x7] =	wrdreg s21  }
0x12: {  	s19 =	simm.s32 $0xA;
	s7 =	sadd.s32 s6, s20;
	[dreg:$0x5] =	wrdreg s10  }
0x13: {  	s24 =	sadd.s32 $0xA, s21;
	s26 =	sadd.s32 $0x14, s21;
	[dreg:$0x8] =	wrdreg s7  }
0x14: {  	s8 =	sadd.s32 $0x14600, s1;
	s1 =	smul.u32 $0x2700, s12;
	[dreg:$0xb] =	wrdreg s24  }
0x15: {  	s20 =	simm.s32 $0x2780;
	s21 =	simm.s32 $0x4F00;
	[dreg:$0xd] =	wrdreg s26  }
0x16: {  	s7 =	sshrl.u32 s22, $0x2;
	s22 =	simm.s32 $0x8B00;
	[dreg:$0xe] =	wrdreg s8  }
0x17: {  	s26 =	simm.s32 $0x8B80;
	s17 =	sadd.s32 s7, s3;
	s7 =	sadd.s32 s6, s25  }
0x18: {  	s10 =	simm.s32 $0x3;
	s1 =	sadd.s32 @!p0 s1, s8;
	[dreg:$0xc] =	wrdreg s7  }
0x19: {  	s8 =	simm.s32 $0x7;
	s7 =	sadd.s32 $0x124800, s3;
	[dreg:$0x11] =	wrdreg s1  }
0x1a: {  	s1 =	simm.s32 $0x7700;
	[dreg:$0xa] =	wrdreg s17;
	s2 =	sshrl.u32 @p0 s7, $0x3  }
0x1b: {  	v0 =	vimm.f32 $0.0e+00;
	s7 =	simm.s32 $0x5;
	[dreg:$0x10] =	wrdreg s2;
	s2 =	simm.s32 $0x2  }
.LBB2_1:
0x1c: {  	s9 =	rddreg [dreg:$0x5]  }
0x1d: {  	[tilespmem:s4], [sflag:$0xA] =	stream.linear.gather [hbm4b:s9+s4], $0x2710, $0x38;
	[tilespmem:$0x1CD00] =	vst v63  }
0x1e: {  	_ =	swait.ge [sflag:s19], $0x2710  }
0x1f: {  	[sflag:s19] =	ssyncset.done $0x0  }
0x20: {  	s12 =	rddreg [dreg:$0x6];
	[sflag:s19] =	ssyncadd.s32 $0xFFFFD8F0  }
0x21: {  	[tilespmem:s20], [sflag:$0xA] =	stream.linear.gather [hbm4b:s12+s4], $0x2710, $0x38;
	[tilespmem:$0x1CD00] =	vst v63  }
0x22: {  	_ =	swait.ge [sflag:s19], $0x2710  }
0x23: {  	[sflag:s19] =	ssyncset.done $0x0  }
0x24: {  	[sflag:s19] =	ssyncadd.s32 $0xFFFFD8F0  }
0x25: {  	[tilespmem:s21], [sflag:$0x1] =	stream.indirect.gather [hbm4b:s0+s11], $0x80, s4, s11, $0xb8;
	[tilespmem:$0x1CD00] =	vst v63  }
0x26: {  	s23 =	rddreg [dreg:$0x7]  }
0x27: {  	[tilespmem:s22], [sflag:$0x4] =	stream.linear.gather [hbm4b:s23+s4], $0x28, $0x38;
	[tilespmem:$0x1CD00] =	vst v63  }
0x28: {  	s24 =	simm.s32 $0x6300  }
0x29: {  	[tilespmem:s24], [sflag:$0x2] =	stream.indirect.gather [hbm4b:s0+s11], $0x80, s11, s11, $0xb8;
	[tilespmem:$0x1CD00] =	vst v63  }
0x2a: {  	s9 =	simm.s32 $0x0;
	s12 =	simm.s32 $0x200;
	s25 =	rddreg [dreg:$0x8]  }
0x2b: {  	[tilespmem:s26], [sflag:$0x5] =	stream.linear.gather [hbm4b:s25+s4], $0x28, $0x38;
	[tilespmem:$0x1CD00] =	vst v63  }
.LBB2_2:
0x2c: {  	p1 =	sne.s32 s12, $0x1E00;
	[tilespmem:s9+$0x8CF0] =	vst v0  }
0x2d: {  	[tilespmem:s9+$0x8C80] =	vst v0  }
0x2e: {  	[tilespmem:s9+$0x8C90] =	vst v0  }
.Ltmp0:
0x2f: {  	[tilespmem:s9+$0x8CA0] =	vst v0;
	(pc) =	sbr.rel @p1 .LBB2_2-.Ltmp0, $4  }
0x30: {  	[tilespmem:s9+$0x8CB0] =	vst v0  }
0x31: {  	[tilespmem:s9+$0x8CC0] =	vst v0  }
0x32: {  	[tilespmem:s9+$0x8CD0] =	vst v0  }
0x33: {  	[tilespmem:s9+$0x8CE0] =	vst v0;
	s9 =	sshra.s32 s12, $0x2;
	s12 =	sadd.s32 $0x200, s12  }
0x34: {  	[tilespmem:s9+$0x8CF0] =	vst v0  }
0x35: {  	[tilespmem:s9+$0x8C80] =	vst v0  }
0x36: {  	[tilespmem:s9+$0x8C90] =	vst v0  }
0x37: {  	[tilespmem:s9+$0x8CA0] =	vst v0;
	p1 =	sne.s32 s13, $0x1  }
.Ltmp1:
0x38: {  	[tilespmem:s9+$0x8CB0] =	vst v0;
	(pc) =	sbr.rel @!p1 .LBB2_5-.Ltmp1, $4  }
0x39: {  	[tilespmem:s9+$0x8CC0] =	vst v0  }
0x3a: {  	[tilespmem:s9+$0x8CD0] =	vst v0  }
0x3b: {  	[tilespmem:s9+$0x8CE0] =	vst v0;
	s9 =	sadd.s32 $0xFFFFFFFF, s13;
	s12 =	smov.u32 s17  }
0x3c: {  	[spmem:s17] =	stream.linear.scatter [tilespmem:s28], [sflag:$0xA], $0x800, $0x38;
	[tilespmem:$0x1CD00] =	vst v63  }
.LBB2_4:
0x3d: {  	p2 =	sne.s32 s9, $0x1  }
.Ltmp2:
0x3e: {  	_ = 	snop;
	(pc) =	sbr.rel @p2 .LBB2_4-.Ltmp2, $3  }
0x3f: {  	_ = 	snop  }
0x40: {  	s9 =	sadd.s32 $0xFFFFFFFF, s9;
	s12 =	sadd.s32 $0x800, s12;
	_ =	sdelay $0x1  }
0x41: {  	[spmem:s12] =	stream.linear.scatter [tilespmem:s28], [sflag:$0xA], $0x800, $0x38;
	[tilespmem:$0x1CD00] =	vst v63  }
.LBB2_5:
.Ltmp3:
0x42: {  	(pc) =	sbr.rel @!p1 .LBB2_7-.Ltmp3, $3  }
0x43: {  	_ =	sdelay $0x1  }
0x44: {  	_ =	swait.ge [sflag:s19], $0x800  }
0x45: {  	s9 =	sadd.s32 $0xFFFFFFFF, s13;
	[sflag:s19] =	ssyncset.done $0x0  }
.LBB2_6:
0x46: {  	p1 =	sne.s32 s9, $0x1;
	s9 =	sadd.s32 $0xFFFFFFFF, s9;
	[sflag:s19] =	ssyncadd.s32 $0xFFFFF800  }
.Ltmp4:
0x47: {  	(pc) =	sbr.rel @p1 .LBB2_6-.Ltmp4, $3  }
0x48: {  	_ =	sdelay $0x1  }
0x49: {  	_ =	swait.ge [sflag:s19], $0x800  }
0x4a: {  	[sflag:s19] =	ssyncset.done $0x0  }
.LBB2_7:
0x4b: {  	s9 =	simm.s32 $0x0  }
0x4c: {  	v1 =	vmov s9  }
0x4d: {  	v1 =	vand.u32 $0xFFFFFFFE, v1  }
0x4e: {  	[sflag:s19] =	ssyncadd.s32 $0xFFFFF800;
	v1 =	vbroadcast v1, $0x0  }
0x4f: {  	[bflag:$0x0] =	sbarrier.arrive $0xFFFF  }
0x50: {  	_ =	swait.ge [sflag:s29], $0x1400  }
0x51: {  	[sflag:s29] =	ssyncset.done $0x0  }
0x52: {  	s17 =	simm.s32 $0x4F80;
	[sflag:s29] =	ssyncadd.s32 $0xFFFFEC00  }
0x53: {  	v3 =	vld [tilespmem:s17+$0xFFFFFF80]  }
0x54: {  	v2 =	vld.idx.msk [tilespmem:v1+s20+$0x0], $0xffff  }
0x55: {  	v1 =	vld [tilespmem:s17+$0xFFFFFFF0]  }
0x56: {  	s25 =	simm.s32 $0x1;
	v6 =	vld [tilespmem:s17+$0xFFFFFF90]  }
0x57: {  	v7 =	vmov s25;
	v8 =	vld [tilespmem:s17+$0xFFFFFFA0]  }
0x58: {  	v11 =	vld [tilespmem:s17+$0xFFFFFFB0]  }
0x59: {  	v5 =	vld [tilespmem:s17+$0xFFFFFFC0]  }
0x5a: {  	v4 =	vld [tilespmem:s17+$0xFFFFFFD0];
	v9 =	vmul.f32 v1, v2  }
0x5b: {  	v10 =	vmul.f32 v3, v2;
	v3 =	vld [tilespmem:s17+$0xFFFFFFE0]  }
0x5c: {  	v1 =	vld.idx.msk [tilespmem:v7+s20+$0x0], $0xffff;
	v6 =	vmul.f32 v6, v2;
	[tilespmem:s17+$0xFFFFFFF0] =	vst v9  }
0x5d: {  	s9 =	simm.s32 $0x2;
	v7 =	vld [tilespmem:s17+$0x0];
	[tilespmem:s17+$0xFFFFFF80] =	vst v10;
	v9 =	vmul.f32 v8, v2  }
0x5e: {  	s12 =	simm.s32 $0x4;
	s24 =	simm.s32 $0x4F80;
	v10 =	vmov s9;
	[tilespmem:s17+$0xFFFFFF90] =	vst v6;
	v8 =	vmul.f32 v11, v2;
	v6 =	vld [tilespmem:s17+$0x10]  }
.LBB2_8:
0x5f: {  	p1 =	slt.u32 s12, $0x26;
	v10 =	vand.u32 $0xFFFFFFFE, v10;
	s13 =	sadd.s32 $0x1, s9;
	[tilespmem:s17+$0xFFFFFFA0] =	vst v9;
	v5 =	vmul.f32 v5, v2;
	v9 =	vld [tilespmem:s17+$0x20];
	s9 =	smov.u32 s12  }
0x60: {  	v10 =	vbroadcast v10, $0x0;
	v11 =	vmov s13;
	[tilespmem:s17+$0xFFFFFFB0] =	vst v8;
	v4 =	vmul.f32 v4, v2;
	v8 =	vld [tilespmem:s17+$0x30]  }
0x61: {  	[tilespmem:s17+$0xFFFFFFC0] =	vst v5;
	v2 =	vmul.f32 v3, v2;
	v3 =	vld [tilespmem:s17+$0x40]  }
0x62: {  	[tilespmem:s17+$0xFFFFFFD0] =	vst v4;
	v4 =	vmul.f32 v7, v1;
	v5 =	vld [tilespmem:s17+$0x50]  }
0x63: {  	[tilespmem:s17+$0xFFFFFFE0] =	vst v2;
	v2 =	vmul.f32 v6, v1;
	v6 =	vld [tilespmem:s17+$0x60]  }
0x64: {  	[tilespmem:s17+$0x0] =	vst v4;
	v4 =	vmul.f32 v9, v1;
	v7 =	vld [tilespmem:s17+$0x70]  }
0x65: {  	v9 =	vld.idx.msk [tilespmem:v11+s20+$0x0], $0xffff;
	[tilespmem:s17+$0x10] =	vst v2;
	v8 =	vmul.f32 v8, v1  }
0x66: {  	s17 =	sadd.s32 $0x100, s17;
	v2 =	vld.idx.msk [tilespmem:v10+s20+$0x0], $0xffff;
	[tilespmem:s24+$0x20] =	vst v4;
	v3 =	vmul.f32 v3, v1  }
0x67: {  	v4 =	vld [tilespmem:s17+$0xFFFFFFF0];
	[tilespmem:s24+$0x30] =	vst v8;
	v5 =	vmul.f32 v5, v1  }
0x68: {  	v8 =	vld [tilespmem:s17+$0xFFFFFF80];
	[tilespmem:s24+$0x40] =	vst v3;
	v3 =	vmul.f32 v6, v1  }
0x69: {  	v6 =	vld [tilespmem:s17+$0xFFFFFF90];
	[tilespmem:s24+$0x50] =	vst v5;
	v5 =	vmul.f32 v7, v1  }
0x6a: {  	v7 =	vld [tilespmem:s17+$0xFFFFFFA0];
	[tilespmem:s24+$0x60] =	vst v3  }
0x6b: {  	v1 =	vmov v9;
	v11 =	vld [tilespmem:s17+$0xFFFFFFB0];
	[tilespmem:s24+$0x70] =	vst v5;
	s24 =	smov.u32 s17  }
.Ltmp5:
0x6c: {  	v5 =	vld [tilespmem:s17+$0xFFFFFFC0];
	v9 =	vmul.f32 v4, v2;
	(pc) =	sbr.rel @p1 .LBB2_8-.Ltmp5, $4  }
0x6d: {  	v8 =	vmul.f32 v8, v2;
	v4 =	vld [tilespmem:s17+$0xFFFFFFD0]  }
0x6e: {  	v6 =	vmul.f32 v6, v2;
	v3 =	vld [tilespmem:s17+$0xFFFFFFE0];
	[tilespmem:s17+$0xFFFFFFF0] =	vst v9  }
0x6f: {  	[tilespmem:s17+$0xFFFFFF80] =	vst v8;
	v9 =	vmul.f32 v7, v2;
	v7 =	vld [tilespmem:s17+$0x0]  }
0x70: {  	s12 =	sadd.s32 $0x2, s12;
	v10 =	vmov s9;
	[tilespmem:s17+$0xFFFFFF90] =	vst v6;
	v8 =	vmul.f32 v11, v2;
	v6 =	vld [tilespmem:s17+$0x10]  }
0x71: {  	v11 =	vld [tilespmem:s17+$0x20]  }
0x72: {  	v10 =	vand.u32 $0xFFFFFFFE, v10;
	s9 =	sadd.s32 $0x1, s9;
	v12 =	vld [tilespmem:s17+$0x30]  }
0x73: {  	v14 =	vld [tilespmem:s17+$0x40];
	[tilespmem:s17+$0xFFFFFFA0] =	vst v9;
	v5 =	vmul.f32 v5, v2;
	v10 =	vbroadcast v10, $0x0;
	v13 =	vmov s9  }
0x74: {  	v9 =	vld [tilespmem:s17+$0x50];
	[tilespmem:s17+$0xFFFFFFB0] =	vst v8;
	v4 =	vmul.f32 v4, v2  }
0x75: {  	v8 =	vld [tilespmem:s17+$0x60];
	[tilespmem:s17+$0xFFFFFFC0] =	vst v5;
	v7 =	vmul.f32 v7, v1  }
0x76: {  	s13 =	sadd.s32 $0x100, s17;
	v2 =	vmul.f32 v3, v2;
	v3 =	vld [tilespmem:s17+$0x70];
	[tilespmem:s17+$0xFFFFFFD0] =	vst v4  }
0x77: {  	v4 =	vmul.f32 v6, v1;
	[tilespmem:s17+$0x0] =	vst v7;
	v7 =	vld [tilespmem:s13+$0xFFFFFFF0]  }
0x78: {  	[tilespmem:s17+$0xFFFFFFE0] =	vst v2;
	v2 =	vmul.f32 v11, v1;
	v5 =	vld.idx.msk [tilespmem:v13+s20+$0x0], $0xffff  }
0x79: {  	[tilespmem:s17+$0x10] =	vst v4;
	v4 =	vmul.f32 v12, v1;
	v6 =	vld.idx.msk [tilespmem:v10+s20+$0x0], $0xffff  }
0x7a: {  	[tilespmem:s24+$0x20] =	vst v2;
	v2 =	vmul.f32 v14, v1;
	v10 =	vld [tilespmem:s13+$0xFFFFFF80]  }
0x7b: {  	[tilespmem:s24+$0x30] =	vst v4;
	v4 =	vmul.f32 v9, v1;
	v9 =	vld [tilespmem:s13+$0xFFFFFF90]  }
0x7c: {  	[tilespmem:s24+$0x40] =	vst v2;
	v2 =	vmul.f32 v8, v1;
	v8 =	vld [tilespmem:s13+$0xFFFFFFA0]  }
0x7d: {  	v1 =	vmul.f32 v3, v1;
	v3 =	vld [tilespmem:s13+$0xFFFFFFB0];
	[tilespmem:s24+$0x50] =	vst v4  }
0x7e: {  	[tilespmem:s24+$0x60] =	vst v2;
	v2 =	vld [tilespmem:s13+$0xFFFFFFC0];
	v4 =	vmul.f32 v7, v6  }
0x7f: {  	[tilespmem:s24+$0x70] =	vst v1;
	v1 =	vmul.f32 v10, v6;
	v7 =	vld [tilespmem:s13+$0xFFFFFFD0]  }
0x80: {  	v10 =	vld [tilespmem:s13+$0xFFFFFFE0];
	v9 =	vmul.f32 v9, v6;
	[tilespmem:s13+$0xFFFFFFF0] =	vst v4  }
0x81: {  	[tilespmem:s13+$0xFFFFFF80] =	vst v1;
	v1 =	vmul.f32 v8, v6;
	v4 =	vld [tilespmem:s13+$0x0]  }
0x82: {  	v3 =	vmul.f32 v3, v6;
	v8 =	vld [tilespmem:s13+$0x10];
	[tilespmem:s13+$0xFFFFFF90] =	vst v9  }
0x83: {  	[tilespmem:s13+$0xFFFFFFA0] =	vst v1;
	v1 =	vmul.f32 v2, v6;
	v2 =	vld [tilespmem:s13+$0x20]  }
0x84: {  	[tilespmem:s13+$0xFFFFFFB0] =	vst v3;
	v3 =	vmul.f32 v7, v6;
	v7 =	vld [tilespmem:s13+$0x30]  }
0x85: {  	[tilespmem:s13+$0xFFFFFFC0] =	vst v1;
	v1 =	vmul.f32 v10, v6;
	v6 =	vld [tilespmem:s13+$0x40]  }
0x86: {  	[tilespmem:s13+$0xFFFFFFD0] =	vst v3;
	v3 =	vmul.f32 v4, v5;
	v4 =	vld [tilespmem:s13+$0x50]  }
0x87: {  	[tilespmem:s13+$0xFFFFFFE0] =	vst v1;
	v1 =	vmul.f32 v8, v5;
	v8 =	vld [tilespmem:s13+$0x60]  }
0x88: {  	[tilespmem:s13+$0x0] =	vst v3;
	v2 =	vmul.f32 v2, v5;
	v3 =	vld [tilespmem:s13+$0x70]  }
0x89: {  	[tilespmem:s13+$0x10] =	vst v1;
	v1 =	vmul.f32 v7, v5  }
0x8a: {  	[tilespmem:s13+$0x20] =	vst v2;
	v2 =	vmul.f32 v6, v5  }
0x8b: {  	[tilespmem:s13+$0x30] =	vst v1;
	v1 =	vmul.f32 v4, v5  }
0x8c: {  	[tilespmem:s13+$0x40] =	vst v2;
	v2 =	vmul.f32 v8, v5  }
0x8d: {  	[tilespmem:s13+$0x50] =	vst v1;
	v1 =	vmul.f32 v3, v5  }
0x8e: {  	[tilespmem:s13+$0x60] =	vst v2  }
0x8f: {  	[tilespmem:s13+$0x70] =	vst v1  }
0x90: {  	_ =	swait.ge [sflag:s30], $0x28  }
0x91: {  	[sflag:s30] =	ssyncset.done $0x0  }
0x92: {  	s17 =	simm.s32 $0x28;
	[sflag:s30] =	ssyncadd.s32 $0xFFFFFFD8  }
0x93: {  	v1 =	vmov s17;
	[spmem:s3] =	stream.indirect.scatter.add.f32 [tilespmem:s21], [sflag:$0x7], $0x80, s22, s11, $0xb8;
	[tilespmem:$0x1CD00] =	vst v63  }
0x94: {  	s23 =	simm.s32 $0x50;
	v1 =	vand.u32 $0xFFFFFFFE, v1  }
0x95: {  	v1 =	vbroadcast v1, $0x0;
	[tilespmem:s1], [sflag:$0x3] =	stream.indirect.gather [hbm4b:s0+s11], $0x80, s23, s11, $0xb8;
	[tilespmem:$0x1CD00] =	vst v63  }
0x96: {  	s24 =	rddreg [dreg:$0xb]  }
0x97: {  	[tilespmem:s31], [sflag:$0x6] =	stream.linear.gather [hbm4b:s24+s4], $0x28, $0x38;
	[tilespmem:$0x1CD00] =	vst v63  }
0x98: {  	_ =	swait.ge [sflag:s2], $0x1400  }
0x99: {  	[sflag:s2] =	ssyncset.done $0x0  }
0x9a: {  	[sflag:s2] =	ssyncadd.s32 $0xFFFFEC00  }
0x9b: {  	s17 =	simm.s32 $0x6380;
	v2 =	vld.idx.msk [tilespmem:v1+s20+$0x0], $0xffff  }
0x9c: {  	v1 =	vld [tilespmem:s17+$0xFFFFFFF0]  }
0x9d: {  	s25 =	simm.s32 $0x29;
	v8 =	vld [tilespmem:s17+$0xFFFFFF80]  }
0x9e: {  	v9 =	vmov s25;
	v10 =	vld [tilespmem:s17+$0xFFFFFF90]  }
0x9f: {  	v7 =	vld [tilespmem:s17+$0xFFFFFFA0]  }
0xa0: {  	v6 =	vld [tilespmem:s17+$0xFFFFFFB0]  }
0xa1: {  	v5 =	vld [tilespmem:s17+$0xFFFFFFC0]  }
0xa2: {  	v4 =	vld [tilespmem:s17+$0xFFFFFFD0];
	v11 =	vmul.f32 v1, v2  }
0xa3: {  	v1 =	vld.idx.msk [tilespmem:v9+s20+$0x0], $0xffff;
	v9 =	vmul.f32 v8, v2  }
0xa4: {  	s9 =	simm.s32 $0x6380;
	s13 =	simm.s32 $0x0;
	v3 =	vld [tilespmem:s17+$0xFFFFFFE0];
	v8 =	vmul.f32 v10, v2;
	[tilespmem:s17+$0xFFFFFFF0] =	vst v11  }
.LBB2_10:
0xa5: {  	s12 =	sadd.s32 $0x2A, s13;
	[tilespmem:s17+$0xFFFFFF80] =	vst v9;
	v7 =	vmul.f32 v7, v2;
	v9 =	vld [tilespmem:s17+$0x0];
	s24 =	smov.u32 s13;
	s13 =	sadd.s32 $0x2, s13  }
0xa6: {  	v10 =	vmov s12;
	p1 =	slt.u32 s13, $0x26;
	[tilespmem:s17+$0xFFFFFF90] =	vst v8;
	v6 =	vmul.f32 v6, v2;
	v8 =	vld [tilespmem:s17+$0x10]  }
0xa7: {  	s12 =	sadd.s32 $0x2B, s24;
	v10 =	vand.u32 $0xFFFFFFFE, v10;
	[tilespmem:s17+$0xFFFFFFA0] =	vst v7;
	v5 =	vmul.f32 v5, v2;
	v7 =	vld [tilespmem:s17+$0x20]  }
0xa8: {  	v11 =	vmov s12;
	v10 =	vbroadcast v10, $0x0;
	[tilespmem:s17+$0xFFFFFFB0] =	vst v6;
	v4 =	vmul.f32 v4, v2;
	v6 =	vld [tilespmem:s17+$0x30]  }
0xa9: {  	[tilespmem:s17+$0xFFFFFFC0] =	vst v5;
	v2 =	vmul.f32 v3, v2;
	v3 =	vld [tilespmem:s17+$0x40]  }
0xaa: {  	[tilespmem:s17+$0xFFFFFFD0] =	vst v4;
	v4 =	vmul.f32 v9, v1;
	v5 =	vld [tilespmem:s17+$0x50]  }
0xab: {  	[tilespmem:s17+$0xFFFFFFE0] =	vst v2;
	v2 =	vmul.f32 v8, v1;
	v8 =	vld [tilespmem:s17+$0x60]  }
0xac: {  	[tilespmem:s17+$0x0] =	vst v4;
	v4 =	vmul.f32 v7, v1;
	v7 =	vld [tilespmem:s17+$0x70]  }
0xad: {  	v9 =	vld.idx.msk [tilespmem:v11+s20+$0x0], $0xffff;
	[tilespmem:s17+$0x10] =	vst v2;
	v6 =	vmul.f32 v6, v1  }
0xae: {  	s17 =	sadd.s32 $0x100, s17;
	v2 =	vld.idx.msk [tilespmem:v10+s20+$0x0], $0xffff;
	[tilespmem:s9+$0x20] =	vst v4;
	v3 =	vmul.f32 v3, v1  }
0xaf: {  	v4 =	vld [tilespmem:s17+$0xFFFFFFF0];
	[tilespmem:s9+$0x30] =	vst v6;
	v5 =	vmul.f32 v5, v1  }
0xb0: {  	v10 =	vld [tilespmem:s17+$0xFFFFFF80];
	[tilespmem:s9+$0x40] =	vst v3;
	v3 =	vmul.f32 v8, v1  }
0xb1: {  	v8 =	vld [tilespmem:s17+$0xFFFFFF90];
	[tilespmem:s9+$0x50] =	vst v5;
	v5 =	vmul.f32 v7, v1  }
.Ltmp6:
0xb2: {  	v7 =	vld [tilespmem:s17+$0xFFFFFFA0];
	[tilespmem:s9+$0x60] =	vst v3;
	(pc) =	sbr.rel @p1 .LBB2_10-.Ltmp6, $4  }
0xb3: {  	v1 =	vmov v9;
	v6 =	vld [tilespmem:s17+$0xFFFFFFB0];
	[tilespmem:s9+$0x70] =	vst v5;
	s9 =	smov.u32 s17  }
0xb4: {  	v5 =	vld [tilespmem:s17+$0xFFFFFFC0];
	v11 =	vmul.f32 v4, v2  }
0xb5: {  	v9 =	vmul.f32 v10, v2;
	v4 =	vld [tilespmem:s17+$0xFFFFFFD0]  }
0xb6: {  	v8 =	vmul.f32 v8, v2;
	v3 =	vld [tilespmem:s17+$0xFFFFFFE0];
	[tilespmem:s17+$0xFFFFFFF0] =	vst v11  }
0xb7: {  	[dreg:$0x12] =	wrdreg s18  }
0xb8: {  	v7 =	vmul.f32 v7, v2;
	v10 =	vld [tilespmem:s17+$0x0];
	[tilespmem:s17+$0xFFFFFF80] =	vst v9  }
0xb9: {  	v9 =	vld [tilespmem:s17+$0x10];
	[tilespmem:s17+$0xFFFFFF90] =	vst v8;
	v6 =	vmul.f32 v6, v2  }
0xba: {  	v8 =	vld [tilespmem:s17+$0x20];
	[tilespmem:s17+$0xFFFFFFA0] =	vst v7;
	v5 =	vmul.f32 v5, v2  }
0xbb: {  	v7 =	vld [tilespmem:s17+$0x30];
	[tilespmem:s17+$0xFFFFFFB0] =	vst v6;
	v4 =	vmul.f32 v4, v2  }
0xbc: {  	v6 =	vld [tilespmem:s17+$0x40];
	[tilespmem:s17+$0xFFFFFFC0] =	vst v5;
	v2 =	vmul.f32 v3, v2  }
0xbd: {  	[tilespmem:s17+$0xFFFFFFD0] =	vst v4;
	v5 =	vmul.f32 v10, v1;
	v10 =	vld [tilespmem:s17+$0x50]  }
0xbe: {  	v3 =	vld [tilespmem:s17+$0x60];
	v4 =	vmul.f32 v9, v1;
	[tilespmem:s17+$0xFFFFFFE0] =	vst v2  }
0xbf: {  	v2 =	vmul.f32 v8, v1;
	[tilespmem:s17+$0x0] =	vst v5;
	v5 =	vld [tilespmem:s17+$0x70]  }
0xc0: {  	[tilespmem:s17+$0x10] =	vst v4;
	v4 =	vmul.f32 v7, v1  }
0xc1: {  	[tilespmem:s9+$0x20] =	vst v2;
	v2 =	vmul.f32 v6, v1  }
0xc2: {  	[tilespmem:s9+$0x30] =	vst v4;
	v4 =	vmul.f32 v10, v1  }
0xc3: {  	[tilespmem:s9+$0x40] =	vst v2;
	v2 =	vmul.f32 v3, v1  }
0xc4: {  	[tilespmem:s9+$0x50] =	vst v4;
	v1 =	vmul.f32 v5, v1  }
0xc5: {  	[tilespmem:s9+$0x60] =	vst v2  }
0xc6: {  	[tilespmem:s9+$0x70] =	vst v1  }
0xc7: {  	_ =	swait.ge [sflag:s7], $0x28  }
0xc8: {  	[sflag:s7] =	ssyncset.done $0x0  }
0xc9: {  	s17 =	simm.s32 $0x6300;
	[sflag:s7] =	ssyncadd.s32 $0xFFFFFFD8  }
0xca: {  	[spmem:s3] =	stream.indirect.scatter.add.f32 [tilespmem:s17], [sflag:$0x8], $0x80, s26, s11, $0xb8;
	[tilespmem:$0x1CD00] =	vst v63  }
0xcb: {  	s18 =	simm.s32 $0x50;
	_ =	swait.ge [sflag:s8], $0x1400  }
0xcc: {  	v1 =	vmov s18;
	[sflag:s8] =	ssyncset.done $0x0  }
0xcd: {  	s23 =	simm.s32 $0x78;
	v1 =	vand.u32 $0xFFFFFFFE, v1;
	[sflag:s8] =	ssyncadd.s32 $0xFFFFEC00  }
0xce: {  	v1 =	vbroadcast v1, $0x0;
	[tilespmem:s21], [sflag:$0x1] =	stream.indirect.gather [hbm4b:s0+s11], $0x80, s23, s11, $0xb8;
	[tilespmem:$0x1CD00] =	vst v63  }
0xcf: {  	s24 =	rddreg [dreg:$0xc]  }
0xd0: {  	[tilespmem:s22], [sflag:$0x4] =	stream.linear.gather [hbm4b:s24+s4], $0x28, $0x38;
	[tilespmem:$0x1CD00] =	vst v63  }
0xd1: {  	_ =	swait.ge [sflag:s10], $0x1400  }
0xd2: {  	[sflag:s10] =	ssyncset.done $0x0  }
0xd3: {  	[sflag:s10] =	ssyncadd.s32 $0xFFFFEC00  }
0xd4: {  	s17 =	simm.s32 $0x7780;
	v2 =	vld.idx.msk [tilespmem:v1+s20+$0x0], $0xffff  }
0xd5: {  	v1 =	vld [tilespmem:s17+$0xFFFFFFF0]  }
0xd6: {  	s25 =	simm.s32 $0x51;
	v8 =	vld [tilespmem:s17+$0xFFFFFF80]  }
0xd7: {  	v9 =	vmov s25;
	v10 =	vld [tilespmem:s17+$0xFFFFFF90]  }
0xd8: {  	v7 =	vld [tilespmem:s17+$0xFFFFFFA0]  }
0xd9: {  	v6 =	vld [tilespmem:s17+$0xFFFFFFB0]  }
0xda: {  	v5 =	vld [tilespmem:s17+$0xFFFFFFC0]  }
0xdb: {  	v4 =	vld [tilespmem:s17+$0xFFFFFFD0];
	v11 =	vmul.f32 v1, v2  }
0xdc: {  	v1 =	vld.idx.msk [tilespmem:v9+s20+$0x0], $0xffff;
	v9 =	vmul.f32 v8, v2  }
0xdd: {  	s13 =	simm.s32 $0x0;
	s9 =	simm.s32 $0x7780;
	v3 =	vld [tilespmem:s17+$0xFFFFFFE0];
	v8 =	vmul.f32 v10, v2;
	[tilespmem:s17+$0xFFFFFFF0] =	vst v11  }
.LBB2_12:
0xde: {  	s12 =	sadd.s32 $0x52, s13;
	[tilespmem:s17+$0xFFFFFF80] =	vst v9;
	v7 =	vmul.f32 v7, v2;
	v9 =	vld [tilespmem:s17+$0x0];
	s24 =	smov.u32 s13;
	s13 =	sadd.s32 $0x2, s13  }
0xdf: {  	v10 =	vmov s12;
	p1 =	slt.u32 s13, $0x26;
	[tilespmem:s17+$0xFFFFFF90] =	vst v8;
	v6 =	vmul.f32 v6, v2;
	v8 =	vld [tilespmem:s17+$0x10]  }
0xe0: {  	s12 =	sadd.s32 $0x53, s24;
	v10 =	vand.u32 $0xFFFFFFFE, v10;
	[tilespmem:s17+$0xFFFFFFA0] =	vst v7;
	v5 =	vmul.f32 v5, v2;
	v7 =	vld [tilespmem:s17+$0x20]  }
0xe1: {  	v11 =	vmov s12;
	v10 =	vbroadcast v10, $0x0;
	[tilespmem:s17+$0xFFFFFFB0] =	vst v6;
	v4 =	vmul.f32 v4, v2;
	v6 =	vld [tilespmem:s17+$0x30]  }
0xe2: {  	[tilespmem:s17+$0xFFFFFFC0] =	vst v5;
	v2 =	vmul.f32 v3, v2;
	v3 =	vld [tilespmem:s17+$0x40]  }
0xe3: {  	[tilespmem:s17+$0xFFFFFFD0] =	vst v4;
	v4 =	vmul.f32 v9, v1;
	v5 =	vld [tilespmem:s17+$0x50]  }
0xe4: {  	[tilespmem:s17+$0xFFFFFFE0] =	vst v2;
	v2 =	vmul.f32 v8, v1;
	v8 =	vld [tilespmem:s17+$0x60]  }
0xe5: {  	[tilespmem:s17+$0x0] =	vst v4;
	v4 =	vmul.f32 v7, v1;
	v7 =	vld [tilespmem:s17+$0x70]  }
0xe6: {  	v9 =	vld.idx.msk [tilespmem:v11+s20+$0x0], $0xffff;
	[tilespmem:s17+$0x10] =	vst v2;
	v6 =	vmul.f32 v6, v1  }
0xe7: {  	s17 =	sadd.s32 $0x100, s17;
	v2 =	vld.idx.msk [tilespmem:v10+s20+$0x0], $0xffff;
	[tilespmem:s9+$0x20] =	vst v4;
	v3 =	vmul.f32 v3, v1  }
0xe8: {  	v4 =	vld [tilespmem:s17+$0xFFFFFFF0];
	[tilespmem:s9+$0x30] =	vst v6;
	v5 =	vmul.f32 v5, v1  }
0xe9: {  	v10 =	vld [tilespmem:s17+$0xFFFFFF80];
	[tilespmem:s9+$0x40] =	vst v3;
	v3 =	vmul.f32 v8, v1  }
0xea: {  	v8 =	vld [tilespmem:s17+$0xFFFFFF90];
	[tilespmem:s9+$0x50] =	vst v5;
	v5 =	vmul.f32 v7, v1  }
.Ltmp7:
0xeb: {  	v7 =	vld [tilespmem:s17+$0xFFFFFFA0];
	[tilespmem:s9+$0x60] =	vst v3;
	(pc) =	sbr.rel @p1 .LBB2_12-.Ltmp7, $4  }
0xec: {  	v1 =	vmov v9;
	v6 =	vld [tilespmem:s17+$0xFFFFFFB0];
	[tilespmem:s9+$0x70] =	vst v5;
	s9 =	smov.u32 s17  }
0xed: {  	v5 =	vld [tilespmem:s17+$0xFFFFFFC0];
	v11 =	vmul.f32 v4, v2  }
0xee: {  	v9 =	vmul.f32 v10, v2;
	v4 =	vld [tilespmem:s17+$0xFFFFFFD0]  }
0xef: {  	v8 =	vmul.f32 v8, v2;
	v3 =	vld [tilespmem:s17+$0xFFFFFFE0];
	[tilespmem:s17+$0xFFFFFFF0] =	vst v11  }
0xf0: {  	v10 =	vld [tilespmem:s17+$0x0];
	[tilespmem:s17+$0xFFFFFF80] =	vst v9;
	v7 =	vmul.f32 v7, v2  }
0xf1: {  	v54 =	vld [tilespmem:s17+$0x10];
	[tilespmem:s17+$0xFFFFFF90] =	vst v8;
	v6 =	vmul.f32 v6, v2  }
0xf2: {  	v55 =	vld [tilespmem:s17+$0x20];
	[tilespmem:s17+$0xFFFFFFA0] =	vst v7;
	v5 =	vmul.f32 v5, v2  }
0xf3: {  	v56 =	vld [tilespmem:s17+$0x30];
	[tilespmem:s17+$0xFFFFFFB0] =	vst v6;
	v4 =	vmul.f32 v4, v2  }
0xf4: {  	v57 =	vld [tilespmem:s17+$0x40];
	[tilespmem:s17+$0xFFFFFFC0] =	vst v5;
	v2 =	vmul.f32 v3, v2  }
0xf5: {  	v59 =	vld [tilespmem:s17+$0x50];
	v58 =	vmul.f32 v10, v1;
	[tilespmem:s17+$0xFFFFFFD0] =	vst v4  }
0xf6: {  	v3 =	vld [tilespmem:s17+$0x60];
	v60 =	vmul.f32 v54, v1;
	[tilespmem:s17+$0xFFFFFFE0] =	vst v2  }
0xf7: {  	v61 =	vld [tilespmem:s17+$0x70];
	v2 =	vmul.f32 v55, v1;
	[tilespmem:s17+$0x0] =	vst v58  }
0xf8: {  	v62 =	vmul.f32 v56, v1;
	[tilespmem:s17+$0x10] =	vst v60  }
0xf9: {  	[tilespmem:s9+$0x20] =	vst v2;
	v2 =	vmul.f32 v57, v1  }
0xfa: {  	v63 =	vmul.f32 v59, v1;
	[tilespmem:s9+$0x30] =	vst v62  }
0xfb: {  	[tilespmem:s9+$0x40] =	vst v2;
	v2 =	vmul.f32 v3, v1  }
0xfc: {  	[tilespmem:s9+$0x50] =	vst v63;
	v1 =	vmul.f32 v61, v1  }
0xfd: {  	[tilespmem:s9+$0x60] =	vst v2  }
0xfe: {  	[tilespmem:s9+$0x70] =	vst v1  }
0xff: {  	_ =	swait.ge [sflag:s14], $0x28  }
0x100: {  	[sflag:s14] =	ssyncset.done $0x0  }
0x101: {  	[sflag:s14] =	ssyncadd.s32 $0xFFFFFFD8  }
0x102: {  	[spmem:s3] =	stream.indirect.scatter.add.f32 [tilespmem:s1], [sflag:$0x9], $0x80, s31, s11, $0xb8;
	[tilespmem:$0x1CD00] =	vst v63  }
0x103: {  	_ =	swait.ge [sflag:s15], $0x1400  }
0x104: {  	[sflag:s15] =	ssyncset.done $0x0  }
0x105: {  	s24 =	simm.s32 $0x6300;
	s12 =	simm.s32 $0xA0;
	[sflag:s15] =	ssyncadd.s32 $0xFFFFEC00  }
0x106: {  	[tilespmem:s24], [sflag:$0x2] =	stream.indirect.gather [hbm4b:s0+s11], $0x80, s12, s11, $0xb8;
	[tilespmem:$0x1CD00] =	vst v63  }
0x107: {  	s25 =	rddreg [dreg:$0xd];
	s24 =	simm.s32 $0x0  }
0x108: {  	[tilespmem:s26], [sflag:$0x5] =	stream.linear.gather [hbm4b:s25+s24], $0x28, $0x38;
	[tilespmem:$0x1CD00] =	vst v63  }
0x109: {  	s25 =	simm.s32 $0x0  }
.LBB2_14:
0x10a: {  	s9 =	sadd.s32 $0xFFFFFFFE, s24  }
0x10b: {  	s12 =	sadd.s32 $0x7A, s9  }
0x10c: {  	v1 =	vmov s12  }
0x10d: {  	s9 =	sadd.s32 $0x7B, s9;
	v1 =	vand.u32 $0xFFFFFFFE, v1  }
0x10e: {  	v2 =	vmov s9;
	v3 =	vbroadcast v1, $0x0  }
0x10f: {  	_ =	swait.ge [sflag:s29], $0x1400  }
0x110: {  	[sflag:s29] =	ssyncset.done $0x0  }
0x111: {  	[sflag:s29] =	ssyncadd.s32 $0xFFFFEC00;
	s9 =	simm.s32 $0x4F80  }
0x112: {  	v4 =	vld [tilespmem:s9+$0xFFFFFFF0]  }
0x113: {  	v1 =	vld.idx.msk [tilespmem:v2+s20+$0x0], $0xffff  }
0x114: {  	v2 =	vld.idx.msk [tilespmem:v3+s20+$0x0], $0xffff  }
0x115: {  	v8 =	vld [tilespmem:s9+$0xFFFFFF80]  }
0x116: {  	v7 =	vld [tilespmem:s9+$0xFFFFFF90]  }
0x117: {  	v6 =	vld [tilespmem:s9+$0xFFFFFFA0]  }
0x118: {  	v5 =	vld [tilespmem:s9+$0xFFFFFFB0]  }
0x119: {  	v3 =	vld [tilespmem:s9+$0xFFFFFFC0];
	v9 =	vmul.f32 v4, v2  }
0x11a: {  	s17 =	smul.u32 $0x78, s25;
	s13 =	simm.s32 $0x4F80;
	s12 =	simm.s32 $0x0;
	v8 =	vmul.f32 v8, v2;
	v4 =	vld [tilespmem:s9+$0xFFFFFFD0]  }
.LBB2_15:
0x11b: {  	s18 =	sadd.s32 s12, s24;
	s12 =	sadd.s32 $0x2, s12;
	v7 =	vmul.f32 v7, v2;
	v10 =	vld [tilespmem:s9+$0xFFFFFFE0];
	[tilespmem:s9+$0xFFFFFFF0] =	vst v9  }
0x11c: {  	s23 =	sadd.s32 $0x7A, s18;
	s18 =	sadd.s32 $0x7B, s18;
	p1 =	slt.u32 s12, $0x26;
	[tilespmem:s9+$0xFFFFFF80] =	vst v8;
	v6 =	vmul.f32 v6, v2;
	v8 =	vld [tilespmem:s9+$0x0]  }
0x11d: {  	v9 =	vmov s23;
	v11 =	vmov s18;
	[tilespmem:s9+$0xFFFFFF90] =	vst v7;
	v5 =	vmul.f32 v5, v2;
	v7 =	vld [tilespmem:s9+$0x10]  }
0x11e: {  	v9 =	vand.u32 $0xFFFFFFFE, v9;
	[tilespmem:s9+$0xFFFFFFA0] =	vst v6;
	v3 =	vmul.f32 v3, v2;
	v6 =	vld [tilespmem:s9+$0x20]  }
0x11f: {  	v9 =	vbroadcast v9, $0x0;
	[tilespmem:s9+$0xFFFFFFB0] =	vst v5;
	v4 =	vmul.f32 v4, v2;
	v5 =	vld [tilespmem:s9+$0x30]  }
0x120: {  	[tilespmem:s9+$0xFFFFFFC0] =	vst v3;
	v2 =	vmul.f32 v10, v2;
	v3 =	vld [tilespmem:s9+$0x40]  }
0x121: {  	[tilespmem:s9+$0xFFFFFFD0] =	vst v4;
	v4 =	vmul.f32 v8, v1;
	v8 =	vld [tilespmem:s9+$0x50]  }
0x122: {  	v10 =	vld.idx.msk [tilespmem:v11+s20+$0x0], $0xffff;
	[tilespmem:s9+$0xFFFFFFE0] =	vst v2;
	v2 =	vmul.f32 v7, v1  }
0x123: {  	[tilespmem:s9+$0x0] =	vst v4;
	v4 =	vmul.f32 v6, v1;
	v6 =	vld [tilespmem:s9+$0x60]  }
0x124: {  	[tilespmem:s9+$0x10] =	vst v2;
	v5 =	vmul.f32 v5, v1;
	v11 =	vld [tilespmem:s9+$0x70]  }
0x125: {  	s9 =	sadd.s32 $0x100, s9;
	v2 =	vld.idx.msk [tilespmem:v9+s20+$0x0], $0xffff;
	[tilespmem:s13+$0x20] =	vst v4;
	v3 =	vmul.f32 v3, v1  }
0x126: {  	v4 =	vld [tilespmem:s9+$0xFFFFFFF0];
	[tilespmem:s13+$0x30] =	vst v5;
	v5 =	vmul.f32 v8, v1  }
0x127: {  	v8 =	vld [tilespmem:s9+$0xFFFFFF80];
	[tilespmem:s13+$0x40] =	vst v3  }
.Ltmp8:
0x128: {  	v7 =	vld [tilespmem:s9+$0xFFFFFF90];
	[tilespmem:s13+$0x50] =	vst v5;
	v3 =	vmul.f32 v6, v1;
	(pc) =	sbr.rel @p1 .LBB2_15-.Ltmp8, $4  }
0x129: {  	v6 =	vld [tilespmem:s9+$0xFFFFFFA0];
	v11 =	vmul.f32 v11, v1;
	v1 =	vmov v10  }
0x12a: {  	v5 =	vld [tilespmem:s9+$0xFFFFFFB0];
	[tilespmem:s13+$0x60] =	vst v3  }
0x12b: {  	v3 =	vld [tilespmem:s9+$0xFFFFFFC0];
	v9 =	vmul.f32 v4, v2;
	[tilespmem:s13+$0x70] =	vst v11;
	s13 =	smov.u32 s9  }
0x12c: {  	v8 =	vmul.f32 v8, v2;
	v4 =	vld [tilespmem:s9+$0xFFFFFFD0]  }
0x12d: {  	v10 =	vld [tilespmem:s9+$0x0];
	v7 =	vmul.f32 v7, v2;
	[tilespmem:s9+$0xFFFFFFF0] =	vst v9  }
0x12e: {  	v9 =	vld [tilespmem:s9+$0x10];
	[tilespmem:s9+$0xFFFFFF80] =	vst v8;
	v6 =	vmul.f32 v6, v2  }
0x12f: {  	v11 =	vld [tilespmem:s9+$0xFFFFFFE0];
	[tilespmem:s9+$0xFFFFFF90] =	vst v7;
	v5 =	vmul.f32 v5, v2  }
0x130: {  	v8 =	vld [tilespmem:s9+$0x20];
	[tilespmem:s9+$0xFFFFFFA0] =	vst v6;
	v3 =	vmul.f32 v3, v2  }
0x131: {  	v7 =	vld [tilespmem:s9+$0x30];
	[tilespmem:s9+$0xFFFFFFB0] =	vst v5;
	v4 =	vmul.f32 v4, v2  }
0x132: {  	v6 =	vld [tilespmem:s9+$0x40];
	v10 =	vmul.f32 v10, v1;
	[tilespmem:s9+$0xFFFFFFC0] =	vst v3  }
0x133: {  	v5 =	vld [tilespmem:s9+$0x50];
	v9 =	vmul.f32 v9, v1;
	[tilespmem:s9+$0xFFFFFFD0] =	vst v4  }
0x134: {  	v3 =	vld [tilespmem:s9+$0x60];
	v2 =	vmul.f32 v11, v2;
	[tilespmem:s9+$0x0] =	vst v10  }
0x135: {  	v4 =	vmul.f32 v8, v1;
	v8 =	vld [tilespmem:s9+$0x70];
	[tilespmem:s9+$0x10] =	vst v9  }
0x136: {  	[tilespmem:s9+$0xFFFFFFE0] =	vst v2;
	v2 =	vmul.f32 v7, v1  }
0x137: {  	[tilespmem:s13+$0x20] =	vst v4;
	v4 =	vmul.f32 v6, v1  }
0x138: {  	[tilespmem:s13+$0x30] =	vst v2;
	v2 =	vmul.f32 v5, v1  }
0x139: {  	[tilespmem:s13+$0x40] =	vst v4;
	v3 =	vmul.f32 v3, v1  }
0x13a: {  	[tilespmem:s13+$0x50] =	vst v2;
	v1 =	vmul.f32 v8, v1  }
0x13b: {  	[tilespmem:s13+$0x60] =	vst v3  }
0x13c: {  	[tilespmem:s13+$0x70] =	vst v1  }
0x13d: {  	_ =	swait.ge [sflag:s30], $0x28  }
0x13e: {  	[sflag:s30] =	ssyncset.done $0x0  }
0x13f: {  	[sflag:s30] =	ssyncadd.s32 $0xFFFFFFD8  }
0x140: {  	[spmem:s3] =	stream.indirect.scatter.add.f32 [tilespmem:s21], [sflag:$0x7], $0x80, s22, s11, $0xb8;
	[tilespmem:$0x1CD00] =	vst v63  }
0x141: {  	s18 =	sadd.s32 $0xC8, s17;
	s12 =	sadd.s32 $0xFFFFFFFE, s24;
	_ =	swait.ge [sflag:s16], $0x1400  }
0x142: {  	s23 =	sadd.s32 $0xA2, s12;
	s9 =	sadd.s32 s5, s18;
	[sflag:s16] =	ssyncset.done $0x0  }
0x143: {  	s12 =	sadd.s32 $0xA3, s12;
	s9 =	sshrl.u32 s9, $0x3;
	v1 =	vmov s23;
	[sflag:s16] =	ssyncadd.s32 $0xFFFFEC00  }
0x144: {  	v1 =	vand.u32 $0xFFFFFFFE, v1;
	[tilespmem:s1], [sflag:$0x3] =	stream.indirect.gather [hbm4b:s0+s11], $0x80, s18, s11, $0xb8;
	[tilespmem:$0x1CD00] =	vst v63  }
0x145: {  	s9 =	sadd.s32 s6, s9;
	v2 =	vmov s12;
	v3 =	vbroadcast v1, $0x0  }
0x146: {  	[tilespmem:s31], [sflag:$0x6] =	stream.linear.gather [hbm4b:s9+s4], $0x28, $0x38;
	[tilespmem:$0x1CD00] =	vst v63  }
0x147: {  	_ =	swait.ge [sflag:s2], $0x1400  }
0x148: {  	[sflag:s2] =	ssyncset.done $0x0  }
0x149: {  	[sflag:s2] =	ssyncadd.s32 $0xFFFFEC00  }
0x14a: {  	v1 =	vld.idx.msk [tilespmem:v2+s20+$0x0], $0xffff  }
0x14b: {  	s9 =	simm.s32 $0x6380;
	v2 =	vld.idx.msk [tilespmem:v3+s20+$0x0], $0xffff  }
0x14c: {  	v4 =	vld [tilespmem:s9+$0xFFFFFFF0]  }
0x14d: {  	v8 =	vld [tilespmem:s9+$0xFFFFFF80]  }
0x14e: {  	v7 =	vld [tilespmem:s9+$0xFFFFFF90]  }
0x14f: {  	v6 =	vld [tilespmem:s9+$0xFFFFFFA0]  }
0x150: {  	v5 =	vld [tilespmem:s9+$0xFFFFFFB0]  }
0x151: {  	v3 =	vld [tilespmem:s9+$0xFFFFFFC0];
	v9 =	vmul.f32 v4, v2  }
0x152: {  	s12 =	simm.s32 $0x0;
	s13 =	simm.s32 $0x6380;
	v8 =	vmul.f32 v8, v2;
	v4 =	vld [tilespmem:s9+$0xFFFFFFD0]  }
.LBB2_17:
0x153: {  	s18 =	sadd.s32 s12, s24;
	s12 =	sadd.s32 $0x2, s12;
	v7 =	vmul.f32 v7, v2;
	v10 =	vld [tilespmem:s9+$0xFFFFFFE0];
	[tilespmem:s9+$0xFFFFFFF0] =	vst v9  }
0x154: {  	s23 =	sadd.s32 $0xA2, s18;
	s18 =	sadd.s32 $0xA3, s18;
	p1 =	slt.u32 s12, $0x26;
	[tilespmem:s9+$0xFFFFFF80] =	vst v8;
	v6 =	vmul.f32 v6, v2;
	v8 =	vld [tilespmem:s9+$0x0]  }
0x155: {  	v9 =	vmov s23;
	v11 =	vmov s18;
	[tilespmem:s9+$0xFFFFFF90] =	vst v7;
	v5 =	vmul.f32 v5, v2;
	v7 =	vld [tilespmem:s9+$0x10]  }
0x156: {  	v9 =	vand.u32 $0xFFFFFFFE, v9;
	[tilespmem:s9+$0xFFFFFFA0] =	vst v6;
	v3 =	vmul.f32 v3, v2;
	v6 =	vld [tilespmem:s9+$0x20]  }
0x157: {  	v9 =	vbroadcast v9, $0x0;
	[tilespmem:s9+$0xFFFFFFB0] =	vst v5;
	v4 =	vmul.f32 v4, v2;
	v5 =	vld [tilespmem:s9+$0x30]  }
0x158: {  	[tilespmem:s9+$0xFFFFFFC0] =	vst v3;
	v2 =	vmul.f32 v10, v2;
	v3 =	vld [tilespmem:s9+$0x40]  }
0x159: {  	[tilespmem:s9+$0xFFFFFFD0] =	vst v4;
	v4 =	vmul.f32 v8, v1;
	v8 =	vld [tilespmem:s9+$0x50]  }
0x15a: {  	v10 =	vld.idx.msk [tilespmem:v11+s20+$0x0], $0xffff;
	[tilespmem:s9+$0xFFFFFFE0] =	vst v2;
	v2 =	vmul.f32 v7, v1  }
0x15b: {  	[tilespmem:s9+$0x0] =	vst v4;
	v4 =	vmul.f32 v6, v1;
	v6 =	vld [tilespmem:s9+$0x60]  }
0x15c: {  	[tilespmem:s9+$0x10] =	vst v2;
	v5 =	vmul.f32 v5, v1;
	v11 =	vld [tilespmem:s9+$0x70]  }
0x15d: {  	s9 =	sadd.s32 $0x100, s9;
	v2 =	vld.idx.msk [tilespmem:v9+s20+$0x0], $0xffff;
	[tilespmem:s13+$0x20] =	vst v4;
	v3 =	vmul.f32 v3, v1  }
0x15e: {  	v4 =	vld [tilespmem:s9+$0xFFFFFFF0];
	[tilespmem:s13+$0x30] =	vst v5;
	v5 =	vmul.f32 v8, v1  }
0x15f: {  	v8 =	vld [tilespmem:s9+$0xFFFFFF80];
	[tilespmem:s13+$0x40] =	vst v3  }
.Ltmp9:
0x160: {  	v7 =	vld [tilespmem:s9+$0xFFFFFF90];
	[tilespmem:s13+$0x50] =	vst v5;
	v3 =	vmul.f32 v6, v1;
	(pc) =	sbr.rel @p1 .LBB2_17-.Ltmp9, $4  }
0x161: {  	v6 =	vld [tilespmem:s9+$0xFFFFFFA0];
	v11 =	vmul.f32 v11, v1;
	v1 =	vmov v10  }
0x162: {  	v5 =	vld [tilespmem:s9+$0xFFFFFFB0];
	[tilespmem:s13+$0x60] =	vst v3  }
0x163: {  	v3 =	vld [tilespmem:s9+$0xFFFFFFC0];
	v9 =	vmul.f32 v4, v2;
	[tilespmem:s13+$0x70] =	vst v11;
	s13 =	smov.u32 s9  }
0x164: {  	v8 =	vmul.f32 v8, v2;
	v4 =	vld [tilespmem:s9+$0xFFFFFFD0]  }
0x165: {  	v10 =	vld [tilespmem:s9+$0x0];
	v7 =	vmul.f32 v7, v2;
	[tilespmem:s9+$0xFFFFFFF0] =	vst v9  }
0x166: {  	v9 =	vld [tilespmem:s9+$0x10];
	[tilespmem:s9+$0xFFFFFF80] =	vst v8;
	v6 =	vmul.f32 v6, v2  }
0x167: {  	v11 =	vld [tilespmem:s9+$0xFFFFFFE0];
	[tilespmem:s9+$0xFFFFFF90] =	vst v7;
	v5 =	vmul.f32 v5, v2  }
0x168: {  	v8 =	vld [tilespmem:s9+$0x20];
	[tilespmem:s9+$0xFFFFFFA0] =	vst v6;
	v3 =	vmul.f32 v3, v2  }
0x169: {  	v7 =	vld [tilespmem:s9+$0x30];
	[tilespmem:s9+$0xFFFFFFB0] =	vst v5;
	v4 =	vmul.f32 v4, v2  }
0x16a: {  	v6 =	vld [tilespmem:s9+$0x40];
	v10 =	vmul.f32 v10, v1;
	[tilespmem:s9+$0xFFFFFFC0] =	vst v3  }
0x16b: {  	v5 =	vld [tilespmem:s9+$0x50];
	v9 =	vmul.f32 v9, v1;
	[tilespmem:s9+$0xFFFFFFD0] =	vst v4  }
0x16c: {  	v3 =	vld [tilespmem:s9+$0x60];
	v2 =	vmul.f32 v11, v2;
	[tilespmem:s9+$0x0] =	vst v10  }
0x16d: {  	v4 =	vmul.f32 v8, v1;
	v8 =	vld [tilespmem:s9+$0x70];
	[tilespmem:s9+$0x10] =	vst v9  }
0x16e: {  	[tilespmem:s9+$0xFFFFFFE0] =	vst v2;
	v2 =	vmul.f32 v7, v1  }
0x16f: {  	[tilespmem:s13+$0x20] =	vst v4;
	v4 =	vmul.f32 v6, v1  }
0x170: {  	[tilespmem:s13+$0x30] =	vst v2;
	v2 =	vmul.f32 v5, v1  }
0x171: {  	[tilespmem:s13+$0x40] =	vst v4;
	v3 =	vmul.f32 v3, v1  }
0x172: {  	[tilespmem:s13+$0x50] =	vst v2;
	v1 =	vmul.f32 v8, v1  }
0x173: {  	[tilespmem:s13+$0x60] =	vst v3  }
0x174: {  	[tilespmem:s13+$0x70] =	vst v1  }
0x175: {  	_ =	swait.ge [sflag:s7], $0x28  }
0x176: {  	[sflag:s7] =	ssyncset.done $0x0  }
0x177: {  	s13 =	simm.s32 $0x6300;
	[sflag:s7] =	ssyncadd.s32 $0xFFFFFFD8  }
0x178: {  	[spmem:s3] =	stream.indirect.scatter.add.f32 [tilespmem:s13], [sflag:$0x8], $0x80, s26, s11, $0xb8;
	[tilespmem:$0x1CD00] =	vst v63  }
0x179: {  	s18 =	sadd.s32 $0xF0, s17;
	s12 =	sadd.s32 $0xFFFFFFFE, s24;
	_ =	swait.ge [sflag:s8], $0x1400  }
0x17a: {  	s23 =	sadd.s32 $0xCA, s12;
	s9 =	sadd.s32 s5, s18;
	[sflag:s8] =	ssyncset.done $0x0  }
0x17b: {  	s12 =	sadd.s32 $0xCB, s12;
	s9 =	sshrl.u32 s9, $0x3;
	v1 =	vmov s23;
	[sflag:s8] =	ssyncadd.s32 $0xFFFFEC00  }
0x17c: {  	v1 =	vand.u32 $0xFFFFFFFE, v1;
	[tilespmem:s21], [sflag:$0x1] =	stream.indirect.gather [hbm4b:s0+s11], $0x80, s18, s11, $0xb8;
	[tilespmem:$0x1CD00] =	vst v63  }
0x17d: {  	s9 =	sadd.s32 s6, s9;
	v2 =	vmov s12;
	v3 =	vbroadcast v1, $0x0  }
0x17e: {  	[tilespmem:s22], [sflag:$0x4] =	stream.linear.gather [hbm4b:s9+s4], $0x28, $0x38;
	[tilespmem:$0x1CD00] =	vst v63  }
0x17f: {  	_ =	swait.ge [sflag:s10], $0x1400  }
0x180: {  	[sflag:s10] =	ssyncset.done $0x0  }
0x181: {  	[sflag:s10] =	ssyncadd.s32 $0xFFFFEC00  }
0x182: {  	v1 =	vld.idx.msk [tilespmem:v2+s20+$0x0], $0xffff  }
0x183: {  	s9 =	simm.s32 $0x7780;
	v2 =	vld.idx.msk [tilespmem:v3+s20+$0x0], $0xffff  }
0x184: {  	v4 =	vld [tilespmem:s9+$0xFFFFFFF0]  }
0x185: {  	v8 =	vld [tilespmem:s9+$0xFFFFFF80]  }
0x186: {  	v7 =	vld [tilespmem:s9+$0xFFFFFF90]  }
0x187: {  	v6 =	vld [tilespmem:s9+$0xFFFFFFA0]  }
0x188: {  	v5 =	vld [tilespmem:s9+$0xFFFFFFB0]  }
0x189: {  	v3 =	vld [tilespmem:s9+$0xFFFFFFC0];
	v9 =	vmul.f32 v4, v2  }
0x18a: {  	s12 =	simm.s32 $0x0;
	s13 =	simm.s32 $0x7780;
	v8 =	vmul.f32 v8, v2;
	v4 =	vld [tilespmem:s9+$0xFFFFFFD0]  }
.LBB2_19:
0x18b: {  	s18 =	sadd.s32 s12, s24;
	s12 =	sadd.s32 $0x2, s12;
	v7 =	vmul.f32 v7, v2;
	v10 =	vld [tilespmem:s9+$0xFFFFFFE0];
	[tilespmem:s9+$0xFFFFFFF0] =	vst v9  }
0x18c: {  	s23 =	sadd.s32 $0xCA, s18;
	s18 =	sadd.s32 $0xCB, s18;
	p1 =	slt.u32 s12, $0x26;
	[tilespmem:s9+$0xFFFFFF80] =	vst v8;
	v6 =	vmul.f32 v6, v2;
	v8 =	vld [tilespmem:s9+$0x0]  }
0x18d: {  	v9 =	vmov s23;
	v11 =	vmov s18;
	[tilespmem:s9+$0xFFFFFF90] =	vst v7;
	v5 =	vmul.f32 v5, v2;
	v7 =	vld [tilespmem:s9+$0x10]  }
0x18e: {  	v9 =	vand.u32 $0xFFFFFFFE, v9;
	[tilespmem:s9+$0xFFFFFFA0] =	vst v6;
	v3 =	vmul.f32 v3, v2;
	v6 =	vld [tilespmem:s9+$0x20]  }
0x18f: {  	v9 =	vbroadcast v9, $0x0;
	[tilespmem:s9+$0xFFFFFFB0] =	vst v5;
	v4 =	vmul.f32 v4, v2;
	v5 =	vld [tilespmem:s9+$0x30]  }
0x190: {  	[tilespmem:s9+$0xFFFFFFC0] =	vst v3;
	v2 =	vmul.f32 v10, v2;
	v3 =	vld [tilespmem:s9+$0x40]  }
0x191: {  	[tilespmem:s9+$0xFFFFFFD0] =	vst v4;
	v4 =	vmul.f32 v8, v1;
	v8 =	vld [tilespmem:s9+$0x50]  }
0x192: {  	v10 =	vld.idx.msk [tilespmem:v11+s20+$0x0], $0xffff;
	[tilespmem:s9+$0xFFFFFFE0] =	vst v2;
	v2 =	vmul.f32 v7, v1  }
0x193: {  	[tilespmem:s9+$0x0] =	vst v4;
	v4 =	vmul.f32 v6, v1;
	v6 =	vld [tilespmem:s9+$0x60]  }
0x194: {  	[tilespmem:s9+$0x10] =	vst v2;
	v5 =	vmul.f32 v5, v1;
	v11 =	vld [tilespmem:s9+$0x70]  }
0x195: {  	s9 =	sadd.s32 $0x100, s9;
	v2 =	vld.idx.msk [tilespmem:v9+s20+$0x0], $0xffff;
	[tilespmem:s13+$0x20] =	vst v4;
	v3 =	vmul.f32 v3, v1  }
0x196: {  	v4 =	vld [tilespmem:s9+$0xFFFFFFF0];
	[tilespmem:s13+$0x30] =	vst v5;
	v5 =	vmul.f32 v8, v1  }
0x197: {  	v8 =	vld [tilespmem:s9+$0xFFFFFF80];
	[tilespmem:s13+$0x40] =	vst v3  }
.Ltmp10:
0x198: {  	v7 =	vld [tilespmem:s9+$0xFFFFFF90];
	[tilespmem:s13+$0x50] =	vst v5;
	v3 =	vmul.f32 v6, v1;
	(pc) =	sbr.rel @p1 .LBB2_19-.Ltmp10, $4  }
0x199: {  	v6 =	vld [tilespmem:s9+$0xFFFFFFA0];
	v11 =	vmul.f32 v11, v1;
	v1 =	vmov v10  }
0x19a: {  	v5 =	vld [tilespmem:s9+$0xFFFFFFB0];
	[tilespmem:s13+$0x60] =	vst v3  }
0x19b: {  	v3 =	vld [tilespmem:s9+$0xFFFFFFC0];
	v9 =	vmul.f32 v4, v2;
	[tilespmem:s13+$0x70] =	vst v11;
	s13 =	smov.u32 s9  }
0x19c: {  	v8 =	vmul.f32 v8, v2;
	v4 =	vld [tilespmem:s9+$0xFFFFFFD0]  }
0x19d: {  	v10 =	vld [tilespmem:s9+$0x0];
	v7 =	vmul.f32 v7, v2;
	[tilespmem:s9+$0xFFFFFFF0] =	vst v9  }
0x19e: {  	v56 =	vld [tilespmem:s9+$0x10];
	[tilespmem:s9+$0xFFFFFF80] =	vst v8;
	v6 =	vmul.f32 v6, v2  }
0x19f: {  	v11 =	vld [tilespmem:s9+$0xFFFFFFE0];
	[tilespmem:s9+$0xFFFFFF90] =	vst v7;
	v5 =	vmul.f32 v5, v2  }
0x1a0: {  	v57 =	vld [tilespmem:s9+$0x20];
	[tilespmem:s9+$0xFFFFFFA0] =	vst v6;
	v3 =	vmul.f32 v3, v2  }
0x1a1: {  	v58 =	vld [tilespmem:s9+$0x30];
	[tilespmem:s9+$0xFFFFFFB0] =	vst v5;
	v4 =	vmul.f32 v4, v2  }
0x1a2: {  	v59 =	vld [tilespmem:s9+$0x40];
	v10 =	vmul.f32 v10, v1;
	[tilespmem:s9+$0xFFFFFFC0] =	vst v3  }
0x1a3: {  	v60 =	vld [tilespmem:s9+$0x50];
	v9 =	vmul.f32 v56, v1;
	[tilespmem:s9+$0xFFFFFFD0] =	vst v4  }
0x1a4: {  	v3 =	vld [tilespmem:s9+$0x60];
	v2 =	vmul.f32 v11, v2;
	[tilespmem:s9+$0x0] =	vst v10  }
0x1a5: {  	v62 =	vld [tilespmem:s9+$0x70];
	v61 =	vmul.f32 v57, v1;
	[tilespmem:s9+$0x10] =	vst v9  }
0x1a6: {  	[tilespmem:s9+$0xFFFFFFE0] =	vst v2;
	v2 =	vmul.f32 v58, v1  }
0x1a7: {  	v63 =	vmul.f32 v59, v1;
	[tilespmem:s13+$0x20] =	vst v61  }
0x1a8: {  	[tilespmem:s13+$0x30] =	vst v2;
	v2 =	vmul.f32 v60, v1  }
0x1a9: {  	[tilespmem:s13+$0x40] =	vst v63;
	v3 =	vmul.f32 v3, v1  }
0x1aa: {  	v1 =	vmul.f32 v62, v1;
	[tilespmem:s13+$0x50] =	vst v2  }
0x1ab: {  	[tilespmem:s13+$0x60] =	vst v3  }
0x1ac: {  	[tilespmem:s13+$0x70] =	vst v1  }
0x1ad: {  	_ =	swait.ge [sflag:s14], $0x28  }
0x1ae: {  	p1 =	seq.s32 s25, $0x51;
	[sflag:s14] =	ssyncset.done $0x0  }
.Ltmp11:
0x1af: {  	[sflag:s14] =	ssyncadd.s32 $0xFFFFFFD8;
	(pc) =	sbr.rel @p1 .LBB2_22-.Ltmp11, $4  }
0x1b0: {  	[spmem:s3] =	stream.indirect.scatter.add.f32 [tilespmem:s1], [sflag:$0x9], $0x80, s31, s11, $0xb8;
	[tilespmem:$0x1CD00] =	vst v63  }
0x1b1: {  	_ =	swait.ge [sflag:s15], $0x1400  }
0x1b2: {  	[sflag:s15] =	ssyncset.done $0x0  }
0x1b3: {  	[sflag:s15] =	ssyncadd.s32 $0xFFFFEC00  }
0x1b4: {  	s9 =	sadd.s32 $0x118, s17;
	s12 =	simm.s32 $0x6300  }
0x1b5: {  	[tilespmem:s12], [sflag:$0x2] =	stream.indirect.gather [hbm4b:s0+s11], $0x80, s9, s11, $0xb8;
	[tilespmem:$0x1CD00] =	vst v63  }
.Ltmp12:
0x1b6: {  	_ = 	snop;
	(pc) =	sbr.rel .LBB2_14-.Ltmp12, $4  }
0x1b7: {  	s9 =	sadd.s32 s5, s9  }
0x1b8: {  	s9 =	sshrl.u32 s9, $0x3  }
0x1b9: {  	s25 =	sadd.s32 $0x1, s25;
	s24 =	sadd.s32 $0x78, s24;
	s9 =	sadd.s32 s6, s9  }
0x1ba: {  	[tilespmem:s26], [sflag:$0x5] =	stream.linear.gather [hbm4b:s9+s4], $0x28, $0x38;
	[tilespmem:$0x1CD00] =	vst v63  }
.LBB2_22:
0x1bb: {  	s9 =	simm.s32 $0x26E8  }
0x1bc: {  	v1 =	vmov s9  }
0x1bd: {  	v1 =	vand.u32 $0xFFFFFFFE, v1  }
0x1be: {  	v1 =	vbroadcast v1, $0x0;
	_ =	sdelay $0x1  }
0x1bf: {  	_ =	swait.ge [sflag:s29], $0x1400  }
0x1c0: {  	[sflag:s29] =	ssyncset.done $0x0  }
0x1c1: {  	s17 =	simm.s32 $0x4F80;
	[sflag:s29] =	ssyncadd.s32 $0xFFFFEC00  }
0x1c2: {  	v8 =	vld [tilespmem:s17+$0xFFFFFF80]  }
0x1c3: {  	v2 =	vld.idx.msk [tilespmem:v1+s20+$0x0], $0xffff  }
0x1c4: {  	s25 =	simm.s32 $0x26E9;
	v1 =	vld [tilespmem:s17+$0xFFFFFFF0]  }
0x1c5: {  	v9 =	vmov s25;
	v10 =	vld [tilespmem:s17+$0xFFFFFF90]  }
0x1c6: {  	v7 =	vld [tilespmem:s17+$0xFFFFFFA0]  }
0x1c7: {  	v6 =	vld [tilespmem:s17+$0xFFFFFFB0]  }
0x1c8: {  	v5 =	vld [tilespmem:s17+$0xFFFFFFC0]  }
0x1c9: {  	v4 =	vld [tilespmem:s17+$0xFFFFFFD0];
	v11 =	vmul.f32 v1, v2  }
0x1ca: {  	v1 =	vld.idx.msk [tilespmem:v9+s20+$0x0], $0xffff;
	v9 =	vmul.f32 v8, v2  }
0x1cb: {  	s13 =	simm.s32 $0x0;
	s9 =	simm.s32 $0x4F80;
	v3 =	vld [tilespmem:s17+$0xFFFFFFE0];
	v8 =	vmul.f32 v10, v2;
	[tilespmem:s17+$0xFFFFFFF0] =	vst v11  }
.LBB2_23:
0x1cc: {  	s12 =	sadd.s32 $0x26EA, s13;
	[tilespmem:s17+$0xFFFFFF80] =	vst v9;
	v7 =	vmul.f32 v7, v2;
	v9 =	vld [tilespmem:s17+$0x0];
	s18 =	smov.u32 s13;
	s13 =	sadd.s32 $0x2, s13  }
0x1cd: {  	v10 =	vmov s12;
	p1 =	slt.u32 s13, $0x26;
	[tilespmem:s17+$0xFFFFFF90] =	vst v8;
	v6 =	vmul.f32 v6, v2;
	v8 =	vld [tilespmem:s17+$0x10]  }
0x1ce: {  	s12 =	sadd.s32 $0x26EB, s18;
	v10 =	vand.u32 $0xFFFFFFFE, v10;
	[tilespmem:s17+$0xFFFFFFA0] =	vst v7;
	v5 =	vmul.f32 v5, v2;
	v7 =	vld [tilespmem:s17+$0x20]  }
0x1cf: {  	v11 =	vmov s12;
	v10 =	vbroadcast v10, $0x0;
	[tilespmem:s17+$0xFFFFFFB0] =	vst v6;
	v4 =	vmul.f32 v4, v2;
	v6 =	vld [tilespmem:s17+$0x30]  }
0x1d0: {  	[tilespmem:s17+$0xFFFFFFC0] =	vst v5;
	v2 =	vmul.f32 v3, v2;
	v3 =	vld [tilespmem:s17+$0x40]  }
0x1d1: {  	[tilespmem:s17+$0xFFFFFFD0] =	vst v4;
	v4 =	vmul.f32 v9, v1;
	v5 =	vld [tilespmem:s17+$0x50]  }
0x1d2: {  	[tilespmem:s17+$0xFFFFFFE0] =	vst v2;
	v2 =	vmul.f32 v8, v1;
	v8 =	vld [tilespmem:s17+$0x60]  }
0x1d3: {  	[tilespmem:s17+$0x0] =	vst v4;
	v4 =	vmul.f32 v7, v1;
	v7 =	vld [tilespmem:s17+$0x70]  }
0x1d4: {  	v9 =	vld.idx.msk [tilespmem:v11+s20+$0x0], $0xffff;
	[tilespmem:s17+$0x10] =	vst v2;
	v6 =	vmul.f32 v6, v1  }
0x1d5: {  	s17 =	sadd.s32 $0x100, s17;
	v2 =	vld.idx.msk [tilespmem:v10+s20+$0x0], $0xffff;
	[tilespmem:s9+$0x20] =	vst v4;
	v3 =	vmul.f32 v3, v1  }
0x1d6: {  	v4 =	vld [tilespmem:s17+$0xFFFFFFF0];
	[tilespmem:s9+$0x30] =	vst v6;
	v5 =	vmul.f32 v5, v1  }
0x1d7: {  	v10 =	vld [tilespmem:s17+$0xFFFFFF80];
	[tilespmem:s9+$0x40] =	vst v3;
	v3 =	vmul.f32 v8, v1  }
0x1d8: {  	v8 =	vld [tilespmem:s17+$0xFFFFFF90];
	[tilespmem:s9+$0x50] =	vst v5;
	v5 =	vmul.f32 v7, v1  }
.Ltmp13:
0x1d9: {  	v7 =	vld [tilespmem:s17+$0xFFFFFFA0];
	[tilespmem:s9+$0x60] =	vst v3;
	(pc) =	sbr.rel @p1 .LBB2_23-.Ltmp13, $4  }
0x1da: {  	v1 =	vmov v9;
	v6 =	vld [tilespmem:s17+$0xFFFFFFB0];
	[tilespmem:s9+$0x70] =	vst v5;
	s9 =	smov.u32 s17  }
0x1db: {  	v5 =	vld [tilespmem:s17+$0xFFFFFFC0];
	v11 =	vmul.f32 v4, v2  }
0x1dc: {  	v9 =	vmul.f32 v10, v2;
	v4 =	vld [tilespmem:s17+$0xFFFFFFD0]  }
0x1dd: {  	v8 =	vmul.f32 v8, v2;
	v3 =	vld [tilespmem:s17+$0xFFFFFFE0];
	[tilespmem:s17+$0xFFFFFFF0] =	vst v11  }
0x1de: {  	v10 =	vld [tilespmem:s17+$0x0];
	[tilespmem:s17+$0xFFFFFF80] =	vst v9;
	v7 =	vmul.f32 v7, v2  }
0x1df: {  	v54 =	vld [tilespmem:s17+$0x10];
	[tilespmem:s17+$0xFFFFFF90] =	vst v8;
	v6 =	vmul.f32 v6, v2  }
0x1e0: {  	v55 =	vld [tilespmem:s17+$0x20];
	[tilespmem:s17+$0xFFFFFFA0] =	vst v7;
	v5 =	vmul.f32 v5, v2  }
0x1e1: {  	v56 =	vld [tilespmem:s17+$0x30];
	[tilespmem:s17+$0xFFFFFFB0] =	vst v6;
	v4 =	vmul.f32 v4, v2  }
0x1e2: {  	v57 =	vld [tilespmem:s17+$0x40];
	[tilespmem:s17+$0xFFFFFFC0] =	vst v5;
	v2 =	vmul.f32 v3, v2  }
0x1e3: {  	v59 =	vld [tilespmem:s17+$0x50];
	v58 =	vmul.f32 v10, v1;
	[tilespmem:s17+$0xFFFFFFD0] =	vst v4  }
0x1e4: {  	v3 =	vld [tilespmem:s17+$0x60];
	v60 =	vmul.f32 v54, v1;
	[tilespmem:s17+$0xFFFFFFE0] =	vst v2  }
0x1e5: {  	v61 =	vld [tilespmem:s17+$0x70];
	v2 =	vmul.f32 v55, v1;
	[tilespmem:s17+$0x0] =	vst v58  }
0x1e6: {  	v62 =	vmul.f32 v56, v1;
	[tilespmem:s17+$0x10] =	vst v60  }
0x1e7: {  	[tilespmem:s9+$0x20] =	vst v2;
	v2 =	vmul.f32 v57, v1  }
0x1e8: {  	v63 =	vmul.f32 v59, v1;
	[tilespmem:s9+$0x30] =	vst v62  }
0x1e9: {  	[tilespmem:s9+$0x40] =	vst v2;
	v2 =	vmul.f32 v3, v1  }
0x1ea: {  	[tilespmem:s9+$0x50] =	vst v63;
	v1 =	vmul.f32 v61, v1  }
0x1eb: {  	[tilespmem:s9+$0x60] =	vst v2  }
0x1ec: {  	[tilespmem:s9+$0x70] =	vst v1  }
0x1ed: {  	_ =	swait.ge [sflag:s30], $0x28  }
0x1ee: {  	[sflag:s30] =	ssyncset.done $0x0  }
0x1ef: {  	[sflag:s30] =	ssyncadd.s32 $0xFFFFFFD8  }
0x1f0: {  	[spmem:s3] =	stream.indirect.scatter.add.f32 [tilespmem:s21], [sflag:$0x7], $0x80, s22, s11, $0xb8;
	[tilespmem:$0x1CD00] =	vst v63  }
0x1f1: {  	_ =	swait.ge [sflag:s16], $0x1400  }
0x1f2: {  	[sflag:s16] =	ssyncset.done $0x0  }
0x1f3: {  	[sflag:s16] =	ssyncadd.s32 $0xFFFFEC00  }
0x1f4: {  	_ =	swait.ge [sflag:s8], $0x1400  }
0x1f5: {  	[sflag:s8] =	ssyncset.done $0x0  }
0x1f6: {  	[sflag:s8] =	ssyncadd.s32 $0xFFFFEC00  }
0x1f7: {  	[bflag:$0x0] =	sbarrier.arrive $0xFFFF  }
0x1f8: {  	s9 =	rddreg [dreg:$0xe]  }
0x1f9: {  	s12 =	simm.s32 @p0 $0x1FCA;
	s13 =	rddreg [dreg:$0x10];
	s9 =	sadd.s32 @p0 $0x24900, s9  }
0x1fa: {  	[hbm:s9], [sflag:s12] =	dma.local @p0 [spmem:s13], $0x2800  }
0x1fb: {  	s9 =	simm.s32 @p0 $0xA  }
0x1fc: {  	_ =	swait.ge @p0 [sflag:s9], $0x2800  }
0x1fd: {  	s12 =	stileid.u32;
	s17 =	rddreg [dreg:$0xa]  }
0x1fe: {  	s12 =	sshll.u32 @!p0 s12, $0x6;
	[sflag:s9] =	ssyncset.done @p0 $0x0;
	s13 =	rddreg [dreg:$0x11]  }
0x1ff: {  	[sflag:s9] =	ssyncadd.s32 @p0 $0xFFFFD800;
	s9 =	sor.u32 @!p0 $0x1C0A, s12;
	s12 =	sshrl.u32 @!p0 s17, $0x3  }
0x200: {  	[hbm:s13], [sflag:s9] =	dma.local @!p0 [spmem:s12], $0x2700  }
0x201: {  	s9 =	simm.s32 @!p0 $0xA  }
0x202: {  	_ =	swait.ge @!p0 [sflag:s9], $0x2700  }
0x203: {  	s18 =	rddreg [dreg:$0x12]  }
0x204: {  	s25 =	rddreg [dreg:$0xf];
	s18 =	sadd.s32 $0x1, s18  }
0x205: {  	p1 =	sne.s32 s18, s25  }
.Ltmp14:
0x206: {  	_ = 	snop;
	(pc) =	sbr.rel @p1 .LBB2_1-.Ltmp14, $3  }
0x207: {  	_ =	sdelay $0x1  }
0x208: {  	[sflag:s9] =	ssyncset.done @!p0 $0x0  }
0x209: {  	s13 =	rddreg [dreg:$0x9];
	[sflag:s9] =	ssyncadd.s32 @!p0 $0xFFFFD900  }
0x20a: {  	_ =	sfence.sel $0x180000  }
0x20b: {  	[bflag:$0x0] =	sbarrier.arrive $0xFFFF  }
0x20c: {  	_ =	strace $0x9000004A  }
0x20d: {  	s0 =	stileid.u32;
	[bflag:$0x2] =	sbarrier.arrive $0xFFFF  }
0x20e: {  	p0 =	sne.s32 s0, $0x0;
	s0 =	rddreg [dreg:$0x4]  }
0x20f: {  	s0 =	sadd.s32 @!p0 $0x100000, s0  }
0x210: {  	[sflag:s0] =	ssyncadd.tile.s32 @!p0 $0x1;
	_ =	shalt  }
.Lfunc_end2:
_tile_overlayer_lowered:
.L_overlay_start_2:
0x211: {  	(tag) =	ssettag $0x2  }
0x212: {  	s0 =	rddreg [dreg:$0x0];
	s2 =	stileid.u32  }
0x213: {  	s1 =	rddreg [dreg:$0x1];
	p0 =	sne.s32 s2, $0x0  }
0x214: {  	s3 =	rddreg [dreg:$0x2];
	[bflag:$0x3] =	sbarrier.arrive $0xFFFF;
	s2 =	simm.s32 @!p0 $0x1C0B  }
0x215: {  	[timem:s3], [sflag:s2] =	dma.local @!p0 [hbm:s0], s1  }
0x216: {  	s0 =	simm.s32 @!p0 $0xB  }
0x217: {  	_ =	swait.ge @!p0 [sflag:s0], s1  }
0x218: {  	s1 =	ssub.s32 @!p0 $0x0, s1;
	[sflag:s0] =	ssyncset.done @!p0 $0x0  }
0x219: {  	[sflag:s0] =	ssyncadd.s32 @!p0 s1  }
0x21a: {  	[bflag:$0x3] =	sbarrier.arrive $0xFFFF  }
0x21b: {  	_ =	shalt  }

</sc_bundles>
